<compile_context>
chip_gen: v7x
topology: tpu7x:2x2x1
jax: 0.10.2.dev20260603
libtpu: 0.0.44.dev20260713+nightly
codegen_flags: <defaults>
</compile_context>

<pallas_src>
import jax
import jax.numpy as jnp
from jax import lax
from jax.experimental import pallas as pl
from jax.experimental.pallas import tpu as pltpu
from jax.experimental.pallas import tpu_sc as plsc

N = 10000
E = 320000
B = 16
H = 128

NB_N = 1000
NB_E = 2560
CHUNK = 128
NCHUNK = E // CHUNK
NC, NS = 2, 16
NW = NC * NS
NT = -(-NCHUNK // NW)
NP = 10240
SZ = NP // NS

_f32 = jnp.float32


def _relu(v):
    return jnp.maximum(v, 0.0)



def _prep_body(cond, cw1, cb1, cw2, cb2, wd1, wd2, vc1, vc2,
               uA1, uA2, uC1, uC2):
    u = _relu(jnp.dot(cond[...], cw1[...]) + cb1[...])
    u = jnp.dot(u, cw2[...]) + cb2[...]
    uA1[...] = jnp.dot(u, wd1[...])
    uA2[...] = jnp.dot(u, wd2[...])
    uC1[...] = jnp.dot(u, vc1[...])
    uC2[...] = jnp.dot(u, vc2[...])


def _k1_body(x, bf, w1, b1, w2, b2, wa, wb, ua, b1e,
             xh_o, oh_o, a_o, b_o):
    h = _relu(jnp.dot(x[...], w1[...]) + b1[...])
    xh = jnp.dot(h, w2[...]) + b2[...]
    iot = lax.broadcasted_iota(jnp.int32, (NB_N, B), 1).astype(_f32)
    oh = (bf[...] == iot).astype(_f32)
    xh_o[...] = xh
    oh_o[...] = oh
    a_o[...] = jnp.dot(xh, wa[...]) + jnp.dot(oh, ua[...]) + b1e[...]
    b_o[...] = jnp.dot(xh, wb[...])


def _k2_body(ea, w1, b1, w2, b2, out):
    h = _relu(jnp.dot(ea[...], w1[...]) + b1[...])
    out[...] = jnp.dot(h, w2[...]) + b2[...]


def _k3_body(ehp, ga, gb, w1c, w2, b2, out):
    pre = jnp.dot(ehp[...], w1c[...]) + ga[...] + gb[...]
    out[...] = jnp.dot(_relu(pre), w2[...]) + b2[...]


def _node_update(xh, sums, cnt, oh, va, vb, uc, nb1, nw2, nb2):
    s = sums[0] + sums[1]
    ct = (cnt[0] + cnt[1])[:, 0:1]
    agg = s / jnp.maximum(ct, 1.0)
    h = _relu(jnp.dot(xh, va[...]) + jnp.dot(agg, vb[...])
              + jnp.dot(oh, uc[...]) + nb1[...])
    return jnp.dot(h, nw2[...]) + nb2[...] + xh


def _k4a_body(xh, sums, cnt, oh, va, vb, uc, nb1, nw2, nb2,
              wa2, wb2, ua2, b12, xh2_o, a_o, b_o):
    xh2 = _node_update(xh[...], sums[...], cnt[...], oh[...],
                       va, vb, uc, nb1, nw2, nb2)
    xh2_o[...] = xh2
    a_o[...] = (jnp.dot(xh2, wa2[...]) + jnp.dot(oh[...], ua2[...])
                + b12[...])
    b_o[...] = jnp.dot(xh2, wb2[...])


def _k4b_body(xh, sums, cnt, oh, va, vb, uc, nb1, nw2, nb2,
              dw1, db1, dw2, db2, out):
    xh2 = _node_update(xh[...], sums[...], cnt[...], oh[...],
                       va, vb, uc, nb1, nw2, nb2)
    h = _relu(jnp.dot(xh2, dw1[...]) + db1[...])
    out[...] = jnp.dot(h, dw2[...]) + db2[...]



def _full(shape):
    return pl.BlockSpec(shape, lambda *_: tuple(0 for _ in shape))


def _prep(cond, ce, wd1, wd2, vc1, vc2):
    outs = [jax.ShapeDtypeStruct((B, H), _f32)] * 4
    return pl.pallas_call(
        _prep_body,
        out_shape=outs,
    )(cond, ce['w1'], ce['b1'].reshape(1, H), ce['w2'], ce['b2'].reshape(1, H),
      wd1, wd2, vc1, vc2)


def _k1(x, batchf, ne, wa, wb, ua, b1e):
    nb = N // NB_N
    row_spec = pl.BlockSpec((NB_N, H), lambda i: (i, 0))
    outs = [jax.ShapeDtypeStruct((N, H), _f32),
            jax.ShapeDtypeStruct((N, B), _f32),
            jax.ShapeDtypeStruct((N, H), _f32),
            jax.ShapeDtypeStruct((N, H), _f32)]
    return pl.pallas_call(
        _k1_body,
        grid=(nb,),
        in_specs=[row_spec,
                  pl.BlockSpec((NB_N, 1), lambda i: (i, 0)),
                  _full((H, H)), _full((1, H)), _full((H, H)), _full((1, H)),
                  _full((H, H)), _full((H, H)), _full((B, H)), _full((1, H))],
        out_specs=[row_spec,
                   pl.BlockSpec((NB_N, B), lambda i: (i, 0)),
                   row_spec, row_spec],
        out_shape=outs,
    )(x, batchf, ne['w1'], ne['b1'].reshape(1, H), ne['w2'],
      ne['b2'].reshape(1, H), wa, wb, ua, b1e)


def _k2(ea, ee):
    nb = E // NB_E
    return pl.pallas_call(
        _k2_body,
        grid=(nb,),
        in_specs=[pl.BlockSpec((NB_E, 16), lambda i: (i, 0)),
                  _full((16, H)), _full((1, H)), _full((H, H)), _full((1, H))],
        out_specs=pl.BlockSpec((NB_E, H), lambda i: (i, 0)),
        out_shape=jax.ShapeDtypeStruct((E, H), _f32),
    )(ea, ee['w1'], ee['b1'].reshape(1, H), ee['w2'], ee['b2'].reshape(1, H))


def _k3(ehp, ga, gb, w1c, w2, b2):
    nb = E // NB_E
    row_spec = pl.BlockSpec((NB_E, H), lambda i: (i, 0))
    return pl.pallas_call(
        _k3_body,
        grid=(nb,),
        in_specs=[row_spec, row_spec, row_spec,
                  _full((H, H)), _full((H, H)), _full((1, H))],
        out_specs=row_spec,
        out_shape=jax.ShapeDtypeStruct((E, H), _f32),
    )(ehp, ga, gb, w1c, w2, b2.reshape(1, H))


def _k4a(xh, sums, cnt, oh, nl, uc, wa2, wb2, ua2, b12):
    nb = N // NB_N
    row_spec = pl.BlockSpec((NB_N, H), lambda i: (i, 0))
    outs = [jax.ShapeDtypeStruct((N, H), _f32)] * 3
    return pl.pallas_call(
        _k4a_body,
        grid=(nb,),
        in_specs=[row_spec,
                  pl.BlockSpec((NC, NB_N, H), lambda i: (0, i, 0)),
                  pl.BlockSpec((NC, NB_N, H), lambda i: (0, i, 0)),
                  pl.BlockSpec((NB_N, B), lambda i: (i, 0)),
                  _full((H, H)), _full((H, H)), _full((B, H)), _full((1, H)),
                  _full((H, H)), _full((1, H)),
                  _full((H, H)), _full((H, H)), _full((B, H)), _full((1, H))],
        out_specs=[row_spec, row_spec, row_spec],
        out_shape=outs,
    )(xh, sums, cnt, oh,
      nl['va'], nl['vb'], uc, nl['b1'], nl['w2'], nl['b2'],
      wa2, wb2, ua2, b12)


def _k4b(xh, sums, cnt, oh, nl, uc, dec):
    nb = N // NB_N
    row_spec = pl.BlockSpec((NB_N, H), lambda i: (i, 0))
    return pl.pallas_call(
        _k4b_body,
        grid=(nb,),
        in_specs=[row_spec,
                  pl.BlockSpec((NC, NB_N, H), lambda i: (0, i, 0)),
                  pl.BlockSpec((NC, NB_N, H), lambda i: (0, i, 0)),
                  pl.BlockSpec((NB_N, B), lambda i: (i, 0)),
                  _full((H, H)), _full((H, H)), _full((B, H)), _full((1, H)),
                  _full((H, H)), _full((1, H)),
                  _full((H, H)), _full((1, H)), _full((H, H)), _full((1, H))],
        out_specs=row_spec,
        out_shape=jax.ShapeDtypeStruct((N, H), _f32),
    )(xh, sums, cnt, oh,
      nl['va'], nl['vb'], uc, nl['b1'], nl['w2'], nl['b2'],
      dec['w1'], dec['b1'].reshape(1, H), dec['w2'], dec['b2'].reshape(1, H))



def _mesh():
    return plsc.VectorSubcoreMesh(core_axis_name="c", subcore_axis_name="s",
                                  num_cores=NC, num_subcores=NS)


def _gather_body(a_hbm, b_hbm, row_hbm, col_hbm, ga_hbm, gb_hbm,
                 idx_r, idx_c, abuf, bbuf, sem_a, sem_b):
    w = lax.axis_index("s") * NC + lax.axis_index("c")

    def step(t, carry):
        c = w + NW * t

        @pl.when(c < NCHUNK)
        def _():
            base = c * CHUNK
            pltpu.sync_copy(row_hbm.at[pl.ds(base, CHUNK)], idx_r)
            pltpu.sync_copy(col_hbm.at[pl.ds(base, CHUNK)], idx_c)
            ca = pltpu.async_copy(a_hbm.at[idx_r], abuf, sem_a)
            cb = pltpu.async_copy(b_hbm.at[idx_c], bbuf, sem_b)
            ca.wait()
            cb.wait()
            pltpu.sync_copy(abuf, ga_hbm.at[pl.ds(base, CHUNK)])
            pltpu.sync_copy(bbuf, gb_hbm.at[pl.ds(base, CHUNK)])

        return carry

    lax.fori_loop(0, NT, step, 0)


def _sc_gather(a, b, row, col):
    return pl.kernel(
        _gather_body,
        out_type=[jax.ShapeDtypeStruct((E, H), _f32)] * 2,
        mesh=_mesh(),
        scratch_types=[
            pltpu.VMEM((CHUNK,), jnp.int32),
            pltpu.VMEM((CHUNK,), jnp.int32),
            pltpu.VMEM((CHUNK, H), _f32),
            pltpu.VMEM((CHUNK, H), _f32),
            pltpu.SemaphoreType.DMA,
            pltpu.SemaphoreType.DMA,
        ],
    )(a, b, row, col)


def _scatter_body(eh_hbm, rowp_hbm, zsum_hbm,
                  sums_o, idx_a, idx_b, rows_a, rows_b, sums_sp,
                  sem_i, sem_r, sem_d0, sem_d1):
    s = lax.axis_index("s")
    ci = lax.axis_index("c")
    w = s * NC + ci

    for k in range(SZ // CHUNK):
        b = s * SZ + k * CHUNK
        pltpu.sync_copy(zsum_hbm.at[pl.ds(b, CHUNK)], rows_a)
        pltpu.sync_copy(rows_a, sums_sp.at[pl.ds(b, CHUNK)])

    plsc.subcore_barrier()

    def bufs(sl):
        if sl == 0:
            return idx_a, rows_a, sem_d0
        return idx_b, rows_b, sem_d1

    def _load_descr(t, sl):
        idx, rows, _ = bufs(sl)
        c = w + NW * t
        valid = c < NCHUNK
        ib = jnp.where(valid, c * CHUNK, E)
        eb = jnp.where(valid, c * CHUNK, 0)
        return (pltpu.make_async_copy(rowp_hbm.at[pl.ds(ib, CHUNK)],
                                      idx, sem_i),
                pltpu.make_async_copy(eh_hbm.at[pl.ds(eb, CHUNK)],
                                      rows, sem_r))

    def start_loads(t, sl):
        di, dr = _load_descr(t, sl)
        di.start()
        dr.start()

    def wait_loads(t, sl):
        di, dr = _load_descr(t, sl)
        di.wait()
        dr.wait()

    def start_add(sl):
        idx, rows, sem = bufs(sl)
        pltpu.make_async_copy(rows, sums_sp.at[idx], sem).start(add=True)

    def wait_add(sl):
        idx, rows, sem = bufs(sl)
        pltpu.make_async_copy(rows, sums_sp.at[idx], sem).wait()

    start_loads(0, 0)

    def pstep(t, sl):
        wait_loads(t, sl)

        @pl.when(t >= 1)
        def _():
            wait_add(1 - sl)

        @pl.when(t + 1 < NT)
        def _():
            start_loads(t + 1, 1 - sl)

        start_add(sl)

    def body(u, carry):
        pstep(2 * u, 0)
        pstep(2 * u + 1, 1)
        return carry

    lax.fori_loop(0, (NT - 1) // 2, body, 0)
    pstep(NT - 1, (NT - 1) % 2)
    wait_add((NT - 1) % 2)
    plsc.subcore_barrier()

    for k in range(SZ // CHUNK):
        b = s * SZ + k * CHUNK
        pltpu.sync_copy(sums_sp.at[pl.ds(b, CHUNK)], rows_a)
        pltpu.sync_copy(rows_a, sums_o.at[pl.ds(ci * NP + b, CHUNK)])


def _sc_scatter(eh, rowp, zsum):
    sums = pl.kernel(
        _scatter_body,
        out_type=jax.ShapeDtypeStruct((NC * NP, H), _f32),
        mesh=_mesh(),
        scratch_types=[
            pltpu.VMEM((CHUNK,), jnp.int32),
            pltpu.VMEM((CHUNK,), jnp.int32),
            pltpu.VMEM((CHUNK, H), _f32),
            pltpu.VMEM((CHUNK, H), _f32),
            pltpu.VMEM_SHARED((NP, H), _f32),
            pltpu.SemaphoreType.DMA,
            pltpu.SemaphoreType.DMA,
            pltpu.SemaphoreType.DMA,
            pltpu.SemaphoreType.DMA,
        ],
    )(eh, rowp, zsum)
    return sums.reshape(NC, NP, H)


def _counts_body(row_hbm, ones_hbm, zsum_hbm, cnt_o, idx2, rows, cnt_sp):
    s = lax.axis_index("s")
    ci = lax.axis_index("c")
    w = s * NC + ci

    for k in range(SZ // CHUNK):
        b = s * SZ + k * CHUNK
        pltpu.sync_copy(zsum_hbm.at[pl.ds(b, CHUNK)], rows)
        pltpu.sync_copy(rows, cnt_sp.at[pl.ds(b, CHUNK)])

    pltpu.sync_copy(ones_hbm, rows)
    plsc.subcore_barrier()

    def step(t, carry):
        c = w + NW * t

        @pl.when(c < NCHUNK)
        def _():
            base = c * CHUNK
            pltpu.sync_copy(row_hbm.at[pl.ds(base, CHUNK)], idx2)
            pltpu.sync_copy(rows, cnt_sp.at[idx2], add=True)

        return carry

    lax.fori_loop(0, NT, step, 0)
    plsc.subcore_barrier()

    for k in range(SZ // CHUNK):
        b = s * SZ + k * CHUNK
        pltpu.sync_copy(cnt_sp.at[pl.ds(b, CHUNK)], rows)
        pltpu.sync_copy(rows, cnt_o.at[pl.ds(ci * NP + b, CHUNK)])


def _sc_counts(row, ones128, zsum):
    cnt = pl.kernel(
        _counts_body,
        out_type=jax.ShapeDtypeStruct((NC * NP, H), _f32),
        mesh=_mesh(),
        scratch_types=[
            pltpu.VMEM((CHUNK,), jnp.int32),
            pltpu.VMEM((CHUNK, H), _f32),
            pltpu.VMEM_SHARED((NP, H), _f32),
        ],
    )(row, ones128, zsum)
    return cnt.reshape(NC, NP, H)



def kernel(x, edge_index, edge_attr, conditions, batch, params):
    row = edge_index[0].astype(jnp.int32)
    col = edge_index[1].astype(jnp.int32)
    batchf = batch.astype(_f32).reshape(N, 1)

    lp = params['layers']
    esp = []
    nsp = []
    for l in range(2):
        ew = lp[l]['edge']
        esp.append({'wa': ew['w1'][0:H], 'wb': ew['w1'][H:2 * H],
                    'wc': ew['w1'][2 * H:3 * H], 'wd': ew['w1'][3 * H:4 * H],
                    'b1': ew['b1'].reshape(1, H), 'w2': ew['w2'],
                    'b2': ew['b2']})
        nw = lp[l]['node']
        nsp.append({'va': nw['w1'][0:H], 'vb': nw['w1'][H:2 * H],
                    'vc': nw['w1'][2 * H:3 * H], 'b1': nw['b1'].reshape(1, H),
                    'w2': nw['w2'], 'b2': nw['b2'].reshape(1, H)})

    uA1, uA2, uC1, uC2 = _prep(conditions, params['cond_enc'],
                               esp[0]['wd'], esp[1]['wd'],
                               nsp[0]['vc'], nsp[1]['vc'])

    xh, oh, a_t, b_t = _k1(x, batchf, params['node_enc'],
                           esp[0]['wa'], esp[0]['wb'], uA1, esp[0]['b1'])
    eh = _k2(edge_attr, params['edge_enc'])

    zsum = jnp.zeros((NP, H), _f32)
    ones128 = jnp.ones((CHUNK, H), _f32)
    cnt = _sc_counts(row, ones128, zsum)
    zpad = jnp.zeros((CHUNK,), jnp.int32)
    rowp = jnp.concatenate([row, zpad])
    colp = jnp.concatenate([col, zpad])
    rows_pad = jnp.concatenate([row, jnp.full((CHUNK,), N, jnp.int32)])

    out = None
    for l in range(2):
        ga, gb = _sc_gather(a_t, b_t, rowp, colp)
        eh = _k3(eh, ga, gb, esp[l]['wc'], esp[l]['w2'], esp[l]['b2'])
        sums = _sc_scatter(eh, rows_pad, zsum)
        if l == 0:
            xh, a_t, b_t = _k4a(xh, sums, cnt, oh, nsp[0], uC1,
                                esp[1]['wa'], esp[1]['wb'], uA2, esp[1]['b1'])
        else:
            out = _k4b(xh, sums, cnt, oh, nsp[1], uC2, params['decoder'])
    return out

# --- scband reference (transcript-rebuilt; emitter-appended) ---
"""Pipeline reference for scband-conditional-graph-network-5428838662517 (READ-ONLY COPY).

The authoritative reference and input builder live on the scoring server;
editing this copy changes nothing except your own understanding.
"""

import jax, jax.numpy as jnp
import numpy as np

N = 10000
E = 320000
B = 16
H = 128
NODE_IN = 128
EDGE_IN = 16
COND_IN = 16
NODE_OUT = 128
L = 2


def _mlp_params(key, din, dh, dout):
    k1, k2, k3, k4 = jax.random.split(key, 4)
    s1 = 1.0 / np.sqrt(din)
    s2 = 1.0 / np.sqrt(dh)
    return {
        'w1': jax.random.uniform(k1, (din, dh), minval=-s1, maxval=s1, dtype=jnp.float32),
        'b1': jax.random.uniform(k2, (dh,), minval=-s1, maxval=s1, dtype=jnp.float32),
        'w2': jax.random.uniform(k3, (dh, dout), minval=-s2, maxval=s2, dtype=jnp.float32),
        'b2': jax.random.uniform(k4, (dout,), minval=-s2, maxval=s2, dtype=jnp.float32),
    }


def _mlp(p, x):
    h = jax.nn.relu(jnp.dot(x, p['w1']) + p['b1'])
    return jnp.dot(h, p['w2']) + p['b2']


def setup_inputs(seed: int = 0) -> dict:
    key = jax.random.key(seed)
    ks = jax.random.split(key, 16)
    x = jax.random.normal(ks[0], (N, NODE_IN), dtype=jnp.float32)
    edge_index = jax.random.randint(ks[1], (2, E), 0, N, dtype=jnp.int64)
    edge_attr = jax.random.normal(ks[2], (E, EDGE_IN), dtype=jnp.float32)
    conditions = jax.random.normal(ks[3], (B, COND_IN), dtype=jnp.float32)
    batch = jnp.sort(jax.random.randint(ks[4], (N,), 0, B, dtype=jnp.int64))
    params = {
        'node_enc': _mlp_params(ks[5], NODE_IN, H, H),
        'edge_enc': _mlp_params(ks[6], EDGE_IN, H, H),
        'cond_enc': _mlp_params(ks[7], COND_IN, H, H),
        'layers': [
            {
                'edge': _mlp_params(jax.random.fold_in(ks[8], i), H + 2 * H + H, H, H),
                'node': _mlp_params(jax.random.fold_in(ks[9], i), H + H + H, H, H),
            }
            for i in range(L)
        ],
        'decoder': _mlp_params(ks[10], H, H, NODE_OUT),
    }
    return {'x': x, 'edge_index': edge_index, 'edge_attr': edge_attr, 'conditions': conditions, 'batch': batch, 'params': params}


def reference(x, edge_index, edge_attr, conditions, batch, params):
    n_nodes = x.shape[0]
    n_edges = edge_attr.shape[0]
    xh = _mlp(params['node_enc'], x)
    eh = _mlp(params['edge_enc'], edge_attr)
    u = _mlp(params['cond_enc'], conditions)
    row = edge_index[0]
    col = edge_index[1]
    for lp in params['layers']:
        x_res = xh
        edge_batch = batch[row]
        combined = jnp.concatenate([xh[row], xh[col], eh, u[edge_batch]], axis=1)
        eh = _mlp(lp['edge'], combined)
        sums = jax.ops.segment_sum(eh, row, num_segments=n_nodes)
        counts = jax.ops.segment_sum(jnp.ones((n_edges,), dtype=jnp.float32), row, num_segments=n_nodes)
        agg = sums / jnp.clip(counts, 1.0)[:, None]
        comb2 = jnp.concatenate([xh, agg, u[batch]], axis=1)
        xh = _mlp(lp['node'], comb2) + x_res
    out = _mlp(params['decoder'], xh)
    return out

if __name__ == "__main__":
    import jax
    _d = setup_inputs()
    print(jax.jit(kernel)(*tuple(_d.values())))

</pallas_src>

<mosaic_0001>
#map = affine_map<(d0, d1) -> (0)>
#map1 = affine_map<(d0, d1) -> (0, 0)>
module attributes {stable_mosaic.version = 14 : i64} {
  func.func @_counts_body(%arg0: i32, %arg1: i32, %arg2: memref<320000xi32, #tpu.memory_space<hbm>>, %arg3: memref<128x128xf32, #tpu.memory_space<hbm>>, %arg4: memref<10240x128xf32, #tpu.memory_space<hbm>>, %arg5: memref<20480x128xf32, #tpu.memory_space<hbm>>, %arg6: memref<128xi32, #tpu.memory_space<vmem>>, %arg7: memref<128x128xf32, #tpu.memory_space<vmem>>, %arg8: memref<10240x128xf32, #tpu.memory_space<vmem_shared>>) attributes {dimension_semantics = [#tpu.dimension_semantics<core_parallel>, #tpu.dimension_semantics<subcore_parallel>], iteration_bounds = array<i64: 2, 16>, scalar_prefetch = 0 : i64, scratch_operands = 3 : i64, tpu.core_type = #tpu.core_type<sc_vector_subcore>, window_params = [{transform_indices = #map}, {transform_indices = #map1}, {transform_indices = #map1}, {transform_indices = #map1}]} {
    %mul3A = arith.constant 2 : i32
    %mul3A_0 = arith.muli %arg1, %mul3A : i32
    %add3A = arith.addi %mul3A_0, %arg0 : i32
    %mul3A_1 = arith.constant 640 : i32
    %mul3A_2 = arith.muli %arg1, %mul3A_1 : i32
    %add3A_3 = arith.constant 0 : i32
    %add3A_4 = arith.addi %mul3A_2, %add3A_3 : i32
    "tpu.region"() ({
      %run_scoped3A = tpu.sem_alloc : memref<!tpu.dma_semaphore, #tpu.memory_space<semaphore_mem>>
      %dma_start3A = arith.constant 0 : i32
      %dma_start3A_62 = tpu.memref_slice %arg4[%add3A_4, %dma_start3A] : memref<10240x128xf32, #tpu.memory_space<hbm>> -> memref<128x128xf32, #tpu.memory_space<hbm>>
      %dma_start3A_63 = arith.constant 0 : i32
      %dma_start3A_64 = tpu.memref_slice %arg4[%add3A_4, %dma_start3A_63] : memref<10240x128xf32, #tpu.memory_space<hbm>> -> memref<128x128xf32, #tpu.memory_space<hbm>>
      tpu.enqueue_dma source(%dma_start3A_64 : memref<128x128xf32, #tpu.memory_space<hbm>>) target(%arg7 : memref<128x128xf32, #tpu.memory_space<vmem>>) target_semaphore(%run_scoped3A : memref<!tpu.dma_semaphore, #tpu.memory_space<semaphore_mem>>)
      %dma_wait3A = arith.constant 0 : i32
      %dma_wait3A_65 = tpu.memref_slice %arg4[%add3A_4, %dma_wait3A] : memref<10240x128xf32, #tpu.memory_space<hbm>> -> memref<128x128xf32, #tpu.memory_space<hbm>>
      %dma_wait3A_66 = arith.constant 0 : i32
      %dma_wait3A_67 = tpu.memref_slice %arg4[%add3A_4, %dma_wait3A_66] : memref<10240x128xf32, #tpu.memory_space<hbm>> -> memref<128x128xf32, #tpu.memory_space<hbm>>
      tpu.wait_dma2 semaphore(%run_scoped3A : memref<!tpu.dma_semaphore, #tpu.memory_space<semaphore_mem>>) src(%dma_wait3A_67 : memref<128x128xf32, #tpu.memory_space<hbm>>) dst(%arg7 : memref<128x128xf32, #tpu.memory_space<vmem>>)
      tpu.yield
    }) : () -> ()
    "tpu.region"() ({
      %run_scoped3A = tpu.sem_alloc : memref<!tpu.dma_semaphore, #tpu.memory_space<semaphore_mem>>
      %dma_start3A = arith.constant 0 : i32
      %dma_start3A_62 = tpu.memref_slice %arg8[%add3A_4, %dma_start3A] : memref<10240x128xf32, #tpu.memory_space<vmem_shared>> -> memref<128x128xf32, #tpu.memory_space<vmem_shared>>
      %dma_start3A_63 = arith.constant 0 : i32
      %dma_start3A_64 = tpu.memref_slice %arg8[%add3A_4, %dma_start3A_63] : memref<10240x128xf32, #tpu.memory_space<vmem_shared>> -> memref<128x128xf32, #tpu.memory_space<vmem_shared>>
      tpu.enqueue_dma source(%arg7 : memref<128x128xf32, #tpu.memory_space<vmem>>) target(%dma_start3A_64 : memref<128x128xf32, #tpu.memory_space<vmem_shared>>) target_semaphore(%run_scoped3A : memref<!tpu.dma_semaphore, #tpu.memory_space<semaphore_mem>>)
      %dma_wait3A = arith.constant 0 : i32
      %dma_wait3A_65 = tpu.memref_slice %arg8[%add3A_4, %dma_wait3A] : memref<10240x128xf32, #tpu.memory_space<vmem_shared>> -> memref<128x128xf32, #tpu.memory_space<vmem_shared>>
      %dma_wait3A_66 = arith.constant 0 : i32
      %dma_wait3A_67 = tpu.memref_slice %arg8[%add3A_4, %dma_wait3A_66] : memref<10240x128xf32, #tpu.memory_space<vmem_shared>> -> memref<128x128xf32, #tpu.memory_space<vmem_shared>>
      tpu.wait_dma2 semaphore(%run_scoped3A : memref<!tpu.dma_semaphore, #tpu.memory_space<semaphore_mem>>) src(%arg7 : memref<128x128xf32, #tpu.memory_space<vmem>>) dst(%dma_wait3A_67 : memref<128x128xf32, #tpu.memory_space<vmem_shared>>)
      tpu.yield
    }) : () -> ()
    %mul3A_5 = arith.constant 640 : i32
    %mul3A_6 = arith.muli %arg1, %mul3A_5 : i32
    %add3A_7 = arith.constant 128 : i32
    %add3A_8 = arith.addi %mul3A_6, %add3A_7 : i32
    "tpu.region"() ({
      %run_scoped3A = tpu.sem_alloc : memref<!tpu.dma_semaphore, #tpu.memory_space<semaphore_mem>>
      %dma_start3A = arith.constant 0 : i32
      %dma_start3A_62 = tpu.memref_slice %arg4[%add3A_8, %dma_start3A] : memref<10240x128xf32, #tpu.memory_space<hbm>> -> memref<128x128xf32, #tpu.memory_space<hbm>>
      %dma_start3A_63 = arith.constant 0 : i32
      %dma_start3A_64 = tpu.memref_slice %arg4[%add3A_8, %dma_start3A_63] : memref<10240x128xf32, #tpu.memory_space<hbm>> -> memref<128x128xf32, #tpu.memory_space<hbm>>
      tpu.enqueue_dma source(%dma_start3A_64 : memref<128x128xf32, #tpu.memory_space<hbm>>) target(%arg7 : memref<128x128xf32, #tpu.memory_space<vmem>>) target_semaphore(%run_scoped3A : memref<!tpu.dma_semaphore, #tpu.memory_space<semaphore_mem>>)
      %dma_wait3A = arith.constant 0 : i32
      %dma_wait3A_65 = tpu.memref_slice %arg4[%add3A_8, %dma_wait3A] : memref<10240x128xf32, #tpu.memory_space<hbm>> -> memref<128x128xf32, #tpu.memory_space<hbm>>
      %dma_wait3A_66 = arith.constant 0 : i32
      %dma_wait3A_67 = tpu.memref_slice %arg4[%add3A_8, %dma_wait3A_66] : memref<10240x128xf32, #tpu.memory_space<hbm>> -> memref<128x128xf32, #tpu.memory_space<hbm>>
      tpu.wait_dma2 semaphore(%run_scoped3A : memref<!tpu.dma_semaphore, #tpu.memory_space<semaphore_mem>>) src(%dma_wait3A_67 : memref<128x128xf32, #tpu.memory_space<hbm>>) dst(%arg7 : memref<128x128xf32, #tpu.memory_space<vmem>>)
      tpu.yield
    }) : () -> ()
    "tpu.region"() ({
      %run_scoped3A = tpu.sem_alloc : memref<!tpu.dma_semaphore, #tpu.memory_space<semaphore_mem>>
      %dma_start3A = arith.constant 0 : i32
      %dma_start3A_62 = tpu.memref_slice %arg8[%add3A_8, %dma_start3A] : memref<10240x128xf32, #tpu.memory_space<vmem_shared>> -> memref<128x128xf32, #tpu.memory_space<vmem_shared>>
      %dma_start3A_63 = arith.constant 0 : i32
      %dma_start3A_64 = tpu.memref_slice %arg8[%add3A_8, %dma_start3A_63] : memref<10240x128xf32, #tpu.memory_space<vmem_shared>> -> memref<128x128xf32, #tpu.memory_space<vmem_shared>>
      tpu.enqueue_dma source(%arg7 : memref<128x128xf32, #tpu.memory_space<vmem>>) target(%dma_start3A_64 : memref<128x128xf32, #tpu.memory_space<vmem_shared>>) target_semaphore(%run_scoped3A : memref<!tpu.dma_semaphore, #tpu.memory_space<semaphore_mem>>)
      %dma_wait3A = arith.constant 0 : i32
      %dma_wait3A_65 = tpu.memref_slice %arg8[%add3A_8, %dma_wait3A] : memref<10240x128xf32, #tpu.memory_space<vmem_shared>> -> memref<128x128xf32, #tpu.memory_space<vmem_shared>>
      %dma_wait3A_66 = arith.constant 0 : i32
      %dma_wait3A_67 = tpu.memref_slice %arg8[%add3A_8, %dma_wait3A_66] : memref<10240x128xf32, #tpu.memory_space<vmem_shared>> -> memref<128x128xf32, #tpu.memory_space<vmem_shared>>
      tpu.wait_dma2 semaphore(%run_scoped3A : memref<!tpu.dma_semaphore, #tpu.memory_space<semaphore_mem>>) src(%arg7 : memref<128x128xf32, #tpu.memory_space<vmem>>) dst(%dma_wait3A_67 : memref<128x128xf32, #tpu.memory_space<vmem_shared>>)
      tpu.yield
    }) : () -> ()
    %mul3A_9 = arith.constant 640 : i32
    %mul3A_10 = arith.muli %arg1, %mul3A_9 : i32
    %add3A_11 = arith.constant 256 : i32
    %add3A_12 = arith.addi %mul3A_10, %add3A_11 : i32
    "tpu.region"() ({
      %run_scoped3A = tpu.sem_alloc : memref<!tpu.dma_semaphore, #tpu.memory_space<semaphore_mem>>
      %dma_start3A = arith.constant 0 : i32
      %dma_start3A_62 = tpu.memref_slice %arg4[%add3A_12, %dma_start3A] : memref<10240x128xf32, #tpu.memory_space<hbm>> -> memref<128x128xf32, #tpu.memory_space<hbm>>
      %dma_start3A_63 = arith.constant 0 : i32
      %dma_start3A_64 = tpu.memref_slice %arg4[%add3A_12, %dma_start3A_63] : memref<10240x128xf32, #tpu.memory_space<hbm>> -> memref<128x128xf32, #tpu.memory_space<hbm>>
      tpu.enqueue_dma source(%dma_start3A_64 : memref<128x128xf32, #tpu.memory_space<hbm>>) target(%arg7 : memref<128x128xf32, #tpu.memory_space<vmem>>) target_semaphore(%run_scoped3A : memref<!tpu.dma_semaphore, #tpu.memory_space<semaphore_mem>>)
      %dma_wait3A = arith.constant 0 : i32
      %dma_wait3A_65 = tpu.memref_slice %arg4[%add3A_12, %dma_wait3A] : memref<10240x128xf32, #tpu.memory_space<hbm>> -> memref<128x128xf32, #tpu.memory_space<hbm>>
      %dma_wait3A_66 = arith.constant 0 : i32
      %dma_wait3A_67 = tpu.memref_slice %arg4[%add3A_12, %dma_wait3A_66] : memref<10240x128xf32, #tpu.memory_space<hbm>> -> memref<128x128xf32, #tpu.memory_space<hbm>>
      tpu.wait_dma2 semaphore(%run_scoped3A : memref<!tpu.dma_semaphore, #tpu.memory_space<semaphore_mem>>) src(%dma_wait3A_67 : memref<128x128xf32, #tpu.memory_space<hbm>>) dst(%arg7 : memref<128x128xf32, #tpu.memory_space<vmem>>)
      tpu.yield
    }) : () -> ()
    "tpu.region"() ({
      %run_scoped3A = tpu.sem_alloc : memref<!tpu.dma_semaphore, #tpu.memory_space<semaphore_mem>>
      %dma_start3A = arith.constant 0 : i32
      %dma_start3A_62 = tpu.memref_slice %arg8[%add3A_12, %dma_start3A] : memref<10240x128xf32, #tpu.memory_space<vmem_shared>> -> memref<128x128xf32, #tpu.memory_space<vmem_shared>>
      %dma_start3A_63 = arith.constant 0 : i32
      %dma_start3A_64 = tpu.memref_slice %arg8[%add3A_12, %dma_start3A_63] : memref<10240x128xf32, #tpu.memory_space<vmem_shared>> -> memref<128x128xf32, #tpu.memory_space<vmem_shared>>
      tpu.enqueue_dma source(%arg7 : memref<128x128xf32, #tpu.memory_space<vmem>>) target(%dma_start3A_64 : memref<128x128xf32, #tpu.memory_space<vmem_shared>>) target_semaphore(%run_scoped3A : memref<!tpu.dma_semaphore, #tpu.memory_space<semaphore_mem>>)
      %dma_wait3A = arith.constant 0 : i32
      %dma_wait3A_65 = tpu.memref_slice %arg8[%add3A_12, %dma_wait3A] : memref<10240x128xf32, #tpu.memory_space<vmem_shared>> -> memref<128x128xf32, #tpu.memory_space<vmem_shared>>
      %dma_wait3A_66 = arith.constant 0 : i32
      %dma_wait3A_67 = tpu.memref_slice %arg8[%add3A_12, %dma_wait3A_66] : memref<10240x128xf32, #tpu.memory_space<vmem_shared>> -> memref<128x128xf32, #tpu.memory_space<vmem_shared>>
      tpu.wait_dma2 semaphore(%run_scoped3A : memref<!tpu.dma_semaphore, #tpu.memory_space<semaphore_mem>>) src(%arg7 : memref<128x128xf32, #tpu.memory_space<vmem>>) dst(%dma_wait3A_67 : memref<128x128xf32, #tpu.memory_space<vmem_shared>>)
      tpu.yield
    }) : () -> ()
    %mul3A_13 = arith.constant 640 : i32
    %mul3A_14 = arith.muli %arg1, %mul3A_13 : i32
    %add3A_15 = arith.constant 384 : i32
    %add3A_16 = arith.addi %mul3A_14, %add3A_15 : i32
    "tpu.region"() ({
      %run_scoped3A = tpu.sem_alloc : memref<!tpu.dma_semaphore, #tpu.memory_space<semaphore_mem>>
      %dma_start3A = arith.constant 0 : i32
      %dma_start3A_62 = tpu.memref_slice %arg4[%add3A_16, %dma_start3A] : memref<10240x128xf32, #tpu.memory_space<hbm>> -> memref<128x128xf32, #tpu.memory_space<hbm>>
      %dma_start3A_63 = arith.constant 0 : i32
      %dma_start3A_64 = tpu.memref_slice %arg4[%add3A_16, %dma_start3A_63] : memref<10240x128xf32, #tpu.memory_space<hbm>> -> memref<128x128xf32, #tpu.memory_space<hbm>>
      tpu.enqueue_dma source(%dma_start3A_64 : memref<128x128xf32, #tpu.memory_space<hbm>>) target(%arg7 : memref<128x128xf32, #tpu.memory_space<vmem>>) target_semaphore(%run_scoped3A : memref<!tpu.dma_semaphore, #tpu.memory_space<semaphore_mem>>)
      %dma_wait3A = arith.constant 0 : i32
      %dma_wait3A_65 = tpu.memref_slice %arg4[%add3A_16, %dma_wait3A] : memref<10240x128xf32, #tpu.memory_space<hbm>> -> memref<128x128xf32, #tpu.memory_space<hbm>>
      %dma_wait3A_66 = arith.constant 0 : i32
      %dma_wait3A_67 = tpu.memref_slice %arg4[%add3A_16, %dma_wait3A_66] : memref<10240x128xf32, #tpu.memory_space<hbm>> -> memref<128x128xf32, #tpu.memory_space<hbm>>
      tpu.wait_dma2 semaphore(%run_scoped3A : memref<!tpu.dma_semaphore, #tpu.memory_space<semaphore_mem>>) src(%dma_wait3A_67 : memref<128x128xf32, #tpu.memory_space<hbm>>) dst(%arg7 : memref<128x128xf32, #tpu.memory_space<vmem>>)
      tpu.yield
    }) : () -> ()
    "tpu.region"() ({
      %run_scoped3A = tpu.sem_alloc : memref<!tpu.dma_semaphore, #tpu.memory_space<semaphore_mem>>
      %dma_start3A = arith.constant 0 : i32
      %dma_start3A_62 = tpu.memref_slice %arg8[%add3A_16, %dma_start3A] : memref<10240x128xf32, #tpu.memory_space<vmem_shared>> -> memref<128x128xf32, #tpu.memory_space<vmem_shared>>
      %dma_start3A_63 = arith.constant 0 : i32
      %dma_start3A_64 = tpu.memref_slice %arg8[%add3A_16, %dma_start3A_63] : memref<10240x128xf32, #tpu.memory_space<vmem_shared>> -> memref<128x128xf32, #tpu.memory_space<vmem_shared>>
      tpu.enqueue_dma source(%arg7 : memref<128x128xf32, #tpu.memory_space<vmem>>) target(%dma_start3A_64 : memref<128x128xf32, #tpu.memory_space<vmem_shared>>) target_semaphore(%run_scoped3A : memref<!tpu.dma_semaphore, #tpu.memory_space<semaphore_mem>>)
      %dma_wait3A = arith.constant 0 : i32
      %dma_wait3A_65 = tpu.memref_slice %arg8[%add3A_16, %dma_wait3A] : memref<10240x128xf32, #tpu.memory_space<vmem_shared>> -> memref<128x128xf32, #tpu.memory_space<vmem_shared>>
      %dma_wait3A_66 = arith.constant 0 : i32
      %dma_wait3A_67 = tpu.memref_slice %arg8[%add3A_16, %dma_wait3A_66] : memref<10240x128xf32, #tpu.memory_space<vmem_shared>> -> memref<128x128xf32, #tpu.memory_space<vmem_shared>>
      tpu.wait_dma2 semaphore(%run_scoped3A : memref<!tpu.dma_semaphore, #tpu.memory_space<semaphore_mem>>) src(%arg7 : memref<128x128xf32, #tpu.memory_space<vmem>>) dst(%dma_wait3A_67 : memref<128x128xf32, #tpu.memory_space<vmem_shared>>)
      tpu.yield
    }) : () -> ()
    %mul3A_17 = arith.constant 640 : i32
    %mul3A_18 = arith.muli %arg1, %mul3A_17 : i32
    %add3A_19 = arith.constant 512 : i32
    %add3A_20 = arith.addi %mul3A_18, %add3A_19 : i32
    "tpu.region"() ({
      %run_scoped3A = tpu.sem_alloc : memref<!tpu.dma_semaphore, #tpu.memory_space<semaphore_mem>>
      %dma_start3A = arith.constant 0 : i32
      %dma_start3A_62 = tpu.memref_slice %arg4[%add3A_20, %dma_start3A] : memref<10240x128xf32, #tpu.memory_space<hbm>> -> memref<128x128xf32, #tpu.memory_space<hbm>>
      %dma_start3A_63 = arith.constant 0 : i32
      %dma_start3A_64 = tpu.memref_slice %arg4[%add3A_20, %dma_start3A_63] : memref<10240x128xf32, #tpu.memory_space<hbm>> -> memref<128x128xf32, #tpu.memory_space<hbm>>
      tpu.enqueue_dma source(%dma_start3A_64 : memref<128x128xf32, #tpu.memory_space<hbm>>) target(%arg7 : memref<128x128xf32, #tpu.memory_space<vmem>>) target_semaphore(%run_scoped3A : memref<!tpu.dma_semaphore, #tpu.memory_space<semaphore_mem>>)
      %dma_wait3A = arith.constant 0 : i32
      %dma_wait3A_65 = tpu.memref_slice %arg4[%add3A_20, %dma_wait3A] : memref<10240x128xf32, #tpu.memory_space<hbm>> -> memref<128x128xf32, #tpu.memory_space<hbm>>
      %dma_wait3A_66 = arith.constant 0 : i32
      %dma_wait3A_67 = tpu.memref_slice %arg4[%add3A_20, %dma_wait3A_66] : memref<10240x128xf32, #tpu.memory_space<hbm>> -> memref<128x128xf32, #tpu.memory_space<hbm>>
      tpu.wait_dma2 semaphore(%run_scoped3A : memref<!tpu.dma_semaphore, #tpu.memory_space<semaphore_mem>>) src(%dma_wait3A_67 : memref<128x128xf32, #tpu.memory_space<hbm>>) dst(%arg7 : memref<128x128xf32, #tpu.memory_space<vmem>>)
      tpu.yield
    }) : () -> ()
    "tpu.region"() ({
      %run_scoped3A = tpu.sem_alloc : memref<!tpu.dma_semaphore, #tpu.memory_space<semaphore_mem>>
      %dma_start3A = arith.constant 0 : i32
      %dma_start3A_62 = tpu.memref_slice %arg8[%add3A_20, %dma_start3A] : memref<10240x128xf32, #tpu.memory_space<vmem_shared>> -> memref<128x128xf32, #tpu.memory_space<vmem_shared>>
      %dma_start3A_63 = arith.constant 0 : i32
      %dma_start3A_64 = tpu.memref_slice %arg8[%add3A_20, %dma_start3A_63] : memref<10240x128xf32, #tpu.memory_space<vmem_shared>> -> memref<128x128xf32, #tpu.memory_space<vmem_shared>>
      tpu.enqueue_dma source(%arg7 : memref<128x128xf32, #tpu.memory_space<vmem>>) target(%dma_start3A_64 : memref<128x128xf32, #tpu.memory_space<vmem_shared>>) target_semaphore(%run_scoped3A : memref<!tpu.dma_semaphore, #tpu.memory_space<semaphore_mem>>)
      %dma_wait3A = arith.constant 0 : i32
      %dma_wait3A_65 = tpu.memref_slice %arg8[%add3A_20, %dma_wait3A] : memref<10240x128xf32, #tpu.memory_space<vmem_shared>> -> memref<128x128xf32, #tpu.memory_space<vmem_shared>>
      %dma_wait3A_66 = arith.constant 0 : i32
      %dma_wait3A_67 = tpu.memref_slice %arg8[%add3A_20, %dma_wait3A_66] : memref<10240x128xf32, #tpu.memory_space<vmem_shared>> -> memref<128x128xf32, #tpu.memory_space<vmem_shared>>
      tpu.wait_dma2 semaphore(%run_scoped3A : memref<!tpu.dma_semaphore, #tpu.memory_space<semaphore_mem>>) src(%arg7 : memref<128x128xf32, #tpu.memory_space<vmem>>) dst(%dma_wait3A_67 : memref<128x128xf32, #tpu.memory_space<vmem_shared>>)
      tpu.yield
    }) : () -> ()
    "tpu.region"() ({
      %run_scoped3A = tpu.sem_alloc : memref<!tpu.dma_semaphore, #tpu.memory_space<semaphore_mem>>
      tpu.enqueue_dma source(%arg3 : memref<128x128xf32, #tpu.memory_space<hbm>>) target(%arg7 : memref<128x128xf32, #tpu.memory_space<vmem>>) target_semaphore(%run_scoped3A : memref<!tpu.dma_semaphore, #tpu.memory_space<semaphore_mem>>)
      tpu.wait_dma2 semaphore(%run_scoped3A : memref<!tpu.dma_semaphore, #tpu.memory_space<semaphore_mem>>) src(%arg3 : memref<128x128xf32, #tpu.memory_space<hbm>>) dst(%arg7 : memref<128x128xf32, #tpu.memory_space<vmem>>)
      tpu.yield
    }) : () -> ()
    %barrier3A = arith.constant 0 : index
    tpu.barrier barrier_id(%barrier3A)
    %scan3A = arith.constant 0 : i32
    %scan3A_21 = arith.constant 0 : i32
    %scan3A_22 = arith.constant 79 : i32
    %scan3A_23 = arith.addi %scan3A_21, %scan3A_22 : i32
    %scan3A_24 = arith.constant 1 : i32
    scf.for %scan3A_62 = %scan3A_21 to %scan3A_23 step %scan3A_24  : i32 {
      %mul3A_63 = arith.constant 32 : i32
      %mul3A_64 = arith.muli %mul3A_63, %scan3A_62 : i32
      %add3A_65 = arith.addi %add3A, %mul3A_64 : i32
      %lt3A = arith.constant 2500 : i32
      %lt3A_66 = arith.cmpi slt, %add3A_65, %lt3A : i32
      %convert_element_type3A = arith.extui %lt3A_66 : i1 to i32
      %cond3A = arith.constant 0 : i32
      %cond3A_67 = arith.cmpi ne, %convert_element_type3A, %cond3A : i32
      scf.if %cond3A_67 {
        %mul3A_68 = arith.constant 128 : i32
        %mul3A_69 = arith.muli %add3A_65, %mul3A_68 : i32
        "tpu.region"() ({
          %run_scoped3A = tpu.sem_alloc : memref<!tpu.dma_semaphore, #tpu.memory_space<semaphore_mem>>
          %dma_start3A = tpu.memref_slice %arg2[%mul3A_69] : memref<320000xi32, #tpu.memory_space<hbm>> -> memref<128xi32, #tpu.memory_space<hbm>>
          %dma_start3A_70 = tpu.memref_slice %arg2[%mul3A_69] : memref<320000xi32, #tpu.memory_space<hbm>> -> memref<128xi32, #tpu.memory_space<hbm>>
          tpu.enqueue_dma source(%dma_start3A_70 : memref<128xi32, #tpu.memory_space<hbm>>) target(%arg6 : memref<128xi32, #tpu.memory_space<vmem>>) target_semaphore(%run_scoped3A : memref<!tpu.dma_semaphore, #tpu.memory_space<semaphore_mem>>)
          %dma_wait3A = tpu.memref_slice %arg2[%mul3A_69] : memref<320000xi32, #tpu.memory_space<hbm>> -> memref<128xi32, #tpu.memory_space<hbm>>
          %dma_wait3A_71 = tpu.memref_slice %arg2[%mul3A_69] : memref<320000xi32, #tpu.memory_space<hbm>> -> memref<128xi32, #tpu.memory_space<hbm>>
          tpu.wait_dma2 semaphore(%run_scoped3A : memref<!tpu.dma_semaphore, #tpu.memory_space<semaphore_mem>>) src(%dma_wait3A_71 : memref<128xi32, #tpu.memory_space<hbm>>) dst(%arg6 : memref<128xi32, #tpu.memory_space<vmem>>)
          tpu.yield
        }) : () -> ()
        "tpu.region"() ({
          %run_scoped3A = tpu.sem_alloc : memref<!tpu.dma_semaphore, #tpu.memory_space<semaphore_mem>>
          %dma_start3A = arith.constant 0 : i32
          %dma_start3A_70 = arith.constant 0 : i32
          %dma_start3A_71 = tpu.memref_slice %arg8[%dma_start3A, %dma_start3A_70] : memref<10240x128xf32, #tpu.memory_space<vmem_shared>> -> memref<10240x128xf32, #tpu.memory_space<vmem_shared>>
          tpu.enqueue_indirect_dma source(%arg7 : memref<128x128xf32, #tpu.memory_space<vmem>>) target(%dma_start3A_71 : memref<10240x128xf32, #tpu.memory_space<vmem_shared>>) offsets(%arg6 : memref<128xi32, #tpu.memory_space<vmem>>) semaphore(%run_scoped3A : memref<!tpu.dma_semaphore, #tpu.memory_space<semaphore_mem>>) {add = true}
          %dma_wait3A = arith.constant 0 : i32
          %dma_wait3A_72 = arith.constant 0 : i32
          %dma_wait3A_73 = tpu.memref_slice %arg8[%dma_wait3A, %dma_wait3A_72] : memref<10240x128xf32, #tpu.memory_space<vmem_shared>> -> memref<10240x128xf32, #tpu.memory_space<vmem_shared>>
          tpu.wait_indirect_dma semaphore(%run_scoped3A : memref<!tpu.dma_semaphore, #tpu.memory_space<semaphore_mem>>) src(%arg7 : memref<128x128xf32, #tpu.memory_space<vmem>>) dst(%dma_wait3A_73 : memref<10240x128xf32, #tpu.memory_space<vmem_shared>>)
          tpu.yield
        }) : () -> ()
      } else {
      }
    }
    %scan3A_25 = arith.constant 79 : i32
    %barrier3A_26 = arith.constant 0 : index
    tpu.barrier barrier_id(%barrier3A_26)
    %mul3A_27 = arith.constant 640 : i32
    %mul3A_28 = arith.muli %arg1, %mul3A_27 : i32
    %add3A_29 = arith.constant 0 : i32
    %add3A_30 = arith.addi %mul3A_28, %add3A_29 : i32
    "tpu.region"() ({
      %run_scoped3A = tpu.sem_alloc : memref<!tpu.dma_semaphore, #tpu.memory_space<semaphore_mem>>
      %dma_start3A = arith.constant 0 : i32
      %dma_start3A_62 = tpu.memref_slice %arg8[%add3A_30, %dma_start3A] : memref<10240x128xf32, #tpu.memory_space<vmem_shared>> -> memref<128x128xf32, #tpu.memory_space<vmem_shared>>
      %dma_start3A_63 = arith.constant 0 : i32
      %dma_start3A_64 = tpu.memref_slice %arg8[%add3A_30, %dma_start3A_63] : memref<10240x128xf32, #tpu.memory_space<vmem_shared>> -> memref<128x128xf32, #tpu.memory_space<vmem_shared>>
      tpu.enqueue_dma source(%dma_start3A_64 : memref<128x128xf32, #tpu.memory_space<vmem_shared>>) target(%arg7 : memref<128x128xf32, #tpu.memory_space<vmem>>) target_semaphore(%run_scoped3A : memref<!tpu.dma_semaphore, #tpu.memory_space<semaphore_mem>>)
      %dma_wait3A = arith.constant 0 : i32
      %dma_wait3A_65 = tpu.memref_slice %arg8[%add3A_30, %dma_wait3A] : memref<10240x128xf32, #tpu.memory_space<vmem_shared>> -> memref<128x128xf32, #tpu.memory_space<vmem_shared>>
      %dma_wait3A_66 = arith.constant 0 : i32
      %dma_wait3A_67 = tpu.memref_slice %arg8[%add3A_30, %dma_wait3A_66] : memref<10240x128xf32, #tpu.memory_space<vmem_shared>> -> memref<128x128xf32, #tpu.memory_space<vmem_shared>>
      tpu.wait_dma2 semaphore(%run_scoped3A : memref<!tpu.dma_semaphore, #tpu.memory_space<semaphore_mem>>) src(%dma_wait3A_67 : memref<128x128xf32, #tpu.memory_space<vmem_shared>>) dst(%arg7 : memref<128x128xf32, #tpu.memory_space<vmem>>)
      tpu.yield
    }) : () -> ()
    %mul3A_31 = arith.constant 10240 : i32
    %mul3A_32 = arith.muli %arg0, %mul3A_31 : i32
    %add3A_33 = arith.addi %mul3A_32, %add3A_30 : i32
    "tpu.region"() ({
      %run_scoped3A = tpu.sem_alloc : memref<!tpu.dma_semaphore, #tpu.memory_space<semaphore_mem>>
      %dma_start3A = arith.constant 0 : i32
      %dma_start3A_62 = tpu.memref_slice %arg5[%add3A_33, %dma_start3A] : memref<20480x128xf32, #tpu.memory_space<hbm>> -> memref<128x128xf32, #tpu.memory_space<hbm>>
      %dma_start3A_63 = arith.constant 0 : i32
      %dma_start3A_64 = tpu.memref_slice %arg5[%add3A_33, %dma_start3A_63] : memref<20480x128xf32, #tpu.memory_space<hbm>> -> memref<128x128xf32, #tpu.memory_space<hbm>>
      tpu.enqueue_dma source(%arg7 : memref<128x128xf32, #tpu.memory_space<vmem>>) target(%dma_start3A_64 : memref<128x128xf32, #tpu.memory_space<hbm>>) target_semaphore(%run_scoped3A : memref<!tpu.dma_semaphore, #tpu.memory_space<semaphore_mem>>)
      %dma_wait3A = arith.constant 0 : i32
      %dma_wait3A_65 = tpu.memref_slice %arg5[%add3A_33, %dma_wait3A] : memref<20480x128xf32, #tpu.memory_space<hbm>> -> memref<128x128xf32, #tpu.memory_space<hbm>>
      %dma_wait3A_66 = arith.constant 0 : i32
      %dma_wait3A_67 = tpu.memref_slice %arg5[%add3A_33, %dma_wait3A_66] : memref<20480x128xf32, #tpu.memory_space<hbm>> -> memref<128x128xf32, #tpu.memory_space<hbm>>
      tpu.wait_dma2 semaphore(%run_scoped3A : memref<!tpu.dma_semaphore, #tpu.memory_space<semaphore_mem>>) src(%arg7 : memref<128x128xf32, #tpu.memory_space<vmem>>) dst(%dma_wait3A_67 : memref<128x128xf32, #tpu.memory_space<hbm>>)
      tpu.yield
    }) : () -> ()
    %mul3A_34 = arith.constant 640 : i32
    %mul3A_35 = arith.muli %arg1, %mul3A_34 : i32
    %add3A_36 = arith.constant 128 : i32
    %add3A_37 = arith.addi %mul3A_35, %add3A_36 : i32
    "tpu.region"() ({
      %run_scoped3A = tpu.sem_alloc : memref<!tpu.dma_semaphore, #tpu.memory_space<semaphore_mem>>
      %dma_start3A = arith.constant 0 : i32
      %dma_start3A_62 = tpu.memref_slice %arg8[%add3A_37, %dma_start3A] : memref<10240x128xf32, #tpu.memory_space<vmem_shared>> -> memref<128x128xf32, #tpu.memory_space<vmem_shared>>
      %dma_start3A_63 = arith.constant 0 : i32
      %dma_start3A_64 = tpu.memref_slice %arg8[%add3A_37, %dma_start3A_63] : memref<10240x128xf32, #tpu.memory_space<vmem_shared>> -> memref<128x128xf32, #tpu.memory_space<vmem_shared>>
      tpu.enqueue_dma source(%dma_start3A_64 : memref<128x128xf32, #tpu.memory_space<vmem_shared>>) target(%arg7 : memref<128x128xf32, #tpu.memory_space<vmem>>) target_semaphore(%run_scoped3A : memref<!tpu.dma_semaphore, #tpu.memory_space<semaphore_mem>>)
      %dma_wait3A = arith.constant 0 : i32
      %dma_wait3A_65 = tpu.memref_slice %arg8[%add3A_37, %dma_wait3A] : memref<10240x128xf32, #tpu.memory_space<vmem_shared>> -> memref<128x128xf32, #tpu.memory_space<vmem_shared>>
      %dma_wait3A_66 = arith.constant 0 : i32
      %dma_wait3A_67 = tpu.memref_slice %arg8[%add3A_37, %dma_wait3A_66] : memref<10240x128xf32, #tpu.memory_space<vmem_shared>> -> memref<128x128xf32, #tpu.memory_space<vmem_shared>>
      tpu.wait_dma2 semaphore(%run_scoped3A : memref<!tpu.dma_semaphore, #tpu.memory_space<semaphore_mem>>) src(%dma_wait3A_67 : memref<128x128xf32, #tpu.memory_space<vmem_shared>>) dst(%arg7 : memref<128x128xf32, #tpu.memory_space<vmem>>)
      tpu.yield
    }) : () -> ()
    %mul3A_38 = arith.constant 10240 : i32
    %mul3A_39 = arith.muli %arg0, %mul3A_38 : i32
    %add3A_40 = arith.addi %mul3A_39, %add3A_37 : i32
    "tpu.region"() ({
      %run_scoped3A = tpu.sem_alloc : memref<!tpu.dma_semaphore, #tpu.memory_space<semaphore_mem>>
      %dma_start3A = arith.constant 0 : i32
      %dma_start3A_62 = tpu.memref_slice %arg5[%add3A_40, %dma_start3A] : memref<20480x128xf32, #tpu.memory_space<hbm>> -> memref<128x128xf32, #tpu.memory_space<hbm>>
      %dma_start3A_63 = arith.constant 0 : i32
      %dma_start3A_64 = tpu.memref_slice %arg5[%add3A_40, %dma_start3A_63] : memref<20480x128xf32, #tpu.memory_space<hbm>> -> memref<128x128xf32, #tpu.memory_space<hbm>>
      tpu.enqueue_dma source(%arg7 : memref<128x128xf32, #tpu.memory_space<vmem>>) target(%dma_start3A_64 : memref<128x128xf32, #tpu.memory_space<hbm>>) target_semaphore(%run_scoped3A : memref<!tpu.dma_semaphore, #tpu.memory_space<semaphore_mem>>)
      %dma_wait3A = arith.constant 0 : i32
      %dma_wait3A_65 = tpu.memref_slice %arg5[%add3A_40, %dma_wait3A] : memref<20480x128xf32, #tpu.memory_space<hbm>> -> memref<128x128xf32, #tpu.memory_space<hbm>>
      %dma_wait3A_66 = arith.constant 0 : i32
      %dma_wait3A_67 = tpu.memref_slice %arg5[%add3A_40, %dma_wait3A_66] : memref<20480x128xf32, #tpu.memory_space<hbm>> -> memref<128x128xf32, #tpu.memory_space<hbm>>
      tpu.wait_dma2 semaphore(%run_scoped3A : memref<!tpu.dma_semaphore, #tpu.memory_space<semaphore_mem>>) src(%arg7 : memref<128x128xf32, #tpu.memory_space<vmem>>) dst(%dma_wait3A_67 : memref<128x128xf32, #tpu.memory_space<hbm>>)
      tpu.yield
    }) : () -> ()
    %mul3A_41 = arith.constant 640 : i32
    %mul3A_42 = arith.muli %arg1, %mul3A_41 : i32
    %add3A_43 = arith.constant 256 : i32
    %add3A_44 = arith.addi %mul3A_42, %add3A_43 : i32
    "tpu.region"() ({
      %run_scoped3A = tpu.sem_alloc : memref<!tpu.dma_semaphore, #tpu.memory_space<semaphore_mem>>
      %dma_start3A = arith.constant 0 : i32
      %dma_start3A_62 = tpu.memref_slice %arg8[%add3A_44, %dma_start3A] : memref<10240x128xf32, #tpu.memory_space<vmem_shared>> -> memref<128x128xf32, #tpu.memory_space<vmem_shared>>
      %dma_start3A_63 = arith.constant 0 : i32
      %dma_start3A_64 = tpu.memref_slice %arg8[%add3A_44, %dma_start3A_63] : memref<10240x128xf32, #tpu.memory_space<vmem_shared>> -> memref<128x128xf32, #tpu.memory_space<vmem_shared>>
      tpu.enqueue_dma source(%dma_start3A_64 : memref<128x128xf32, #tpu.memory_space<vmem_shared>>) target(%arg7 : memref<128x128xf32, #tpu.memory_space<vmem>>) target_semaphore(%run_scoped3A : memref<!tpu.dma_semaphore, #tpu.memory_space<semaphore_mem>>)
      %dma_wait3A = arith.constant 0 : i32
      %dma_wait3A_65 = tpu.memref_slice %arg8[%add3A_44, %dma_wait3A] : memref<10240x128xf32, #tpu.memory_space<vmem_shared>> -> memref<128x128xf32, #tpu.memory_space<vmem_shared>>
      %dma_wait3A_66 = arith.constant 0 : i32
      %dma_wait3A_67 = tpu.memref_slice %arg8[%add3A_44, %dma_wait3A_66] : memref<10240x128xf32, #tpu.memory_space<vmem_shared>> -> memref<128x128xf32, #tpu.memory_space<vmem_shared>>
      tpu.wait_dma2 semaphore(%run_scoped3A : memref<!tpu.dma_semaphore, #tpu.memory_space<semaphore_mem>>) src(%dma_wait3A_67 : memref<128x128xf32, #tpu.memory_space<vmem_shared>>) dst(%arg7 : memref<128x128xf32, #tpu.memory_space<vmem>>)
      tpu.yield
    }) : () -> ()
    %mul3A_45 = arith.constant 10240 : i32
    %mul3A_46 = arith.muli %arg0, %mul3A_45 : i32
    %add3A_47 = arith.addi %mul3A_46, %add3A_44 : i32
    "tpu.region"() ({
      %run_scoped3A = tpu.sem_alloc : memref<!tpu.dma_semaphore, #tpu.memory_space<semaphore_mem>>
      %dma_start3A = arith.constant 0 : i32
      %dma_start3A_62 = tpu.memref_slice %arg5[%add3A_47, %dma_start3A] : memref<20480x128xf32, #tpu.memory_space<hbm>> -> memref<128x128xf32, #tpu.memory_space<hbm>>
      %dma_start3A_63 = arith.constant 0 : i32
      %dma_start3A_64 = tpu.memref_slice %arg5[%add3A_47, %dma_start3A_63] : memref<20480x128xf32, #tpu.memory_space<hbm>> -> memref<128x128xf32, #tpu.memory_space<hbm>>
      tpu.enqueue_dma source(%arg7 : memref<128x128xf32, #tpu.memory_space<vmem>>) target(%dma_start3A_64 : memref<128x128xf32, #tpu.memory_space<hbm>>) target_semaphore(%run_scoped3A : memref<!tpu.dma_semaphore, #tpu.memory_space<semaphore_mem>>)
      %dma_wait3A = arith.constant 0 : i32
      %dma_wait3A_65 = tpu.memref_slice %arg5[%add3A_47, %dma_wait3A] : memref<20480x128xf32, #tpu.memory_space<hbm>> -> memref<128x128xf32, #tpu.memory_space<hbm>>
      %dma_wait3A_66 = arith.constant 0 : i32
      %dma_wait3A_67 = tpu.memref_slice %arg5[%add3A_47, %dma_wait3A_66] : memref<20480x128xf32, #tpu.memory_space<hbm>> -> memref<128x128xf32, #tpu.memory_space<hbm>>
      tpu.wait_dma2 semaphore(%run_scoped3A : memref<!tpu.dma_semaphore, #tpu.memory_space<semaphore_mem>>) src(%arg7 : memref<128x128xf32, #tpu.memory_space<vmem>>) dst(%dma_wait3A_67 : memref<128x128xf32, #tpu.memory_space<hbm>>)
      tpu.yield
    }) : () -> ()
    %mul3A_48 = arith.constant 640 : i32
    %mul3A_49 = arith.muli %arg1, %mul3A_48 : i32
    %add3A_50 = arith.constant 384 : i32
    %add3A_51 = arith.addi %mul3A_49, %add3A_50 : i32
    "tpu.region"() ({
      %run_scoped3A = tpu.sem_alloc : memref<!tpu.dma_semaphore, #tpu.memory_space<semaphore_mem>>
      %dma_start3A = arith.constant 0 : i32
      %dma_start3A_62 = tpu.memref_slice %arg8[%add3A_51, %dma_start3A] : memref<10240x128xf32, #tpu.memory_space<vmem_shared>> -> memref<128x128xf32, #tpu.memory_space<vmem_shared>>
      %dma_start3A_63 = arith.constant 0 : i32
      %dma_start3A_64 = tpu.memref_slice %arg8[%add3A_51, %dma_start3A_63] : memref<10240x128xf32, #tpu.memory_space<vmem_shared>> -> memref<128x128xf32, #tpu.memory_space<vmem_shared>>
      tpu.enqueue_dma source(%dma_start3A_64 : memref<128x128xf32, #tpu.memory_space<vmem_shared>>) target(%arg7 : memref<128x128xf32, #tpu.memory_space<vmem>>) target_semaphore(%run_scoped3A : memref<!tpu.dma_semaphore, #tpu.memory_space<semaphore_mem>>)
      %dma_wait3A = arith.constant 0 : i32
      %dma_wait3A_65 = tpu.memref_slice %arg8[%add3A_51, %dma_wait3A] : memref<10240x128xf32, #tpu.memory_space<vmem_shared>> -> memref<128x128xf32, #tpu.memory_space<vmem_shared>>
      %dma_wait3A_66 = arith.constant 0 : i32
      %dma_wait3A_67 = tpu.memref_slice %arg8[%add3A_51, %dma_wait3A_66] : memref<10240x128xf32, #tpu.memory_space<vmem_shared>> -> memref<128x128xf32, #tpu.memory_space<vmem_shared>>
      tpu.wait_dma2 semaphore(%run_scoped3A : memref<!tpu.dma_semaphore, #tpu.memory_space<semaphore_mem>>) src(%dma_wait3A_67 : memref<128x128xf32, #tpu.memory_space<vmem_shared>>) dst(%arg7 : memref<128x128xf32, #tpu.memory_space<vmem>>)
      tpu.yield
    }) : () -> ()
    %mul3A_52 = arith.constant 10240 : i32
    %mul3A_53 = arith.muli %arg0, %mul3A_52 : i32
    %add3A_54 = arith.addi %mul3A_53, %add3A_51 : i32
    "tpu.region"() ({
      %run_scoped3A = tpu.sem_alloc : memref<!tpu.dma_semaphore, #tpu.memory_space<semaphore_mem>>
      %dma_start3A = arith.constant 0 : i32
      %dma_start3A_62 = tpu.memref_slice %arg5[%add3A_54, %dma_start3A] : memref<20480x128xf32, #tpu.memory_space<hbm>> -> memref<128x128xf32, #tpu.memory_space<hbm>>
      %dma_start3A_63 = arith.constant 0 : i32
      %dma_start3A_64 = tpu.memref_slice %arg5[%add3A_54, %dma_start3A_63] : memref<20480x128xf32, #tpu.memory_space<hbm>> -> memref<128x128xf32, #tpu.memory_space<hbm>>
      tpu.enqueue_dma source(%arg7 : memref<128x128xf32, #tpu.memory_space<vmem>>) target(%dma_start3A_64 : memref<128x128xf32, #tpu.memory_space<hbm>>) target_semaphore(%run_scoped3A : memref<!tpu.dma_semaphore, #tpu.memory_space<semaphore_mem>>)
      %dma_wait3A = arith.constant 0 : i32
      %dma_wait3A_65 = tpu.memref_slice %arg5[%add3A_54, %dma_wait3A] : memref<20480x128xf32, #tpu.memory_space<hbm>> -> memref<128x128xf32, #tpu.memory_space<hbm>>
      %dma_wait3A_66 = arith.constant 0 : i32
      %dma_wait3A_67 = tpu.memref_slice %arg5[%add3A_54, %dma_wait3A_66] : memref<20480x128xf32, #tpu.memory_space<hbm>> -> memref<128x128xf32, #tpu.memory_space<hbm>>
      tpu.wait_dma2 semaphore(%run_scoped3A : memref<!tpu.dma_semaphore, #tpu.memory_space<semaphore_mem>>) src(%arg7 : memref<128x128xf32, #tpu.memory_space<vmem>>) dst(%dma_wait3A_67 : memref<128x128xf32, #tpu.memory_space<hbm>>)
      tpu.yield
    }) : () -> ()
    %mul3A_55 = arith.constant 640 : i32
    %mul3A_56 = arith.muli %arg1, %mul3A_55 : i32
    %add3A_57 = arith.constant 512 : i32
    %add3A_58 = arith.addi %mul3A_56, %add3A_57 : i32
    "tpu.region"() ({
      %run_scoped3A = tpu.sem_alloc : memref<!tpu.dma_semaphore, #tpu.memory_space<semaphore_mem>>
      %dma_start3A = arith.constant 0 : i32
      %dma_start3A_62 = tpu.memref_slice %arg8[%add3A_58, %dma_start3A] : memref<10240x128xf32, #tpu.memory_space<vmem_shared>> -> memref<128x128xf32, #tpu.memory_space<vmem_shared>>
      %dma_start3A_63 = arith.constant 0 : i32
      %dma_start3A_64 = tpu.memref_slice %arg8[%add3A_58, %dma_start3A_63] : memref<10240x128xf32, #tpu.memory_space<vmem_shared>> -> memref<128x128xf32, #tpu.memory_space<vmem_shared>>
      tpu.enqueue_dma source(%dma_start3A_64 : memref<128x128xf32, #tpu.memory_space<vmem_shared>>) target(%arg7 : memref<128x128xf32, #tpu.memory_space<vmem>>) target_semaphore(%run_scoped3A : memref<!tpu.dma_semaphore, #tpu.memory_space<semaphore_mem>>)
      %dma_wait3A = arith.constant 0 : i32
      %dma_wait3A_65 = tpu.memref_slice %arg8[%add3A_58, %dma_wait3A] : memref<10240x128xf32, #tpu.memory_space<vmem_shared>> -> memref<128x128xf32, #tpu.memory_space<vmem_shared>>
      %dma_wait3A_66 = arith.constant 0 : i32
      %dma_wait3A_67 = tpu.memref_slice %arg8[%add3A_58, %dma_wait3A_66] : memref<10240x128xf32, #tpu.memory_space<vmem_shared>> -> memref<128x128xf32, #tpu.memory_space<vmem_shared>>
      tpu.wait_dma2 semaphore(%run_scoped3A : memref<!tpu.dma_semaphore, #tpu.memory_space<semaphore_mem>>) src(%dma_wait3A_67 : memref<128x128xf32, #tpu.memory_space<vmem_shared>>) dst(%arg7 : memref<128x128xf32, #tpu.memory_space<vmem>>)
      tpu.yield
    }) : () -> ()
    %mul3A_59 = arith.constant 10240 : i32
    %mul3A_60 = arith.muli %arg0, %mul3A_59 : i32
    %add3A_61 = arith.addi %mul3A_60, %add3A_58 : i32
    "tpu.region"() ({
      %run_scoped3A = tpu.sem_alloc : memref<!tpu.dma_semaphore, #tpu.memory_space<semaphore_mem>>
      %dma_start3A = arith.constant 0 : i32
      %dma_start3A_62 = tpu.memref_slice %arg5[%add3A_61, %dma_start3A] : memref<20480x128xf32, #tpu.memory_space<hbm>> -> memref<128x128xf32, #tpu.memory_space<hbm>>
      %dma_start3A_63 = arith.constant 0 : i32
      %dma_start3A_64 = tpu.memref_slice %arg5[%add3A_61, %dma_start3A_63] : memref<20480x128xf32, #tpu.memory_space<hbm>> -> memref<128x128xf32, #tpu.memory_space<hbm>>
      tpu.enqueue_dma source(%arg7 : memref<128x128xf32, #tpu.memory_space<vmem>>) target(%dma_start3A_64 : memref<128x128xf32, #tpu.memory_space<hbm>>) target_semaphore(%run_scoped3A : memref<!tpu.dma_semaphore, #tpu.memory_space<semaphore_mem>>)
      %dma_wait3A = arith.constant 0 : i32
      %dma_wait3A_65 = tpu.memref_slice %arg5[%add3A_61, %dma_wait3A] : memref<20480x128xf32, #tpu.memory_space<hbm>> -> memref<128x128xf32, #tpu.memory_space<hbm>>
      %dma_wait3A_66 = arith.constant 0 : i32
      %dma_wait3A_67 = tpu.memref_slice %arg5[%add3A_61, %dma_wait3A_66] : memref<20480x128xf32, #tpu.memory_space<hbm>> -> memref<128x128xf32, #tpu.memory_space<hbm>>
      tpu.wait_dma2 semaphore(%run_scoped3A : memref<!tpu.dma_semaphore, #tpu.memory_space<semaphore_mem>>) src(%arg7 : memref<128x128xf32, #tpu.memory_space<vmem>>) dst(%dma_wait3A_67 : memref<128x128xf32, #tpu.memory_space<hbm>>)
      tpu.yield
    }) : () -> ()
    return
  }
}

#map = affine_map<(d0, d1) -> (0, 0)>
#map1 = affine_map<(d0, d1) -> (0)>
module attributes {stable_mosaic.version = 14 : i64} {
  func.func @_gather_body(%arg0: i32, %arg1: i32, %arg2: memref<10000x128xf32, #tpu.memory_space<hbm>>, %arg3: memref<10000x128xf32, #tpu.memory_space<hbm>>, %arg4: memref<320128xi32, #tpu.memory_space<hbm>>, %arg5: memref<320128xi32, #tpu.memory_space<hbm>>, %arg6: memref<320000x128xf32, #tpu.memory_space<hbm>>, %arg7: memref<320000x128xf32, #tpu.memory_space<hbm>>, %arg8: memref<128xi32, #tpu.memory_space<vmem>>, %arg9: memref<128xi32, #tpu.memory_space<vmem>>, %arg10: memref<128x128xf32, #tpu.memory_space<vmem>>, %arg11: memref<128x128xf32, #tpu.memory_space<vmem>>, %arg12: memref<!tpu.dma_semaphore, #tpu.memory_space<semaphore_mem>>, %arg13: memref<!tpu.dma_semaphore, #tpu.memory_space<semaphore_mem>>) attributes {dimension_semantics = [#tpu.dimension_semantics<core_parallel>, #tpu.dimension_semantics<subcore_parallel>], iteration_bounds = array<i64: 2, 16>, scalar_prefetch = 0 : i64, scratch_operands = 6 : i64, tpu.core_type = #tpu.core_type<sc_vector_subcore>, window_params = [{transform_indices = #map}, {transform_indices = #map}, {transform_indices = #map1}, {transform_indices = #map1}, {transform_indices = #map}, {transform_indices = #map}]} {
    %mul3A = arith.constant 2 : i32
    %mul3A_0 = arith.muli %arg1, %mul3A : i32
    %add3A = arith.addi %mul3A_0, %arg0 : i32
    %scan3A = arith.constant 0 : i32
    %scan3A_1 = arith.constant 0 : i32
    %scan3A_2 = arith.constant 79 : i32
    %scan3A_3 = arith.addi %scan3A_1, %scan3A_2 : i32
    %scan3A_4 = arith.constant 1 : i32
    scf.for %scan3A_6 = %scan3A_1 to %scan3A_3 step %scan3A_4  : i32 {
      %mul3A_7 = arith.constant 32 : i32
      %mul3A_8 = arith.muli %mul3A_7, %scan3A_6 : i32
      %add3A_9 = arith.addi %add3A, %mul3A_8 : i32
      %lt3A = arith.constant 2500 : i32
      %lt3A_10 = arith.cmpi slt, %add3A_9, %lt3A : i32
      %convert_element_type3A = arith.extui %lt3A_10 : i1 to i32
      %cond3A = arith.constant 0 : i32
      %cond3A_11 = arith.cmpi ne, %convert_element_type3A, %cond3A : i32
      scf.if %cond3A_11 {
        %mul3A_12 = arith.constant 128 : i32
        %mul3A_13 = arith.muli %add3A_9, %mul3A_12 : i32
        "tpu.region"() ({
          %run_scoped3A = tpu.sem_alloc : memref<!tpu.dma_semaphore, #tpu.memory_space<semaphore_mem>>
          %dma_start3A_24 = tpu.memref_slice %arg4[%mul3A_13] : memref<320128xi32, #tpu.memory_space<hbm>> -> memref<128xi32, #tpu.memory_space<hbm>>
          %dma_start3A_25 = tpu.memref_slice %arg4[%mul3A_13] : memref<320128xi32, #tpu.memory_space<hbm>> -> memref<128xi32, #tpu.memory_space<hbm>>
          tpu.enqueue_dma source(%dma_start3A_25 : memref<128xi32, #tpu.memory_space<hbm>>) target(%arg8 : memref<128xi32, #tpu.memory_space<vmem>>) target_semaphore(%run_scoped3A : memref<!tpu.dma_semaphore, #tpu.memory_space<semaphore_mem>>)
          %dma_wait3A_26 = tpu.memref_slice %arg4[%mul3A_13] : memref<320128xi32, #tpu.memory_space<hbm>> -> memref<128xi32, #tpu.memory_space<hbm>>
          %dma_wait3A_27 = tpu.memref_slice %arg4[%mul3A_13] : memref<320128xi32, #tpu.memory_space<hbm>> -> memref<128xi32, #tpu.memory_space<hbm>>
          tpu.wait_dma2 semaphore(%run_scoped3A : memref<!tpu.dma_semaphore, #tpu.memory_space<semaphore_mem>>) src(%dma_wait3A_27 : memref<128xi32, #tpu.memory_space<hbm>>) dst(%arg8 : memref<128xi32, #tpu.memory_space<vmem>>)
          tpu.yield
        }) : () -> ()
        "tpu.region"() ({
          %run_scoped3A = tpu.sem_alloc : memref<!tpu.dma_semaphore, #tpu.memory_space<semaphore_mem>>
          %dma_start3A_24 = tpu.memref_slice %arg5[%mul3A_13] : memref<320128xi32, #tpu.memory_space<hbm>> -> memref<128xi32, #tpu.memory_space<hbm>>
          %dma_start3A_25 = tpu.memref_slice %arg5[%mul3A_13] : memref<320128xi32, #tpu.memory_space<hbm>> -> memref<128xi32, #tpu.memory_space<hbm>>
          tpu.enqueue_dma source(%dma_start3A_25 : memref<128xi32, #tpu.memory_space<hbm>>) target(%arg9 : memref<128xi32, #tpu.memory_space<vmem>>) target_semaphore(%run_scoped3A : memref<!tpu.dma_semaphore, #tpu.memory_space<semaphore_mem>>)
          %dma_wait3A_26 = tpu.memref_slice %arg5[%mul3A_13] : memref<320128xi32, #tpu.memory_space<hbm>> -> memref<128xi32, #tpu.memory_space<hbm>>
          %dma_wait3A_27 = tpu.memref_slice %arg5[%mul3A_13] : memref<320128xi32, #tpu.memory_space<hbm>> -> memref<128xi32, #tpu.memory_space<hbm>>
          tpu.wait_dma2 semaphore(%run_scoped3A : memref<!tpu.dma_semaphore, #tpu.memory_space<semaphore_mem>>) src(%dma_wait3A_27 : memref<128xi32, #tpu.memory_space<hbm>>) dst(%arg9 : memref<128xi32, #tpu.memory_space<vmem>>)
          tpu.yield
        }) : () -> ()
        %dma_start3A = arith.constant 0 : i32
        %dma_start3A_14 = arith.constant 0 : i32
        %dma_start3A_15 = tpu.memref_slice %arg2[%dma_start3A, %dma_start3A_14] : memref<10000x128xf32, #tpu.memory_space<hbm>> -> memref<10000x128xf32, #tpu.memory_space<hbm>>
        tpu.enqueue_indirect_dma source(%dma_start3A_15 : memref<10000x128xf32, #tpu.memory_space<hbm>>) target(%arg10 : memref<128x128xf32, #tpu.memory_space<vmem>>) offsets(%arg8 : memref<128xi32, #tpu.memory_space<vmem>>) semaphore(%arg12 : memref<!tpu.dma_semaphore, #tpu.memory_space<semaphore_mem>>)
        %dma_start3A_16 = arith.constant 0 : i32
        %dma_start3A_17 = arith.constant 0 : i32
        %dma_start3A_18 = tpu.memref_slice %arg3[%dma_start3A_16, %dma_start3A_17] : memref<10000x128xf32, #tpu.memory_space<hbm>> -> memref<10000x128xf32, #tpu.memory_space<hbm>>
        tpu.enqueue_indirect_dma source(%dma_start3A_18 : memref<10000x128xf32, #tpu.memory_space<hbm>>) target(%arg11 : memref<128x128xf32, #tpu.memory_space<vmem>>) offsets(%arg9 : memref<128xi32, #tpu.memory_space<vmem>>) semaphore(%arg13 : memref<!tpu.dma_semaphore, #tpu.memory_space<semaphore_mem>>)
        %dma_wait3A = arith.constant 0 : i32
        %dma_wait3A_19 = arith.constant 0 : i32
        %dma_wait3A_20 = tpu.memref_slice %arg2[%dma_wait3A, %dma_wait3A_19] : memref<10000x128xf32, #tpu.memory_space<hbm>> -> memref<10000x128xf32, #tpu.memory_space<hbm>>
        tpu.wait_indirect_dma semaphore(%arg12 : memref<!tpu.dma_semaphore, #tpu.memory_space<semaphore_mem>>) src(%dma_wait3A_20 : memref<10000x128xf32, #tpu.memory_space<hbm>>) dst(%arg10 : memref<128x128xf32, #tpu.memory_space<vmem>>)
        %dma_wait3A_21 = arith.constant 0 : i32
        %dma_wait3A_22 = arith.constant 0 : i32
        %dma_wait3A_23 = tpu.memref_slice %arg3[%dma_wait3A_21, %dma_wait3A_22] : memref<10000x128xf32, #tpu.memory_space<hbm>> -> memref<10000x128xf32, #tpu.memory_space<hbm>>
        tpu.wait_indirect_dma semaphore(%arg13 : memref<!tpu.dma_semaphore, #tpu.memory_space<semaphore_mem>>) src(%dma_wait3A_23 : memref<10000x128xf32, #tpu.memory_space<hbm>>) dst(%arg11 : memref<128x128xf32, #tpu.memory_space<vmem>>)
        "tpu.region"() ({
          %run_scoped3A = tpu.sem_alloc : memref<!tpu.dma_semaphore, #tpu.memory_space<semaphore_mem>>
          %dma_start3A_24 = arith.constant 0 : i32
          %dma_start3A_25 = tpu.memref_slice %arg6[%mul3A_13, %dma_start3A_24] : memref<320000x128xf32, #tpu.memory_space<hbm>> -> memref<128x128xf32, #tpu.memory_space<hbm>>
          %dma_start3A_26 = arith.constant 0 : i32
          %dma_start3A_27 = tpu.memref_slice %arg6[%mul3A_13, %dma_start3A_26] : memref<320000x128xf32, #tpu.memory_space<hbm>> -> memref<128x128xf32, #tpu.memory_space<hbm>>
          tpu.enqueue_dma source(%arg10 : memref<128x128xf32, #tpu.memory_space<vmem>>) target(%dma_start3A_27 : memref<128x128xf32, #tpu.memory_space<hbm>>) target_semaphore(%run_scoped3A : memref<!tpu.dma_semaphore, #tpu.memory_space<semaphore_mem>>)
          %dma_wait3A_28 = arith.constant 0 : i32
          %dma_wait3A_29 = tpu.memref_slice %arg6[%mul3A_13, %dma_wait3A_28] : memref<320000x128xf32, #tpu.memory_space<hbm>> -> memref<128x128xf32, #tpu.memory_space<hbm>>
          %dma_wait3A_30 = arith.constant 0 : i32
          %dma_wait3A_31 = tpu.memref_slice %arg6[%mul3A_13, %dma_wait3A_30] : memref<320000x128xf32, #tpu.memory_space<hbm>> -> memref<128x128xf32, #tpu.memory_space<hbm>>
          tpu.wait_dma2 semaphore(%run_scoped3A : memref<!tpu.dma_semaphore, #tpu.memory_space<semaphore_mem>>) src(%arg10 : memref<128x128xf32, #tpu.memory_space<vmem>>) dst(%dma_wait3A_31 : memref<128x128xf32, #tpu.memory_space<hbm>>)
          tpu.yield
        }) : () -> ()
        "tpu.region"() ({
          %run_scoped3A = tpu.sem_alloc : memref<!tpu.dma_semaphore, #tpu.memory_space<semaphore_mem>>
          %dma_start3A_24 = arith.constant 0 : i32
          %dma_start3A_25 = tpu.memref_slice %arg7[%mul3A_13, %dma_start3A_24] : memref<320000x128xf32, #tpu.memory_space<hbm>> -> memref<128x128xf32, #tpu.memory_space<hbm>>
          %dma_start3A_26 = arith.constant 0 : i32
          %dma_start3A_27 = tpu.memref_slice %arg7[%mul3A_13, %dma_start3A_26] : memref<320000x128xf32, #tpu.memory_space<hbm>> -> memref<128x128xf32, #tpu.memory_space<hbm>>
          tpu.enqueue_dma source(%arg11 : memref<128x128xf32, #tpu.memory_space<vmem>>) target(%dma_start3A_27 : memref<128x128xf32, #tpu.memory_space<hbm>>) target_semaphore(%run_scoped3A : memref<!tpu.dma_semaphore, #tpu.memory_space<semaphore_mem>>)
          %dma_wait3A_28 = arith.constant 0 : i32
          %dma_wait3A_29 = tpu.memref_slice %arg7[%mul3A_13, %dma_wait3A_28] : memref<320000x128xf32, #tpu.memory_space<hbm>> -> memref<128x128xf32, #tpu.memory_space<hbm>>
          %dma_wait3A_30 = arith.constant 0 : i32
          %dma_wait3A_31 = tpu.memref_slice %arg7[%mul3A_13, %dma_wait3A_30] : memref<320000x128xf32, #tpu.memory_space<hbm>> -> memref<128x128xf32, #tpu.memory_space<hbm>>
          tpu.wait_dma2 semaphore(%run_scoped3A : memref<!tpu.dma_semaphore, #tpu.memory_space<semaphore_mem>>) src(%arg11 : memref<128x128xf32, #tpu.memory_space<vmem>>) dst(%dma_wait3A_31 : memref<128x128xf32, #tpu.memory_space<hbm>>)
          tpu.yield
        }) : () -> ()
      } else {
      }
    }
    %scan3A_5 = arith.constant 79 : i32
    return
  }
}

#map = affine_map<(d0, d1) -> (0, 0)>
#map1 = affine_map<(d0, d1) -> (0)>
module attributes {stable_mosaic.version = 14 : i64} {
  func.func @_gather_body(%arg0: i32, %arg1: i32, %arg2: memref<10000x128xf32, #tpu.memory_space<hbm>>, %arg3: memref<10000x128xf32, #tpu.memory_space<hbm>>, %arg4: memref<320128xi32, #tpu.memory_space<hbm>>, %arg5: memref<320128xi32, #tpu.memory_space<hbm>>, %arg6: memref<320000x128xf32, #tpu.memory_space<hbm>>, %arg7: memref<320000x128xf32, #tpu.memory_space<hbm>>, %arg8: memref<128xi32, #tpu.memory_space<vmem>>, %arg9: memref<128xi32, #tpu.memory_space<vmem>>, %arg10: memref<128x128xf32, #tpu.memory_space<vmem>>, %arg11: memref<128x128xf32, #tpu.memory_space<vmem>>, %arg12: memref<!tpu.dma_semaphore, #tpu.memory_space<semaphore_mem>>, %arg13: memref<!tpu.dma_semaphore, #tpu.memory_space<semaphore_mem>>) attributes {dimension_semantics = [#tpu.dimension_semantics<core_parallel>, #tpu.dimension_semantics<subcore_parallel>], iteration_bounds = array<i64: 2, 16>, scalar_prefetch = 0 : i64, scratch_operands = 6 : i64, tpu.core_type = #tpu.core_type<sc_vector_subcore>, window_params = [{transform_indices = #map}, {transform_indices = #map}, {transform_indices = #map1}, {transform_indices = #map1}, {transform_indices = #map}, {transform_indices = #map}]} {
    %mul3A = arith.constant 2 : i32
    %mul3A_0 = arith.muli %arg1, %mul3A : i32
    %add3A = arith.addi %mul3A_0, %arg0 : i32
    %scan3A = arith.constant 0 : i32
    %scan3A_1 = arith.constant 0 : i32
    %scan3A_2 = arith.constant 79 : i32
    %scan3A_3 = arith.addi %scan3A_1, %scan3A_2 : i32
    %scan3A_4 = arith.constant 1 : i32
    scf.for %scan3A_6 = %scan3A_1 to %scan3A_3 step %scan3A_4  : i32 {
      %mul3A_7 = arith.constant 32 : i32
      %mul3A_8 = arith.muli %mul3A_7, %scan3A_6 : i32
      %add3A_9 = arith.addi %add3A, %mul3A_8 : i32
      %lt3A = arith.constant 2500 : i32
      %lt3A_10 = arith.cmpi slt, %add3A_9, %lt3A : i32
      %convert_element_type3A = arith.extui %lt3A_10 : i1 to i32
      %cond3A = arith.constant 0 : i32
      %cond3A_11 = arith.cmpi ne, %convert_element_type3A, %cond3A : i32
      scf.if %cond3A_11 {
        %mul3A_12 = arith.constant 128 : i32
        %mul3A_13 = arith.muli %add3A_9, %mul3A_12 : i32
        "tpu.region"() ({
          %run_scoped3A = tpu.sem_alloc : memref<!tpu.dma_semaphore, #tpu.memory_space<semaphore_mem>>
          %dma_start3A_24 = tpu.memref_slice %arg4[%mul3A_13] : memref<320128xi32, #tpu.memory_space<hbm>> -> memref<128xi32, #tpu.memory_space<hbm>>
          %dma_start3A_25 = tpu.memref_slice %arg4[%mul3A_13] : memref<320128xi32, #tpu.memory_space<hbm>> -> memref<128xi32, #tpu.memory_space<hbm>>
          tpu.enqueue_dma source(%dma_start3A_25 : memref<128xi32, #tpu.memory_space<hbm>>) target(%arg8 : memref<128xi32, #tpu.memory_space<vmem>>) target_semaphore(%run_scoped3A : memref<!tpu.dma_semaphore, #tpu.memory_space<semaphore_mem>>)
          %dma_wait3A_26 = tpu.memref_slice %arg4[%mul3A_13] : memref<320128xi32, #tpu.memory_space<hbm>> -> memref<128xi32, #tpu.memory_space<hbm>>
          %dma_wait3A_27 = tpu.memref_slice %arg4[%mul3A_13] : memref<320128xi32, #tpu.memory_space<hbm>> -> memref<128xi32, #tpu.memory_space<hbm>>
          tpu.wait_dma2 semaphore(%run_scoped3A : memref<!tpu.dma_semaphore, #tpu.memory_space<semaphore_mem>>) src(%dma_wait3A_27 : memref<128xi32, #tpu.memory_space<hbm>>) dst(%arg8 : memref<128xi32, #tpu.memory_space<vmem>>)
          tpu.yield
        }) : () -> ()
        "tpu.region"() ({
          %run_scoped3A = tpu.sem_alloc : memref<!tpu.dma_semaphore, #tpu.memory_space<semaphore_mem>>
          %dma_start3A_24 = tpu.memref_slice %arg5[%mul3A_13] : memref<320128xi32, #tpu.memory_space<hbm>> -> memref<128xi32, #tpu.memory_space<hbm>>
          %dma_start3A_25 = tpu.memref_slice %arg5[%mul3A_13] : memref<320128xi32, #tpu.memory_space<hbm>> -> memref<128xi32, #tpu.memory_space<hbm>>
          tpu.enqueue_dma source(%dma_start3A_25 : memref<128xi32, #tpu.memory_space<hbm>>) target(%arg9 : memref<128xi32, #tpu.memory_space<vmem>>) target_semaphore(%run_scoped3A : memref<!tpu.dma_semaphore, #tpu.memory_space<semaphore_mem>>)
          %dma_wait3A_26 = tpu.memref_slice %arg5[%mul3A_13] : memref<320128xi32, #tpu.memory_space<hbm>> -> memref<128xi32, #tpu.memory_space<hbm>>
          %dma_wait3A_27 = tpu.memref_slice %arg5[%mul3A_13] : memref<320128xi32, #tpu.memory_space<hbm>> -> memref<128xi32, #tpu.memory_space<hbm>>
          tpu.wait_dma2 semaphore(%run_scoped3A : memref<!tpu.dma_semaphore, #tpu.memory_space<semaphore_mem>>) src(%dma_wait3A_27 : memref<128xi32, #tpu.memory_space<hbm>>) dst(%arg9 : memref<128xi32, #tpu.memory_space<vmem>>)
          tpu.yield
        }) : () -> ()
        %dma_start3A = arith.constant 0 : i32
        %dma_start3A_14 = arith.constant 0 : i32
        %dma_start3A_15 = tpu.memref_slice %arg2[%dma_start3A, %dma_start3A_14] : memref<10000x128xf32, #tpu.memory_space<hbm>> -> memref<10000x128xf32, #tpu.memory_space<hbm>>
        tpu.enqueue_indirect_dma source(%dma_start3A_15 : memref<10000x128xf32, #tpu.memory_space<hbm>>) target(%arg10 : memref<128x128xf32, #tpu.memory_space<vmem>>) offsets(%arg8 : memref<128xi32, #tpu.memory_space<vmem>>) semaphore(%arg12 : memref<!tpu.dma_semaphore, #tpu.memory_space<semaphore_mem>>)
        %dma_start3A_16 = arith.constant 0 : i32
        %dma_start3A_17 = arith.constant 0 : i32
        %dma_start3A_18 = tpu.memref_slice %arg3[%dma_start3A_16, %dma_start3A_17] : memref<10000x128xf32, #tpu.memory_space<hbm>> -> memref<10000x128xf32, #tpu.memory_space<hbm>>
        tpu.enqueue_indirect_dma source(%dma_start3A_18 : memref<10000x128xf32, #tpu.memory_space<hbm>>) target(%arg11 : memref<128x128xf32, #tpu.memory_space<vmem>>) offsets(%arg9 : memref<128xi32, #tpu.memory_space<vmem>>) semaphore(%arg13 : memref<!tpu.dma_semaphore, #tpu.memory_space<semaphore_mem>>)
        %dma_wait3A = arith.constant 0 : i32
        %dma_wait3A_19 = arith.constant 0 : i32
        %dma_wait3A_20 = tpu.memref_slice %arg2[%dma_wait3A, %dma_wait3A_19] : memref<10000x128xf32, #tpu.memory_space<hbm>> -> memref<10000x128xf32, #tpu.memory_space<hbm>>
        tpu.wait_indirect_dma semaphore(%arg12 : memref<!tpu.dma_semaphore, #tpu.memory_space<semaphore_mem>>) src(%dma_wait3A_20 : memref<10000x128xf32, #tpu.memory_space<hbm>>) dst(%arg10 : memref<128x128xf32, #tpu.memory_space<vmem>>)
        %dma_wait3A_21 = arith.constant 0 : i32
        %dma_wait3A_22 = arith.constant 0 : i32
        %dma_wait3A_23 = tpu.memref_slice %arg3[%dma_wait3A_21, %dma_wait3A_22] : memref<10000x128xf32, #tpu.memory_space<hbm>> -> memref<10000x128xf32, #tpu.memory_space<hbm>>
        tpu.wait_indirect_dma semaphore(%arg13 : memref<!tpu.dma_semaphore, #tpu.memory_space<semaphore_mem>>) src(%dma_wait3A_23 : memref<10000x128xf32, #tpu.memory_space<hbm>>) dst(%arg11 : memref<128x128xf32, #tpu.memory_space<vmem>>)
        "tpu.region"() ({
          %run_scoped3A = tpu.sem_alloc : memref<!tpu.dma_semaphore, #tpu.memory_space<semaphore_mem>>
          %dma_start3A_24 = arith.constant 0 : i32
          %dma_start3A_25 = tpu.memref_slice %arg6[%mul3A_13, %dma_start3A_24] : memref<320000x128xf32, #tpu.memory_space<hbm>> -> memref<128x128xf32, #tpu.memory_space<hbm>>
          %dma_start3A_26 = arith.constant 0 : i32
          %dma_start3A_27 = tpu.memref_slice %arg6[%mul3A_13, %dma_start3A_26] : memref<320000x128xf32, #tpu.memory_space<hbm>> -> memref<128x128xf32, #tpu.memory_space<hbm>>
          tpu.enqueue_dma source(%arg10 : memref<128x128xf32, #tpu.memory_space<vmem>>) target(%dma_start3A_27 : memref<128x128xf32, #tpu.memory_space<hbm>>) target_semaphore(%run_scoped3A : memref<!tpu.dma_semaphore, #tpu.memory_space<semaphore_mem>>)
          %dma_wait3A_28 = arith.constant 0 : i32
          %dma_wait3A_29 = tpu.memref_slice %arg6[%mul3A_13, %dma_wait3A_28] : memref<320000x128xf32, #tpu.memory_space<hbm>> -> memref<128x128xf32, #tpu.memory_space<hbm>>
          %dma_wait3A_30 = arith.constant 0 : i32
          %dma_wait3A_31 = tpu.memref_slice %arg6[%mul3A_13, %dma_wait3A_30] : memref<320000x128xf32, #tpu.memory_space<hbm>> -> memref<128x128xf32, #tpu.memory_space<hbm>>
          tpu.wait_dma2 semaphore(%run_scoped3A : memref<!tpu.dma_semaphore, #tpu.memory_space<semaphore_mem>>) src(%arg10 : memref<128x128xf32, #tpu.memory_space<vmem>>) dst(%dma_wait3A_31 : memref<128x128xf32, #tpu.memory_space<hbm>>)
          tpu.yield
        }) : () -> ()
        "tpu.region"() ({
          %run_scoped3A = tpu.sem_alloc : memref<!tpu.dma_semaphore, #tpu.memory_space<semaphore_mem>>
          %dma_start3A_24 = arith.constant 0 : i32
          %dma_start3A_25 = tpu.memref_slice %arg7[%mul3A_13, %dma_start3A_24] : memref<320000x128xf32, #tpu.memory_space<hbm>> -> memref<128x128xf32, #tpu.memory_space<hbm>>
          %dma_start3A_26 = arith.constant 0 : i32
          %dma_start3A_27 = tpu.memref_slice %arg7[%mul3A_13, %dma_start3A_26] : memref<320000x128xf32, #tpu.memory_space<hbm>> -> memref<128x128xf32, #tpu.memory_space<hbm>>
          tpu.enqueue_dma source(%arg11 : memref<128x128xf32, #tpu.memory_space<vmem>>) target(%dma_start3A_27 : memref<128x128xf32, #tpu.memory_space<hbm>>) target_semaphore(%run_scoped3A : memref<!tpu.dma_semaphore, #tpu.memory_space<semaphore_mem>>)
          %dma_wait3A_28 = arith.constant 0 : i32
          %dma_wait3A_29 = tpu.memref_slice %arg7[%mul3A_13, %dma_wait3A_28] : memref<320000x128xf32, #tpu.memory_space<hbm>> -> memref<128x128xf32, #tpu.memory_space<hbm>>
          %dma_wait3A_30 = arith.constant 0 : i32
          %dma_wait3A_31 = tpu.memref_slice %arg7[%mul3A_13, %dma_wait3A_30] : memref<320000x128xf32, #tpu.memory_space<hbm>> -> memref<128x128xf32, #tpu.memory_space<hbm>>
          tpu.wait_dma2 semaphore(%run_scoped3A : memref<!tpu.dma_semaphore, #tpu.memory_space<semaphore_mem>>) src(%arg11 : memref<128x128xf32, #tpu.memory_space<vmem>>) dst(%dma_wait3A_31 : memref<128x128xf32, #tpu.memory_space<hbm>>)
          tpu.yield
        }) : () -> ()
      } else {
      }
    }
    %scan3A_5 = arith.constant 79 : i32
    return
  }
}

#map = affine_map<(d0, d1) -> (0, 0)>
#map1 = affine_map<(d0, d1) -> (0)>
module attributes {stable_mosaic.version = 14 : i64} {
  func.func @_scatter_body(%arg0: i32, %arg1: i32, %arg2: memref<320000x128xf32, #tpu.memory_space<hbm>>, %arg3: memref<320128xi32, #tpu.memory_space<hbm>>, %arg4: memref<10240x128xf32, #tpu.memory_space<hbm>>, %arg5: memref<20480x128xf32, #tpu.memory_space<hbm>>, %arg6: memref<128xi32, #tpu.memory_space<vmem>>, %arg7: memref<128xi32, #tpu.memory_space<vmem>>, %arg8: memref<128x128xf32, #tpu.memory_space<vmem>>, %arg9: memref<128x128xf32, #tpu.memory_space<vmem>>, %arg10: memref<10240x128xf32, #tpu.memory_space<vmem_shared>>, %arg11: memref<!tpu.dma_semaphore, #tpu.memory_space<semaphore_mem>>, %arg12: memref<!tpu.dma_semaphore, #tpu.memory_space<semaphore_mem>>, %arg13: memref<!tpu.dma_semaphore, #tpu.memory_space<semaphore_mem>>, %arg14: memref<!tpu.dma_semaphore, #tpu.memory_space<semaphore_mem>>) attributes {dimension_semantics = [#tpu.dimension_semantics<core_parallel>, #tpu.dimension_semantics<subcore_parallel>], iteration_bounds = array<i64: 2, 16>, scalar_prefetch = 0 : i64, scratch_operands = 9 : i64, tpu.core_type = #tpu.core_type<sc_vector_subcore>, window_params = [{transform_indices = #map}, {transform_indices = #map1}, {transform_indices = #map}, {transform_indices = #map}]} {
    %mul3A = arith.constant 2 : i32
    %mul3A_0 = arith.muli %arg1, %mul3A : i32
    %add3A = arith.addi %mul3A_0, %arg0 : i32
    %mul3A_1 = arith.constant 640 : i32
    %mul3A_2 = arith.muli %arg1, %mul3A_1 : i32
    %add3A_3 = arith.constant 0 : i32
    %add3A_4 = arith.addi %mul3A_2, %add3A_3 : i32
    "tpu.region"() ({
      %run_scoped3A = tpu.sem_alloc : memref<!tpu.dma_semaphore, #tpu.memory_space<semaphore_mem>>
      %dma_start3A_102 = arith.constant 0 : i32
      %dma_start3A_103 = tpu.memref_slice %arg4[%add3A_4, %dma_start3A_102] : memref<10240x128xf32, #tpu.memory_space<hbm>> -> memref<128x128xf32, #tpu.memory_space<hbm>>
      %dma_start3A_104 = arith.constant 0 : i32
      %dma_start3A_105 = tpu.memref_slice %arg4[%add3A_4, %dma_start3A_104] : memref<10240x128xf32, #tpu.memory_space<hbm>> -> memref<128x128xf32, #tpu.memory_space<hbm>>
      tpu.enqueue_dma source(%dma_start3A_105 : memref<128x128xf32, #tpu.memory_space<hbm>>) target(%arg8 : memref<128x128xf32, #tpu.memory_space<vmem>>) target_semaphore(%run_scoped3A : memref<!tpu.dma_semaphore, #tpu.memory_space<semaphore_mem>>)
      %dma_wait3A_106 = arith.constant 0 : i32
      %dma_wait3A_107 = tpu.memref_slice %arg4[%add3A_4, %dma_wait3A_106] : memref<10240x128xf32, #tpu.memory_space<hbm>> -> memref<128x128xf32, #tpu.memory_space<hbm>>
      %dma_wait3A_108 = arith.constant 0 : i32
      %dma_wait3A_109 = tpu.memref_slice %arg4[%add3A_4, %dma_wait3A_108] : memref<10240x128xf32, #tpu.memory_space<hbm>> -> memref<128x128xf32, #tpu.memory_space<hbm>>
      tpu.wait_dma2 semaphore(%run_scoped3A : memref<!tpu.dma_semaphore, #tpu.memory_space<semaphore_mem>>) src(%dma_wait3A_109 : memref<128x128xf32, #tpu.memory_space<hbm>>) dst(%arg8 : memref<128x128xf32, #tpu.memory_space<vmem>>)
      tpu.yield
    }) : () -> ()
    "tpu.region"() ({
      %run_scoped3A = tpu.sem_alloc : memref<!tpu.dma_semaphore, #tpu.memory_space<semaphore_mem>>
      %dma_start3A_102 = arith.constant 0 : i32
      %dma_start3A_103 = tpu.memref_slice %arg10[%add3A_4, %dma_start3A_102] : memref<10240x128xf32, #tpu.memory_space<vmem_shared>> -> memref<128x128xf32, #tpu.memory_space<vmem_shared>>
      %dma_start3A_104 = arith.constant 0 : i32
      %dma_start3A_105 = tpu.memref_slice %arg10[%add3A_4, %dma_start3A_104] : memref<10240x128xf32, #tpu.memory_space<vmem_shared>> -> memref<128x128xf32, #tpu.memory_space<vmem_shared>>
      tpu.enqueue_dma source(%arg8 : memref<128x128xf32, #tpu.memory_space<vmem>>) target(%dma_start3A_105 : memref<128x128xf32, #tpu.memory_space<vmem_shared>>) target_semaphore(%run_scoped3A : memref<!tpu.dma_semaphore, #tpu.memory_space<semaphore_mem>>)
      %dma_wait3A_106 = arith.constant 0 : i32
      %dma_wait3A_107 = tpu.memref_slice %arg10[%add3A_4, %dma_wait3A_106] : memref<10240x128xf32, #tpu.memory_space<vmem_shared>> -> memref<128x128xf32, #tpu.memory_space<vmem_shared>>
      %dma_wait3A_108 = arith.constant 0 : i32
      %dma_wait3A_109 = tpu.memref_slice %arg10[%add3A_4, %dma_wait3A_108] : memref<10240x128xf32, #tpu.memory_space<vmem_shared>> -> memref<128x128xf32, #tpu.memory_space<vmem_shared>>
      tpu.wait_dma2 semaphore(%run_scoped3A : memref<!tpu.dma_semaphore, #tpu.memory_space<semaphore_mem>>) src(%arg8 : memref<128x128xf32, #tpu.memory_space<vmem>>) dst(%dma_wait3A_109 : memref<128x128xf32, #tpu.memory_space<vmem_shared>>)
      tpu.yield
    }) : () -> ()
    %mul3A_5 = arith.constant 640 : i32
    %mul3A_6 = arith.muli %arg1, %mul3A_5 : i32
    %add3A_7 = arith.constant 128 : i32
    %add3A_8 = arith.addi %mul3A_6, %add3A_7 : i32
    "tpu.region"() ({
      %run_scoped3A = tpu.sem_alloc : memref<!tpu.dma_semaphore, #tpu.memory_space<semaphore_mem>>
      %dma_start3A_102 = arith.constant 0 : i32
      %dma_start3A_103 = tpu.memref_slice %arg4[%add3A_8, %dma_start3A_102] : memref<10240x128xf32, #tpu.memory_space<hbm>> -> memref<128x128xf32, #tpu.memory_space<hbm>>
      %dma_start3A_104 = arith.constant 0 : i32
      %dma_start3A_105 = tpu.memref_slice %arg4[%add3A_8, %dma_start3A_104] : memref<10240x128xf32, #tpu.memory_space<hbm>> -> memref<128x128xf32, #tpu.memory_space<hbm>>
      tpu.enqueue_dma source(%dma_start3A_105 : memref<128x128xf32, #tpu.memory_space<hbm>>) target(%arg8 : memref<128x128xf32, #tpu.memory_space<vmem>>) target_semaphore(%run_scoped3A : memref<!tpu.dma_semaphore, #tpu.memory_space<semaphore_mem>>)
      %dma_wait3A_106 = arith.constant 0 : i32
      %dma_wait3A_107 = tpu.memref_slice %arg4[%add3A_8, %dma_wait3A_106] : memref<10240x128xf32, #tpu.memory_space<hbm>> -> memref<128x128xf32, #tpu.memory_space<hbm>>
      %dma_wait3A_108 = arith.constant 0 : i32
      %dma_wait3A_109 = tpu.memref_slice %arg4[%add3A_8, %dma_wait3A_108] : memref<10240x128xf32, #tpu.memory_space<hbm>> -> memref<128x128xf32, #tpu.memory_space<hbm>>
      tpu.wait_dma2 semaphore(%run_scoped3A : memref<!tpu.dma_semaphore, #tpu.memory_space<semaphore_mem>>) src(%dma_wait3A_109 : memref<128x128xf32, #tpu.memory_space<hbm>>) dst(%arg8 : memref<128x128xf32, #tpu.memory_space<vmem>>)
      tpu.yield
    }) : () -> ()
    "tpu.region"() ({
      %run_scoped3A = tpu.sem_alloc : memref<!tpu.dma_semaphore, #tpu.memory_space<semaphore_mem>>
      %dma_start3A_102 = arith.constant 0 : i32
      %dma_start3A_103 = tpu.memref_slice %arg10[%add3A_8, %dma_start3A_102] : memref<10240x128xf32, #tpu.memory_space<vmem_shared>> -> memref<128x128xf32, #tpu.memory_space<vmem_shared>>
      %dma_start3A_104 = arith.constant 0 : i32
      %dma_start3A_105 = tpu.memref_slice %arg10[%add3A_8, %dma_start3A_104] : memref<10240x128xf32, #tpu.memory_space<vmem_shared>> -> memref<128x128xf32, #tpu.memory_space<vmem_shared>>
      tpu.enqueue_dma source(%arg8 : memref<128x128xf32, #tpu.memory_space<vmem>>) target(%dma_start3A_105 : memref<128x128xf32, #tpu.memory_space<vmem_shared>>) target_semaphore(%run_scoped3A : memref<!tpu.dma_semaphore, #tpu.memory_space<semaphore_mem>>)
      %dma_wait3A_106 = arith.constant 0 : i32
      %dma_wait3A_107 = tpu.memref_slice %arg10[%add3A_8, %dma_wait3A_106] : memref<10240x128xf32, #tpu.memory_space<vmem_shared>> -> memref<128x128xf32, #tpu.memory_space<vmem_shared>>
      %dma_wait3A_108 = arith.constant 0 : i32
      %dma_wait3A_109 = tpu.memref_slice %arg10[%add3A_8, %dma_wait3A_108] : memref<10240x128xf32, #tpu.memory_space<vmem_shared>> -> memref<128x128xf32, #tpu.memory_space<vmem_shared>>
      tpu.wait_dma2 semaphore(%run_scoped3A : memref<!tpu.dma_semaphore, #tpu.memory_space<semaphore_mem>>) src(%arg8 : memref<128x128xf32, #tpu.memory_space<vmem>>) dst(%dma_wait3A_109 : memref<128x128xf32, #tpu.memory_space<vmem_shared>>)
      tpu.yield
    }) : () -> ()
    %mul3A_9 = arith.constant 640 : i32
    %mul3A_10 = arith.muli %arg1, %mul3A_9 : i32
    %add3A_11 = arith.constant 256 : i32
    %add3A_12 = arith.addi %mul3A_10, %add3A_11 : i32
    "tpu.region"() ({
      %run_scoped3A = tpu.sem_alloc : memref<!tpu.dma_semaphore, #tpu.memory_space<semaphore_mem>>
      %dma_start3A_102 = arith.constant 0 : i32
      %dma_start3A_103 = tpu.memref_slice %arg4[%add3A_12, %dma_start3A_102] : memref<10240x128xf32, #tpu.memory_space<hbm>> -> memref<128x128xf32, #tpu.memory_space<hbm>>
      %dma_start3A_104 = arith.constant 0 : i32
      %dma_start3A_105 = tpu.memref_slice %arg4[%add3A_12, %dma_start3A_104] : memref<10240x128xf32, #tpu.memory_space<hbm>> -> memref<128x128xf32, #tpu.memory_space<hbm>>
      tpu.enqueue_dma source(%dma_start3A_105 : memref<128x128xf32, #tpu.memory_space<hbm>>) target(%arg8 : memref<128x128xf32, #tpu.memory_space<vmem>>) target_semaphore(%run_scoped3A : memref<!tpu.dma_semaphore, #tpu.memory_space<semaphore_mem>>)
      %dma_wait3A_106 = arith.constant 0 : i32
      %dma_wait3A_107 = tpu.memref_slice %arg4[%add3A_12, %dma_wait3A_106] : memref<10240x128xf32, #tpu.memory_space<hbm>> -> memref<128x128xf32, #tpu.memory_space<hbm>>
      %dma_wait3A_108 = arith.constant 0 : i32
      %dma_wait3A_109 = tpu.memref_slice %arg4[%add3A_12, %dma_wait3A_108] : memref<10240x128xf32, #tpu.memory_space<hbm>> -> memref<128x128xf32, #tpu.memory_space<hbm>>
      tpu.wait_dma2 semaphore(%run_scoped3A : memref<!tpu.dma_semaphore, #tpu.memory_space<semaphore_mem>>) src(%dma_wait3A_109 : memref<128x128xf32, #tpu.memory_space<hbm>>) dst(%arg8 : memref<128x128xf32, #tpu.memory_space<vmem>>)
      tpu.yield
    }) : () -> ()
    "tpu.region"() ({
      %run_scoped3A = tpu.sem_alloc : memref<!tpu.dma_semaphore, #tpu.memory_space<semaphore_mem>>
      %dma_start3A_102 = arith.constant 0 : i32
      %dma_start3A_103 = tpu.memref_slice %arg10[%add3A_12, %dma_start3A_102] : memref<10240x128xf32, #tpu.memory_space<vmem_shared>> -> memref<128x128xf32, #tpu.memory_space<vmem_shared>>
      %dma_start3A_104 = arith.constant 0 : i32
      %dma_start3A_105 = tpu.memref_slice %arg10[%add3A_12, %dma_start3A_104] : memref<10240x128xf32, #tpu.memory_space<vmem_shared>> -> memref<128x128xf32, #tpu.memory_space<vmem_shared>>
      tpu.enqueue_dma source(%arg8 : memref<128x128xf32, #tpu.memory_space<vmem>>) target(%dma_start3A_105 : memref<128x128xf32, #tpu.memory_space<vmem_shared>>) target_semaphore(%run_scoped3A : memref<!tpu.dma_semaphore, #tpu.memory_space<semaphore_mem>>)
      %dma_wait3A_106 = arith.constant 0 : i32
      %dma_wait3A_107 = tpu.memref_slice %arg10[%add3A_12, %dma_wait3A_106] : memref<10240x128xf32, #tpu.memory_space<vmem_shared>> -> memref<128x128xf32, #tpu.memory_space<vmem_shared>>
      %dma_wait3A_108 = arith.constant 0 : i32
      %dma_wait3A_109 = tpu.memref_slice %arg10[%add3A_12, %dma_wait3A_108] : memref<10240x128xf32, #tpu.memory_space<vmem_shared>> -> memref<128x128xf32, #tpu.memory_space<vmem_shared>>
      tpu.wait_dma2 semaphore(%run_scoped3A : memref<!tpu.dma_semaphore, #tpu.memory_space<semaphore_mem>>) src(%arg8 : memref<128x128xf32, #tpu.memory_space<vmem>>) dst(%dma_wait3A_109 : memref<128x128xf32, #tpu.memory_space<vmem_shared>>)
      tpu.yield
    }) : () -> ()
    %mul3A_13 = arith.constant 640 : i32
    %mul3A_14 = arith.muli %arg1, %mul3A_13 : i32
    %add3A_15 = arith.constant 384 : i32
    %add3A_16 = arith.addi %mul3A_14, %add3A_15 : i32
    "tpu.region"() ({
      %run_scoped3A = tpu.sem_alloc : memref<!tpu.dma_semaphore, #tpu.memory_space<semaphore_mem>>
      %dma_start3A_102 = arith.constant 0 : i32
      %dma_start3A_103 = tpu.memref_slice %arg4[%add3A_16, %dma_start3A_102] : memref<10240x128xf32, #tpu.memory_space<hbm>> -> memref<128x128xf32, #tpu.memory_space<hbm>>
      %dma_start3A_104 = arith.constant 0 : i32
      %dma_start3A_105 = tpu.memref_slice %arg4[%add3A_16, %dma_start3A_104] : memref<10240x128xf32, #tpu.memory_space<hbm>> -> memref<128x128xf32, #tpu.memory_space<hbm>>
      tpu.enqueue_dma source(%dma_start3A_105 : memref<128x128xf32, #tpu.memory_space<hbm>>) target(%arg8 : memref<128x128xf32, #tpu.memory_space<vmem>>) target_semaphore(%run_scoped3A : memref<!tpu.dma_semaphore, #tpu.memory_space<semaphore_mem>>)
      %dma_wait3A_106 = arith.constant 0 : i32
      %dma_wait3A_107 = tpu.memref_slice %arg4[%add3A_16, %dma_wait3A_106] : memref<10240x128xf32, #tpu.memory_space<hbm>> -> memref<128x128xf32, #tpu.memory_space<hbm>>
      %dma_wait3A_108 = arith.constant 0 : i32
      %dma_wait3A_109 = tpu.memref_slice %arg4[%add3A_16, %dma_wait3A_108] : memref<10240x128xf32, #tpu.memory_space<hbm>> -> memref<128x128xf32, #tpu.memory_space<hbm>>
      tpu.wait_dma2 semaphore(%run_scoped3A : memref<!tpu.dma_semaphore, #tpu.memory_space<semaphore_mem>>) src(%dma_wait3A_109 : memref<128x128xf32, #tpu.memory_space<hbm>>) dst(%arg8 : memref<128x128xf32, #tpu.memory_space<vmem>>)
      tpu.yield
    }) : () -> ()
    "tpu.region"() ({
      %run_scoped3A = tpu.sem_alloc : memref<!tpu.dma_semaphore, #tpu.memory_space<semaphore_mem>>
      %dma_start3A_102 = arith.constant 0 : i32
      %dma_start3A_103 = tpu.memref_slice %arg10[%add3A_16, %dma_start3A_102] : memref<10240x128xf32, #tpu.memory_space<vmem_shared>> -> memref<128x128xf32, #tpu.memory_space<vmem_shared>>
      %dma_start3A_104 = arith.constant 0 : i32
      %dma_start3A_105 = tpu.memref_slice %arg10[%add3A_16, %dma_start3A_104] : memref<10240x128xf32, #tpu.memory_space<vmem_shared>> -> memref<128x128xf32, #tpu.memory_space<vmem_shared>>
      tpu.enqueue_dma source(%arg8 : memref<128x128xf32, #tpu.memory_space<vmem>>) target(%dma_start3A_105 : memref<128x128xf32, #tpu.memory_space<vmem_shared>>) target_semaphore(%run_scoped3A : memref<!tpu.dma_semaphore, #tpu.memory_space<semaphore_mem>>)
      %dma_wait3A_106 = arith.constant 0 : i32
      %dma_wait3A_107 = tpu.memref_slice %arg10[%add3A_16, %dma_wait3A_106] : memref<10240x128xf32, #tpu.memory_space<vmem_shared>> -> memref<128x128xf32, #tpu.memory_space<vmem_shared>>
      %dma_wait3A_108 = arith.constant 0 : i32
      %dma_wait3A_109 = tpu.memref_slice %arg10[%add3A_16, %dma_wait3A_108] : memref<10240x128xf32, #tpu.memory_space<vmem_shared>> -> memref<128x128xf32, #tpu.memory_space<vmem_shared>>
      tpu.wait_dma2 semaphore(%run_scoped3A : memref<!tpu.dma_semaphore, #tpu.memory_space<semaphore_mem>>) src(%arg8 : memref<128x128xf32, #tpu.memory_space<vmem>>) dst(%dma_wait3A_109 : memref<128x128xf32, #tpu.memory_space<vmem_shared>>)
      tpu.yield
    }) : () -> ()
    %mul3A_17 = arith.constant 640 : i32
    %mul3A_18 = arith.muli %arg1, %mul3A_17 : i32
    %add3A_19 = arith.constant 512 : i32
    %add3A_20 = arith.addi %mul3A_18, %add3A_19 : i32
    "tpu.region"() ({
      %run_scoped3A = tpu.sem_alloc : memref<!tpu.dma_semaphore, #tpu.memory_space<semaphore_mem>>
      %dma_start3A_102 = arith.constant 0 : i32
      %dma_start3A_103 = tpu.memref_slice %arg4[%add3A_20, %dma_start3A_102] : memref<10240x128xf32, #tpu.memory_space<hbm>> -> memref<128x128xf32, #tpu.memory_space<hbm>>
      %dma_start3A_104 = arith.constant 0 : i32
      %dma_start3A_105 = tpu.memref_slice %arg4[%add3A_20, %dma_start3A_104] : memref<10240x128xf32, #tpu.memory_space<hbm>> -> memref<128x128xf32, #tpu.memory_space<hbm>>
      tpu.enqueue_dma source(%dma_start3A_105 : memref<128x128xf32, #tpu.memory_space<hbm>>) target(%arg8 : memref<128x128xf32, #tpu.memory_space<vmem>>) target_semaphore(%run_scoped3A : memref<!tpu.dma_semaphore, #tpu.memory_space<semaphore_mem>>)
      %dma_wait3A_106 = arith.constant 0 : i32
      %dma_wait3A_107 = tpu.memref_slice %arg4[%add3A_20, %dma_wait3A_106] : memref<10240x128xf32, #tpu.memory_space<hbm>> -> memref<128x128xf32, #tpu.memory_space<hbm>>
      %dma_wait3A_108 = arith.constant 0 : i32
      %dma_wait3A_109 = tpu.memref_slice %arg4[%add3A_20, %dma_wait3A_108] : memref<10240x128xf32, #tpu.memory_space<hbm>> -> memref<128x128xf32, #tpu.memory_space<hbm>>
      tpu.wait_dma2 semaphore(%run_scoped3A : memref<!tpu.dma_semaphore, #tpu.memory_space<semaphore_mem>>) src(%dma_wait3A_109 : memref<128x128xf32, #tpu.memory_space<hbm>>) dst(%arg8 : memref<128x128xf32, #tpu.memory_space<vmem>>)
      tpu.yield
    }) : () -> ()
    "tpu.region"() ({
      %run_scoped3A = tpu.sem_alloc : memref<!tpu.dma_semaphore, #tpu.memory_space<semaphore_mem>>
      %dma_start3A_102 = arith.constant 0 : i32
      %dma_start3A_103 = tpu.memref_slice %arg10[%add3A_20, %dma_start3A_102] : memref<10240x128xf32, #tpu.memory_space<vmem_shared>> -> memref<128x128xf32, #tpu.memory_space<vmem_shared>>
      %dma_start3A_104 = arith.constant 0 : i32
      %dma_start3A_105 = tpu.memref_slice %arg10[%add3A_20, %dma_start3A_104] : memref<10240x128xf32, #tpu.memory_space<vmem_shared>> -> memref<128x128xf32, #tpu.memory_space<vmem_shared>>
      tpu.enqueue_dma source(%arg8 : memref<128x128xf32, #tpu.memory_space<vmem>>) target(%dma_start3A_105 : memref<128x128xf32, #tpu.memory_space<vmem_shared>>) target_semaphore(%run_scoped3A : memref<!tpu.dma_semaphore, #tpu.memory_space<semaphore_mem>>)
      %dma_wait3A_106 = arith.constant 0 : i32
      %dma_wait3A_107 = tpu.memref_slice %arg10[%add3A_20, %dma_wait3A_106] : memref<10240x128xf32, #tpu.memory_space<vmem_shared>> -> memref<128x128xf32, #tpu.memory_space<vmem_shared>>
      %dma_wait3A_108 = arith.constant 0 : i32
      %dma_wait3A_109 = tpu.memref_slice %arg10[%add3A_20, %dma_wait3A_108] : memref<10240x128xf32, #tpu.memory_space<vmem_shared>> -> memref<128x128xf32, #tpu.memory_space<vmem_shared>>
      tpu.wait_dma2 semaphore(%run_scoped3A : memref<!tpu.dma_semaphore, #tpu.memory_space<semaphore_mem>>) src(%arg8 : memref<128x128xf32, #tpu.memory_space<vmem>>) dst(%dma_wait3A_109 : memref<128x128xf32, #tpu.memory_space<vmem_shared>>)
      tpu.yield
    }) : () -> ()
    %barrier3A = arith.constant 0 : index
    tpu.barrier barrier_id(%barrier3A)
    %add3A_21 = arith.constant 0 : i32
    %add3A_22 = arith.addi %add3A, %add3A_21 : i32
    %lt3A = arith.constant 2500 : i32
    %lt3A_23 = arith.cmpi slt, %add3A_22, %lt3A : i32
    %mul3A_24 = arith.constant 128 : i32
    %mul3A_25 = arith.muli %add3A_22, %mul3A_24 : i32
    %jit3A = arith.constant 320000 : i32
    %select_n3A = arith.select %lt3A_23, %mul3A_25, %jit3A : i32
    %mul3A_26 = arith.constant 128 : i32
    %mul3A_27 = arith.muli %add3A_22, %mul3A_26 : i32
    %jit3A_28 = arith.constant 0 : i32
    %select_n3A_29 = arith.select %lt3A_23, %mul3A_27, %jit3A_28 : i32
    %dma_start3A = tpu.memref_slice %arg3[%select_n3A] : memref<320128xi32, #tpu.memory_space<hbm>> -> memref<128xi32, #tpu.memory_space<hbm>>
    %dma_start3A_30 = tpu.memref_slice %arg3[%select_n3A] : memref<320128xi32, #tpu.memory_space<hbm>> -> memref<128xi32, #tpu.memory_space<hbm>>
    tpu.enqueue_dma source(%dma_start3A_30 : memref<128xi32, #tpu.memory_space<hbm>>) target(%arg6 : memref<128xi32, #tpu.memory_space<vmem>>) target_semaphore(%arg11 : memref<!tpu.dma_semaphore, #tpu.memory_space<semaphore_mem>>)
    %dma_start3A_31 = arith.constant 0 : i32
    %dma_start3A_32 = tpu.memref_slice %arg2[%select_n3A_29, %dma_start3A_31] : memref<320000x128xf32, #tpu.memory_space<hbm>> -> memref<128x128xf32, #tpu.memory_space<hbm>>
    %dma_start3A_33 = arith.constant 0 : i32
    %dma_start3A_34 = tpu.memref_slice %arg2[%select_n3A_29, %dma_start3A_33] : memref<320000x128xf32, #tpu.memory_space<hbm>> -> memref<128x128xf32, #tpu.memory_space<hbm>>
    tpu.enqueue_dma source(%dma_start3A_34 : memref<128x128xf32, #tpu.memory_space<hbm>>) target(%arg8 : memref<128x128xf32, #tpu.memory_space<vmem>>) target_semaphore(%arg12 : memref<!tpu.dma_semaphore, #tpu.memory_space<semaphore_mem>>)
    %scan3A = arith.constant 0 : i32
    %scan3A_35 = arith.constant 0 : i32
    %scan3A_36 = arith.constant 39 : i32
    %scan3A_37 = arith.addi %scan3A_35, %scan3A_36 : i32
    %scan3A_38 = arith.constant 1 : i32
    scf.for %scan3A_102 = %scan3A_35 to %scan3A_37 step %scan3A_38  : i32 {
      %mul3A_103 = arith.constant 2 : i32
      %mul3A_104 = arith.muli %mul3A_103, %scan3A_102 : i32
      %mul3A_105 = arith.constant 32 : i32
      %mul3A_106 = arith.muli %mul3A_105, %mul3A_104 : i32
      %add3A_107 = arith.addi %add3A, %mul3A_106 : i32
      %lt3A_108 = arith.constant 2500 : i32
      %lt3A_109 = arith.cmpi slt, %add3A_107, %lt3A_108 : i32
      %mul3A_110 = arith.constant 128 : i32
      %mul3A_111 = arith.muli %add3A_107, %mul3A_110 : i32
      %jit3A_112 = arith.constant 320000 : i32
      %select_n3A_113 = arith.select %lt3A_109, %mul3A_111, %jit3A_112 : i32
      %mul3A_114 = arith.constant 128 : i32
      %mul3A_115 = arith.muli %add3A_107, %mul3A_114 : i32
      %jit3A_116 = arith.constant 0 : i32
      %select_n3A_117 = arith.select %lt3A_109, %mul3A_115, %jit3A_116 : i32
      %dma_wait3A_118 = tpu.memref_slice %arg3[%select_n3A_113] : memref<320128xi32, #tpu.memory_space<hbm>> -> memref<128xi32, #tpu.memory_space<hbm>>
      %dma_wait3A_119 = tpu.memref_slice %arg3[%select_n3A_113] : memref<320128xi32, #tpu.memory_space<hbm>> -> memref<128xi32, #tpu.memory_space<hbm>>
      tpu.wait_dma2 semaphore(%arg11 : memref<!tpu.dma_semaphore, #tpu.memory_space<semaphore_mem>>) src(%dma_wait3A_119 : memref<128xi32, #tpu.memory_space<hbm>>) dst(%arg6 : memref<128xi32, #tpu.memory_space<vmem>>)
      %dma_wait3A_120 = arith.constant 0 : i32
      %dma_wait3A_121 = tpu.memref_slice %arg2[%select_n3A_117, %dma_wait3A_120] : memref<320000x128xf32, #tpu.memory_space<hbm>> -> memref<128x128xf32, #tpu.memory_space<hbm>>
      %dma_wait3A_122 = arith.constant 0 : i32
      %dma_wait3A_123 = tpu.memref_slice %arg2[%select_n3A_117, %dma_wait3A_122] : memref<320000x128xf32, #tpu.memory_space<hbm>> -> memref<128x128xf32, #tpu.memory_space<hbm>>
      tpu.wait_dma2 semaphore(%arg12 : memref<!tpu.dma_semaphore, #tpu.memory_space<semaphore_mem>>) src(%dma_wait3A_123 : memref<128x128xf32, #tpu.memory_space<hbm>>) dst(%arg8 : memref<128x128xf32, #tpu.memory_space<vmem>>)
      %ge3A = arith.constant 1 : i32
      %ge3A_124 = arith.cmpi sge, %mul3A_104, %ge3A : i32
      %convert_element_type3A = arith.extui %ge3A_124 : i1 to i32
      %cond3A = arith.constant 0 : i32
      %cond3A_125 = arith.cmpi ne, %convert_element_type3A, %cond3A : i32
      scf.if %cond3A_125 {
        %dma_wait3A_174 = arith.constant 0 : i32
        %dma_wait3A_175 = arith.constant 0 : i32
        %dma_wait3A_176 = tpu.memref_slice %arg10[%dma_wait3A_174, %dma_wait3A_175] : memref<10240x128xf32, #tpu.memory_space<vmem_shared>> -> memref<10240x128xf32, #tpu.memory_space<vmem_shared>>
        tpu.wait_indirect_dma semaphore(%arg14 : memref<!tpu.dma_semaphore, #tpu.memory_space<semaphore_mem>>) src(%arg9 : memref<128x128xf32, #tpu.memory_space<vmem>>) dst(%dma_wait3A_176 : memref<10240x128xf32, #tpu.memory_space<vmem_shared>>)
      } else {
      }
      %add3A_126 = arith.constant 1 : i32
      %add3A_127 = arith.addi %mul3A_104, %add3A_126 : i32
      %lt3A_128 = arith.constant 79 : i32
      %lt3A_129 = arith.cmpi slt, %add3A_127, %lt3A_128 : i32
      %convert_element_type3A_130 = arith.extui %lt3A_129 : i1 to i32
      %cond3A_131 = arith.constant 0 : i32
      %cond3A_132 = arith.cmpi ne, %convert_element_type3A_130, %cond3A_131 : i32
      scf.if %cond3A_132 {
        %add3A_174 = arith.constant 1 : i32
        %add3A_175 = arith.addi %mul3A_104, %add3A_174 : i32
        %mul3A_176 = arith.constant 32 : i32
        %mul3A_177 = arith.muli %mul3A_176, %add3A_175 : i32
        %add3A_178 = arith.addi %add3A, %mul3A_177 : i32
        %lt3A_179 = arith.constant 2500 : i32
        %lt3A_180 = arith.cmpi slt, %add3A_178, %lt3A_179 : i32
        %mul3A_181 = arith.constant 128 : i32
        %mul3A_182 = arith.muli %add3A_178, %mul3A_181 : i32
        %jit3A_183 = arith.constant 320000 : i32
        %select_n3A_184 = arith.select %lt3A_180, %mul3A_182, %jit3A_183 : i32
        %mul3A_185 = arith.constant 128 : i32
        %mul3A_186 = arith.muli %add3A_178, %mul3A_185 : i32
        %jit3A_187 = arith.constant 0 : i32
        %select_n3A_188 = arith.select %lt3A_180, %mul3A_186, %jit3A_187 : i32
        %dma_start3A_189 = tpu.memref_slice %arg3[%select_n3A_184] : memref<320128xi32, #tpu.memory_space<hbm>> -> memref<128xi32, #tpu.memory_space<hbm>>
        %dma_start3A_190 = tpu.memref_slice %arg3[%select_n3A_184] : memref<320128xi32, #tpu.memory_space<hbm>> -> memref<128xi32, #tpu.memory_space<hbm>>
        tpu.enqueue_dma source(%dma_start3A_190 : memref<128xi32, #tpu.memory_space<hbm>>) target(%arg7 : memref<128xi32, #tpu.memory_space<vmem>>) target_semaphore(%arg11 : memref<!tpu.dma_semaphore, #tpu.memory_space<semaphore_mem>>)
        %dma_start3A_191 = arith.constant 0 : i32
        %dma_start3A_192 = tpu.memref_slice %arg2[%select_n3A_188, %dma_start3A_191] : memref<320000x128xf32, #tpu.memory_space<hbm>> -> memref<128x128xf32, #tpu.memory_space<hbm>>
        %dma_start3A_193 = arith.constant 0 : i32
        %dma_start3A_194 = tpu.memref_slice %arg2[%select_n3A_188, %dma_start3A_193] : memref<320000x128xf32, #tpu.memory_space<hbm>> -> memref<128x128xf32, #tpu.memory_space<hbm>>
        tpu.enqueue_dma source(%dma_start3A_194 : memref<128x128xf32, #tpu.memory_space<hbm>>) target(%arg9 : memref<128x128xf32, #tpu.memory_space<vmem>>) target_semaphore(%arg12 : memref<!tpu.dma_semaphore, #tpu.memory_space<semaphore_mem>>)
      } else {
      }
      %dma_start3A_133 = arith.constant 0 : i32
      %dma_start3A_134 = arith.constant 0 : i32
      %dma_start3A_135 = tpu.memref_slice %arg10[%dma_start3A_133, %dma_start3A_134] : memref<10240x128xf32, #tpu.memory_space<vmem_shared>> -> memref<10240x128xf32, #tpu.memory_space<vmem_shared>>
      tpu.enqueue_indirect_dma source(%arg8 : memref<128x128xf32, #tpu.memory_space<vmem>>) target(%dma_start3A_135 : memref<10240x128xf32, #tpu.memory_space<vmem_shared>>) offsets(%arg6 : memref<128xi32, #tpu.memory_space<vmem>>) semaphore(%arg13 : memref<!tpu.dma_semaphore, #tpu.memory_space<semaphore_mem>>) {add = true}
      %mul3A_136 = arith.constant 2 : i32
      %mul3A_137 = arith.muli %mul3A_136, %scan3A_102 : i32
      %add3A_138 = arith.constant 1 : i32
      %add3A_139 = arith.addi %mul3A_137, %add3A_138 : i32
      %mul3A_140 = arith.constant 32 : i32
      %mul3A_141 = arith.muli %mul3A_140, %add3A_139 : i32
      %add3A_142 = arith.addi %add3A, %mul3A_141 : i32
      %lt3A_143 = arith.constant 2500 : i32
      %lt3A_144 = arith.cmpi slt, %add3A_142, %lt3A_143 : i32
      %mul3A_145 = arith.constant 128 : i32
      %mul3A_146 = arith.muli %add3A_142, %mul3A_145 : i32
      %jit3A_147 = arith.constant 320000 : i32
      %select_n3A_148 = arith.select %lt3A_144, %mul3A_146, %jit3A_147 : i32
      %mul3A_149 = arith.constant 128 : i32
      %mul3A_150 = arith.muli %add3A_142, %mul3A_149 : i32
      %jit3A_151 = arith.constant 0 : i32
      %select_n3A_152 = arith.select %lt3A_144, %mul3A_150, %jit3A_151 : i32
      %dma_wait3A_153 = tpu.memref_slice %arg3[%select_n3A_148] : memref<320128xi32, #tpu.memory_space<hbm>> -> memref<128xi32, #tpu.memory_space<hbm>>
      %dma_wait3A_154 = tpu.memref_slice %arg3[%select_n3A_148] : memref<320128xi32, #tpu.memory_space<hbm>> -> memref<128xi32, #tpu.memory_space<hbm>>
      tpu.wait_dma2 semaphore(%arg11 : memref<!tpu.dma_semaphore, #tpu.memory_space<semaphore_mem>>) src(%dma_wait3A_154 : memref<128xi32, #tpu.memory_space<hbm>>) dst(%arg7 : memref<128xi32, #tpu.memory_space<vmem>>)
      %dma_wait3A_155 = arith.constant 0 : i32
      %dma_wait3A_156 = tpu.memref_slice %arg2[%select_n3A_152, %dma_wait3A_155] : memref<320000x128xf32, #tpu.memory_space<hbm>> -> memref<128x128xf32, #tpu.memory_space<hbm>>
      %dma_wait3A_157 = arith.constant 0 : i32
      %dma_wait3A_158 = tpu.memref_slice %arg2[%select_n3A_152, %dma_wait3A_157] : memref<320000x128xf32, #tpu.memory_space<hbm>> -> memref<128x128xf32, #tpu.memory_space<hbm>>
      tpu.wait_dma2 semaphore(%arg12 : memref<!tpu.dma_semaphore, #tpu.memory_space<semaphore_mem>>) src(%dma_wait3A_158 : memref<128x128xf32, #tpu.memory_space<hbm>>) dst(%arg9 : memref<128x128xf32, #tpu.memory_space<vmem>>)
      %ge3A_159 = arith.constant 1 : i32
      %ge3A_160 = arith.cmpi sge, %add3A_139, %ge3A_159 : i32
      %convert_element_type3A_161 = arith.extui %ge3A_160 : i1 to i32
      %cond3A_162 = arith.constant 0 : i32
      %cond3A_163 = arith.cmpi ne, %convert_element_type3A_161, %cond3A_162 : i32
      scf.if %cond3A_163 {
        %dma_wait3A_174 = arith.constant 0 : i32
        %dma_wait3A_175 = arith.constant 0 : i32
        %dma_wait3A_176 = tpu.memref_slice %arg10[%dma_wait3A_174, %dma_wait3A_175] : memref<10240x128xf32, #tpu.memory_space<vmem_shared>> -> memref<10240x128xf32, #tpu.memory_space<vmem_shared>>
        tpu.wait_indirect_dma semaphore(%arg13 : memref<!tpu.dma_semaphore, #tpu.memory_space<semaphore_mem>>) src(%arg8 : memref<128x128xf32, #tpu.memory_space<vmem>>) dst(%dma_wait3A_176 : memref<10240x128xf32, #tpu.memory_space<vmem_shared>>)
      } else {
      }
      %add3A_164 = arith.constant 1 : i32
      %add3A_165 = arith.addi %add3A_139, %add3A_164 : i32
      %lt3A_166 = arith.constant 79 : i32
      %lt3A_167 = arith.cmpi slt, %add3A_165, %lt3A_166 : i32
      %convert_element_type3A_168 = arith.extui %lt3A_167 : i1 to i32
      %cond3A_169 = arith.constant 0 : i32
      %cond3A_170 = arith.cmpi ne, %convert_element_type3A_168, %cond3A_169 : i32
      scf.if %cond3A_170 {
        %add3A_174 = arith.constant 1 : i32
        %add3A_175 = arith.addi %add3A_139, %add3A_174 : i32
        %mul3A_176 = arith.constant 32 : i32
        %mul3A_177 = arith.muli %mul3A_176, %add3A_175 : i32
        %add3A_178 = arith.addi %add3A, %mul3A_177 : i32
        %lt3A_179 = arith.constant 2500 : i32
        %lt3A_180 = arith.cmpi slt, %add3A_178, %lt3A_179 : i32
        %mul3A_181 = arith.constant 128 : i32
        %mul3A_182 = arith.muli %add3A_178, %mul3A_181 : i32
        %jit3A_183 = arith.constant 320000 : i32
        %select_n3A_184 = arith.select %lt3A_180, %mul3A_182, %jit3A_183 : i32
        %mul3A_185 = arith.constant 128 : i32
        %mul3A_186 = arith.muli %add3A_178, %mul3A_185 : i32
        %jit3A_187 = arith.constant 0 : i32
        %select_n3A_188 = arith.select %lt3A_180, %mul3A_186, %jit3A_187 : i32
        %dma_start3A_189 = tpu.memref_slice %arg3[%select_n3A_184] : memref<320128xi32, #tpu.memory_space<hbm>> -> memref<128xi32, #tpu.memory_space<hbm>>
        %dma_start3A_190 = tpu.memref_slice %arg3[%select_n3A_184] : memref<320128xi32, #tpu.memory_space<hbm>> -> memref<128xi32, #tpu.memory_space<hbm>>
        tpu.enqueue_dma source(%dma_start3A_190 : memref<128xi32, #tpu.memory_space<hbm>>) target(%arg6 : memref<128xi32, #tpu.memory_space<vmem>>) target_semaphore(%arg11 : memref<!tpu.dma_semaphore, #tpu.memory_space<semaphore_mem>>)
        %dma_start3A_191 = arith.constant 0 : i32
        %dma_start3A_192 = tpu.memref_slice %arg2[%select_n3A_188, %dma_start3A_191] : memref<320000x128xf32, #tpu.memory_space<hbm>> -> memref<128x128xf32, #tpu.memory_space<hbm>>
        %dma_start3A_193 = arith.constant 0 : i32
        %dma_start3A_194 = tpu.memref_slice %arg2[%select_n3A_188, %dma_start3A_193] : memref<320000x128xf32, #tpu.memory_space<hbm>> -> memref<128x128xf32, #tpu.memory_space<hbm>>
        tpu.enqueue_dma source(%dma_start3A_194 : memref<128x128xf32, #tpu.memory_space<hbm>>) target(%arg8 : memref<128x128xf32, #tpu.memory_space<vmem>>) target_semaphore(%arg12 : memref<!tpu.dma_semaphore, #tpu.memory_space<semaphore_mem>>)
      } else {
      }
      %dma_start3A_171 = arith.constant 0 : i32
      %dma_start3A_172 = arith.constant 0 : i32
      %dma_start3A_173 = tpu.memref_slice %arg10[%dma_start3A_171, %dma_start3A_172] : memref<10240x128xf32, #tpu.memory_space<vmem_shared>> -> memref<10240x128xf32, #tpu.memory_space<vmem_shared>>
      tpu.enqueue_indirect_dma source(%arg9 : memref<128x128xf32, #tpu.memory_space<vmem>>) target(%dma_start3A_173 : memref<10240x128xf32, #tpu.memory_space<vmem_shared>>) offsets(%arg7 : memref<128xi32, #tpu.memory_space<vmem>>) semaphore(%arg14 : memref<!tpu.dma_semaphore, #tpu.memory_space<semaphore_mem>>) {add = true}
    }
    %scan3A_39 = arith.constant 39 : i32
    %add3A_40 = arith.constant 2496 : i32
    %add3A_41 = arith.addi %add3A, %add3A_40 : i32
    %lt3A_42 = arith.constant 2500 : i32
    %lt3A_43 = arith.cmpi slt, %add3A_41, %lt3A_42 : i32
    %mul3A_44 = arith.constant 128 : i32
    %mul3A_45 = arith.muli %add3A_41, %mul3A_44 : i32
    %jit3A_46 = arith.constant 320000 : i32
    %select_n3A_47 = arith.select %lt3A_43, %mul3A_45, %jit3A_46 : i32
    %mul3A_48 = arith.constant 128 : i32
    %mul3A_49 = arith.muli %add3A_41, %mul3A_48 : i32
    %jit3A_50 = arith.constant 0 : i32
    %select_n3A_51 = arith.select %lt3A_43, %mul3A_49, %jit3A_50 : i32
    %dma_wait3A = tpu.memref_slice %arg3[%select_n3A_47] : memref<320128xi32, #tpu.memory_space<hbm>> -> memref<128xi32, #tpu.memory_space<hbm>>
    %dma_wait3A_52 = tpu.memref_slice %arg3[%select_n3A_47] : memref<320128xi32, #tpu.memory_space<hbm>> -> memref<128xi32, #tpu.memory_space<hbm>>
    tpu.wait_dma2 semaphore(%arg11 : memref<!tpu.dma_semaphore, #tpu.memory_space<semaphore_mem>>) src(%dma_wait3A_52 : memref<128xi32, #tpu.memory_space<hbm>>) dst(%arg6 : memref<128xi32, #tpu.memory_space<vmem>>)
    %dma_wait3A_53 = arith.constant 0 : i32
    %dma_wait3A_54 = tpu.memref_slice %arg2[%select_n3A_51, %dma_wait3A_53] : memref<320000x128xf32, #tpu.memory_space<hbm>> -> memref<128x128xf32, #tpu.memory_space<hbm>>
    %dma_wait3A_55 = arith.constant 0 : i32
    %dma_wait3A_56 = tpu.memref_slice %arg2[%select_n3A_51, %dma_wait3A_55] : memref<320000x128xf32, #tpu.memory_space<hbm>> -> memref<128x128xf32, #tpu.memory_space<hbm>>
    tpu.wait_dma2 semaphore(%arg12 : memref<!tpu.dma_semaphore, #tpu.memory_space<semaphore_mem>>) src(%dma_wait3A_56 : memref<128x128xf32, #tpu.memory_space<hbm>>) dst(%arg8 : memref<128x128xf32, #tpu.memory_space<vmem>>)
    %dma_wait3A_57 = arith.constant 0 : i32
    %dma_wait3A_58 = arith.constant 0 : i32
    %dma_wait3A_59 = tpu.memref_slice %arg10[%dma_wait3A_57, %dma_wait3A_58] : memref<10240x128xf32, #tpu.memory_space<vmem_shared>> -> memref<10240x128xf32, #tpu.memory_space<vmem_shared>>
    tpu.wait_indirect_dma semaphore(%arg14 : memref<!tpu.dma_semaphore, #tpu.memory_space<semaphore_mem>>) src(%arg9 : memref<128x128xf32, #tpu.memory_space<vmem>>) dst(%dma_wait3A_59 : memref<10240x128xf32, #tpu.memory_space<vmem_shared>>)
    %dma_start3A_60 = arith.constant 0 : i32
    %dma_start3A_61 = arith.constant 0 : i32
    %dma_start3A_62 = tpu.memref_slice %arg10[%dma_start3A_60, %dma_start3A_61] : memref<10240x128xf32, #tpu.memory_space<vmem_shared>> -> memref<10240x128xf32, #tpu.memory_space<vmem_shared>>
    tpu.enqueue_indirect_dma source(%arg8 : memref<128x128xf32, #tpu.memory_space<vmem>>) target(%dma_start3A_62 : memref<10240x128xf32, #tpu.memory_space<vmem_shared>>) offsets(%arg6 : memref<128xi32, #tpu.memory_space<vmem>>) semaphore(%arg13 : memref<!tpu.dma_semaphore, #tpu.memory_space<semaphore_mem>>) {add = true}
    %dma_wait3A_63 = arith.constant 0 : i32
    %dma_wait3A_64 = arith.constant 0 : i32
    %dma_wait3A_65 = tpu.memref_slice %arg10[%dma_wait3A_63, %dma_wait3A_64] : memref<10240x128xf32, #tpu.memory_space<vmem_shared>> -> memref<10240x128xf32, #tpu.memory_space<vmem_shared>>
    tpu.wait_indirect_dma semaphore(%arg13 : memref<!tpu.dma_semaphore, #tpu.memory_space<semaphore_mem>>) src(%arg8 : memref<128x128xf32, #tpu.memory_space<vmem>>) dst(%dma_wait3A_65 : memref<10240x128xf32, #tpu.memory_space<vmem_shared>>)
    %barrier3A_66 = arith.constant 0 : index
    tpu.barrier barrier_id(%barrier3A_66)
    %mul3A_67 = arith.constant 640 : i32
    %mul3A_68 = arith.muli %arg1, %mul3A_67 : i32
    %add3A_69 = arith.constant 0 : i32
    %add3A_70 = arith.addi %mul3A_68, %add3A_69 : i32
    "tpu.region"() ({
      %run_scoped3A = tpu.sem_alloc : memref<!tpu.dma_semaphore, #tpu.memory_space<semaphore_mem>>
      %dma_start3A_102 = arith.constant 0 : i32
      %dma_start3A_103 = tpu.memref_slice %arg10[%add3A_70, %dma_start3A_102] : memref<10240x128xf32, #tpu.memory_space<vmem_shared>> -> memref<128x128xf32, #tpu.memory_space<vmem_shared>>
      %dma_start3A_104 = arith.constant 0 : i32
      %dma_start3A_105 = tpu.memref_slice %arg10[%add3A_70, %dma_start3A_104] : memref<10240x128xf32, #tpu.memory_space<vmem_shared>> -> memref<128x128xf32, #tpu.memory_space<vmem_shared>>
      tpu.enqueue_dma source(%dma_start3A_105 : memref<128x128xf32, #tpu.memory_space<vmem_shared>>) target(%arg8 : memref<128x128xf32, #tpu.memory_space<vmem>>) target_semaphore(%run_scoped3A : memref<!tpu.dma_semaphore, #tpu.memory_space<semaphore_mem>>)
      %dma_wait3A_106 = arith.constant 0 : i32
      %dma_wait3A_107 = tpu.memref_slice %arg10[%add3A_70, %dma_wait3A_106] : memref<10240x128xf32, #tpu.memory_space<vmem_shared>> -> memref<128x128xf32, #tpu.memory_space<vmem_shared>>
      %dma_wait3A_108 = arith.constant 0 : i32
      %dma_wait3A_109 = tpu.memref_slice %arg10[%add3A_70, %dma_wait3A_108] : memref<10240x128xf32, #tpu.memory_space<vmem_shared>> -> memref<128x128xf32, #tpu.memory_space<vmem_shared>>
      tpu.wait_dma2 semaphore(%run_scoped3A : memref<!tpu.dma_semaphore, #tpu.memory_space<semaphore_mem>>) src(%dma_wait3A_109 : memref<128x128xf32, #tpu.memory_space<vmem_shared>>) dst(%arg8 : memref<128x128xf32, #tpu.memory_space<vmem>>)
      tpu.yield
    }) : () -> ()
    %mul3A_71 = arith.constant 10240 : i32
    %mul3A_72 = arith.muli %arg0, %mul3A_71 : i32
    %add3A_73 = arith.addi %mul3A_72, %add3A_70 : i32
    "tpu.region"() ({
      %run_scoped3A = tpu.sem_alloc : memref<!tpu.dma_semaphore, #tpu.memory_space<semaphore_mem>>
      %dma_start3A_102 = arith.constant 0 : i32
      %dma_start3A_103 = tpu.memref_slice %arg5[%add3A_73, %dma_start3A_102] : memref<20480x128xf32, #tpu.memory_space<hbm>> -> memref<128x128xf32, #tpu.memory_space<hbm>>
      %dma_start3A_104 = arith.constant 0 : i32
      %dma_start3A_105 = tpu.memref_slice %arg5[%add3A_73, %dma_start3A_104] : memref<20480x128xf32, #tpu.memory_space<hbm>> -> memref<128x128xf32, #tpu.memory_space<hbm>>
      tpu.enqueue_dma source(%arg8 : memref<128x128xf32, #tpu.memory_space<vmem>>) target(%dma_start3A_105 : memref<128x128xf32, #tpu.memory_space<hbm>>) target_semaphore(%run_scoped3A : memref<!tpu.dma_semaphore, #tpu.memory_space<semaphore_mem>>)
      %dma_wait3A_106 = arith.constant 0 : i32
      %dma_wait3A_107 = tpu.memref_slice %arg5[%add3A_73, %dma_wait3A_106] : memref<20480x128xf32, #tpu.memory_space<hbm>> -> memref<128x128xf32, #tpu.memory_space<hbm>>
      %dma_wait3A_108 = arith.constant 0 : i32
      %dma_wait3A_109 = tpu.memref_slice %arg5[%add3A_73, %dma_wait3A_108] : memref<20480x128xf32, #tpu.memory_space<hbm>> -> memref<128x128xf32, #tpu.memory_space<hbm>>
      tpu.wait_dma2 semaphore(%run_scoped3A : memref<!tpu.dma_semaphore, #tpu.memory_space<semaphore_mem>>) src(%arg8 : memref<128x128xf32, #tpu.memory_space<vmem>>) dst(%dma_wait3A_109 : memref<128x128xf32, #tpu.memory_space<hbm>>)
      tpu.yield
    }) : () -> ()
    %mul3A_74 = arith.constant 640 : i32
    %mul3A_75 = arith.muli %arg1, %mul3A_74 : i32
    %add3A_76 = arith.constant 128 : i32
    %add3A_77 = arith.addi %mul3A_75, %add3A_76 : i32
    "tpu.region"() ({
      %run_scoped3A = tpu.sem_alloc : memref<!tpu.dma_semaphore, #tpu.memory_space<semaphore_mem>>
      %dma_start3A_102 = arith.constant 0 : i32
      %dma_start3A_103 = tpu.memref_slice %arg10[%add3A_77, %dma_start3A_102] : memref<10240x128xf32, #tpu.memory_space<vmem_shared>> -> memref<128x128xf32, #tpu.memory_space<vmem_shared>>
      %dma_start3A_104 = arith.constant 0 : i32
      %dma_start3A_105 = tpu.memref_slice %arg10[%add3A_77, %dma_start3A_104] : memref<10240x128xf32, #tpu.memory_space<vmem_shared>> -> memref<128x128xf32, #tpu.memory_space<vmem_shared>>
      tpu.enqueue_dma source(%dma_start3A_105 : memref<128x128xf32, #tpu.memory_space<vmem_shared>>) target(%arg8 : memref<128x128xf32, #tpu.memory_space<vmem>>) target_semaphore(%run_scoped3A : memref<!tpu.dma_semaphore, #tpu.memory_space<semaphore_mem>>)
      %dma_wait3A_106 = arith.constant 0 : i32
      %dma_wait3A_107 = tpu.memref_slice %arg10[%add3A_77, %dma_wait3A_106] : memref<10240x128xf32, #tpu.memory_space<vmem_shared>> -> memref<128x128xf32, #tpu.memory_space<vmem_shared>>
      %dma_wait3A_108 = arith.constant 0 : i32
      %dma_wait3A_109 = tpu.memref_slice %arg10[%add3A_77, %dma_wait3A_108] : memref<10240x128xf32, #tpu.memory_space<vmem_shared>> -> memref<128x128xf32, #tpu.memory_space<vmem_shared>>
      tpu.wait_dma2 semaphore(%run_scoped3A : memref<!tpu.dma_semaphore, #tpu.memory_space<semaphore_mem>>) src(%dma_wait3A_109 : memref<128x128xf32, #tpu.memory_space<vmem_shared>>) dst(%arg8 : memref<128x128xf32, #tpu.memory_space<vmem>>)
      tpu.yield
    }) : () -> ()
    %mul3A_78 = arith.constant 10240 : i32
    %mul3A_79 = arith.muli %arg0, %mul3A_78 : i32
    %add3A_80 = arith.addi %mul3A_79, %add3A_77 : i32
    "tpu.region"() ({
      %run_scoped3A = tpu.sem_alloc : memref<!tpu.dma_semaphore, #tpu.memory_space<semaphore_mem>>
      %dma_start3A_102 = arith.constant 0 : i32
      %dma_start3A_103 = tpu.memref_slice %arg5[%add3A_80, %dma_start3A_102] : memref<20480x128xf32, #tpu.memory_space<hbm>> -> memref<128x128xf32, #tpu.memory_space<hbm>>
      %dma_start3A_104 = arith.constant 0 : i32
      %dma_start3A_105 = tpu.memref_slice %arg5[%add3A_80, %dma_start3A_104] : memref<20480x128xf32, #tpu.memory_space<hbm>> -> memref<128x128xf32, #tpu.memory_space<hbm>>
      tpu.enqueue_dma source(%arg8 : memref<128x128xf32, #tpu.memory_space<vmem>>) target(%dma_start3A_105 : memref<128x128xf32, #tpu.memory_space<hbm>>) target_semaphore(%run_scoped3A : memref<!tpu.dma_semaphore, #tpu.memory_space<semaphore_mem>>)
      %dma_wait3A_106 = arith.constant 0 : i32
      %dma_wait3A_107 = tpu.memref_slice %arg5[%add3A_80, %dma_wait3A_106] : memref<20480x128xf32, #tpu.memory_space<hbm>> -> memref<128x128xf32, #tpu.memory_space<hbm>>
      %dma_wait3A_108 = arith.constant 0 : i32
      %dma_wait3A_109 = tpu.memref_slice %arg5[%add3A_80, %dma_wait3A_108] : memref<20480x128xf32, #tpu.memory_space<hbm>> -> memref<128x128xf32, #tpu.memory_space<hbm>>
      tpu.wait_dma2 semaphore(%run_scoped3A : memref<!tpu.dma_semaphore, #tpu.memory_space<semaphore_mem>>) src(%arg8 : memref<128x128xf32, #tpu.memory_space<vmem>>) dst(%dma_wait3A_109 : memref<128x128xf32, #tpu.memory_space<hbm>>)
      tpu.yield
    }) : () -> ()
    %mul3A_81 = arith.constant 640 : i32
    %mul3A_82 = arith.muli %arg1, %mul3A_81 : i32
    %add3A_83 = arith.constant 256 : i32
    %add3A_84 = arith.addi %mul3A_82, %add3A_83 : i32
    "tpu.region"() ({
      %run_scoped3A = tpu.sem_alloc : memref<!tpu.dma_semaphore, #tpu.memory_space<semaphore_mem>>
      %dma_start3A_102 = arith.constant 0 : i32
      %dma_start3A_103 = tpu.memref_slice %arg10[%add3A_84, %dma_start3A_102] : memref<10240x128xf32, #tpu.memory_space<vmem_shared>> -> memref<128x128xf32, #tpu.memory_space<vmem_shared>>
      %dma_start3A_104 = arith.constant 0 : i32
      %dma_start3A_105 = tpu.memref_slice %arg10[%add3A_84, %dma_start3A_104] : memref<10240x128xf32, #tpu.memory_space<vmem_shared>> -> memref<128x128xf32, #tpu.memory_space<vmem_shared>>
      tpu.enqueue_dma source(%dma_start3A_105 : memref<128x128xf32, #tpu.memory_space<vmem_shared>>) target(%arg8 : memref<128x128xf32, #tpu.memory_space<vmem>>) target_semaphore(%run_scoped3A : memref<!tpu.dma_semaphore, #tpu.memory_space<semaphore_mem>>)
      %dma_wait3A_106 = arith.constant 0 : i32
      %dma_wait3A_107 = tpu.memref_slice %arg10[%add3A_84, %dma_wait3A_106] : memref<10240x128xf32, #tpu.memory_space<vmem_shared>> -> memref<128x128xf32, #tpu.memory_space<vmem_shared>>
      %dma_wait3A_108 = arith.constant 0 : i32
      %dma_wait3A_109 = tpu.memref_slice %arg10[%add3A_84, %dma_wait3A_108] : memref<10240x128xf32, #tpu.memory_space<vmem_shared>> -> memref<128x128xf32, #tpu.memory_space<vmem_shared>>
      tpu.wait_dma2 semaphore(%run_scoped3A : memref<!tpu.dma_semaphore, #tpu.memory_space<semaphore_mem>>) src(%dma_wait3A_109 : memref<128x128xf32, #tpu.memory_space<vmem_shared>>) dst(%arg8 : memref<128x128xf32, #tpu.memory_space<vmem>>)
      tpu.yield
    }) : () -> ()
    %mul3A_85 = arith.constant 10240 : i32
    %mul3A_86 = arith.muli %arg0, %mul3A_85 : i32
    %add3A_87 = arith.addi %mul3A_86, %add3A_84 : i32
    "tpu.region"() ({
      %run_scoped3A = tpu.sem_alloc : memref<!tpu.dma_semaphore, #tpu.memory_space<semaphore_mem>>
      %dma_start3A_102 = arith.constant 0 : i32
      %dma_start3A_103 = tpu.memref_slice %arg5[%add3A_87, %dma_start3A_102] : memref<20480x128xf32, #tpu.memory_space<hbm>> -> memref<128x128xf32, #tpu.memory_space<hbm>>
      %dma_start3A_104 = arith.constant 0 : i32
      %dma_start3A_105 = tpu.memref_slice %arg5[%add3A_87, %dma_start3A_104] : memref<20480x128xf32, #tpu.memory_space<hbm>> -> memref<128x128xf32, #tpu.memory_space<hbm>>
      tpu.enqueue_dma source(%arg8 : memref<128x128xf32, #tpu.memory_space<vmem>>) target(%dma_start3A_105 : memref<128x128xf32, #tpu.memory_space<hbm>>) target_semaphore(%run_scoped3A : memref<!tpu.dma_semaphore, #tpu.memory_space<semaphore_mem>>)
      %dma_wait3A_106 = arith.constant 0 : i32
      %dma_wait3A_107 = tpu.memref_slice %arg5[%add3A_87, %dma_wait3A_106] : memref<20480x128xf32, #tpu.memory_space<hbm>> -> memref<128x128xf32, #tpu.memory_space<hbm>>
      %dma_wait3A_108 = arith.constant 0 : i32
      %dma_wait3A_109 = tpu.memref_slice %arg5[%add3A_87, %dma_wait3A_108] : memref<20480x128xf32, #tpu.memory_space<hbm>> -> memref<128x128xf32, #tpu.memory_space<hbm>>
      tpu.wait_dma2 semaphore(%run_scoped3A : memref<!tpu.dma_semaphore, #tpu.memory_space<semaphore_mem>>) src(%arg8 : memref<128x128xf32, #tpu.memory_space<vmem>>) dst(%dma_wait3A_109 : memref<128x128xf32, #tpu.memory_space<hbm>>)
      tpu.yield
    }) : () -> ()
    %mul3A_88 = arith.constant 640 : i32
    %mul3A_89 = arith.muli %arg1, %mul3A_88 : i32
    %add3A_90 = arith.constant 384 : i32
    %add3A_91 = arith.addi %mul3A_89, %add3A_90 : i32
    "tpu.region"() ({
      %run_scoped3A = tpu.sem_alloc : memref<!tpu.dma_semaphore, #tpu.memory_space<semaphore_mem>>
      %dma_start3A_102 = arith.constant 0 : i32
      %dma_start3A_103 = tpu.memref_slice %arg10[%add3A_91, %dma_start3A_102] : memref<10240x128xf32, #tpu.memory_space<vmem_shared>> -> memref<128x128xf32, #tpu.memory_space<vmem_shared>>
      %dma_start3A_104 = arith.constant 0 : i32
      %dma_start3A_105 = tpu.memref_slice %arg10[%add3A_91, %dma_start3A_104] : memref<10240x128xf32, #tpu.memory_space<vmem_shared>> -> memref<128x128xf32, #tpu.memory_space<vmem_shared>>
      tpu.enqueue_dma source(%dma_start3A_105 : memref<128x128xf32, #tpu.memory_space<vmem_shared>>) target(%arg8 : memref<128x128xf32, #tpu.memory_space<vmem>>) target_semaphore(%run_scoped3A : memref<!tpu.dma_semaphore, #tpu.memory_space<semaphore_mem>>)
      %dma_wait3A_106 = arith.constant 0 : i32
      %dma_wait3A_107 = tpu.memref_slice %arg10[%add3A_91, %dma_wait3A_106] : memref<10240x128xf32, #tpu.memory_space<vmem_shared>> -> memref<128x128xf32, #tpu.memory_space<vmem_shared>>
      %dma_wait3A_108 = arith.constant 0 : i32
      %dma_wait3A_109 = tpu.memref_slice %arg10[%add3A_91, %dma_wait3A_108] : memref<10240x128xf32, #tpu.memory_space<vmem_shared>> -> memref<128x128xf32, #tpu.memory_space<vmem_shared>>
      tpu.wait_dma2 semaphore(%run_scoped3A : memref<!tpu.dma_semaphore, #tpu.memory_space<semaphore_mem>>) src(%dma_wait3A_109 : memref<128x128xf32, #tpu.memory_space<vmem_shared>>) dst(%arg8 : memref<128x128xf32, #tpu.memory_space<vmem>>)
      tpu.yield
    }) : () -> ()
    %mul3A_92 = arith.constant 10240 : i32
    %mul3A_93 = arith.muli %arg0, %mul3A_92 : i32
    %add3A_94 = arith.addi %mul3A_93, %add3A_91 : i32
    "tpu.region"() ({
      %run_scoped3A = tpu.sem_alloc : memref<!tpu.dma_semaphore, #tpu.memory_space<semaphore_mem>>
      %dma_start3A_102 = arith.constant 0 : i32
      %dma_start3A_103 = tpu.memref_slice %arg5[%add3A_94, %dma_start3A_102] : memref<20480x128xf32, #tpu.memory_space<hbm>> -> memref<128x128xf32, #tpu.memory_space<hbm>>
      %dma_start3A_104 = arith.constant 0 : i32
      %dma_start3A_105 = tpu.memref_slice %arg5[%add3A_94, %dma_start3A_104] : memref<20480x128xf32, #tpu.memory_space<hbm>> -> memref<128x128xf32, #tpu.memory_space<hbm>>
      tpu.enqueue_dma source(%arg8 : memref<128x128xf32, #tpu.memory_space<vmem>>) target(%dma_start3A_105 : memref<128x128xf32, #tpu.memory_space<hbm>>) target_semaphore(%run_scoped3A : memref<!tpu.dma_semaphore, #tpu.memory_space<semaphore_mem>>)
      %dma_wait3A_106 = arith.constant 0 : i32
      %dma_wait3A_107 = tpu.memref_slice %arg5[%add3A_94, %dma_wait3A_106] : memref<20480x128xf32, #tpu.memory_space<hbm>> -> memref<128x128xf32, #tpu.memory_space<hbm>>
      %dma_wait3A_108 = arith.constant 0 : i32
      %dma_wait3A_109 = tpu.memref_slice %arg5[%add3A_94, %dma_wait3A_108] : memref<20480x128xf32, #tpu.memory_space<hbm>> -> memref<128x128xf32, #tpu.memory_space<hbm>>
      tpu.wait_dma2 semaphore(%run_scoped3A : memref<!tpu.dma_semaphore, #tpu.memory_space<semaphore_mem>>) src(%arg8 : memref<128x128xf32, #tpu.memory_space<vmem>>) dst(%dma_wait3A_109 : memref<128x128xf32, #tpu.memory_space<hbm>>)
      tpu.yield
    }) : () -> ()
    %mul3A_95 = arith.constant 640 : i32
    %mul3A_96 = arith.muli %arg1, %mul3A_95 : i32
    %add3A_97 = arith.constant 512 : i32
    %add3A_98 = arith.addi %mul3A_96, %add3A_97 : i32
    "tpu.region"() ({
      %run_scoped3A = tpu.sem_alloc : memref<!tpu.dma_semaphore, #tpu.memory_space<semaphore_mem>>
      %dma_start3A_102 = arith.constant 0 : i32
      %dma_start3A_103 = tpu.memref_slice %arg10[%add3A_98, %dma_start3A_102] : memref<10240x128xf32, #tpu.memory_space<vmem_shared>> -> memref<128x128xf32, #tpu.memory_space<vmem_shared>>
      %dma_start3A_104 = arith.constant 0 : i32
      %dma_start3A_105 = tpu.memref_slice %arg10[%add3A_98, %dma_start3A_104] : memref<10240x128xf32, #tpu.memory_space<vmem_shared>> -> memref<128x128xf32, #tpu.memory_space<vmem_shared>>
      tpu.enqueue_dma source(%dma_start3A_105 : memref<128x128xf32, #tpu.memory_space<vmem_shared>>) target(%arg8 : memref<128x128xf32, #tpu.memory_space<vmem>>) target_semaphore(%run_scoped3A : memref<!tpu.dma_semaphore, #tpu.memory_space<semaphore_mem>>)
      %dma_wait3A_106 = arith.constant 0 : i32
      %dma_wait3A_107 = tpu.memref_slice %arg10[%add3A_98, %dma_wait3A_106] : memref<10240x128xf32, #tpu.memory_space<vmem_shared>> -> memref<128x128xf32, #tpu.memory_space<vmem_shared>>
      %dma_wait3A_108 = arith.constant 0 : i32
      %dma_wait3A_109 = tpu.memref_slice %arg10[%add3A_98, %dma_wait3A_108] : memref<10240x128xf32, #tpu.memory_space<vmem_shared>> -> memref<128x128xf32, #tpu.memory_space<vmem_shared>>
      tpu.wait_dma2 semaphore(%run_scoped3A : memref<!tpu.dma_semaphore, #tpu.memory_space<semaphore_mem>>) src(%dma_wait3A_109 : memref<128x128xf32, #tpu.memory_space<vmem_shared>>) dst(%arg8 : memref<128x128xf32, #tpu.memory_space<vmem>>)
      tpu.yield
    }) : () -> ()
    %mul3A_99 = arith.constant 10240 : i32
    %mul3A_100 = arith.muli %arg0, %mul3A_99 : i32
    %add3A_101 = arith.addi %mul3A_100, %add3A_98 : i32
    "tpu.region"() ({
      %run_scoped3A = tpu.sem_alloc : memref<!tpu.dma_semaphore, #tpu.memory_space<semaphore_mem>>
      %dma_start3A_102 = arith.constant 0 : i32
      %dma_start3A_103 = tpu.memref_slice %arg5[%add3A_101, %dma_start3A_102] : memref<20480x128xf32, #tpu.memory_space<hbm>> -> memref<128x128xf32, #tpu.memory_space<hbm>>
      %dma_start3A_104 = arith.constant 0 : i32
      %dma_start3A_105 = tpu.memref_slice %arg5[%add3A_101, %dma_start3A_104] : memref<20480x128xf32, #tpu.memory_space<hbm>> -> memref<128x128xf32, #tpu.memory_space<hbm>>
      tpu.enqueue_dma source(%arg8 : memref<128x128xf32, #tpu.memory_space<vmem>>) target(%dma_start3A_105 : memref<128x128xf32, #tpu.memory_space<hbm>>) target_semaphore(%run_scoped3A : memref<!tpu.dma_semaphore, #tpu.memory_space<semaphore_mem>>)
      %dma_wait3A_106 = arith.constant 0 : i32
      %dma_wait3A_107 = tpu.memref_slice %arg5[%add3A_101, %dma_wait3A_106] : memref<20480x128xf32, #tpu.memory_space<hbm>> -> memref<128x128xf32, #tpu.memory_space<hbm>>
      %dma_wait3A_108 = arith.constant 0 : i32
      %dma_wait3A_109 = tpu.memref_slice %arg5[%add3A_101, %dma_wait3A_108] : memref<20480x128xf32, #tpu.memory_space<hbm>> -> memref<128x128xf32, #tpu.memory_space<hbm>>
      tpu.wait_dma2 semaphore(%run_scoped3A : memref<!tpu.dma_semaphore, #tpu.memory_space<semaphore_mem>>) src(%arg8 : memref<128x128xf32, #tpu.memory_space<vmem>>) dst(%dma_wait3A_109 : memref<128x128xf32, #tpu.memory_space<hbm>>)
      tpu.yield
    }) : () -> ()
    return
  }
}

#map = affine_map<(d0, d1) -> (0, 0)>
#map1 = affine_map<(d0, d1) -> (0)>
module attributes {stable_mosaic.version = 14 : i64} {
  func.func @_scatter_body(%arg0: i32, %arg1: i32, %arg2: memref<320000x128xf32, #tpu.memory_space<hbm>>, %arg3: memref<320128xi32, #tpu.memory_space<hbm>>, %arg4: memref<10240x128xf32, #tpu.memory_space<hbm>>, %arg5: memref<20480x128xf32, #tpu.memory_space<hbm>>, %arg6: memref<128xi32, #tpu.memory_space<vmem>>, %arg7: memref<128xi32, #tpu.memory_space<vmem>>, %arg8: memref<128x128xf32, #tpu.memory_space<vmem>>, %arg9: memref<128x128xf32, #tpu.memory_space<vmem>>, %arg10: memref<10240x128xf32, #tpu.memory_space<vmem_shared>>, %arg11: memref<!tpu.dma_semaphore, #tpu.memory_space<semaphore_mem>>, %arg12: memref<!tpu.dma_semaphore, #tpu.memory_space<semaphore_mem>>, %arg13: memref<!tpu.dma_semaphore, #tpu.memory_space<semaphore_mem>>, %arg14: memref<!tpu.dma_semaphore, #tpu.memory_space<semaphore_mem>>) attributes {dimension_semantics = [#tpu.dimension_semantics<core_parallel>, #tpu.dimension_semantics<subcore_parallel>], iteration_bounds = array<i64: 2, 16>, scalar_prefetch = 0 : i64, scratch_operands = 9 : i64, tpu.core_type = #tpu.core_type<sc_vector_subcore>, window_params = [{transform_indices = #map}, {transform_indices = #map1}, {transform_indices = #map}, {transform_indices = #map}]} {
    %mul3A = arith.constant 2 : i32
    %mul3A_0 = arith.muli %arg1, %mul3A : i32
    %add3A = arith.addi %mul3A_0, %arg0 : i32
    %mul3A_1 = arith.constant 640 : i32
    %mul3A_2 = arith.muli %arg1, %mul3A_1 : i32
    %add3A_3 = arith.constant 0 : i32
    %add3A_4 = arith.addi %mul3A_2, %add3A_3 : i32
    "tpu.region"() ({
      %run_scoped3A = tpu.sem_alloc : memref<!tpu.dma_semaphore, #tpu.memory_space<semaphore_mem>>
      %dma_start3A_102 = arith.constant 0 : i32
      %dma_start3A_103 = tpu.memref_slice %arg4[%add3A_4, %dma_start3A_102] : memref<10240x128xf32, #tpu.memory_space<hbm>> -> memref<128x128xf32, #tpu.memory_space<hbm>>
      %dma_start3A_104 = arith.constant 0 : i32
      %dma_start3A_105 = tpu.memref_slice %arg4[%add3A_4, %dma_start3A_104] : memref<10240x128xf32, #tpu.memory_space<hbm>> -> memref<128x128xf32, #tpu.memory_space<hbm>>
      tpu.enqueue_dma source(%dma_start3A_105 : memref<128x128xf32, #tpu.memory_space<hbm>>) target(%arg8 : memref<128x128xf32, #tpu.memory_space<vmem>>) target_semaphore(%run_scoped3A : memref<!tpu.dma_semaphore, #tpu.memory_space<semaphore_mem>>)
      %dma_wait3A_106 = arith.constant 0 : i32
      %dma_wait3A_107 = tpu.memref_slice %arg4[%add3A_4, %dma_wait3A_106] : memref<10240x128xf32, #tpu.memory_space<hbm>> -> memref<128x128xf32, #tpu.memory_space<hbm>>
      %dma_wait3A_108 = arith.constant 0 : i32
      %dma_wait3A_109 = tpu.memref_slice %arg4[%add3A_4, %dma_wait3A_108] : memref<10240x128xf32, #tpu.memory_space<hbm>> -> memref<128x128xf32, #tpu.memory_space<hbm>>
      tpu.wait_dma2 semaphore(%run_scoped3A : memref<!tpu.dma_semaphore, #tpu.memory_space<semaphore_mem>>) src(%dma_wait3A_109 : memref<128x128xf32, #tpu.memory_space<hbm>>) dst(%arg8 : memref<128x128xf32, #tpu.memory_space<vmem>>)
      tpu.yield
    }) : () -> ()
    "tpu.region"() ({
      %run_scoped3A = tpu.sem_alloc : memref<!tpu.dma_semaphore, #tpu.memory_space<semaphore_mem>>
      %dma_start3A_102 = arith.constant 0 : i32
      %dma_start3A_103 = tpu.memref_slice %arg10[%add3A_4, %dma_start3A_102] : memref<10240x128xf32, #tpu.memory_space<vmem_shared>> -> memref<128x128xf32, #tpu.memory_space<vmem_shared>>
      %dma_start3A_104 = arith.constant 0 : i32
      %dma_start3A_105 = tpu.memref_slice %arg10[%add3A_4, %dma_start3A_104] : memref<10240x128xf32, #tpu.memory_space<vmem_shared>> -> memref<128x128xf32, #tpu.memory_space<vmem_shared>>
      tpu.enqueue_dma source(%arg8 : memref<128x128xf32, #tpu.memory_space<vmem>>) target(%dma_start3A_105 : memref<128x128xf32, #tpu.memory_space<vmem_shared>>) target_semaphore(%run_scoped3A : memref<!tpu.dma_semaphore, #tpu.memory_space<semaphore_mem>>)
      %dma_wait3A_106 = arith.constant 0 : i32
      %dma_wait3A_107 = tpu.memref_slice %arg10[%add3A_4, %dma_wait3A_106] : memref<10240x128xf32, #tpu.memory_space<vmem_shared>> -> memref<128x128xf32, #tpu.memory_space<vmem_shared>>
      %dma_wait3A_108 = arith.constant 0 : i32
      %dma_wait3A_109 = tpu.memref_slice %arg10[%add3A_4, %dma_wait3A_108] : memref<10240x128xf32, #tpu.memory_space<vmem_shared>> -> memref<128x128xf32, #tpu.memory_space<vmem_shared>>
      tpu.wait_dma2 semaphore(%run_scoped3A : memref<!tpu.dma_semaphore, #tpu.memory_space<semaphore_mem>>) src(%arg8 : memref<128x128xf32, #tpu.memory_space<vmem>>) dst(%dma_wait3A_109 : memref<128x128xf32, #tpu.memory_space<vmem_shared>>)
      tpu.yield
    }) : () -> ()
    %mul3A_5 = arith.constant 640 : i32
    %mul3A_6 = arith.muli %arg1, %mul3A_5 : i32
    %add3A_7 = arith.constant 128 : i32
    %add3A_8 = arith.addi %mul3A_6, %add3A_7 : i32
    "tpu.region"() ({
      %run_scoped3A = tpu.sem_alloc : memref<!tpu.dma_semaphore, #tpu.memory_space<semaphore_mem>>
      %dma_start3A_102 = arith.constant 0 : i32
      %dma_start3A_103 = tpu.memref_slice %arg4[%add3A_8, %dma_start3A_102] : memref<10240x128xf32, #tpu.memory_space<hbm>> -> memref<128x128xf32, #tpu.memory_space<hbm>>
      %dma_start3A_104 = arith.constant 0 : i32
      %dma_start3A_105 = tpu.memref_slice %arg4[%add3A_8, %dma_start3A_104] : memref<10240x128xf32, #tpu.memory_space<hbm>> -> memref<128x128xf32, #tpu.memory_space<hbm>>
      tpu.enqueue_dma source(%dma_start3A_105 : memref<128x128xf32, #tpu.memory_space<hbm>>) target(%arg8 : memref<128x128xf32, #tpu.memory_space<vmem>>) target_semaphore(%run_scoped3A : memref<!tpu.dma_semaphore, #tpu.memory_space<semaphore_mem>>)
      %dma_wait3A_106 = arith.constant 0 : i32
      %dma_wait3A_107 = tpu.memref_slice %arg4[%add3A_8, %dma_wait3A_106] : memref<10240x128xf32, #tpu.memory_space<hbm>> -> memref<128x128xf32, #tpu.memory_space<hbm>>
      %dma_wait3A_108 = arith.constant 0 : i32
      %dma_wait3A_109 = tpu.memref_slice %arg4[%add3A_8, %dma_wait3A_108] : memref<10240x128xf32, #tpu.memory_space<hbm>> -> memref<128x128xf32, #tpu.memory_space<hbm>>
      tpu.wait_dma2 semaphore(%run_scoped3A : memref<!tpu.dma_semaphore, #tpu.memory_space<semaphore_mem>>) src(%dma_wait3A_109 : memref<128x128xf32, #tpu.memory_space<hbm>>) dst(%arg8 : memref<128x128xf32, #tpu.memory_space<vmem>>)
      tpu.yield
    }) : () -> ()
    "tpu.region"() ({
      %run_scoped3A = tpu.sem_alloc : memref<!tpu.dma_semaphore, #tpu.memory_space<semaphore_mem>>
      %dma_start3A_102 = arith.constant 0 : i32
      %dma_start3A_103 = tpu.memref_slice %arg10[%add3A_8, %dma_start3A_102] : memref<10240x128xf32, #tpu.memory_space<vmem_shared>> -> memref<128x128xf32, #tpu.memory_space<vmem_shared>>
      %dma_start3A_104 = arith.constant 0 : i32
      %dma_start3A_105 = tpu.memref_slice %arg10[%add3A_8, %dma_start3A_104] : memref<10240x128xf32, #tpu.memory_space<vmem_shared>> -> memref<128x128xf32, #tpu.memory_space<vmem_shared>>
      tpu.enqueue_dma source(%arg8 : memref<128x128xf32, #tpu.memory_space<vmem>>) target(%dma_start3A_105 : memref<128x128xf32, #tpu.memory_space<vmem_shared>>) target_semaphore(%run_scoped3A : memref<!tpu.dma_semaphore, #tpu.memory_space<semaphore_mem>>)
      %dma_wait3A_106 = arith.constant 0 : i32
      %dma_wait3A_107 = tpu.memref_slice %arg10[%add3A_8, %dma_wait3A_106] : memref<10240x128xf32, #tpu.memory_space<vmem_shared>> -> memref<128x128xf32, #tpu.memory_space<vmem_shared>>
      %dma_wait3A_108 = arith.constant 0 : i32
      %dma_wait3A_109 = tpu.memref_slice %arg10[%add3A_8, %dma_wait3A_108] : memref<10240x128xf32, #tpu.memory_space<vmem_shared>> -> memref<128x128xf32, #tpu.memory_space<vmem_shared>>
      tpu.wait_dma2 semaphore(%run_scoped3A : memref<!tpu.dma_semaphore, #tpu.memory_space<semaphore_mem>>) src(%arg8 : memref<128x128xf32, #tpu.memory_space<vmem>>) dst(%dma_wait3A_109 : memref<128x128xf32, #tpu.memory_space<vmem_shared>>)
      tpu.yield
    }) : () -> ()
    %mul3A_9 = arith.constant 640 : i32
    %mul3A_10 = arith.muli %arg1, %mul3A_9 : i32
    %add3A_11 = arith.constant 256 : i32
    %add3A_12 = arith.addi %mul3A_10, %add3A_11 : i32
    "tpu.region"() ({
      %run_scoped3A = tpu.sem_alloc : memref<!tpu.dma_semaphore, #tpu.memory_space<semaphore_mem>>
      %dma_start3A_102 = arith.constant 0 : i32
      %dma_start3A_103 = tpu.memref_slice %arg4[%add3A_12, %dma_start3A_102] : memref<10240x128xf32, #tpu.memory_space<hbm>> -> memref<128x128xf32, #tpu.memory_space<hbm>>
      %dma_start3A_104 = arith.constant 0 : i32
      %dma_start3A_105 = tpu.memref_slice %arg4[%add3A_12, %dma_start3A_104] : memref<10240x128xf32, #tpu.memory_space<hbm>> -> memref<128x128xf32, #tpu.memory_space<hbm>>
      tpu.enqueue_dma source(%dma_start3A_105 : memref<128x128xf32, #tpu.memory_space<hbm>>) target(%arg8 : memref<128x128xf32, #tpu.memory_space<vmem>>) target_semaphore(%run_scoped3A : memref<!tpu.dma_semaphore, #tpu.memory_space<semaphore_mem>>)
      %dma_wait3A_106 = arith.constant 0 : i32
      %dma_wait3A_107 = tpu.memref_slice %arg4[%add3A_12, %dma_wait3A_106] : memref<10240x128xf32, #tpu.memory_space<hbm>> -> memref<128x128xf32, #tpu.memory_space<hbm>>
      %dma_wait3A_108 = arith.constant 0 : i32
      %dma_wait3A_109 = tpu.memref_slice %arg4[%add3A_12, %dma_wait3A_108] : memref<10240x128xf32, #tpu.memory_space<hbm>> -> memref<128x128xf32, #tpu.memory_space<hbm>>
      tpu.wait_dma2 semaphore(%run_scoped3A : memref<!tpu.dma_semaphore, #tpu.memory_space<semaphore_mem>>) src(%dma_wait3A_109 : memref<128x128xf32, #tpu.memory_space<hbm>>) dst(%arg8 : memref<128x128xf32, #tpu.memory_space<vmem>>)
      tpu.yield
    }) : () -> ()
    "tpu.region"() ({
      %run_scoped3A = tpu.sem_alloc : memref<!tpu.dma_semaphore, #tpu.memory_space<semaphore_mem>>
      %dma_start3A_102 = arith.constant 0 : i32
      %dma_start3A_103 = tpu.memref_slice %arg10[%add3A_12, %dma_start3A_102] : memref<10240x128xf32, #tpu.memory_space<vmem_shared>> -> memref<128x128xf32, #tpu.memory_space<vmem_shared>>
      %dma_start3A_104 = arith.constant 0 : i32
      %dma_start3A_105 = tpu.memref_slice %arg10[%add3A_12, %dma_start3A_104] : memref<10240x128xf32, #tpu.memory_space<vmem_shared>> -> memref<128x128xf32, #tpu.memory_space<vmem_shared>>
      tpu.enqueue_dma source(%arg8 : memref<128x128xf32, #tpu.memory_space<vmem>>) target(%dma_start3A_105 : memref<128x128xf32, #tpu.memory_space<vmem_shared>>) target_semaphore(%run_scoped3A : memref<!tpu.dma_semaphore, #tpu.memory_space<semaphore_mem>>)
      %dma_wait3A_106 = arith.constant 0 : i32
      %dma_wait3A_107 = tpu.memref_slice %arg10[%add3A_12, %dma_wait3A_106] : memref<10240x128xf32, #tpu.memory_space<vmem_shared>> -> memref<128x128xf32, #tpu.memory_space<vmem_shared>>
      %dma_wait3A_108 = arith.constant 0 : i32
      %dma_wait3A_109 = tpu.memref_slice %arg10[%add3A_12, %dma_wait3A_108] : memref<10240x128xf32, #tpu.memory_space<vmem_shared>> -> memref<128x128xf32, #tpu.memory_space<vmem_shared>>
      tpu.wait_dma2 semaphore(%run_scoped3A : memref<!tpu.dma_semaphore, #tpu.memory_space<semaphore_mem>>) src(%arg8 : memref<128x128xf32, #tpu.memory_space<vmem>>) dst(%dma_wait3A_109 : memref<128x128xf32, #tpu.memory_space<vmem_shared>>)
      tpu.yield
    }) : () -> ()
    %mul3A_13 = arith.constant 640 : i32
    %mul3A_14 = arith.muli %arg1, %mul3A_13 : i32
    %add3A_15 = arith.constant 384 : i32
    %add3A_16 = arith.addi %mul3A_14, %add3A_15 : i32
    "tpu.region"() ({
      %run_scoped3A = tpu.sem_alloc : memref<!tpu.dma_semaphore, #tpu.memory_space<semaphore_mem>>
      %dma_start3A_102 = arith.constant 0 : i32
      %dma_start3A_103 = tpu.memref_slice %arg4[%add3A_16, %dma_start3A_102] : memref<10240x128xf32, #tpu.memory_space<hbm>> -> memref<128x128xf32, #tpu.memory_space<hbm>>
      %dma_start3A_104 = arith.constant 0 : i32
      %dma_start3A_105 = tpu.memref_slice %arg4[%add3A_16, %dma_start3A_104] : memref<10240x128xf32, #tpu.memory_space<hbm>> -> memref<128x128xf32, #tpu.memory_space<hbm>>
      tpu.enqueue_dma source(%dma_start3A_105 : memref<128x128xf32, #tpu.memory_space<hbm>>) target(%arg8 : memref<128x128xf32, #tpu.memory_space<vmem>>) target_semaphore(%run_scoped3A : memref<!tpu.dma_semaphore, #tpu.memory_space<semaphore_mem>>)
      %dma_wait3A_106 = arith.constant 0 : i32
      %dma_wait3A_107 = tpu.memref_slice %arg4[%add3A_16, %dma_wait3A_106] : memref<10240x128xf32, #tpu.memory_space<hbm>> -> memref<128x128xf32, #tpu.memory_space<hbm>>
      %dma_wait3A_108 = arith.constant 0 : i32
      %dma_wait3A_109 = tpu.memref_slice %arg4[%add3A_16, %dma_wait3A_108] : memref<10240x128xf32, #tpu.memory_space<hbm>> -> memref<128x128xf32, #tpu.memory_space<hbm>>
      tpu.wait_dma2 semaphore(%run_scoped3A : memref<!tpu.dma_semaphore, #tpu.memory_space<semaphore_mem>>) src(%dma_wait3A_109 : memref<128x128xf32, #tpu.memory_space<hbm>>) dst(%arg8 : memref<128x128xf32, #tpu.memory_space<vmem>>)
      tpu.yield
    }) : () -> ()
    "tpu.region"() ({
      %run_scoped3A = tpu.sem_alloc : memref<!tpu.dma_semaphore, #tpu.memory_space<semaphore_mem>>
      %dma_start3A_102 = arith.constant 0 : i32
      %dma_start3A_103 = tpu.memref_slice %arg10[%add3A_16, %dma_start3A_102] : memref<10240x128xf32, #tpu.memory_space<vmem_shared>> -> memref<128x128xf32, #tpu.memory_space<vmem_shared>>
      %dma_start3A_104 = arith.constant 0 : i32
      %dma_start3A_105 = tpu.memref_slice %arg10[%add3A_16, %dma_start3A_104] : memref<10240x128xf32, #tpu.memory_space<vmem_shared>> -> memref<128x128xf32, #tpu.memory_space<vmem_shared>>
      tpu.enqueue_dma source(%arg8 : memref<128x128xf32, #tpu.memory_space<vmem>>) target(%dma_start3A_105 : memref<128x128xf32, #tpu.memory_space<vmem_shared>>) target_semaphore(%run_scoped3A : memref<!tpu.dma_semaphore, #tpu.memory_space<semaphore_mem>>)
      %dma_wait3A_106 = arith.constant 0 : i32
      %dma_wait3A_107 = tpu.memref_slice %arg10[%add3A_16, %dma_wait3A_106] : memref<10240x128xf32, #tpu.memory_space<vmem_shared>> -> memref<128x128xf32, #tpu.memory_space<vmem_shared>>
      %dma_wait3A_108 = arith.constant 0 : i32
      %dma_wait3A_109 = tpu.memref_slice %arg10[%add3A_16, %dma_wait3A_108] : memref<10240x128xf32, #tpu.memory_space<vmem_shared>> -> memref<128x128xf32, #tpu.memory_space<vmem_shared>>
      tpu.wait_dma2 semaphore(%run_scoped3A : memref<!tpu.dma_semaphore, #tpu.memory_space<semaphore_mem>>) src(%arg8 : memref<128x128xf32, #tpu.memory_space<vmem>>) dst(%dma_wait3A_109 : memref<128x128xf32, #tpu.memory_space<vmem_shared>>)
      tpu.yield
    }) : () -> ()
    %mul3A_17 = arith.constant 640 : i32
    %mul3A_18 = arith.muli %arg1, %mul3A_17 : i32
    %add3A_19 = arith.constant 512 : i32
    %add3A_20 = arith.addi %mul3A_18, %add3A_19 : i32
    "tpu.region"() ({
      %run_scoped3A = tpu.sem_alloc : memref<!tpu.dma_semaphore, #tpu.memory_space<semaphore_mem>>
      %dma_start3A_102 = arith.constant 0 : i32
      %dma_start3A_103 = tpu.memref_slice %arg4[%add3A_20, %dma_start3A_102] : memref<10240x128xf32, #tpu.memory_space<hbm>> -> memref<128x128xf32, #tpu.memory_space<hbm>>
      %dma_start3A_104 = arith.constant 0 : i32
      %dma_start3A_105 = tpu.memref_slice %arg4[%add3A_20, %dma_start3A_104] : memref<10240x128xf32, #tpu.memory_space<hbm>> -> memref<128x128xf32, #tpu.memory_space<hbm>>
      tpu.enqueue_dma source(%dma_start3A_105 : memref<128x128xf32, #tpu.memory_space<hbm>>) target(%arg8 : memref<128x128xf32, #tpu.memory_space<vmem>>) target_semaphore(%run_scoped3A : memref<!tpu.dma_semaphore, #tpu.memory_space<semaphore_mem>>)
      %dma_wait3A_106 = arith.constant 0 : i32
      %dma_wait3A_107 = tpu.memref_slice %arg4[%add3A_20, %dma_wait3A_106] : memref<10240x128xf32, #tpu.memory_space<hbm>> -> memref<128x128xf32, #tpu.memory_space<hbm>>
      %dma_wait3A_108 = arith.constant 0 : i32
      %dma_wait3A_109 = tpu.memref_slice %arg4[%add3A_20, %dma_wait3A_108] : memref<10240x128xf32, #tpu.memory_space<hbm>> -> memref<128x128xf32, #tpu.memory_space<hbm>>
      tpu.wait_dma2 semaphore(%run_scoped3A : memref<!tpu.dma_semaphore, #tpu.memory_space<semaphore_mem>>) src(%dma_wait3A_109 : memref<128x128xf32, #tpu.memory_space<hbm>>) dst(%arg8 : memref<128x128xf32, #tpu.memory_space<vmem>>)
      tpu.yield
    }) : () -> ()
    "tpu.region"() ({
      %run_scoped3A = tpu.sem_alloc : memref<!tpu.dma_semaphore, #tpu.memory_space<semaphore_mem>>
      %dma_start3A_102 = arith.constant 0 : i32
      %dma_start3A_103 = tpu.memref_slice %arg10[%add3A_20, %dma_start3A_102] : memref<10240x128xf32, #tpu.memory_space<vmem_shared>> -> memref<128x128xf32, #tpu.memory_space<vmem_shared>>
      %dma_start3A_104 = arith.constant 0 : i32
      %dma_start3A_105 = tpu.memref_slice %arg10[%add3A_20, %dma_start3A_104] : memref<10240x128xf32, #tpu.memory_space<vmem_shared>> -> memref<128x128xf32, #tpu.memory_space<vmem_shared>>
      tpu.enqueue_dma source(%arg8 : memref<128x128xf32, #tpu.memory_space<vmem>>) target(%dma_start3A_105 : memref<128x128xf32, #tpu.memory_space<vmem_shared>>) target_semaphore(%run_scoped3A : memref<!tpu.dma_semaphore, #tpu.memory_space<semaphore_mem>>)
      %dma_wait3A_106 = arith.constant 0 : i32
      %dma_wait3A_107 = tpu.memref_slice %arg10[%add3A_20, %dma_wait3A_106] : memref<10240x128xf32, #tpu.memory_space<vmem_shared>> -> memref<128x128xf32, #tpu.memory_space<vmem_shared>>
      %dma_wait3A_108 = arith.constant 0 : i32
      %dma_wait3A_109 = tpu.memref_slice %arg10[%add3A_20, %dma_wait3A_108] : memref<10240x128xf32, #tpu.memory_space<vmem_shared>> -> memref<128x128xf32, #tpu.memory_space<vmem_shared>>
      tpu.wait_dma2 semaphore(%run_scoped3A : memref<!tpu.dma_semaphore, #tpu.memory_space<semaphore_mem>>) src(%arg8 : memref<128x128xf32, #tpu.memory_space<vmem>>) dst(%dma_wait3A_109 : memref<128x128xf32, #tpu.memory_space<vmem_shared>>)
      tpu.yield
    }) : () -> ()
    %barrier3A = arith.constant 0 : index
    tpu.barrier barrier_id(%barrier3A)
    %add3A_21 = arith.constant 0 : i32
    %add3A_22 = arith.addi %add3A, %add3A_21 : i32
    %lt3A = arith.constant 2500 : i32
    %lt3A_23 = arith.cmpi slt, %add3A_22, %lt3A : i32
    %mul3A_24 = arith.constant 128 : i32
    %mul3A_25 = arith.muli %add3A_22, %mul3A_24 : i32
    %jit3A = arith.constant 320000 : i32
    %select_n3A = arith.select %lt3A_23, %mul3A_25, %jit3A : i32
    %mul3A_26 = arith.constant 128 : i32
    %mul3A_27 = arith.muli %add3A_22, %mul3A_26 : i32
    %jit3A_28 = arith.constant 0 : i32
    %select_n3A_29 = arith.select %lt3A_23, %mul3A_27, %jit3A_28 : i32
    %dma_start3A = tpu.memref_slice %arg3[%select_n3A] : memref<320128xi32, #tpu.memory_space<hbm>> -> memref<128xi32, #tpu.memory_space<hbm>>
    %dma_start3A_30 = tpu.memref_slice %arg3[%select_n3A] : memref<320128xi32, #tpu.memory_space<hbm>> -> memref<128xi32, #tpu.memory_space<hbm>>
    tpu.enqueue_dma source(%dma_start3A_30 : memref<128xi32, #tpu.memory_space<hbm>>) target(%arg6 : memref<128xi32, #tpu.memory_space<vmem>>) target_semaphore(%arg11 : memref<!tpu.dma_semaphore, #tpu.memory_space<semaphore_mem>>)
    %dma_start3A_31 = arith.constant 0 : i32
    %dma_start3A_32 = tpu.memref_slice %arg2[%select_n3A_29, %dma_start3A_31] : memref<320000x128xf32, #tpu.memory_space<hbm>> -> memref<128x128xf32, #tpu.memory_space<hbm>>
    %dma_start3A_33 = arith.constant 0 : i32
    %dma_start3A_34 = tpu.memref_slice %arg2[%select_n3A_29, %dma_start3A_33] : memref<320000x128xf32, #tpu.memory_space<hbm>> -> memref<128x128xf32, #tpu.memory_space<hbm>>
    tpu.enqueue_dma source(%dma_start3A_34 : memref<128x128xf32, #tpu.memory_space<hbm>>) target(%arg8 : memref<128x128xf32, #tpu.memory_space<vmem>>) target_semaphore(%arg12 : memref<!tpu.dma_semaphore, #tpu.memory_space<semaphore_mem>>)
    %scan3A = arith.constant 0 : i32
    %scan3A_35 = arith.constant 0 : i32
    %scan3A_36 = arith.constant 39 : i32
    %scan3A_37 = arith.addi %scan3A_35, %scan3A_36 : i32
    %scan3A_38 = arith.constant 1 : i32
    scf.for %scan3A_102 = %scan3A_35 to %scan3A_37 step %scan3A_38  : i32 {
      %mul3A_103 = arith.constant 2 : i32
      %mul3A_104 = arith.muli %mul3A_103, %scan3A_102 : i32
      %mul3A_105 = arith.constant 32 : i32
      %mul3A_106 = arith.muli %mul3A_105, %mul3A_104 : i32
      %add3A_107 = arith.addi %add3A, %mul3A_106 : i32
      %lt3A_108 = arith.constant 2500 : i32
      %lt3A_109 = arith.cmpi slt, %add3A_107, %lt3A_108 : i32
      %mul3A_110 = arith.constant 128 : i32
      %mul3A_111 = arith.muli %add3A_107, %mul3A_110 : i32
      %jit3A_112 = arith.constant 320000 : i32
      %select_n3A_113 = arith.select %lt3A_109, %mul3A_111, %jit3A_112 : i32
      %mul3A_114 = arith.constant 128 : i32
      %mul3A_115 = arith.muli %add3A_107, %mul3A_114 : i32
      %jit3A_116 = arith.constant 0 : i32
      %select_n3A_117 = arith.select %lt3A_109, %mul3A_115, %jit3A_116 : i32
      %dma_wait3A_118 = tpu.memref_slice %arg3[%select_n3A_113] : memref<320128xi32, #tpu.memory_space<hbm>> -> memref<128xi32, #tpu.memory_space<hbm>>
      %dma_wait3A_119 = tpu.memref_slice %arg3[%select_n3A_113] : memref<320128xi32, #tpu.memory_space<hbm>> -> memref<128xi32, #tpu.memory_space<hbm>>
      tpu.wait_dma2 semaphore(%arg11 : memref<!tpu.dma_semaphore, #tpu.memory_space<semaphore_mem>>) src(%dma_wait3A_119 : memref<128xi32, #tpu.memory_space<hbm>>) dst(%arg6 : memref<128xi32, #tpu.memory_space<vmem>>)
      %dma_wait3A_120 = arith.constant 0 : i32
      %dma_wait3A_121 = tpu.memref_slice %arg2[%select_n3A_117, %dma_wait3A_120] : memref<320000x128xf32, #tpu.memory_space<hbm>> -> memref<128x128xf32, #tpu.memory_space<hbm>>
      %dma_wait3A_122 = arith.constant 0 : i32
      %dma_wait3A_123 = tpu.memref_slice %arg2[%select_n3A_117, %dma_wait3A_122] : memref<320000x128xf32, #tpu.memory_space<hbm>> -> memref<128x128xf32, #tpu.memory_space<hbm>>
      tpu.wait_dma2 semaphore(%arg12 : memref<!tpu.dma_semaphore, #tpu.memory_space<semaphore_mem>>) src(%dma_wait3A_123 : memref<128x128xf32, #tpu.memory_space<hbm>>) dst(%arg8 : memref<128x128xf32, #tpu.memory_space<vmem>>)
      %ge3A = arith.constant 1 : i32
      %ge3A_124 = arith.cmpi sge, %mul3A_104, %ge3A : i32
      %convert_element_type3A = arith.extui %ge3A_124 : i1 to i32
      %cond3A = arith.constant 0 : i32
      %cond3A_125 = arith.cmpi ne, %convert_element_type3A, %cond3A : i32
      scf.if %cond3A_125 {
        %dma_wait3A_174 = arith.constant 0 : i32
        %dma_wait3A_175 = arith.constant 0 : i32
        %dma_wait3A_176 = tpu.memref_slice %arg10[%dma_wait3A_174, %dma_wait3A_175] : memref<10240x128xf32, #tpu.memory_space<vmem_shared>> -> memref<10240x128xf32, #tpu.memory_space<vmem_shared>>
        tpu.wait_indirect_dma semaphore(%arg14 : memref<!tpu.dma_semaphore, #tpu.memory_space<semaphore_mem>>) src(%arg9 : memref<128x128xf32, #tpu.memory_space<vmem>>) dst(%dma_wait3A_176 : memref<10240x128xf32, #tpu.memory_space<vmem_shared>>)
      } else {
      }
      %add3A_126 = arith.constant 1 : i32
      %add3A_127 = arith.addi %mul3A_104, %add3A_126 : i32
      %lt3A_128 = arith.constant 79 : i32
      %lt3A_129 = arith.cmpi slt, %add3A_127, %lt3A_128 : i32
      %convert_element_type3A_130 = arith.extui %lt3A_129 : i1 to i32
      %cond3A_131 = arith.constant 0 : i32
      %cond3A_132 = arith.cmpi ne, %convert_element_type3A_130, %cond3A_131 : i32
      scf.if %cond3A_132 {
        %add3A_174 = arith.constant 1 : i32
        %add3A_175 = arith.addi %mul3A_104, %add3A_174 : i32
        %mul3A_176 = arith.constant 32 : i32
        %mul3A_177 = arith.muli %mul3A_176, %add3A_175 : i32
        %add3A_178 = arith.addi %add3A, %mul3A_177 : i32
        %lt3A_179 = arith.constant 2500 : i32
        %lt3A_180 = arith.cmpi slt, %add3A_178, %lt3A_179 : i32
        %mul3A_181 = arith.constant 128 : i32
        %mul3A_182 = arith.muli %add3A_178, %mul3A_181 : i32
        %jit3A_183 = arith.constant 320000 : i32
        %select_n3A_184 = arith.select %lt3A_180, %mul3A_182, %jit3A_183 : i32
        %mul3A_185 = arith.constant 128 : i32
        %mul3A_186 = arith.muli %add3A_178, %mul3A_185 : i32
        %jit3A_187 = arith.constant 0 : i32
        %select_n3A_188 = arith.select %lt3A_180, %mul3A_186, %jit3A_187 : i32
        %dma_start3A_189 = tpu.memref_slice %arg3[%select_n3A_184] : memref<320128xi32, #tpu.memory_space<hbm>> -> memref<128xi32, #tpu.memory_space<hbm>>
        %dma_start3A_190 = tpu.memref_slice %arg3[%select_n3A_184] : memref<320128xi32, #tpu.memory_space<hbm>> -> memref<128xi32, #tpu.memory_space<hbm>>
        tpu.enqueue_dma source(%dma_start3A_190 : memref<128xi32, #tpu.memory_space<hbm>>) target(%arg7 : memref<128xi32, #tpu.memory_space<vmem>>) target_semaphore(%arg11 : memref<!tpu.dma_semaphore, #tpu.memory_space<semaphore_mem>>)
        %dma_start3A_191 = arith.constant 0 : i32
        %dma_start3A_192 = tpu.memref_slice %arg2[%select_n3A_188, %dma_start3A_191] : memref<320000x128xf32, #tpu.memory_space<hbm>> -> memref<128x128xf32, #tpu.memory_space<hbm>>
        %dma_start3A_193 = arith.constant 0 : i32
        %dma_start3A_194 = tpu.memref_slice %arg2[%select_n3A_188, %dma_start3A_193] : memref<320000x128xf32, #tpu.memory_space<hbm>> -> memref<128x128xf32, #tpu.memory_space<hbm>>
        tpu.enqueue_dma source(%dma_start3A_194 : memref<128x128xf32, #tpu.memory_space<hbm>>) target(%arg9 : memref<128x128xf32, #tpu.memory_space<vmem>>) target_semaphore(%arg12 : memref<!tpu.dma_semaphore, #tpu.memory_space<semaphore_mem>>)
      } else {
      }
      %dma_start3A_133 = arith.constant 0 : i32
      %dma_start3A_134 = arith.constant 0 : i32
      %dma_start3A_135 = tpu.memref_slice %arg10[%dma_start3A_133, %dma_start3A_134] : memref<10240x128xf32, #tpu.memory_space<vmem_shared>> -> memref<10240x128xf32, #tpu.memory_space<vmem_shared>>
      tpu.enqueue_indirect_dma source(%arg8 : memref<128x128xf32, #tpu.memory_space<vmem>>) target(%dma_start3A_135 : memref<10240x128xf32, #tpu.memory_space<vmem_shared>>) offsets(%arg6 : memref<128xi32, #tpu.memory_space<vmem>>) semaphore(%arg13 : memref<!tpu.dma_semaphore, #tpu.memory_space<semaphore_mem>>) {add = true}
      %mul3A_136 = arith.constant 2 : i32
      %mul3A_137 = arith.muli %mul3A_136, %scan3A_102 : i32
      %add3A_138 = arith.constant 1 : i32
      %add3A_139 = arith.addi %mul3A_137, %add3A_138 : i32
      %mul3A_140 = arith.constant 32 : i32
      %mul3A_141 = arith.muli %mul3A_140, %add3A_139 : i32
      %add3A_142 = arith.addi %add3A, %mul3A_141 : i32
      %lt3A_143 = arith.constant 2500 : i32
      %lt3A_144 = arith.cmpi slt, %add3A_142, %lt3A_143 : i32
      %mul3A_145 = arith.constant 128 : i32
      %mul3A_146 = arith.muli %add3A_142, %mul3A_145 : i32
      %jit3A_147 = arith.constant 320000 : i32
      %select_n3A_148 = arith.select %lt3A_144, %mul3A_146, %jit3A_147 : i32
      %mul3A_149 = arith.constant 128 : i32
      %mul3A_150 = arith.muli %add3A_142, %mul3A_149 : i32
      %jit3A_151 = arith.constant 0 : i32
      %select_n3A_152 = arith.select %lt3A_144, %mul3A_150, %jit3A_151 : i32
      %dma_wait3A_153 = tpu.memref_slice %arg3[%select_n3A_148] : memref<320128xi32, #tpu.memory_space<hbm>> -> memref<128xi32, #tpu.memory_space<hbm>>
      %dma_wait3A_154 = tpu.memref_slice %arg3[%select_n3A_148] : memref<320128xi32, #tpu.memory_space<hbm>> -> memref<128xi32, #tpu.memory_space<hbm>>
      tpu.wait_dma2 semaphore(%arg11 : memref<!tpu.dma_semaphore, #tpu.memory_space<semaphore_mem>>) src(%dma_wait3A_154 : memref<128xi32, #tpu.memory_space<hbm>>) dst(%arg7 : memref<128xi32, #tpu.memory_space<vmem>>)
      %dma_wait3A_155 = arith.constant 0 : i32
      %dma_wait3A_156 = tpu.memref_slice %arg2[%select_n3A_152, %dma_wait3A_155] : memref<320000x128xf32, #tpu.memory_space<hbm>> -> memref<128x128xf32, #tpu.memory_space<hbm>>
      %dma_wait3A_157 = arith.constant 0 : i32
      %dma_wait3A_158 = tpu.memref_slice %arg2[%select_n3A_152, %dma_wait3A_157] : memref<320000x128xf32, #tpu.memory_space<hbm>> -> memref<128x128xf32, #tpu.memory_space<hbm>>
      tpu.wait_dma2 semaphore(%arg12 : memref<!tpu.dma_semaphore, #tpu.memory_space<semaphore_mem>>) src(%dma_wait3A_158 : memref<128x128xf32, #tpu.memory_space<hbm>>) dst(%arg9 : memref<128x128xf32, #tpu.memory_space<vmem>>)
      %ge3A_159 = arith.constant 1 : i32
      %ge3A_160 = arith.cmpi sge, %add3A_139, %ge3A_159 : i32
      %convert_element_type3A_161 = arith.extui %ge3A_160 : i1 to i32
      %cond3A_162 = arith.constant 0 : i32
      %cond3A_163 = arith.cmpi ne, %convert_element_type3A_161, %cond3A_162 : i32
      scf.if %cond3A_163 {
        %dma_wait3A_174 = arith.constant 0 : i32
        %dma_wait3A_175 = arith.constant 0 : i32
        %dma_wait3A_176 = tpu.memref_slice %arg10[%dma_wait3A_174, %dma_wait3A_175] : memref<10240x128xf32, #tpu.memory_space<vmem_shared>> -> memref<10240x128xf32, #tpu.memory_space<vmem_shared>>
        tpu.wait_indirect_dma semaphore(%arg13 : memref<!tpu.dma_semaphore, #tpu.memory_space<semaphore_mem>>) src(%arg8 : memref<128x128xf32, #tpu.memory_space<vmem>>) dst(%dma_wait3A_176 : memref<10240x128xf32, #tpu.memory_space<vmem_shared>>)
      } else {
      }
      %add3A_164 = arith.constant 1 : i32
      %add3A_165 = arith.addi %add3A_139, %add3A_164 : i32
      %lt3A_166 = arith.constant 79 : i32
      %lt3A_167 = arith.cmpi slt, %add3A_165, %lt3A_166 : i32
      %convert_element_type3A_168 = arith.extui %lt3A_167 : i1 to i32
      %cond3A_169 = arith.constant 0 : i32
      %cond3A_170 = arith.cmpi ne, %convert_element_type3A_168, %cond3A_169 : i32
      scf.if %cond3A_170 {
        %add3A_174 = arith.constant 1 : i32
        %add3A_175 = arith.addi %add3A_139, %add3A_174 : i32
        %mul3A_176 = arith.constant 32 : i32
        %mul3A_177 = arith.muli %mul3A_176, %add3A_175 : i32
        %add3A_178 = arith.addi %add3A, %mul3A_177 : i32
        %lt3A_179 = arith.constant 2500 : i32
        %lt3A_180 = arith.cmpi slt, %add3A_178, %lt3A_179 : i32
        %mul3A_181 = arith.constant 128 : i32
        %mul3A_182 = arith.muli %add3A_178, %mul3A_181 : i32
        %jit3A_183 = arith.constant 320000 : i32
        %select_n3A_184 = arith.select %lt3A_180, %mul3A_182, %jit3A_183 : i32
        %mul3A_185 = arith.constant 128 : i32
        %mul3A_186 = arith.muli %add3A_178, %mul3A_185 : i32
        %jit3A_187 = arith.constant 0 : i32
        %select_n3A_188 = arith.select %lt3A_180, %mul3A_186, %jit3A_187 : i32
        %dma_start3A_189 = tpu.memref_slice %arg3[%select_n3A_184] : memref<320128xi32, #tpu.memory_space<hbm>> -> memref<128xi32, #tpu.memory_space<hbm>>
        %dma_start3A_190 = tpu.memref_slice %arg3[%select_n3A_184] : memref<320128xi32, #tpu.memory_space<hbm>> -> memref<128xi32, #tpu.memory_space<hbm>>
        tpu.enqueue_dma source(%dma_start3A_190 : memref<128xi32, #tpu.memory_space<hbm>>) target(%arg6 : memref<128xi32, #tpu.memory_space<vmem>>) target_semaphore(%arg11 : memref<!tpu.dma_semaphore, #tpu.memory_space<semaphore_mem>>)
        %dma_start3A_191 = arith.constant 0 : i32
        %dma_start3A_192 = tpu.memref_slice %arg2[%select_n3A_188, %dma_start3A_191] : memref<320000x128xf32, #tpu.memory_space<hbm>> -> memref<128x128xf32, #tpu.memory_space<hbm>>
        %dma_start3A_193 = arith.constant 0 : i32
        %dma_start3A_194 = tpu.memref_slice %arg2[%select_n3A_188, %dma_start3A_193] : memref<320000x128xf32, #tpu.memory_space<hbm>> -> memref<128x128xf32, #tpu.memory_space<hbm>>
        tpu.enqueue_dma source(%dma_start3A_194 : memref<128x128xf32, #tpu.memory_space<hbm>>) target(%arg8 : memref<128x128xf32, #tpu.memory_space<vmem>>) target_semaphore(%arg12 : memref<!tpu.dma_semaphore, #tpu.memory_space<semaphore_mem>>)
      } else {
      }
      %dma_start3A_171 = arith.constant 0 : i32
      %dma_start3A_172 = arith.constant 0 : i32
      %dma_start3A_173 = tpu.memref_slice %arg10[%dma_start3A_171, %dma_start3A_172] : memref<10240x128xf32, #tpu.memory_space<vmem_shared>> -> memref<10240x128xf32, #tpu.memory_space<vmem_shared>>
      tpu.enqueue_indirect_dma source(%arg9 : memref<128x128xf32, #tpu.memory_space<vmem>>) target(%dma_start3A_173 : memref<10240x128xf32, #tpu.memory_space<vmem_shared>>) offsets(%arg7 : memref<128xi32, #tpu.memory_space<vmem>>) semaphore(%arg14 : memref<!tpu.dma_semaphore, #tpu.memory_space<semaphore_mem>>) {add = true}
    }
    %scan3A_39 = arith.constant 39 : i32
    %add3A_40 = arith.constant 2496 : i32
    %add3A_41 = arith.addi %add3A, %add3A_40 : i32
    %lt3A_42 = arith.constant 2500 : i32
    %lt3A_43 = arith.cmpi slt, %add3A_41, %lt3A_42 : i32
    %mul3A_44 = arith.constant 128 : i32
    %mul3A_45 = arith.muli %add3A_41, %mul3A_44 : i32
    %jit3A_46 = arith.constant 320000 : i32
    %select_n3A_47 = arith.select %lt3A_43, %mul3A_45, %jit3A_46 : i32
    %mul3A_48 = arith.constant 128 : i32
    %mul3A_49 = arith.muli %add3A_41, %mul3A_48 : i32
    %jit3A_50 = arith.constant 0 : i32
    %select_n3A_51 = arith.select %lt3A_43, %mul3A_49, %jit3A_50 : i32
    %dma_wait3A = tpu.memref_slice %arg3[%select_n3A_47] : memref<320128xi32, #tpu.memory_space<hbm>> -> memref<128xi32, #tpu.memory_space<hbm>>
    %dma_wait3A_52 = tpu.memref_slice %arg3[%select_n3A_47] : memref<320128xi32, #tpu.memory_space<hbm>> -> memref<128xi32, #tpu.memory_space<hbm>>
    tpu.wait_dma2 semaphore(%arg11 : memref<!tpu.dma_semaphore, #tpu.memory_space<semaphore_mem>>) src(%dma_wait3A_52 : memref<128xi32, #tpu.memory_space<hbm>>) dst(%arg6 : memref<128xi32, #tpu.memory_space<vmem>>)
    %dma_wait3A_53 = arith.constant 0 : i32
    %dma_wait3A_54 = tpu.memref_slice %arg2[%select_n3A_51, %dma_wait3A_53] : memref<320000x128xf32, #tpu.memory_space<hbm>> -> memref<128x128xf32, #tpu.memory_space<hbm>>
    %dma_wait3A_55 = arith.constant 0 : i32
    %dma_wait3A_56 = tpu.memref_slice %arg2[%select_n3A_51, %dma_wait3A_55] : memref<320000x128xf32, #tpu.memory_space<hbm>> -> memref<128x128xf32, #tpu.memory_space<hbm>>
    tpu.wait_dma2 semaphore(%arg12 : memref<!tpu.dma_semaphore, #tpu.memory_space<semaphore_mem>>) src(%dma_wait3A_56 : memref<128x128xf32, #tpu.memory_space<hbm>>) dst(%arg8 : memref<128x128xf32, #tpu.memory_space<vmem>>)
    %dma_wait3A_57 = arith.constant 0 : i32
    %dma_wait3A_58 = arith.constant 0 : i32
    %dma_wait3A_59 = tpu.memref_slice %arg10[%dma_wait3A_57, %dma_wait3A_58] : memref<10240x128xf32, #tpu.memory_space<vmem_shared>> -> memref<10240x128xf32, #tpu.memory_space<vmem_shared>>
    tpu.wait_indirect_dma semaphore(%arg14 : memref<!tpu.dma_semaphore, #tpu.memory_space<semaphore_mem>>) src(%arg9 : memref<128x128xf32, #tpu.memory_space<vmem>>) dst(%dma_wait3A_59 : memref<10240x128xf32, #tpu.memory_space<vmem_shared>>)
    %dma_start3A_60 = arith.constant 0 : i32
    %dma_start3A_61 = arith.constant 0 : i32
    %dma_start3A_62 = tpu.memref_slice %arg10[%dma_start3A_60, %dma_start3A_61] : memref<10240x128xf32, #tpu.memory_space<vmem_shared>> -> memref<10240x128xf32, #tpu.memory_space<vmem_shared>>
    tpu.enqueue_indirect_dma source(%arg8 : memref<128x128xf32, #tpu.memory_space<vmem>>) target(%dma_start3A_62 : memref<10240x128xf32, #tpu.memory_space<vmem_shared>>) offsets(%arg6 : memref<128xi32, #tpu.memory_space<vmem>>) semaphore(%arg13 : memref<!tpu.dma_semaphore, #tpu.memory_space<semaphore_mem>>) {add = true}
    %dma_wait3A_63 = arith.constant 0 : i32
    %dma_wait3A_64 = arith.constant 0 : i32
    %dma_wait3A_65 = tpu.memref_slice %arg10[%dma_wait3A_63, %dma_wait3A_64] : memref<10240x128xf32, #tpu.memory_space<vmem_shared>> -> memref<10240x128xf32, #tpu.memory_space<vmem_shared>>
    tpu.wait_indirect_dma semaphore(%arg13 : memref<!tpu.dma_semaphore, #tpu.memory_space<semaphore_mem>>) src(%arg8 : memref<128x128xf32, #tpu.memory_space<vmem>>) dst(%dma_wait3A_65 : memref<10240x128xf32, #tpu.memory_space<vmem_shared>>)
    %barrier3A_66 = arith.constant 0 : index
    tpu.barrier barrier_id(%barrier3A_66)
    %mul3A_67 = arith.constant 640 : i32
    %mul3A_68 = arith.muli %arg1, %mul3A_67 : i32
    %add3A_69 = arith.constant 0 : i32
    %add3A_70 = arith.addi %mul3A_68, %add3A_69 : i32
    "tpu.region"() ({
      %run_scoped3A = tpu.sem_alloc : memref<!tpu.dma_semaphore, #tpu.memory_space<semaphore_mem>>
      %dma_start3A_102 = arith.constant 0 : i32
      %dma_start3A_103 = tpu.memref_slice %arg10[%add3A_70, %dma_start3A_102] : memref<10240x128xf32, #tpu.memory_space<vmem_shared>> -> memref<128x128xf32, #tpu.memory_space<vmem_shared>>
      %dma_start3A_104 = arith.constant 0 : i32
      %dma_start3A_105 = tpu.memref_slice %arg10[%add3A_70, %dma_start3A_104] : memref<10240x128xf32, #tpu.memory_space<vmem_shared>> -> memref<128x128xf32, #tpu.memory_space<vmem_shared>>
      tpu.enqueue_dma source(%dma_start3A_105 : memref<128x128xf32, #tpu.memory_space<vmem_shared>>) target(%arg8 : memref<128x128xf32, #tpu.memory_space<vmem>>) target_semaphore(%run_scoped3A : memref<!tpu.dma_semaphore, #tpu.memory_space<semaphore_mem>>)
      %dma_wait3A_106 = arith.constant 0 : i32
      %dma_wait3A_107 = tpu.memref_slice %arg10[%add3A_70, %dma_wait3A_106] : memref<10240x128xf32, #tpu.memory_space<vmem_shared>> -> memref<128x128xf32, #tpu.memory_space<vmem_shared>>
      %dma_wait3A_108 = arith.constant 0 : i32
      %dma_wait3A_109 = tpu.memref_slice %arg10[%add3A_70, %dma_wait3A_108] : memref<10240x128xf32, #tpu.memory_space<vmem_shared>> -> memref<128x128xf32, #tpu.memory_space<vmem_shared>>
      tpu.wait_dma2 semaphore(%run_scoped3A : memref<!tpu.dma_semaphore, #tpu.memory_space<semaphore_mem>>) src(%dma_wait3A_109 : memref<128x128xf32, #tpu.memory_space<vmem_shared>>) dst(%arg8 : memref<128x128xf32, #tpu.memory_space<vmem>>)
      tpu.yield
    }) : () -> ()
    %mul3A_71 = arith.constant 10240 : i32
    %mul3A_72 = arith.muli %arg0, %mul3A_71 : i32
    %add3A_73 = arith.addi %mul3A_72, %add3A_70 : i32
    "tpu.region"() ({
      %run_scoped3A = tpu.sem_alloc : memref<!tpu.dma_semaphore, #tpu.memory_space<semaphore_mem>>
      %dma_start3A_102 = arith.constant 0 : i32
      %dma_start3A_103 = tpu.memref_slice %arg5[%add3A_73, %dma_start3A_102] : memref<20480x128xf32, #tpu.memory_space<hbm>> -> memref<128x128xf32, #tpu.memory_space<hbm>>
      %dma_start3A_104 = arith.constant 0 : i32
      %dma_start3A_105 = tpu.memref_slice %arg5[%add3A_73, %dma_start3A_104] : memref<20480x128xf32, #tpu.memory_space<hbm>> -> memref<128x128xf32, #tpu.memory_space<hbm>>
      tpu.enqueue_dma source(%arg8 : memref<128x128xf32, #tpu.memory_space<vmem>>) target(%dma_start3A_105 : memref<128x128xf32, #tpu.memory_space<hbm>>) target_semaphore(%run_scoped3A : memref<!tpu.dma_semaphore, #tpu.memory_space<semaphore_mem>>)
      %dma_wait3A_106 = arith.constant 0 : i32
      %dma_wait3A_107 = tpu.memref_slice %arg5[%add3A_73, %dma_wait3A_106] : memref<20480x128xf32, #tpu.memory_space<hbm>> -> memref<128x128xf32, #tpu.memory_space<hbm>>
      %dma_wait3A_108 = arith.constant 0 : i32
      %dma_wait3A_109 = tpu.memref_slice %arg5[%add3A_73, %dma_wait3A_108] : memref<20480x128xf32, #tpu.memory_space<hbm>> -> memref<128x128xf32, #tpu.memory_space<hbm>>
      tpu.wait_dma2 semaphore(%run_scoped3A : memref<!tpu.dma_semaphore, #tpu.memory_space<semaphore_mem>>) src(%arg8 : memref<128x128xf32, #tpu.memory_space<vmem>>) dst(%dma_wait3A_109 : memref<128x128xf32, #tpu.memory_space<hbm>>)
      tpu.yield
    }) : () -> ()
    %mul3A_74 = arith.constant 640 : i32
    %mul3A_75 = arith.muli %arg1, %mul3A_74 : i32
    %add3A_76 = arith.constant 128 : i32
    %add3A_77 = arith.addi %mul3A_75, %add3A_76 : i32
    "tpu.region"() ({
      %run_scoped3A = tpu.sem_alloc : memref<!tpu.dma_semaphore, #tpu.memory_space<semaphore_mem>>
      %dma_start3A_102 = arith.constant 0 : i32
      %dma_start3A_103 = tpu.memref_slice %arg10[%add3A_77, %dma_start3A_102] : memref<10240x128xf32, #tpu.memory_space<vmem_shared>> -> memref<128x128xf32, #tpu.memory_space<vmem_shared>>
      %dma_start3A_104 = arith.constant 0 : i32
      %dma_start3A_105 = tpu.memref_slice %arg10[%add3A_77, %dma_start3A_104] : memref<10240x128xf32, #tpu.memory_space<vmem_shared>> -> memref<128x128xf32, #tpu.memory_space<vmem_shared>>
      tpu.enqueue_dma source(%dma_start3A_105 : memref<128x128xf32, #tpu.memory_space<vmem_shared>>) target(%arg8 : memref<128x128xf32, #tpu.memory_space<vmem>>) target_semaphore(%run_scoped3A : memref<!tpu.dma_semaphore, #tpu.memory_space<semaphore_mem>>)
      %dma_wait3A_106 = arith.constant 0 : i32
      %dma_wait3A_107 = tpu.memref_slice %arg10[%add3A_77, %dma_wait3A_106] : memref<10240x128xf32, #tpu.memory_space<vmem_shared>> -> memref<128x128xf32, #tpu.memory_space<vmem_shared>>
      %dma_wait3A_108 = arith.constant 0 : i32
      %dma_wait3A_109 = tpu.memref_slice %arg10[%add3A_77, %dma_wait3A_108] : memref<10240x128xf32, #tpu.memory_space<vmem_shared>> -> memref<128x128xf32, #tpu.memory_space<vmem_shared>>
      tpu.wait_dma2 semaphore(%run_scoped3A : memref<!tpu.dma_semaphore, #tpu.memory_space<semaphore_mem>>) src(%dma_wait3A_109 : memref<128x128xf32, #tpu.memory_space<vmem_shared>>) dst(%arg8 : memref<128x128xf32, #tpu.memory_space<vmem>>)
      tpu.yield
    }) : () -> ()
    %mul3A_78 = arith.constant 10240 : i32
    %mul3A_79 = arith.muli %arg0, %mul3A_78 : i32
    %add3A_80 = arith.addi %mul3A_79, %add3A_77 : i32
    "tpu.region"() ({
      %run_scoped3A = tpu.sem_alloc : memref<!tpu.dma_semaphore, #tpu.memory_space<semaphore_mem>>
      %dma_start3A_102 = arith.constant 0 : i32
      %dma_start3A_103 = tpu.memref_slice %arg5[%add3A_80, %dma_start3A_102] : memref<20480x128xf32, #tpu.memory_space<hbm>> -> memref<128x128xf32, #tpu.memory_space<hbm>>
      %dma_start3A_104 = arith.constant 0 : i32
      %dma_start3A_105 = tpu.memref_slice %arg5[%add3A_80, %dma_start3A_104] : memref<20480x128xf32, #tpu.memory_space<hbm>> -> memref<128x128xf32, #tpu.memory_space<hbm>>
      tpu.enqueue_dma source(%arg8 : memref<128x128xf32, #tpu.memory_space<vmem>>) target(%dma_start3A_105 : memref<128x128xf32, #tpu.memory_space<hbm>>) target_semaphore(%run_scoped3A : memref<!tpu.dma_semaphore, #tpu.memory_space<semaphore_mem>>)
      %dma_wait3A_106 = arith.constant 0 : i32
      %dma_wait3A_107 = tpu.memref_slice %arg5[%add3A_80, %dma_wait3A_106] : memref<20480x128xf32, #tpu.memory_space<hbm>> -> memref<128x128xf32, #tpu.memory_space<hbm>>
      %dma_wait3A_108 = arith.constant 0 : i32
      %dma_wait3A_109 = tpu.memref_slice %arg5[%add3A_80, %dma_wait3A_108] : memref<20480x128xf32, #tpu.memory_space<hbm>> -> memref<128x128xf32, #tpu.memory_space<hbm>>
      tpu.wait_dma2 semaphore(%run_scoped3A : memref<!tpu.dma_semaphore, #tpu.memory_space<semaphore_mem>>) src(%arg8 : memref<128x128xf32, #tpu.memory_space<vmem>>) dst(%dma_wait3A_109 : memref<128x128xf32, #tpu.memory_space<hbm>>)
      tpu.yield
    }) : () -> ()
    %mul3A_81 = arith.constant 640 : i32
    %mul3A_82 = arith.muli %arg1, %mul3A_81 : i32
    %add3A_83 = arith.constant 256 : i32
    %add3A_84 = arith.addi %mul3A_82, %add3A_83 : i32
    "tpu.region"() ({
      %run_scoped3A = tpu.sem_alloc : memref<!tpu.dma_semaphore, #tpu.memory_space<semaphore_mem>>
      %dma_start3A_102 = arith.constant 0 : i32
      %dma_start3A_103 = tpu.memref_slice %arg10[%add3A_84, %dma_start3A_102] : memref<10240x128xf32, #tpu.memory_space<vmem_shared>> -> memref<128x128xf32, #tpu.memory_space<vmem_shared>>
      %dma_start3A_104 = arith.constant 0 : i32
      %dma_start3A_105 = tpu.memref_slice %arg10[%add3A_84, %dma_start3A_104] : memref<10240x128xf32, #tpu.memory_space<vmem_shared>> -> memref<128x128xf32, #tpu.memory_space<vmem_shared>>
      tpu.enqueue_dma source(%dma_start3A_105 : memref<128x128xf32, #tpu.memory_space<vmem_shared>>) target(%arg8 : memref<128x128xf32, #tpu.memory_space<vmem>>) target_semaphore(%run_scoped3A : memref<!tpu.dma_semaphore, #tpu.memory_space<semaphore_mem>>)
      %dma_wait3A_106 = arith.constant 0 : i32
      %dma_wait3A_107 = tpu.memref_slice %arg10[%add3A_84, %dma_wait3A_106] : memref<10240x128xf32, #tpu.memory_space<vmem_shared>> -> memref<128x128xf32, #tpu.memory_space<vmem_shared>>
      %dma_wait3A_108 = arith.constant 0 : i32
      %dma_wait3A_109 = tpu.memref_slice %arg10[%add3A_84, %dma_wait3A_108] : memref<10240x128xf32, #tpu.memory_space<vmem_shared>> -> memref<128x128xf32, #tpu.memory_space<vmem_shared>>
      tpu.wait_dma2 semaphore(%run_scoped3A : memref<!tpu.dma_semaphore, #tpu.memory_space<semaphore_mem>>) src(%dma_wait3A_109 : memref<128x128xf32, #tpu.memory_space<vmem_shared>>) dst(%arg8 : memref<128x128xf32, #tpu.memory_space<vmem>>)
      tpu.yield
    }) : () -> ()
    %mul3A_85 = arith.constant 10240 : i32
    %mul3A_86 = arith.muli %arg0, %mul3A_85 : i32
    %add3A_87 = arith.addi %mul3A_86, %add3A_84 : i32
    "tpu.region"() ({
      %run_scoped3A = tpu.sem_alloc : memref<!tpu.dma_semaphore, #tpu.memory_space<semaphore_mem>>
      %dma_start3A_102 = arith.constant 0 : i32
      %dma_start3A_103 = tpu.memref_slice %arg5[%add3A_87, %dma_start3A_102] : memref<20480x128xf32, #tpu.memory_space<hbm>> -> memref<128x128xf32, #tpu.memory_space<hbm>>
      %dma_start3A_104 = arith.constant 0 : i32
      %dma_start3A_105 = tpu.memref_slice %arg5[%add3A_87, %dma_start3A_104] : memref<20480x128xf32, #tpu.memory_space<hbm>> -> memref<128x128xf32, #tpu.memory_space<hbm>>
      tpu.enqueue_dma source(%arg8 : memref<128x128xf32, #tpu.memory_space<vmem>>) target(%dma_start3A_105 : memref<128x128xf32, #tpu.memory_space<hbm>>) target_semaphore(%run_scoped3A : memref<!tpu.dma_semaphore, #tpu.memory_space<semaphore_mem>>)
      %dma_wait3A_106 = arith.constant 0 : i32
      %dma_wait3A_107 = tpu.memref_slice %arg5[%add3A_87, %dma_wait3A_106] : memref<20480x128xf32, #tpu.memory_space<hbm>> -> memref<128x128xf32, #tpu.memory_space<hbm>>
      %dma_wait3A_108 = arith.constant 0 : i32
      %dma_wait3A_109 = tpu.memref_slice %arg5[%add3A_87, %dma_wait3A_108] : memref<20480x128xf32, #tpu.memory_space<hbm>> -> memref<128x128xf32, #tpu.memory_space<hbm>>
      tpu.wait_dma2 semaphore(%run_scoped3A : memref<!tpu.dma_semaphore, #tpu.memory_space<semaphore_mem>>) src(%arg8 : memref<128x128xf32, #tpu.memory_space<vmem>>) dst(%dma_wait3A_109 : memref<128x128xf32, #tpu.memory_space<hbm>>)
      tpu.yield
    }) : () -> ()
    %mul3A_88 = arith.constant 640 : i32
    %mul3A_89 = arith.muli %arg1, %mul3A_88 : i32
    %add3A_90 = arith.constant 384 : i32
    %add3A_91 = arith.addi %mul3A_89, %add3A_90 : i32
    "tpu.region"() ({
      %run_scoped3A = tpu.sem_alloc : memref<!tpu.dma_semaphore, #tpu.memory_space<semaphore_mem>>
      %dma_start3A_102 = arith.constant 0 : i32
      %dma_start3A_103 = tpu.memref_slice %arg10[%add3A_91, %dma_start3A_102] : memref<10240x128xf32, #tpu.memory_space<vmem_shared>> -> memref<128x128xf32, #tpu.memory_space<vmem_shared>>
      %dma_start3A_104 = arith.constant 0 : i32
      %dma_start3A_105 = tpu.memref_slice %arg10[%add3A_91, %dma_start3A_104] : memref<10240x128xf32, #tpu.memory_space<vmem_shared>> -> memref<128x128xf32, #tpu.memory_space<vmem_shared>>
      tpu.enqueue_dma source(%dma_start3A_105 : memref<128x128xf32, #tpu.memory_space<vmem_shared>>) target(%arg8 : memref<128x128xf32, #tpu.memory_space<vmem>>) target_semaphore(%run_scoped3A : memref<!tpu.dma_semaphore, #tpu.memory_space<semaphore_mem>>)
      %dma_wait3A_106 = arith.constant 0 : i32
      %dma_wait3A_107 = tpu.memref_slice %arg10[%add3A_91, %dma_wait3A_106] : memref<10240x128xf32, #tpu.memory_space<vmem_shared>> -> memref<128x128xf32, #tpu.memory_space<vmem_shared>>
      %dma_wait3A_108 = arith.constant 0 : i32
      %dma_wait3A_109 = tpu.memref_slice %arg10[%add3A_91, %dma_wait3A_108] : memref<10240x128xf32, #tpu.memory_space<vmem_shared>> -> memref<128x128xf32, #tpu.memory_space<vmem_shared>>
      tpu.wait_dma2 semaphore(%run_scoped3A : memref<!tpu.dma_semaphore, #tpu.memory_space<semaphore_mem>>) src(%dma_wait3A_109 : memref<128x128xf32, #tpu.memory_space<vmem_shared>>) dst(%arg8 : memref<128x128xf32, #tpu.memory_space<vmem>>)
      tpu.yield
    }) : () -> ()
    %mul3A_92 = arith.constant 10240 : i32
    %mul3A_93 = arith.muli %arg0, %mul3A_92 : i32
    %add3A_94 = arith.addi %mul3A_93, %add3A_91 : i32
    "tpu.region"() ({
      %run_scoped3A = tpu.sem_alloc : memref<!tpu.dma_semaphore, #tpu.memory_space<semaphore_mem>>
      %dma_start3A_102 = arith.constant 0 : i32
      %dma_start3A_103 = tpu.memref_slice %arg5[%add3A_94, %dma_start3A_102] : memref<20480x128xf32, #tpu.memory_space<hbm>> -> memref<128x128xf32, #tpu.memory_space<hbm>>
      %dma_start3A_104 = arith.constant 0 : i32
      %dma_start3A_105 = tpu.memref_slice %arg5[%add3A_94, %dma_start3A_104] : memref<20480x128xf32, #tpu.memory_space<hbm>> -> memref<128x128xf32, #tpu.memory_space<hbm>>
      tpu.enqueue_dma source(%arg8 : memref<128x128xf32, #tpu.memory_space<vmem>>) target(%dma_start3A_105 : memref<128x128xf32, #tpu.memory_space<hbm>>) target_semaphore(%run_scoped3A : memref<!tpu.dma_semaphore, #tpu.memory_space<semaphore_mem>>)
      %dma_wait3A_106 = arith.constant 0 : i32
      %dma_wait3A_107 = tpu.memref_slice %arg5[%add3A_94, %dma_wait3A_106] : memref<20480x128xf32, #tpu.memory_space<hbm>> -> memref<128x128xf32, #tpu.memory_space<hbm>>
      %dma_wait3A_108 = arith.constant 0 : i32
      %dma_wait3A_109 = tpu.memref_slice %arg5[%add3A_94, %dma_wait3A_108] : memref<20480x128xf32, #tpu.memory_space<hbm>> -> memref<128x128xf32, #tpu.memory_space<hbm>>
      tpu.wait_dma2 semaphore(%run_scoped3A : memref<!tpu.dma_semaphore, #tpu.memory_space<semaphore_mem>>) src(%arg8 : memref<128x128xf32, #tpu.memory_space<vmem>>) dst(%dma_wait3A_109 : memref<128x128xf32, #tpu.memory_space<hbm>>)
      tpu.yield
    }) : () -> ()
    %mul3A_95 = arith.constant 640 : i32
    %mul3A_96 = arith.muli %arg1, %mul3A_95 : i32
    %add3A_97 = arith.constant 512 : i32
    %add3A_98 = arith.addi %mul3A_96, %add3A_97 : i32
    "tpu.region"() ({
      %run_scoped3A = tpu.sem_alloc : memref<!tpu.dma_semaphore, #tpu.memory_space<semaphore_mem>>
      %dma_start3A_102 = arith.constant 0 : i32
      %dma_start3A_103 = tpu.memref_slice %arg10[%add3A_98, %dma_start3A_102] : memref<10240x128xf32, #tpu.memory_space<vmem_shared>> -> memref<128x128xf32, #tpu.memory_space<vmem_shared>>
      %dma_start3A_104 = arith.constant 0 : i32
      %dma_start3A_105 = tpu.memref_slice %arg10[%add3A_98, %dma_start3A_104] : memref<10240x128xf32, #tpu.memory_space<vmem_shared>> -> memref<128x128xf32, #tpu.memory_space<vmem_shared>>
      tpu.enqueue_dma source(%dma_start3A_105 : memref<128x128xf32, #tpu.memory_space<vmem_shared>>) target(%arg8 : memref<128x128xf32, #tpu.memory_space<vmem>>) target_semaphore(%run_scoped3A : memref<!tpu.dma_semaphore, #tpu.memory_space<semaphore_mem>>)
      %dma_wait3A_106 = arith.constant 0 : i32
      %dma_wait3A_107 = tpu.memref_slice %arg10[%add3A_98, %dma_wait3A_106] : memref<10240x128xf32, #tpu.memory_space<vmem_shared>> -> memref<128x128xf32, #tpu.memory_space<vmem_shared>>
      %dma_wait3A_108 = arith.constant 0 : i32
      %dma_wait3A_109 = tpu.memref_slice %arg10[%add3A_98, %dma_wait3A_108] : memref<10240x128xf32, #tpu.memory_space<vmem_shared>> -> memref<128x128xf32, #tpu.memory_space<vmem_shared>>
      tpu.wait_dma2 semaphore(%run_scoped3A : memref<!tpu.dma_semaphore, #tpu.memory_space<semaphore_mem>>) src(%dma_wait3A_109 : memref<128x128xf32, #tpu.memory_space<vmem_shared>>) dst(%arg8 : memref<128x128xf32, #tpu.memory_space<vmem>>)
      tpu.yield
    }) : () -> ()
    %mul3A_99 = arith.constant 10240 : i32
    %mul3A_100 = arith.muli %arg0, %mul3A_99 : i32
    %add3A_101 = arith.addi %mul3A_100, %add3A_98 : i32
    "tpu.region"() ({
      %run_scoped3A = tpu.sem_alloc : memref<!tpu.dma_semaphore, #tpu.memory_space<semaphore_mem>>
      %dma_start3A_102 = arith.constant 0 : i32
      %dma_start3A_103 = tpu.memref_slice %arg5[%add3A_101, %dma_start3A_102] : memref<20480x128xf32, #tpu.memory_space<hbm>> -> memref<128x128xf32, #tpu.memory_space<hbm>>
      %dma_start3A_104 = arith.constant 0 : i32
      %dma_start3A_105 = tpu.memref_slice %arg5[%add3A_101, %dma_start3A_104] : memref<20480x128xf32, #tpu.memory_space<hbm>> -> memref<128x128xf32, #tpu.memory_space<hbm>>
      tpu.enqueue_dma source(%arg8 : memref<128x128xf32, #tpu.memory_space<vmem>>) target(%dma_start3A_105 : memref<128x128xf32, #tpu.memory_space<hbm>>) target_semaphore(%run_scoped3A : memref<!tpu.dma_semaphore, #tpu.memory_space<semaphore_mem>>)
      %dma_wait3A_106 = arith.constant 0 : i32
      %dma_wait3A_107 = tpu.memref_slice %arg5[%add3A_101, %dma_wait3A_106] : memref<20480x128xf32, #tpu.memory_space<hbm>> -> memref<128x128xf32, #tpu.memory_space<hbm>>
      %dma_wait3A_108 = arith.constant 0 : i32
      %dma_wait3A_109 = tpu.memref_slice %arg5[%add3A_101, %dma_wait3A_108] : memref<20480x128xf32, #tpu.memory_space<hbm>> -> memref<128x128xf32, #tpu.memory_space<hbm>>
      tpu.wait_dma2 semaphore(%run_scoped3A : memref<!tpu.dma_semaphore, #tpu.memory_space<semaphore_mem>>) src(%arg8 : memref<128x128xf32, #tpu.memory_space<vmem>>) dst(%dma_wait3A_109 : memref<128x128xf32, #tpu.memory_space<hbm>>)
      tpu.yield
    }) : () -> ()
    return
  }
}

module attributes {stable_mosaic.version = 14 : i64} {
  func.func @_prep_body(%arg0: memref<16x16xf32, #tpu.memory_space<vmem>>, %arg1: memref<16x128xf32, #tpu.memory_space<vmem>>, %arg2: memref<1x128xf32, #tpu.memory_space<vmem>>, %arg3: memref<128x128xf32, #tpu.memory_space<vmem>>, %arg4: memref<1x128xf32, #tpu.memory_space<vmem>>, %arg5: memref<128x128xf32, #tpu.memory_space<vmem>>, %arg6: memref<128x128xf32, #tpu.memory_space<vmem>>, %arg7: memref<128x128xf32, #tpu.memory_space<vmem>>, %arg8: memref<128x128xf32, #tpu.memory_space<vmem>>, %arg9: memref<16x128xf32, #tpu.memory_space<vmem>>, %arg10: memref<16x128xf32, #tpu.memory_space<vmem>>, %arg11: memref<16x128xf32, #tpu.memory_space<vmem>>, %arg12: memref<16x128xf32, #tpu.memory_space<vmem>>) attributes {dimension_semantics = [], scalar_prefetch = 0 : i64, scratch_operands = 0 : i64, tpu.core_type = #tpu.core_type<tc>} {
    %get3A = arith.constant 0 : index
    %get3A_0 = arith.constant 0 : index
    %get3A_1 = vector.load %arg0[%get3A, %get3A_0] : memref<16x16xf32, #tpu.memory_space<vmem>>, vector<16x16xf32>
    %get3A_2 = arith.constant 0 : index
    %get3A_3 = arith.constant 0 : index
    %get3A_4 = vector.load %arg1[%get3A_2, %get3A_3] : memref<16x128xf32, #tpu.memory_space<vmem>>, vector<16x128xf32>
    %dot_general3A = arith.constant dense<0.000000e+00> : vector<16x128xf32>
    %dot_general3A_5 = tpu.matmul %get3A_1, %get3A_4, %dot_general3A {dimension_numbers = #tpu.dot_dimension_numbers<[1], [0], [0], [1], [0, 0, 1, 1], [], []>, transpose_lhs_hint = false} : vector<16x16xf32>, vector<16x128xf32>, vector<16x128xf32> -> vector<16x128xf32>
    %get3A_6 = arith.constant 0 : index
    %get3A_7 = arith.constant 0 : index
    %get3A_8 = vector.load %arg2[%get3A_6, %get3A_7] : memref<1x128xf32, #tpu.memory_space<vmem>>, vector<1x128xf32>
    %add3A = vector.broadcast %get3A_8 : vector<1x128xf32> to vector<16x128xf32>
    %add3A_9 = arith.addf %dot_general3A_5, %add3A : vector<16x128xf32>
    %max3A = arith.constant 0.000000e+00 : f32
    %max3A_10 = vector.broadcast %max3A : f32 to vector<16x128xf32>
    %max3A_11 = arith.maximumf %add3A_9, %max3A_10 : vector<16x128xf32>
    %get3A_12 = arith.constant 0 : index
    %get3A_13 = arith.constant 0 : index
    %get3A_14 = vector.load %arg3[%get3A_12, %get3A_13] : memref<128x128xf32, #tpu.memory_space<vmem>>, vector<128x128xf32>
    %dot_general3A_15 = arith.constant dense<0.000000e+00> : vector<16x128xf32>
    %dot_general3A_16 = tpu.matmul %max3A_11, %get3A_14, %dot_general3A_15 {dimension_numbers = #tpu.dot_dimension_numbers<[1], [0], [0], [1], [0, 0, 1, 1], [], []>, transpose_lhs_hint = false} : vector<16x128xf32>, vector<128x128xf32>, vector<16x128xf32> -> vector<16x128xf32>
    %get3A_17 = arith.constant 0 : index
    %get3A_18 = arith.constant 0 : index
    %get3A_19 = vector.load %arg4[%get3A_17, %get3A_18] : memref<1x128xf32, #tpu.memory_space<vmem>>, vector<1x128xf32>
    %add3A_20 = vector.broadcast %get3A_19 : vector<1x128xf32> to vector<16x128xf32>
    %add3A_21 = arith.addf %dot_general3A_16, %add3A_20 : vector<16x128xf32>
    %get3A_22 = arith.constant 0 : index
    %get3A_23 = arith.constant 0 : index
    %get3A_24 = vector.load %arg5[%get3A_22, %get3A_23] : memref<128x128xf32, #tpu.memory_space<vmem>>, vector<128x128xf32>
    %dot_general3A_25 = arith.constant dense<0.000000e+00> : vector<16x128xf32>
    %dot_general3A_26 = tpu.matmul %add3A_21, %get3A_24, %dot_general3A_25 {dimension_numbers = #tpu.dot_dimension_numbers<[1], [0], [0], [1], [0, 0, 1, 1], [], []>, transpose_lhs_hint = false} : vector<16x128xf32>, vector<128x128xf32>, vector<16x128xf32> -> vector<16x128xf32>
    %swap3A = arith.constant 0 : index
    %swap3A_27 = arith.constant 0 : index
    %swap3A_28 = vector.load %arg9[%swap3A, %swap3A_27] : memref<16x128xf32, #tpu.memory_space<vmem>>, vector<16x128xf32>
    tpu.vector_store %arg9[%swap3A, %swap3A_27], %dot_general3A_26 {strides = array<i32>} : memref<16x128xf32, #tpu.memory_space<vmem>>, vector<16x128xf32>,
    %get3A_29 = arith.constant 0 : index
    %get3A_30 = arith.constant 0 : index
    %get3A_31 = vector.load %arg6[%get3A_29, %get3A_30] : memref<128x128xf32, #tpu.memory_space<vmem>>, vector<128x128xf32>
    %dot_general3A_32 = arith.constant dense<0.000000e+00> : vector<16x128xf32>
    %dot_general3A_33 = tpu.matmul %add3A_21, %get3A_31, %dot_general3A_32 {dimension_numbers = #tpu.dot_dimension_numbers<[1], [0], [0], [1], [0, 0, 1, 1], [], []>, transpose_lhs_hint = false} : vector<16x128xf32>, vector<128x128xf32>, vector<16x128xf32> -> vector<16x128xf32>
    %swap3A_34 = arith.constant 0 : index
    %swap3A_35 = arith.constant 0 : index
    %swap3A_36 = vector.load %arg10[%swap3A_34, %swap3A_35] : memref<16x128xf32, #tpu.memory_space<vmem>>, vector<16x128xf32>
    tpu.vector_store %arg10[%swap3A_34, %swap3A_35], %dot_general3A_33 {strides = array<i32>} : memref<16x128xf32, #tpu.memory_space<vmem>>, vector<16x128xf32>,
    %get3A_37 = arith.constant 0 : index
    %get3A_38 = arith.constant 0 : index
    %get3A_39 = vector.load %arg7[%get3A_37, %get3A_38] : memref<128x128xf32, #tpu.memory_space<vmem>>, vector<128x128xf32>
    %dot_general3A_40 = arith.constant dense<0.000000e+00> : vector<16x128xf32>
    %dot_general3A_41 = tpu.matmul %add3A_21, %get3A_39, %dot_general3A_40 {dimension_numbers = #tpu.dot_dimension_numbers<[1], [0], [0], [1], [0, 0, 1, 1], [], []>, transpose_lhs_hint = false} : vector<16x128xf32>, vector<128x128xf32>, vector<16x128xf32> -> vector<16x128xf32>
    %swap3A_42 = arith.constant 0 : index
    %swap3A_43 = arith.constant 0 : index
    %swap3A_44 = vector.load %arg11[%swap3A_42, %swap3A_43] : memref<16x128xf32, #tpu.memory_space<vmem>>, vector<16x128xf32>
    tpu.vector_store %arg11[%swap3A_42, %swap3A_43], %dot_general3A_41 {strides = array<i32>} : memref<16x128xf32, #tpu.memory_space<vmem>>, vector<16x128xf32>,
    %get3A_45 = arith.constant 0 : index
    %get3A_46 = arith.constant 0 : index
    %get3A_47 = vector.load %arg8[%get3A_45, %get3A_46] : memref<128x128xf32, #tpu.memory_space<vmem>>, vector<128x128xf32>
    %dot_general3A_48 = arith.constant dense<0.000000e+00> : vector<16x128xf32>
    %dot_general3A_49 = tpu.matmul %add3A_21, %get3A_47, %dot_general3A_48 {dimension_numbers = #tpu.dot_dimension_numbers<[1], [0], [0], [1], [0, 0, 1, 1], [], []>, transpose_lhs_hint = false} : vector<16x128xf32>, vector<128x128xf32>, vector<16x128xf32> -> vector<16x128xf32>
    %swap3A_50 = arith.constant 0 : index
    %swap3A_51 = arith.constant 0 : index
    %swap3A_52 = vector.load %arg12[%swap3A_50, %swap3A_51] : memref<16x128xf32, #tpu.memory_space<vmem>>, vector<16x128xf32>
    tpu.vector_store %arg12[%swap3A_50, %swap3A_51], %dot_general3A_49 {strides = array<i32>} : memref<16x128xf32, #tpu.memory_space<vmem>>, vector<16x128xf32>,
    return
  }
}

module attributes {stable_mosaic.version = 14 : i64} {
  func.func @_k1_body(%arg0: i32, %arg1: memref<1000x128xf32, #tpu.memory_space<vmem>>, %arg2: memref<1000x1xf32, #tpu.memory_space<vmem>>, %arg3: memref<128x128xf32, #tpu.memory_space<vmem>>, %arg4: memref<1x128xf32, #tpu.memory_space<vmem>>, %arg5: memref<128x128xf32, #tpu.memory_space<vmem>>, %arg6: memref<1x128xf32, #tpu.memory_space<vmem>>, %arg7: memref<128x128xf32, #tpu.memory_space<vmem>>, %arg8: memref<128x128xf32, #tpu.memory_space<vmem>>, %arg9: memref<16x128xf32, #tpu.memory_space<vmem>>, %arg10: memref<1x128xf32, #tpu.memory_space<vmem>>, %arg11: memref<1000x128xf32, #tpu.memory_space<vmem>>, %arg12: memref<1000x16xf32, #tpu.memory_space<vmem>>, %arg13: memref<1000x128xf32, #tpu.memory_space<vmem>>, %arg14: memref<1000x128xf32, #tpu.memory_space<vmem>>) attributes {dimension_semantics = [#tpu.dimension_semantics<arbitrary>], iteration_bounds = array<i64: 10>, scalar_prefetch = 0 : i64, scratch_operands = 0 : i64, tpu.core_type = #tpu.core_type<tc>, window_params = [{transform_indices = @transform_0, window_bounds = array<i64: 1000, 128>}, {transform_indices = @transform_1, window_bounds = array<i64: 1000, 1>}, {pipeline_mode = #tpu.pipeline_mode<synchronous>, transform_indices = @transform_2, window_bounds = array<i64: 128, 128>}, {pipeline_mode = #tpu.pipeline_mode<synchronous>, transform_indices = @transform_3, window_bounds = array<i64: 1, 128>}, {pipeline_mode = #tpu.pipeline_mode<synchronous>, transform_indices = @transform_4, window_bounds = array<i64: 128, 128>}, {pipeline_mode = #tpu.pipeline_mode<synchronous>, transform_indices = @transform_5, window_bounds = array<i64: 1, 128>}, {pipeline_mode = #tpu.pipeline_mode<synchronous>, transform_indices = @transform_6, window_bounds = array<i64: 128, 128>}, {pipeline_mode = #tpu.pipeline_mode<synchronous>, transform_indices = @transform_7, window_bounds = array<i64: 128, 128>}, {pipeline_mode = #tpu.pipeline_mode<synchronous>, transform_indices = @transform_8, window_bounds = array<i64: 16, 128>}, {pipeline_mode = #tpu.pipeline_mode<synchronous>, transform_indices = @transform_9, window_bounds = array<i64: 1, 128>}, {transform_indices = @transform_10, window_bounds = array<i64: 1000, 128>}, {transform_indices = @transform_11, window_bounds = array<i64: 1000, 16>}, {transform_indices = @transform_12, window_bounds = array<i64: 1000, 128>}, {transform_indices = @transform_13, window_bounds = array<i64: 1000, 128>}]} {
    %get3A = arith.constant 0 : index
    %get3A_0 = arith.constant 0 : index
    %get3A_1 = vector.load %arg1[%get3A, %get3A_0] : memref<1000x128xf32, #tpu.memory_space<vmem>>, vector<1000x128xf32>
    %get3A_2 = arith.constant 0 : index
    %get3A_3 = arith.constant 0 : index
    %get3A_4 = vector.load %arg3[%get3A_2, %get3A_3] : memref<128x128xf32, #tpu.memory_space<vmem>>, vector<128x128xf32>
    %dot_general3A = arith.constant dense<0.000000e+00> : vector<1000x128xf32>
    %dot_general3A_5 = tpu.matmul %get3A_1, %get3A_4, %dot_general3A {dimension_numbers = #tpu.dot_dimension_numbers<[1], [0], [0], [1], [0, 0, 1, 1], [], []>, transpose_lhs_hint = false} : vector<1000x128xf32>, vector<128x128xf32>, vector<1000x128xf32> -> vector<1000x128xf32>
    %get3A_6 = arith.constant 0 : index
    %get3A_7 = arith.constant 0 : index
    %get3A_8 = vector.load %arg4[%get3A_6, %get3A_7] : memref<1x128xf32, #tpu.memory_space<vmem>>, vector<1x128xf32>
    %add3A = vector.broadcast %get3A_8 : vector<1x128xf32> to vector<1000x128xf32>
    %add3A_9 = arith.addf %dot_general3A_5, %add3A : vector<1000x128xf32>
    %max3A = arith.constant 0.000000e+00 : f32
    %max3A_10 = vector.broadcast %max3A : f32 to vector<1000x128xf32>
    %max3A_11 = arith.maximumf %add3A_9, %max3A_10 : vector<1000x128xf32>
    %get3A_12 = arith.constant 0 : index
    %get3A_13 = arith.constant 0 : index
    %get3A_14 = vector.load %arg5[%get3A_12, %get3A_13] : memref<128x128xf32, #tpu.memory_space<vmem>>, vector<128x128xf32>
    %dot_general3A_15 = arith.constant dense<0.000000e+00> : vector<1000x128xf32>
    %dot_general3A_16 = tpu.matmul %max3A_11, %get3A_14, %dot_general3A_15 {dimension_numbers = #tpu.dot_dimension_numbers<[1], [0], [0], [1], [0, 0, 1, 1], [], []>, transpose_lhs_hint = false} : vector<1000x128xf32>, vector<128x128xf32>, vector<1000x128xf32> -> vector<1000x128xf32>
    %get3A_17 = arith.constant 0 : index
    %get3A_18 = arith.constant 0 : index
    %get3A_19 = vector.load %arg6[%get3A_17, %get3A_18] : memref<1x128xf32, #tpu.memory_space<vmem>>, vector<1x128xf32>
    %add3A_20 = vector.broadcast %get3A_19 : vector<1x128xf32> to vector<1000x128xf32>
    %add3A_21 = arith.addf %dot_general3A_16, %add3A_20 : vector<1000x128xf32>
    %iota3A = tpu.iota {dimensions = array<i32: 1>} : vector<1000x16xi32>
    %convert_element_type3A = arith.sitofp %iota3A : vector<1000x16xi32> to vector<1000x16xf32>
    %get3A_22 = arith.constant 0 : index
    %get3A_23 = arith.constant 0 : index
    %get3A_24 = vector.load %arg2[%get3A_22, %get3A_23] : memref<1000x1xf32, #tpu.memory_space<vmem>>, vector<1000x1xf32>
    %eq3A = vector.broadcast %get3A_24 : vector<1000x1xf32> to vector<1000x16xf32>
    %eq3A_25 = arith.cmpf oeq, %eq3A, %convert_element_type3A : vector<1000x16xf32>
    %convert_element_type3A_26 = arith.extui %eq3A_25 : vector<1000x16xi1> to vector<1000x16xi32>
    %convert_element_type3A_27 = arith.sitofp %convert_element_type3A_26 : vector<1000x16xi32> to vector<1000x16xf32>
    %swap3A = arith.constant 0 : index
    %swap3A_28 = arith.constant 0 : index
    %swap3A_29 = vector.load %arg11[%swap3A, %swap3A_28] : memref<1000x128xf32, #tpu.memory_space<vmem>>, vector<1000x128xf32>
    tpu.vector_store %arg11[%swap3A, %swap3A_28], %add3A_21 {strides = array<i32>} : memref<1000x128xf32, #tpu.memory_space<vmem>>, vector<1000x128xf32>,
    %swap3A_30 = arith.constant 0 : index
    %swap3A_31 = arith.constant 0 : index
    %swap3A_32 = vector.load %arg12[%swap3A_30, %swap3A_31] : memref<1000x16xf32, #tpu.memory_space<vmem>>, vector<1000x16xf32>
    tpu.vector_store %arg12[%swap3A_30, %swap3A_31], %convert_element_type3A_27 {strides = array<i32>} : memref<1000x16xf32, #tpu.memory_space<vmem>>, vector<1000x16xf32>,
    %get3A_33 = arith.constant 0 : index
    %get3A_34 = arith.constant 0 : index
    %get3A_35 = vector.load %arg7[%get3A_33, %get3A_34] : memref<128x128xf32, #tpu.memory_space<vmem>>, vector<128x128xf32>
    %dot_general3A_36 = arith.constant dense<0.000000e+00> : vector<1000x128xf32>
    %dot_general3A_37 = tpu.matmul %add3A_21, %get3A_35, %dot_general3A_36 {dimension_numbers = #tpu.dot_dimension_numbers<[1], [0], [0], [1], [0, 0, 1, 1], [], []>, transpose_lhs_hint = false} : vector<1000x128xf32>, vector<128x128xf32>, vector<1000x128xf32> -> vector<1000x128xf32>
    %get3A_38 = arith.constant 0 : index
    %get3A_39 = arith.constant 0 : index
    %get3A_40 = vector.load %arg9[%get3A_38, %get3A_39] : memref<16x128xf32, #tpu.memory_space<vmem>>, vector<16x128xf32>
    %dot_general3A_41 = arith.constant dense<0.000000e+00> : vector<1000x128xf32>
    %dot_general3A_42 = tpu.matmul %convert_element_type3A_27, %get3A_40, %dot_general3A_41 {dimension_numbers = #tpu.dot_dimension_numbers<[1], [0], [0], [1], [0, 0, 1, 1], [], []>, transpose_lhs_hint = false} : vector<1000x16xf32>, vector<16x128xf32>, vector<1000x128xf32> -> vector<1000x128xf32>
    %add3A_43 = arith.addf %dot_general3A_37, %dot_general3A_42 : vector<1000x128xf32>
    %get3A_44 = arith.constant 0 : index
    %get3A_45 = arith.constant 0 : index
    %get3A_46 = vector.load %arg10[%get3A_44, %get3A_45] : memref<1x128xf32, #tpu.memory_space<vmem>>, vector<1x128xf32>
    %add3A_47 = vector.broadcast %get3A_46 : vector<1x128xf32> to vector<1000x128xf32>
    %add3A_48 = arith.addf %add3A_43, %add3A_47 : vector<1000x128xf32>
    %swap3A_49 = arith.constant 0 : index
    %swap3A_50 = arith.constant 0 : index
    %swap3A_51 = vector.load %arg13[%swap3A_49, %swap3A_50] : memref<1000x128xf32, #tpu.memory_space<vmem>>, vector<1000x128xf32>
    tpu.vector_store %arg13[%swap3A_49, %swap3A_50], %add3A_48 {strides = array<i32>} : memref<1000x128xf32, #tpu.memory_space<vmem>>, vector<1000x128xf32>,
    %get3A_52 = arith.constant 0 : index
    %get3A_53 = arith.constant 0 : index
    %get3A_54 = vector.load %arg8[%get3A_52, %get3A_53] : memref<128x128xf32, #tpu.memory_space<vmem>>, vector<128x128xf32>
    %dot_general3A_55 = arith.constant dense<0.000000e+00> : vector<1000x128xf32>
    %dot_general3A_56 = tpu.matmul %add3A_21, %get3A_54, %dot_general3A_55 {dimension_numbers = #tpu.dot_dimension_numbers<[1], [0], [0], [1], [0, 0, 1, 1], [], []>, transpose_lhs_hint = false} : vector<1000x128xf32>, vector<128x128xf32>, vector<1000x128xf32> -> vector<1000x128xf32>
    %swap3A_57 = arith.constant 0 : index
    %swap3A_58 = arith.constant 0 : index
    %swap3A_59 = vector.load %arg14[%swap3A_57, %swap3A_58] : memref<1000x128xf32, #tpu.memory_space<vmem>>, vector<1000x128xf32>
    tpu.vector_store %arg14[%swap3A_57, %swap3A_58], %dot_general3A_56 {strides = array<i32>} : memref<1000x128xf32, #tpu.memory_space<vmem>>, vector<1000x128xf32>,
    return
  }
  func.func @transform_0(%arg0: i32) -> (i32, i32) {
    %c0_i32 = arith.constant 0 : i32
    %c0_i32_0 = arith.constant 0 : i32
    return %arg0, %c0_i32 : i32, i32
  }
  func.func @transform_1(%arg0: i32) -> (i32, i32) {
    %c0_i32 = arith.constant 0 : i32
    %c0_i32_0 = arith.constant 0 : i32
    return %arg0, %c0_i32 : i32, i32
  }
  func.func @transform_2(%arg0: i32) -> (i32, i32) {
    %c0_i32 = arith.constant 0 : i32
    %c0_i32_0 = arith.constant 0 : i32
    %c0_i32_1 = arith.constant 0 : i32
    return %c0_i32, %c0_i32_0 : i32, i32
  }
  func.func @transform_3(%arg0: i32) -> (i32, i32) {
    %c0_i32 = arith.constant 0 : i32
    %c0_i32_0 = arith.constant 0 : i32
    %c0_i32_1 = arith.constant 0 : i32
    return %c0_i32, %c0_i32_0 : i32, i32
  }
  func.func @transform_4(%arg0: i32) -> (i32, i32) {
    %c0_i32 = arith.constant 0 : i32
    %c0_i32_0 = arith.constant 0 : i32
    %c0_i32_1 = arith.constant 0 : i32
    return %c0_i32, %c0_i32_0 : i32, i32
  }
  func.func @transform_5(%arg0: i32) -> (i32, i32) {
    %c0_i32 = arith.constant 0 : i32
    %c0_i32_0 = arith.constant 0 : i32
    %c0_i32_1 = arith.constant 0 : i32
    return %c0_i32, %c0_i32_0 : i32, i32
  }
  func.func @transform_6(%arg0: i32) -> (i32, i32) {
    %c0_i32 = arith.constant 0 : i32
    %c0_i32_0 = arith.constant 0 : i32
    %c0_i32_1 = arith.constant 0 : i32
    return %c0_i32, %c0_i32_0 : i32, i32
  }
  func.func @transform_7(%arg0: i32) -> (i32, i32) {
    %c0_i32 = arith.constant 0 : i32
    %c0_i32_0 = arith.constant 0 : i32
    %c0_i32_1 = arith.constant 0 : i32
    return %c0_i32, %c0_i32_0 : i32, i32
  }
  func.func @transform_8(%arg0: i32) -> (i32, i32) {
    %c0_i32 = arith.constant 0 : i32
    %c0_i32_0 = arith.constant 0 : i32
    %c0_i32_1 = arith.constant 0 : i32
    return %c0_i32, %c0_i32_0 : i32, i32
  }
  func.func @transform_9(%arg0: i32) -> (i32, i32) {
    %c0_i32 = arith.constant 0 : i32
    %c0_i32_0 = arith.constant 0 : i32
    %c0_i32_1 = arith.constant 0 : i32
    return %c0_i32, %c0_i32_0 : i32, i32
  }
  func.func @transform_10(%arg0: i32) -> (i32, i32) {
    %c0_i32 = arith.constant 0 : i32
    %c0_i32_0 = arith.constant 0 : i32
    return %arg0, %c0_i32 : i32, i32
  }
  func.func @transform_11(%arg0: i32) -> (i32, i32) {
    %c0_i32 = arith.constant 0 : i32
    %c0_i32_0 = arith.constant 0 : i32
    return %arg0, %c0_i32 : i32, i32
  }
  func.func @transform_12(%arg0: i32) -> (i32, i32) {
    %c0_i32 = arith.constant 0 : i32
    %c0_i32_0 = arith.constant 0 : i32
    return %arg0, %c0_i32 : i32, i32
  }
  func.func @transform_13(%arg0: i32) -> (i32, i32) {
    %c0_i32 = arith.constant 0 : i32
    %c0_i32_0 = arith.constant 0 : i32
    return %arg0, %c0_i32 : i32, i32
  }
}

module attributes {stable_mosaic.version = 14 : i64} {
  func.func @_k2_body(%arg0: i32, %arg1: memref<2560x16xf32, #tpu.memory_space<vmem>>, %arg2: memref<16x128xf32, #tpu.memory_space<vmem>>, %arg3: memref<1x128xf32, #tpu.memory_space<vmem>>, %arg4: memref<128x128xf32, #tpu.memory_space<vmem>>, %arg5: memref<1x128xf32, #tpu.memory_space<vmem>>, %arg6: memref<2560x128xf32, #tpu.memory_space<vmem>>) attributes {dimension_semantics = [#tpu.dimension_semantics<arbitrary>], iteration_bounds = array<i64: 125>, scalar_prefetch = 0 : i64, scratch_operands = 0 : i64, tpu.core_type = #tpu.core_type<tc>, window_params = [{transform_indices = @transform_0, window_bounds = array<i64: 2560, 16>}, {pipeline_mode = #tpu.pipeline_mode<synchronous>, transform_indices = @transform_1, window_bounds = array<i64: 16, 128>}, {pipeline_mode = #tpu.pipeline_mode<synchronous>, transform_indices = @transform_2, window_bounds = array<i64: 1, 128>}, {pipeline_mode = #tpu.pipeline_mode<synchronous>, transform_indices = @transform_3, window_bounds = array<i64: 128, 128>}, {pipeline_mode = #tpu.pipeline_mode<synchronous>, transform_indices = @transform_4, window_bounds = array<i64: 1, 128>}, {transform_indices = @transform_5, window_bounds = array<i64: 2560, 128>}]} {
    %get3A = arith.constant 0 : index
    %get3A_0 = arith.constant 0 : index
    %get3A_1 = vector.load %arg1[%get3A, %get3A_0] : memref<2560x16xf32, #tpu.memory_space<vmem>>, vector<2560x16xf32>
    %get3A_2 = arith.constant 0 : index
    %get3A_3 = arith.constant 0 : index
    %get3A_4 = vector.load %arg2[%get3A_2, %get3A_3] : memref<16x128xf32, #tpu.memory_space<vmem>>, vector<16x128xf32>
    %dot_general3A = arith.constant dense<0.000000e+00> : vector<2560x128xf32>
    %dot_general3A_5 = tpu.matmul %get3A_1, %get3A_4, %dot_general3A {dimension_numbers = #tpu.dot_dimension_numbers<[1], [0], [0], [1], [0, 0, 1, 1], [], []>, transpose_lhs_hint = false} : vector<2560x16xf32>, vector<16x128xf32>, vector<2560x128xf32> -> vector<2560x128xf32>
    %get3A_6 = arith.constant 0 : index
    %get3A_7 = arith.constant 0 : index
    %get3A_8 = vector.load %arg3[%get3A_6, %get3A_7] : memref<1x128xf32, #tpu.memory_space<vmem>>, vector<1x128xf32>
    %add3A = vector.broadcast %get3A_8 : vector<1x128xf32> to vector<2560x128xf32>
    %add3A_9 = arith.addf %dot_general3A_5, %add3A : vector<2560x128xf32>
    %max3A = arith.constant 0.000000e+00 : f32
    %max3A_10 = vector.broadcast %max3A : f32 to vector<2560x128xf32>
    %max3A_11 = arith.maximumf %add3A_9, %max3A_10 : vector<2560x128xf32>
    %get3A_12 = arith.constant 0 : index
    %get3A_13 = arith.constant 0 : index
    %get3A_14 = vector.load %arg4[%get3A_12, %get3A_13] : memref<128x128xf32, #tpu.memory_space<vmem>>, vector<128x128xf32>
    %dot_general3A_15 = arith.constant dense<0.000000e+00> : vector<2560x128xf32>
    %dot_general3A_16 = tpu.matmul %max3A_11, %get3A_14, %dot_general3A_15 {dimension_numbers = #tpu.dot_dimension_numbers<[1], [0], [0], [1], [0, 0, 1, 1], [], []>, transpose_lhs_hint = false} : vector<2560x128xf32>, vector<128x128xf32>, vector<2560x128xf32> -> vector<2560x128xf32>
    %get3A_17 = arith.constant 0 : index
    %get3A_18 = arith.constant 0 : index
    %get3A_19 = vector.load %arg5[%get3A_17, %get3A_18] : memref<1x128xf32, #tpu.memory_space<vmem>>, vector<1x128xf32>
    %add3A_20 = vector.broadcast %get3A_19 : vector<1x128xf32> to vector<2560x128xf32>
    %add3A_21 = arith.addf %dot_general3A_16, %add3A_20 : vector<2560x128xf32>
    %swap3A = arith.constant 0 : index
    %swap3A_22 = arith.constant 0 : index
    %swap3A_23 = vector.load %arg6[%swap3A, %swap3A_22] : memref<2560x128xf32, #tpu.memory_space<vmem>>, vector<2560x128xf32>
    tpu.vector_store %arg6[%swap3A, %swap3A_22], %add3A_21 {strides = array<i32>} : memref<2560x128xf32, #tpu.memory_space<vmem>>, vector<2560x128xf32>,
    return
  }
  func.func @transform_0(%arg0: i32) -> (i32, i32) {
    %c0_i32 = arith.constant 0 : i32
    %c0_i32_0 = arith.constant 0 : i32
    return %arg0, %c0_i32 : i32, i32
  }
  func.func @transform_1(%arg0: i32) -> (i32, i32) {
    %c0_i32 = arith.constant 0 : i32
    %c0_i32_0 = arith.constant 0 : i32
    %c0_i32_1 = arith.constant 0 : i32
    return %c0_i32, %c0_i32_0 : i32, i32
  }
  func.func @transform_2(%arg0: i32) -> (i32, i32) {
    %c0_i32 = arith.constant 0 : i32
    %c0_i32_0 = arith.constant 0 : i32
    %c0_i32_1 = arith.constant 0 : i32
    return %c0_i32, %c0_i32_0 : i32, i32
  }
  func.func @transform_3(%arg0: i32) -> (i32, i32) {
    %c0_i32 = arith.constant 0 : i32
    %c0_i32_0 = arith.constant 0 : i32
    %c0_i32_1 = arith.constant 0 : i32
    return %c0_i32, %c0_i32_0 : i32, i32
  }
  func.func @transform_4(%arg0: i32) -> (i32, i32) {
    %c0_i32 = arith.constant 0 : i32
    %c0_i32_0 = arith.constant 0 : i32
    %c0_i32_1 = arith.constant 0 : i32
    return %c0_i32, %c0_i32_0 : i32, i32
  }
  func.func @transform_5(%arg0: i32) -> (i32, i32) {
    %c0_i32 = arith.constant 0 : i32
    %c0_i32_0 = arith.constant 0 : i32
    return %arg0, %c0_i32 : i32, i32
  }
}

module attributes {stable_mosaic.version = 14 : i64} {
  func.func @_k3_body(%arg0: i32, %arg1: memref<2560x128xf32, #tpu.memory_space<vmem>>, %arg2: memref<2560x128xf32, #tpu.memory_space<vmem>>, %arg3: memref<2560x128xf32, #tpu.memory_space<vmem>>, %arg4: memref<128x128xf32, #tpu.memory_space<vmem>>, %arg5: memref<128x128xf32, #tpu.memory_space<vmem>>, %arg6: memref<1x128xf32, #tpu.memory_space<vmem>>, %arg7: memref<2560x128xf32, #tpu.memory_space<vmem>>) attributes {dimension_semantics = [#tpu.dimension_semantics<arbitrary>], iteration_bounds = array<i64: 125>, scalar_prefetch = 0 : i64, scratch_operands = 0 : i64, tpu.core_type = #tpu.core_type<tc>, window_params = [{transform_indices = @transform_0, window_bounds = array<i64: 2560, 128>}, {transform_indices = @transform_1, window_bounds = array<i64: 2560, 128>}, {transform_indices = @transform_2, window_bounds = array<i64: 2560, 128>}, {pipeline_mode = #tpu.pipeline_mode<synchronous>, transform_indices = @transform_3, window_bounds = array<i64: 128, 128>}, {pipeline_mode = #tpu.pipeline_mode<synchronous>, transform_indices = @transform_4, window_bounds = array<i64: 128, 128>}, {pipeline_mode = #tpu.pipeline_mode<synchronous>, transform_indices = @transform_5, window_bounds = array<i64: 1, 128>}, {transform_indices = @transform_6, window_bounds = array<i64: 2560, 128>}]} {
    %get3A = arith.constant 0 : index
    %get3A_0 = arith.constant 0 : index
    %get3A_1 = vector.load %arg1[%get3A, %get3A_0] : memref<2560x128xf32, #tpu.memory_space<vmem>>, vector<2560x128xf32>
    %get3A_2 = arith.constant 0 : index
    %get3A_3 = arith.constant 0 : index
    %get3A_4 = vector.load %arg4[%get3A_2, %get3A_3] : memref<128x128xf32, #tpu.memory_space<vmem>>, vector<128x128xf32>
    %dot_general3A = arith.constant dense<0.000000e+00> : vector<2560x128xf32>
    %dot_general3A_5 = tpu.matmul %get3A_1, %get3A_4, %dot_general3A {dimension_numbers = #tpu.dot_dimension_numbers<[1], [0], [0], [1], [0, 0, 1, 1], [], []>, transpose_lhs_hint = false} : vector<2560x128xf32>, vector<128x128xf32>, vector<2560x128xf32> -> vector<2560x128xf32>
    %get3A_6 = arith.constant 0 : index
    %get3A_7 = arith.constant 0 : index
    %get3A_8 = vector.load %arg2[%get3A_6, %get3A_7] : memref<2560x128xf32, #tpu.memory_space<vmem>>, vector<2560x128xf32>
    %add3A = arith.addf %dot_general3A_5, %get3A_8 : vector<2560x128xf32>
    %get3A_9 = arith.constant 0 : index
    %get3A_10 = arith.constant 0 : index
    %get3A_11 = vector.load %arg3[%get3A_9, %get3A_10] : memref<2560x128xf32, #tpu.memory_space<vmem>>, vector<2560x128xf32>
    %add3A_12 = arith.addf %add3A, %get3A_11 : vector<2560x128xf32>
    %max3A = arith.constant 0.000000e+00 : f32
    %max3A_13 = vector.broadcast %max3A : f32 to vector<2560x128xf32>
    %max3A_14 = arith.maximumf %add3A_12, %max3A_13 : vector<2560x128xf32>
    %get3A_15 = arith.constant 0 : index
    %get3A_16 = arith.constant 0 : index
    %get3A_17 = vector.load %arg5[%get3A_15, %get3A_16] : memref<128x128xf32, #tpu.memory_space<vmem>>, vector<128x128xf32>
    %dot_general3A_18 = arith.constant dense<0.000000e+00> : vector<2560x128xf32>
    %dot_general3A_19 = tpu.matmul %max3A_14, %get3A_17, %dot_general3A_18 {dimension_numbers = #tpu.dot_dimension_numbers<[1], [0], [0], [1], [0, 0, 1, 1], [], []>, transpose_lhs_hint = false} : vector<2560x128xf32>, vector<128x128xf32>, vector<2560x128xf32> -> vector<2560x128xf32>
    %get3A_20 = arith.constant 0 : index
    %get3A_21 = arith.constant 0 : index
    %get3A_22 = vector.load %arg6[%get3A_20, %get3A_21] : memref<1x128xf32, #tpu.memory_space<vmem>>, vector<1x128xf32>
    %add3A_23 = vector.broadcast %get3A_22 : vector<1x128xf32> to vector<2560x128xf32>
    %add3A_24 = arith.addf %dot_general3A_19, %add3A_23 : vector<2560x128xf32>
    %swap3A = arith.constant 0 : index
    %swap3A_25 = arith.constant 0 : index
    %swap3A_26 = vector.load %arg7[%swap3A, %swap3A_25] : memref<2560x128xf32, #tpu.memory_space<vmem>>, vector<2560x128xf32>
    tpu.vector_store %arg7[%swap3A, %swap3A_25], %add3A_24 {strides = array<i32>} : memref<2560x128xf32, #tpu.memory_space<vmem>>, vector<2560x128xf32>,
    return
  }
  func.func @transform_0(%arg0: i32) -> (i32, i32) {
    %c0_i32 = arith.constant 0 : i32
    %c0_i32_0 = arith.constant 0 : i32
    return %arg0, %c0_i32 : i32, i32
  }
  func.func @transform_1(%arg0: i32) -> (i32, i32) {
    %c0_i32 = arith.constant 0 : i32
    %c0_i32_0 = arith.constant 0 : i32
    return %arg0, %c0_i32 : i32, i32
  }
  func.func @transform_2(%arg0: i32) -> (i32, i32) {
    %c0_i32 = arith.constant 0 : i32
    %c0_i32_0 = arith.constant 0 : i32
    return %arg0, %c0_i32 : i32, i32
  }
  func.func @transform_3(%arg0: i32) -> (i32, i32) {
    %c0_i32 = arith.constant 0 : i32
    %c0_i32_0 = arith.constant 0 : i32
    %c0_i32_1 = arith.constant 0 : i32
    return %c0_i32, %c0_i32_0 : i32, i32
  }
  func.func @transform_4(%arg0: i32) -> (i32, i32) {
    %c0_i32 = arith.constant 0 : i32
    %c0_i32_0 = arith.constant 0 : i32
    %c0_i32_1 = arith.constant 0 : i32
    return %c0_i32, %c0_i32_0 : i32, i32
  }
  func.func @transform_5(%arg0: i32) -> (i32, i32) {
    %c0_i32 = arith.constant 0 : i32
    %c0_i32_0 = arith.constant 0 : i32
    %c0_i32_1 = arith.constant 0 : i32
    return %c0_i32, %c0_i32_0 : i32, i32
  }
  func.func @transform_6(%arg0: i32) -> (i32, i32) {
    %c0_i32 = arith.constant 0 : i32
    %c0_i32_0 = arith.constant 0 : i32
    return %arg0, %c0_i32 : i32, i32
  }
}

module attributes {stable_mosaic.version = 14 : i64} {
  func.func @_k4a_body(%arg0: i32, %arg1: memref<1000x128xf32, #tpu.memory_space<vmem>>, %arg2: memref<2x1000x128xf32, #tpu.memory_space<vmem>>, %arg3: memref<2x1000x128xf32, #tpu.memory_space<vmem>>, %arg4: memref<1000x16xf32, #tpu.memory_space<vmem>>, %arg5: memref<128x128xf32, #tpu.memory_space<vmem>>, %arg6: memref<128x128xf32, #tpu.memory_space<vmem>>, %arg7: memref<16x128xf32, #tpu.memory_space<vmem>>, %arg8: memref<1x128xf32, #tpu.memory_space<vmem>>, %arg9: memref<128x128xf32, #tpu.memory_space<vmem>>, %arg10: memref<1x128xf32, #tpu.memory_space<vmem>>, %arg11: memref<128x128xf32, #tpu.memory_space<vmem>>, %arg12: memref<128x128xf32, #tpu.memory_space<vmem>>, %arg13: memref<16x128xf32, #tpu.memory_space<vmem>>, %arg14: memref<1x128xf32, #tpu.memory_space<vmem>>, %arg15: memref<1000x128xf32, #tpu.memory_space<vmem>>, %arg16: memref<1000x128xf32, #tpu.memory_space<vmem>>, %arg17: memref<1000x128xf32, #tpu.memory_space<vmem>>) attributes {dimension_semantics = [#tpu.dimension_semantics<arbitrary>], iteration_bounds = array<i64: 10>, scalar_prefetch = 0 : i64, scratch_operands = 0 : i64, tpu.core_type = #tpu.core_type<tc>, window_params = [{transform_indices = @transform_0, window_bounds = array<i64: 1000, 128>}, {transform_indices = @transform_1, window_bounds = array<i64: 2, 1000, 128>}, {transform_indices = @transform_2, window_bounds = array<i64: 2, 1000, 128>}, {transform_indices = @transform_3, window_bounds = array<i64: 1000, 16>}, {pipeline_mode = #tpu.pipeline_mode<synchronous>, transform_indices = @transform_4, window_bounds = array<i64: 128, 128>}, {pipeline_mode = #tpu.pipeline_mode<synchronous>, transform_indices = @transform_5, window_bounds = array<i64: 128, 128>}, {pipeline_mode = #tpu.pipeline_mode<synchronous>, transform_indices = @transform_6, window_bounds = array<i64: 16, 128>}, {pipeline_mode = #tpu.pipeline_mode<synchronous>, transform_indices = @transform_7, window_bounds = array<i64: 1, 128>}, {pipeline_mode = #tpu.pipeline_mode<synchronous>, transform_indices = @transform_8, window_bounds = array<i64: 128, 128>}, {pipeline_mode = #tpu.pipeline_mode<synchronous>, transform_indices = @transform_9, window_bounds = array<i64: 1, 128>}, {pipeline_mode = #tpu.pipeline_mode<synchronous>, transform_indices = @transform_10, window_bounds = array<i64: 128, 128>}, {pipeline_mode = #tpu.pipeline_mode<synchronous>, transform_indices = @transform_11, window_bounds = array<i64: 128, 128>}, {pipeline_mode = #tpu.pipeline_mode<synchronous>, transform_indices = @transform_12, window_bounds = array<i64: 16, 128>}, {pipeline_mode = #tpu.pipeline_mode<synchronous>, transform_indices = @transform_13, window_bounds = array<i64: 1, 128>}, {transform_indices = @transform_14, window_bounds = array<i64: 1000, 128>}, {transform_indices = @transform_15, window_bounds = array<i64: 1000, 128>}, {transform_indices = @transform_16, window_bounds = array<i64: 1000, 128>}]} {
    %get3A = arith.constant 0 : index
    %get3A_0 = arith.constant 0 : index
    %get3A_1 = vector.load %arg1[%get3A, %get3A_0] : memref<1000x128xf32, #tpu.memory_space<vmem>>, vector<1000x128xf32>
    %get3A_2 = arith.constant 0 : index
    %get3A_3 = arith.constant 0 : index
    %get3A_4 = arith.constant 0 : index
    %get3A_5 = vector.load %arg2[%get3A_2, %get3A_3, %get3A_4] : memref<2x1000x128xf32, #tpu.memory_space<vmem>>, vector<2x1000x128xf32>
    %get3A_6 = arith.constant 0 : index
    %get3A_7 = arith.constant 0 : index
    %get3A_8 = arith.constant 0 : index
    %get3A_9 = vector.load %arg3[%get3A_6, %get3A_7, %get3A_8] : memref<2x1000x128xf32, #tpu.memory_space<vmem>>, vector<2x1000x128xf32>
    %get3A_10 = arith.constant 0 : index
    %get3A_11 = arith.constant 0 : index
    %get3A_12 = vector.load %arg4[%get3A_10, %get3A_11] : memref<1000x16xf32, #tpu.memory_space<vmem>>, vector<1000x16xf32>
    %slice3A = vector.extract_strided_slice %get3A_5 {offsets = [0, 0, 0], sizes = [1, 1000, 128], strides = [1, 1, 1]} : vector<2x1000x128xf32> to vector<1x1000x128xf32>
    %squeeze3A = vector.shape_cast %slice3A : vector<1x1000x128xf32> to vector<1000x128xf32>
    %slice3A_13 = vector.extract_strided_slice %get3A_5 {offsets = [1, 0, 0], sizes = [1, 1000, 128], strides = [1, 1, 1]} : vector<2x1000x128xf32> to vector<1x1000x128xf32>
    %squeeze3A_14 = vector.shape_cast %slice3A_13 : vector<1x1000x128xf32> to vector<1000x128xf32>
    %add3A = arith.addf %squeeze3A, %squeeze3A_14 : vector<1000x128xf32>
    %slice3A_15 = vector.extract_strided_slice %get3A_9 {offsets = [0, 0, 0], sizes = [1, 1000, 128], strides = [1, 1, 1]} : vector<2x1000x128xf32> to vector<1x1000x128xf32>
    %squeeze3A_16 = vector.shape_cast %slice3A_15 : vector<1x1000x128xf32> to vector<1000x128xf32>
    %slice3A_17 = vector.extract_strided_slice %get3A_9 {offsets = [1, 0, 0], sizes = [1, 1000, 128], strides = [1, 1, 1]} : vector<2x1000x128xf32> to vector<1x1000x128xf32>
    %squeeze3A_18 = vector.shape_cast %slice3A_17 : vector<1x1000x128xf32> to vector<1000x128xf32>
    %add3A_19 = arith.addf %squeeze3A_16, %squeeze3A_18 : vector<1000x128xf32>
    %slice3A_20 = vector.extract_strided_slice %add3A_19 {offsets = [0, 0], sizes = [1000, 1], strides = [1, 1]} : vector<1000x128xf32> to vector<1000x1xf32>
    %max3A = arith.constant 1.000000e+00 : f32
    %max3A_21 = vector.broadcast %max3A : f32 to vector<1000x1xf32>
    %max3A_22 = arith.maximumf %slice3A_20, %max3A_21 : vector<1000x1xf32>
    %div3A = vector.broadcast %max3A_22 : vector<1000x1xf32> to vector<1000x128xf32>
    %div3A_23 = arith.divf %add3A, %div3A : vector<1000x128xf32>
    %get3A_24 = arith.constant 0 : index
    %get3A_25 = arith.constant 0 : index
    %get3A_26 = vector.load %arg5[%get3A_24, %get3A_25] : memref<128x128xf32, #tpu.memory_space<vmem>>, vector<128x128xf32>
    %dot_general3A = arith.constant dense<0.000000e+00> : vector<1000x128xf32>
    %dot_general3A_27 = tpu.matmul %get3A_1, %get3A_26, %dot_general3A {dimension_numbers = #tpu.dot_dimension_numbers<[1], [0], [0], [1], [0, 0, 1, 1], [], []>, transpose_lhs_hint = false} : vector<1000x128xf32>, vector<128x128xf32>, vector<1000x128xf32> -> vector<1000x128xf32>
    %get3A_28 = arith.constant 0 : index
    %get3A_29 = arith.constant 0 : index
    %get3A_30 = vector.load %arg6[%get3A_28, %get3A_29] : memref<128x128xf32, #tpu.memory_space<vmem>>, vector<128x128xf32>
    %dot_general3A_31 = arith.constant dense<0.000000e+00> : vector<1000x128xf32>
    %dot_general3A_32 = tpu.matmul %div3A_23, %get3A_30, %dot_general3A_31 {dimension_numbers = #tpu.dot_dimension_numbers<[1], [0], [0], [1], [0, 0, 1, 1], [], []>, transpose_lhs_hint = false} : vector<1000x128xf32>, vector<128x128xf32>, vector<1000x128xf32> -> vector<1000x128xf32>
    %add3A_33 = arith.addf %dot_general3A_27, %dot_general3A_32 : vector<1000x128xf32>
    %get3A_34 = arith.constant 0 : index
    %get3A_35 = arith.constant 0 : index
    %get3A_36 = vector.load %arg7[%get3A_34, %get3A_35] : memref<16x128xf32, #tpu.memory_space<vmem>>, vector<16x128xf32>
    %dot_general3A_37 = arith.constant dense<0.000000e+00> : vector<1000x128xf32>
    %dot_general3A_38 = tpu.matmul %get3A_12, %get3A_36, %dot_general3A_37 {dimension_numbers = #tpu.dot_dimension_numbers<[1], [0], [0], [1], [0, 0, 1, 1], [], []>, transpose_lhs_hint = false} : vector<1000x16xf32>, vector<16x128xf32>, vector<1000x128xf32> -> vector<1000x128xf32>
    %add3A_39 = arith.addf %add3A_33, %dot_general3A_38 : vector<1000x128xf32>
    %get3A_40 = arith.constant 0 : index
    %get3A_41 = arith.constant 0 : index
    %get3A_42 = vector.load %arg8[%get3A_40, %get3A_41] : memref<1x128xf32, #tpu.memory_space<vmem>>, vector<1x128xf32>
    %add3A_43 = vector.broadcast %get3A_42 : vector<1x128xf32> to vector<1000x128xf32>
    %add3A_44 = arith.addf %add3A_39, %add3A_43 : vector<1000x128xf32>
    %max3A_45 = arith.constant 0.000000e+00 : f32
    %max3A_46 = vector.broadcast %max3A_45 : f32 to vector<1000x128xf32>
    %max3A_47 = arith.maximumf %add3A_44, %max3A_46 : vector<1000x128xf32>
    %get3A_48 = arith.constant 0 : index
    %get3A_49 = arith.constant 0 : index
    %get3A_50 = vector.load %arg9[%get3A_48, %get3A_49] : memref<128x128xf32, #tpu.memory_space<vmem>>, vector<128x128xf32>
    %dot_general3A_51 = arith.constant dense<0.000000e+00> : vector<1000x128xf32>
    %dot_general3A_52 = tpu.matmul %max3A_47, %get3A_50, %dot_general3A_51 {dimension_numbers = #tpu.dot_dimension_numbers<[1], [0], [0], [1], [0, 0, 1, 1], [], []>, transpose_lhs_hint = false} : vector<1000x128xf32>, vector<128x128xf32>, vector<1000x128xf32> -> vector<1000x128xf32>
    %get3A_53 = arith.constant 0 : index
    %get3A_54 = arith.constant 0 : index
    %get3A_55 = vector.load %arg10[%get3A_53, %get3A_54] : memref<1x128xf32, #tpu.memory_space<vmem>>, vector<1x128xf32>
    %add3A_56 = vector.broadcast %get3A_55 : vector<1x128xf32> to vector<1000x128xf32>
    %add3A_57 = arith.addf %dot_general3A_52, %add3A_56 : vector<1000x128xf32>
    %add3A_58 = arith.addf %add3A_57, %get3A_1 : vector<1000x128xf32>
    %swap3A = arith.constant 0 : index
    %swap3A_59 = arith.constant 0 : index
    %swap3A_60 = vector.load %arg15[%swap3A, %swap3A_59] : memref<1000x128xf32, #tpu.memory_space<vmem>>, vector<1000x128xf32>
    tpu.vector_store %arg15[%swap3A, %swap3A_59], %add3A_58 {strides = array<i32>} : memref<1000x128xf32, #tpu.memory_space<vmem>>, vector<1000x128xf32>,
    %get3A_61 = arith.constant 0 : index
    %get3A_62 = arith.constant 0 : index
    %get3A_63 = vector.load %arg11[%get3A_61, %get3A_62] : memref<128x128xf32, #tpu.memory_space<vmem>>, vector<128x128xf32>
    %dot_general3A_64 = arith.constant dense<0.000000e+00> : vector<1000x128xf32>
    %dot_general3A_65 = tpu.matmul %add3A_58, %get3A_63, %dot_general3A_64 {dimension_numbers = #tpu.dot_dimension_numbers<[1], [0], [0], [1], [0, 0, 1, 1], [], []>, transpose_lhs_hint = false} : vector<1000x128xf32>, vector<128x128xf32>, vector<1000x128xf32> -> vector<1000x128xf32>
    %get3A_66 = arith.constant 0 : index
    %get3A_67 = arith.constant 0 : index
    %get3A_68 = vector.load %arg4[%get3A_66, %get3A_67] : memref<1000x16xf32, #tpu.memory_space<vmem>>, vector<1000x16xf32>
    %get3A_69 = arith.constant 0 : index
    %get3A_70 = arith.constant 0 : index
    %get3A_71 = vector.load %arg13[%get3A_69, %get3A_70] : memref<16x128xf32, #tpu.memory_space<vmem>>, vector<16x128xf32>
    %dot_general3A_72 = arith.constant dense<0.000000e+00> : vector<1000x128xf32>
    %dot_general3A_73 = tpu.matmul %get3A_68, %get3A_71, %dot_general3A_72 {dimension_numbers = #tpu.dot_dimension_numbers<[1], [0], [0], [1], [0, 0, 1, 1], [], []>, transpose_lhs_hint = false} : vector<1000x16xf32>, vector<16x128xf32>, vector<1000x128xf32> -> vector<1000x128xf32>
    %add3A_74 = arith.addf %dot_general3A_65, %dot_general3A_73 : vector<1000x128xf32>
    %get3A_75 = arith.constant 0 : index
    %get3A_76 = arith.constant 0 : index
    %get3A_77 = vector.load %arg14[%get3A_75, %get3A_76] : memref<1x128xf32, #tpu.memory_space<vmem>>, vector<1x128xf32>
    %add3A_78 = vector.broadcast %get3A_77 : vector<1x128xf32> to vector<1000x128xf32>
    %add3A_79 = arith.addf %add3A_74, %add3A_78 : vector<1000x128xf32>
    %swap3A_80 = arith.constant 0 : index
    %swap3A_81 = arith.constant 0 : index
    %swap3A_82 = vector.load %arg16[%swap3A_80, %swap3A_81] : memref<1000x128xf32, #tpu.memory_space<vmem>>, vector<1000x128xf32>
    tpu.vector_store %arg16[%swap3A_80, %swap3A_81], %add3A_79 {strides = array<i32>} : memref<1000x128xf32, #tpu.memory_space<vmem>>, vector<1000x128xf32>,
    %get3A_83 = arith.constant 0 : index
    %get3A_84 = arith.constant 0 : index
    %get3A_85 = vector.load %arg12[%get3A_83, %get3A_84] : memref<128x128xf32, #tpu.memory_space<vmem>>, vector<128x128xf32>
    %dot_general3A_86 = arith.constant dense<0.000000e+00> : vector<1000x128xf32>
    %dot_general3A_87 = tpu.matmul %add3A_58, %get3A_85, %dot_general3A_86 {dimension_numbers = #tpu.dot_dimension_numbers<[1], [0], [0], [1], [0, 0, 1, 1], [], []>, transpose_lhs_hint = false} : vector<1000x128xf32>, vector<128x128xf32>, vector<1000x128xf32> -> vector<1000x128xf32>
    %swap3A_88 = arith.constant 0 : index
    %swap3A_89 = arith.constant 0 : index
    %swap3A_90 = vector.load %arg17[%swap3A_88, %swap3A_89] : memref<1000x128xf32, #tpu.memory_space<vmem>>, vector<1000x128xf32>
    tpu.vector_store %arg17[%swap3A_88, %swap3A_89], %dot_general3A_87 {strides = array<i32>} : memref<1000x128xf32, #tpu.memory_space<vmem>>, vector<1000x128xf32>,
    return
  }
  func.func @transform_0(%arg0: i32) -> (i32, i32) {
    %c0_i32 = arith.constant 0 : i32
    %c0_i32_0 = arith.constant 0 : i32
    return %arg0, %c0_i32 : i32, i32
  }
  func.func @transform_1(%arg0: i32) -> (i32, i32, i32) {
    %c0_i32 = arith.constant 0 : i32
    %c0_i32_0 = arith.constant 0 : i32
    %c0_i32_1 = arith.constant 0 : i32
    return %c0_i32, %arg0, %c0_i32_0 : i32, i32, i32
  }
  func.func @transform_2(%arg0: i32) -> (i32, i32, i32) {
    %c0_i32 = arith.constant 0 : i32
    %c0_i32_0 = arith.constant 0 : i32
    %c0_i32_1 = arith.constant 0 : i32
    return %c0_i32, %arg0, %c0_i32_0 : i32, i32, i32
  }
  func.func @transform_3(%arg0: i32) -> (i32, i32) {
    %c0_i32 = arith.constant 0 : i32
    %c0_i32_0 = arith.constant 0 : i32
    return %arg0, %c0_i32 : i32, i32
  }
  func.func @transform_4(%arg0: i32) -> (i32, i32) {
    %c0_i32 = arith.constant 0 : i32
    %c0_i32_0 = arith.constant 0 : i32
    %c0_i32_1 = arith.constant 0 : i32
    return %c0_i32, %c0_i32_0 : i32, i32
  }
  func.func @transform_5(%arg0: i32) -> (i32, i32) {
    %c0_i32 = arith.constant 0 : i32
    %c0_i32_0 = arith.constant 0 : i32
    %c0_i32_1 = arith.constant 0 : i32
    return %c0_i32, %c0_i32_0 : i32, i32
  }
  func.func @transform_6(%arg0: i32) -> (i32, i32) {
    %c0_i32 = arith.constant 0 : i32
    %c0_i32_0 = arith.constant 0 : i32
    %c0_i32_1 = arith.constant 0 : i32
    return %c0_i32, %c0_i32_0 : i32, i32
  }
  func.func @transform_7(%arg0: i32) -> (i32, i32) {
    %c0_i32 = arith.constant 0 : i32
    %c0_i32_0 = arith.constant 0 : i32
    %c0_i32_1 = arith.constant 0 : i32
    return %c0_i32, %c0_i32_0 : i32, i32
  }
  func.func @transform_8(%arg0: i32) -> (i32, i32) {
    %c0_i32 = arith.constant 0 : i32
    %c0_i32_0 = arith.constant 0 : i32
    %c0_i32_1 = arith.constant 0 : i32
    return %c0_i32, %c0_i32_0 : i32, i32
  }
  func.func @transform_9(%arg0: i32) -> (i32, i32) {
    %c0_i32 = arith.constant 0 : i32
    %c0_i32_0 = arith.constant 0 : i32
    %c0_i32_1 = arith.constant 0 : i32
    return %c0_i32, %c0_i32_0 : i32, i32
  }
  func.func @transform_10(%arg0: i32) -> (i32, i32) {
    %c0_i32 = arith.constant 0 : i32
    %c0_i32_0 = arith.constant 0 : i32
    %c0_i32_1 = arith.constant 0 : i32
    return %c0_i32, %c0_i32_0 : i32, i32
  }
  func.func @transform_11(%arg0: i32) -> (i32, i32) {
    %c0_i32 = arith.constant 0 : i32
    %c0_i32_0 = arith.constant 0 : i32
    %c0_i32_1 = arith.constant 0 : i32
    return %c0_i32, %c0_i32_0 : i32, i32
  }
  func.func @transform_12(%arg0: i32) -> (i32, i32) {
    %c0_i32 = arith.constant 0 : i32
    %c0_i32_0 = arith.constant 0 : i32
    %c0_i32_1 = arith.constant 0 : i32
    return %c0_i32, %c0_i32_0 : i32, i32
  }
  func.func @transform_13(%arg0: i32) -> (i32, i32) {
    %c0_i32 = arith.constant 0 : i32
    %c0_i32_0 = arith.constant 0 : i32
    %c0_i32_1 = arith.constant 0 : i32
    return %c0_i32, %c0_i32_0 : i32, i32
  }
  func.func @transform_14(%arg0: i32) -> (i32, i32) {
    %c0_i32 = arith.constant 0 : i32
    %c0_i32_0 = arith.constant 0 : i32
    return %arg0, %c0_i32 : i32, i32
  }
  func.func @transform_15(%arg0: i32) -> (i32, i32) {
    %c0_i32 = arith.constant 0 : i32
    %c0_i32_0 = arith.constant 0 : i32
    return %arg0, %c0_i32 : i32, i32
  }
  func.func @transform_16(%arg0: i32) -> (i32, i32) {
    %c0_i32 = arith.constant 0 : i32
    %c0_i32_0 = arith.constant 0 : i32
    return %arg0, %c0_i32 : i32, i32
  }
}

module attributes {stable_mosaic.version = 14 : i64} {
  func.func @_k4b_body(%arg0: i32, %arg1: memref<1000x128xf32, #tpu.memory_space<vmem>>, %arg2: memref<2x1000x128xf32, #tpu.memory_space<vmem>>, %arg3: memref<2x1000x128xf32, #tpu.memory_space<vmem>>, %arg4: memref<1000x16xf32, #tpu.memory_space<vmem>>, %arg5: memref<128x128xf32, #tpu.memory_space<vmem>>, %arg6: memref<128x128xf32, #tpu.memory_space<vmem>>, %arg7: memref<16x128xf32, #tpu.memory_space<vmem>>, %arg8: memref<1x128xf32, #tpu.memory_space<vmem>>, %arg9: memref<128x128xf32, #tpu.memory_space<vmem>>, %arg10: memref<1x128xf32, #tpu.memory_space<vmem>>, %arg11: memref<128x128xf32, #tpu.memory_space<vmem>>, %arg12: memref<1x128xf32, #tpu.memory_space<vmem>>, %arg13: memref<128x128xf32, #tpu.memory_space<vmem>>, %arg14: memref<1x128xf32, #tpu.memory_space<vmem>>, %arg15: memref<1000x128xf32, #tpu.memory_space<vmem>>) attributes {dimension_semantics = [#tpu.dimension_semantics<arbitrary>], iteration_bounds = array<i64: 10>, scalar_prefetch = 0 : i64, scratch_operands = 0 : i64, tpu.core_type = #tpu.core_type<tc>, window_params = [{transform_indices = @transform_0, window_bounds = array<i64: 1000, 128>}, {transform_indices = @transform_1, window_bounds = array<i64: 2, 1000, 128>}, {transform_indices = @transform_2, window_bounds = array<i64: 2, 1000, 128>}, {transform_indices = @transform_3, window_bounds = array<i64: 1000, 16>}, {pipeline_mode = #tpu.pipeline_mode<synchronous>, transform_indices = @transform_4, window_bounds = array<i64: 128, 128>}, {pipeline_mode = #tpu.pipeline_mode<synchronous>, transform_indices = @transform_5, window_bounds = array<i64: 128, 128>}, {pipeline_mode = #tpu.pipeline_mode<synchronous>, transform_indices = @transform_6, window_bounds = array<i64: 16, 128>}, {pipeline_mode = #tpu.pipeline_mode<synchronous>, transform_indices = @transform_7, window_bounds = array<i64: 1, 128>}, {pipeline_mode = #tpu.pipeline_mode<synchronous>, transform_indices = @transform_8, window_bounds = array<i64: 128, 128>}, {pipeline_mode = #tpu.pipeline_mode<synchronous>, transform_indices = @transform_9, window_bounds = array<i64: 1, 128>}, {pipeline_mode = #tpu.pipeline_mode<synchronous>, transform_indices = @transform_10, window_bounds = array<i64: 128, 128>}, {pipeline_mode = #tpu.pipeline_mode<synchronous>, transform_indices = @transform_11, window_bounds = array<i64: 1, 128>}, {pipeline_mode = #tpu.pipeline_mode<synchronous>, transform_indices = @transform_12, window_bounds = array<i64: 128, 128>}, {pipeline_mode = #tpu.pipeline_mode<synchronous>, transform_indices = @transform_13, window_bounds = array<i64: 1, 128>}, {transform_indices = @transform_14, window_bounds = array<i64: 1000, 128>}]} {
    %get3A = arith.constant 0 : index
    %get3A_0 = arith.constant 0 : index
    %get3A_1 = vector.load %arg1[%get3A, %get3A_0] : memref<1000x128xf32, #tpu.memory_space<vmem>>, vector<1000x128xf32>
    %get3A_2 = arith.constant 0 : index
    %get3A_3 = arith.constant 0 : index
    %get3A_4 = arith.constant 0 : index
    %get3A_5 = vector.load %arg2[%get3A_2, %get3A_3, %get3A_4] : memref<2x1000x128xf32, #tpu.memory_space<vmem>>, vector<2x1000x128xf32>
    %get3A_6 = arith.constant 0 : index
    %get3A_7 = arith.constant 0 : index
    %get3A_8 = arith.constant 0 : index
    %get3A_9 = vector.load %arg3[%get3A_6, %get3A_7, %get3A_8] : memref<2x1000x128xf32, #tpu.memory_space<vmem>>, vector<2x1000x128xf32>
    %get3A_10 = arith.constant 0 : index
    %get3A_11 = arith.constant 0 : index
    %get3A_12 = vector.load %arg4[%get3A_10, %get3A_11] : memref<1000x16xf32, #tpu.memory_space<vmem>>, vector<1000x16xf32>
    %slice3A = vector.extract_strided_slice %get3A_5 {offsets = [0, 0, 0], sizes = [1, 1000, 128], strides = [1, 1, 1]} : vector<2x1000x128xf32> to vector<1x1000x128xf32>
    %squeeze3A = vector.shape_cast %slice3A : vector<1x1000x128xf32> to vector<1000x128xf32>
    %slice3A_13 = vector.extract_strided_slice %get3A_5 {offsets = [1, 0, 0], sizes = [1, 1000, 128], strides = [1, 1, 1]} : vector<2x1000x128xf32> to vector<1x1000x128xf32>
    %squeeze3A_14 = vector.shape_cast %slice3A_13 : vector<1x1000x128xf32> to vector<1000x128xf32>
    %add3A = arith.addf %squeeze3A, %squeeze3A_14 : vector<1000x128xf32>
    %slice3A_15 = vector.extract_strided_slice %get3A_9 {offsets = [0, 0, 0], sizes = [1, 1000, 128], strides = [1, 1, 1]} : vector<2x1000x128xf32> to vector<1x1000x128xf32>
    %squeeze3A_16 = vector.shape_cast %slice3A_15 : vector<1x1000x128xf32> to vector<1000x128xf32>
    %slice3A_17 = vector.extract_strided_slice %get3A_9 {offsets = [1, 0, 0], sizes = [1, 1000, 128], strides = [1, 1, 1]} : vector<2x1000x128xf32> to vector<1x1000x128xf32>
    %squeeze3A_18 = vector.shape_cast %slice3A_17 : vector<1x1000x128xf32> to vector<1000x128xf32>
    %add3A_19 = arith.addf %squeeze3A_16, %squeeze3A_18 : vector<1000x128xf32>
    %slice3A_20 = vector.extract_strided_slice %add3A_19 {offsets = [0, 0], sizes = [1000, 1], strides = [1, 1]} : vector<1000x128xf32> to vector<1000x1xf32>
    %max3A = arith.constant 1.000000e+00 : f32
    %max3A_21 = vector.broadcast %max3A : f32 to vector<1000x1xf32>
    %max3A_22 = arith.maximumf %slice3A_20, %max3A_21 : vector<1000x1xf32>
    %div3A = vector.broadcast %max3A_22 : vector<1000x1xf32> to vector<1000x128xf32>
    %div3A_23 = arith.divf %add3A, %div3A : vector<1000x128xf32>
    %get3A_24 = arith.constant 0 : index
    %get3A_25 = arith.constant 0 : index
    %get3A_26 = vector.load %arg5[%get3A_24, %get3A_25] : memref<128x128xf32, #tpu.memory_space<vmem>>, vector<128x128xf32>
    %dot_general3A = arith.constant dense<0.000000e+00> : vector<1000x128xf32>
    %dot_general3A_27 = tpu.matmul %get3A_1, %get3A_26, %dot_general3A {dimension_numbers = #tpu.dot_dimension_numbers<[1], [0], [0], [1], [0, 0, 1, 1], [], []>, transpose_lhs_hint = false} : vector<1000x128xf32>, vector<128x128xf32>, vector<1000x128xf32> -> vector<1000x128xf32>
    %get3A_28 = arith.constant 0 : index
    %get3A_29 = arith.constant 0 : index
    %get3A_30 = vector.load %arg6[%get3A_28, %get3A_29] : memref<128x128xf32, #tpu.memory_space<vmem>>, vector<128x128xf32>
    %dot_general3A_31 = arith.constant dense<0.000000e+00> : vector<1000x128xf32>
    %dot_general3A_32 = tpu.matmul %div3A_23, %get3A_30, %dot_general3A_31 {dimension_numbers = #tpu.dot_dimension_numbers<[1], [0], [0], [1], [0, 0, 1, 1], [], []>, transpose_lhs_hint = false} : vector<1000x128xf32>, vector<128x128xf32>, vector<1000x128xf32> -> vector<1000x128xf32>
    %add3A_33 = arith.addf %dot_general3A_27, %dot_general3A_32 : vector<1000x128xf32>
    %get3A_34 = arith.constant 0 : index
    %get3A_35 = arith.constant 0 : index
    %get3A_36 = vector.load %arg7[%get3A_34, %get3A_35] : memref<16x128xf32, #tpu.memory_space<vmem>>, vector<16x128xf32>
    %dot_general3A_37 = arith.constant dense<0.000000e+00> : vector<1000x128xf32>
    %dot_general3A_38 = tpu.matmul %get3A_12, %get3A_36, %dot_general3A_37 {dimension_numbers = #tpu.dot_dimension_numbers<[1], [0], [0], [1], [0, 0, 1, 1], [], []>, transpose_lhs_hint = false} : vector<1000x16xf32>, vector<16x128xf32>, vector<1000x128xf32> -> vector<1000x128xf32>
    %add3A_39 = arith.addf %add3A_33, %dot_general3A_38 : vector<1000x128xf32>
    %get3A_40 = arith.constant 0 : index
    %get3A_41 = arith.constant 0 : index
    %get3A_42 = vector.load %arg8[%get3A_40, %get3A_41] : memref<1x128xf32, #tpu.memory_space<vmem>>, vector<1x128xf32>
    %add3A_43 = vector.broadcast %get3A_42 : vector<1x128xf32> to vector<1000x128xf32>
    %add3A_44 = arith.addf %add3A_39, %add3A_43 : vector<1000x128xf32>
    %max3A_45 = arith.constant 0.000000e+00 : f32
    %max3A_46 = vector.broadcast %max3A_45 : f32 to vector<1000x128xf32>
    %max3A_47 = arith.maximumf %add3A_44, %max3A_46 : vector<1000x128xf32>
    %get3A_48 = arith.constant 0 : index
    %get3A_49 = arith.constant 0 : index
    %get3A_50 = vector.load %arg9[%get3A_48, %get3A_49] : memref<128x128xf32, #tpu.memory_space<vmem>>, vector<128x128xf32>
    %dot_general3A_51 = arith.constant dense<0.000000e+00> : vector<1000x128xf32>
    %dot_general3A_52 = tpu.matmul %max3A_47, %get3A_50, %dot_general3A_51 {dimension_numbers = #tpu.dot_dimension_numbers<[1], [0], [0], [1], [0, 0, 1, 1], [], []>, transpose_lhs_hint = false} : vector<1000x128xf32>, vector<128x128xf32>, vector<1000x128xf32> -> vector<1000x128xf32>
    %get3A_53 = arith.constant 0 : index
    %get3A_54 = arith.constant 0 : index
    %get3A_55 = vector.load %arg10[%get3A_53, %get3A_54] : memref<1x128xf32, #tpu.memory_space<vmem>>, vector<1x128xf32>
    %add3A_56 = vector.broadcast %get3A_55 : vector<1x128xf32> to vector<1000x128xf32>
    %add3A_57 = arith.addf %dot_general3A_52, %add3A_56 : vector<1000x128xf32>
    %add3A_58 = arith.addf %add3A_57, %get3A_1 : vector<1000x128xf32>
    %get3A_59 = arith.constant 0 : index
    %get3A_60 = arith.constant 0 : index
    %get3A_61 = vector.load %arg11[%get3A_59, %get3A_60] : memref<128x128xf32, #tpu.memory_space<vmem>>, vector<128x128xf32>
    %dot_general3A_62 = arith.constant dense<0.000000e+00> : vector<1000x128xf32>
    %dot_general3A_63 = tpu.matmul %add3A_58, %get3A_61, %dot_general3A_62 {dimension_numbers = #tpu.dot_dimension_numbers<[1], [0], [0], [1], [0, 0, 1, 1], [], []>, transpose_lhs_hint = false} : vector<1000x128xf32>, vector<128x128xf32>, vector<1000x128xf32> -> vector<1000x128xf32>
    %get3A_64 = arith.constant 0 : index
    %get3A_65 = arith.constant 0 : index
    %get3A_66 = vector.load %arg12[%get3A_64, %get3A_65] : memref<1x128xf32, #tpu.memory_space<vmem>>, vector<1x128xf32>
    %add3A_67 = vector.broadcast %get3A_66 : vector<1x128xf32> to vector<1000x128xf32>
    %add3A_68 = arith.addf %dot_general3A_63, %add3A_67 : vector<1000x128xf32>
    %max3A_69 = arith.constant 0.000000e+00 : f32
    %max3A_70 = vector.broadcast %max3A_69 : f32 to vector<1000x128xf32>
    %max3A_71 = arith.maximumf %add3A_68, %max3A_70 : vector<1000x128xf32>
    %get3A_72 = arith.constant 0 : index
    %get3A_73 = arith.constant 0 : index
    %get3A_74 = vector.load %arg13[%get3A_72, %get3A_73] : memref<128x128xf32, #tpu.memory_space<vmem>>, vector<128x128xf32>
    %dot_general3A_75 = arith.constant dense<0.000000e+00> : vector<1000x128xf32>
    %dot_general3A_76 = tpu.matmul %max3A_71, %get3A_74, %dot_general3A_75 {dimension_numbers = #tpu.dot_dimension_numbers<[1], [0], [0], [1], [0, 0, 1, 1], [], []>, transpose_lhs_hint = false} : vector<1000x128xf32>, vector<128x128xf32>, vector<1000x128xf32> -> vector<1000x128xf32>
    %get3A_77 = arith.constant 0 : index
    %get3A_78 = arith.constant 0 : index
    %get3A_79 = vector.load %arg14[%get3A_77, %get3A_78] : memref<1x128xf32, #tpu.memory_space<vmem>>, vector<1x128xf32>
    %add3A_80 = vector.broadcast %get3A_79 : vector<1x128xf32> to vector<1000x128xf32>
    %add3A_81 = arith.addf %dot_general3A_76, %add3A_80 : vector<1000x128xf32>
    %swap3A = arith.constant 0 : index
    %swap3A_82 = arith.constant 0 : index
    %swap3A_83 = vector.load %arg15[%swap3A, %swap3A_82] : memref<1000x128xf32, #tpu.memory_space<vmem>>, vector<1000x128xf32>
    tpu.vector_store %arg15[%swap3A, %swap3A_82], %add3A_81 {strides = array<i32>} : memref<1000x128xf32, #tpu.memory_space<vmem>>, vector<1000x128xf32>,
    return
  }
  func.func @transform_0(%arg0: i32) -> (i32, i32) {
    %c0_i32 = arith.constant 0 : i32
    %c0_i32_0 = arith.constant 0 : i32
    return %arg0, %c0_i32 : i32, i32
  }
  func.func @transform_1(%arg0: i32) -> (i32, i32, i32) {
    %c0_i32 = arith.constant 0 : i32
    %c0_i32_0 = arith.constant 0 : i32
    %c0_i32_1 = arith.constant 0 : i32
    return %c0_i32, %arg0, %c0_i32_0 : i32, i32, i32
  }
  func.func @transform_2(%arg0: i32) -> (i32, i32, i32) {
    %c0_i32 = arith.constant 0 : i32
    %c0_i32_0 = arith.constant 0 : i32
    %c0_i32_1 = arith.constant 0 : i32
    return %c0_i32, %arg0, %c0_i32_0 : i32, i32, i32
  }
  func.func @transform_3(%arg0: i32) -> (i32, i32) {
    %c0_i32 = arith.constant 0 : i32
    %c0_i32_0 = arith.constant 0 : i32
    return %arg0, %c0_i32 : i32, i32
  }
  func.func @transform_4(%arg0: i32) -> (i32, i32) {
    %c0_i32 = arith.constant 0 : i32
    %c0_i32_0 = arith.constant 0 : i32
    %c0_i32_1 = arith.constant 0 : i32
    return %c0_i32, %c0_i32_0 : i32, i32
  }
  func.func @transform_5(%arg0: i32) -> (i32, i32) {
    %c0_i32 = arith.constant 0 : i32
    %c0_i32_0 = arith.constant 0 : i32
    %c0_i32_1 = arith.constant 0 : i32
    return %c0_i32, %c0_i32_0 : i32, i32
  }
  func.func @transform_6(%arg0: i32) -> (i32, i32) {
    %c0_i32 = arith.constant 0 : i32
    %c0_i32_0 = arith.constant 0 : i32
    %c0_i32_1 = arith.constant 0 : i32
    return %c0_i32, %c0_i32_0 : i32, i32
  }
  func.func @transform_7(%arg0: i32) -> (i32, i32) {
    %c0_i32 = arith.constant 0 : i32
    %c0_i32_0 = arith.constant 0 : i32
    %c0_i32_1 = arith.constant 0 : i32
    return %c0_i32, %c0_i32_0 : i32, i32
  }
  func.func @transform_8(%arg0: i32) -> (i32, i32) {
    %c0_i32 = arith.constant 0 : i32
    %c0_i32_0 = arith.constant 0 : i32
    %c0_i32_1 = arith.constant 0 : i32
    return %c0_i32, %c0_i32_0 : i32, i32
  }
  func.func @transform_9(%arg0: i32) -> (i32, i32) {
    %c0_i32 = arith.constant 0 : i32
    %c0_i32_0 = arith.constant 0 : i32
    %c0_i32_1 = arith.constant 0 : i32
    return %c0_i32, %c0_i32_0 : i32, i32
  }
  func.func @transform_10(%arg0: i32) -> (i32, i32) {
    %c0_i32 = arith.constant 0 : i32
    %c0_i32_0 = arith.constant 0 : i32
    %c0_i32_1 = arith.constant 0 : i32
    return %c0_i32, %c0_i32_0 : i32, i32
  }
  func.func @transform_11(%arg0: i32) -> (i32, i32) {
    %c0_i32 = arith.constant 0 : i32
    %c0_i32_0 = arith.constant 0 : i32
    %c0_i32_1 = arith.constant 0 : i32
    return %c0_i32, %c0_i32_0 : i32, i32
  }
  func.func @transform_12(%arg0: i32) -> (i32, i32) {
    %c0_i32 = arith.constant 0 : i32
    %c0_i32_0 = arith.constant 0 : i32
    %c0_i32_1 = arith.constant 0 : i32
    return %c0_i32, %c0_i32_0 : i32, i32
  }
  func.func @transform_13(%arg0: i32) -> (i32, i32) {
    %c0_i32 = arith.constant 0 : i32
    %c0_i32_0 = arith.constant 0 : i32
    %c0_i32_1 = arith.constant 0 : i32
    return %c0_i32, %c0_i32_0 : i32, i32
  }
  func.func @transform_14(%arg0: i32) -> (i32, i32) {
    %c0_i32 = arith.constant 0 : i32
    %c0_i32_0 = arith.constant 0 : i32
    return %arg0, %c0_i32 : i32, i32
  }
}

</mosaic_0001>

<sc_bundles>
// kernel: kernel.14.cloned.1.call-start
scs
__scs_entry_jumppad:
0x0: {  	(pc) =	sbr.rel $0x88, $3  }
0x1: {  	(tag) =	ssettag $0x0;
	lr =	simm.s32 $0x1  }
0x2: {  	[smem:$0x3F7C] =	sst lr;
	_ =	strace $0xD0000000  }
0x3: {  	_ = 	snop  }
0x4: {  	_ = 	snop  }
0x5: {  	_ = 	snop  }
0x6: {  	_ = 	snop  }
0x7: {  	_ = 	snop  }
__scs_overlays_trampoline_lowered:
0x8: {  	[smem:$0x3F8B] =	sst s0  }
0x9: {  	[smem:$0x3F8C] =	sst s1  }
0xa: {  	[smem:$0x3F8D] =	sst s2  }
0xb: {  	[smem:$0x3F8E] =	sst s3  }
0xc: {  	[smem:$0x3F8F] =	sst s4  }
0xd: {  	[smem:$0x3F90] =	sst s5  }
0xe: {  	[smem:$0x3F91] =	sst s6  }
0xf: {  	[smem:$0x3F92] =	sst s7  }
0x10: {  	[smem:$0x3F93] =	sst s8  }
0x11: {  	[smem:$0x3F94] =	sst s9;
	s0 =	simm.s32 @!p0 $0x0  }
0x12: {  	s1 =	sld [smem:$0x3F7A];
	s0 =	simm.s32 @p0 $0x1  }
0x13: {  	[smem:$0x3F95] =	sst s0;
	s0 =	simm.s32 @!p1 $0x0  }
0x14: {  	s2 =	sld [smem:$0x3F79];
	s0 =	simm.s32 @p1 $0x1  }
0x15: {  	[smem:$0x3F96] =	sst s0;
	s0 =	simm.s32 @!p2 $0x0  }
0x16: {  	s3 =	sld [smem:$0x3FDB];
	s0 =	simm.s32 @p2 $0x1  }
0x17: {  	s4 =	simm.s32 $0x1BF5;
	[smem:$0x3F98] =	sst s0  }
0x18: {  	s0 =	sld [smem:$0x3F7B];
	_ =	swait.ge [sflag:s4], $0x0  }
0x19: {  	s7 =	sld [smem:$0x3F7C]  }
0x1a: {  	s8 =	sadd.s32 $0xFFFFE003, lr  }
0x1b: {  	s9 =	sadd.s32 $0xFFFFFEF7, lr;
	s5 =	simm.s32 $0xFFFFFFFF;
	p2 =	slt.u32 s8, $0xFFFFF086  }
0x1c: {  	p1 =	slt.u32 s9, $0xF7A;
	s5 =	simm.s32 @!p2 $0x0  }
0x1d: {  	s5 =	simm.s32 @p1 $0x1;
	p0 =	seq.s32 s7, s2  }
0x1e: {  	s7 =	smul.u32 @!p0 $0xF7A, s2;
	p2 =	seq.s32 @!p0 s5, $0x0  }
0x1f: {  	s9 =	smul.u32 $0xF7A, s1;
	s8 =	simm.s32 @!p0 $0x1BF5;
	p2 =	por !p2, p0  }
0x20: {  	[sflag:s8] =	ssyncset.s32 @!p0 $0xFFFFF086;
	s6 =	sadd.s32 @!p0 s3, s7;
	s7 =	simm.s32 @!p0 $0x108  }
0x21: {  	s3 =	sadd.s32 s3, s9;
	s6 =	sadd.s32 @!p0 $0x88, s6;
	s7 =	simm.s32 @p2 $0x1082  }
0x22: {  	[simem:s7], [sflag:s8] =	dma.local @!p0 [hbm:s6], $0xF7A  }
0x23: {  	s9 =	sor.u32 $0xD0000000, s2;
	s6 =	simm.s32 $0x108;
	_ =	swait.ge @!p0 [sflag:s8], $0x0  }
0x24: {  	s3 =	sadd.s32 $0x88, s3;
	s6 =	simm.s32 @!p1 $0x1082;
	[sflag:s4] =	ssyncset.s32 $0xFFFFF086  }
0x25: {  	[simem:s6], [sflag:s4] =	dma.local [hbm:s3], $0xF7A  }
0x26: {  	[smem:$0x3F7C] =	sst s1;
	(tag) =	ssettag s2;
	_ =	strace s9  }
0x27: {  	s1 =	sld [smem:$0x3F8C]  }
0x28: {  	s2 =	sld [smem:$0x3F8D]  }
0x29: {  	s4 =	sld [smem:$0x3F8F]  }
0x2a: {  	p0 =	seq.s32 s5, $0x0;
	s5 =	sld [smem:$0x3F90]  }
0x2b: {  	s6 =	sld [smem:$0x3F91]  }
0x2c: {  	s7 =	sld [smem:$0x3F92]  }
0x2d: {  	s3 =	simm.s32 $0x108;
	s8 =	sld [smem:$0x3F93]  }
0x2e: {  	s3 =	simm.s32 @!p0 $0x1082;
	s9 =	sld [smem:$0x3F94]  }
0x2f: {  	lr =	sadd.s32 s0, s3;
	s0 =	sld [smem:$0x3F8B]  }
0x30: {  	s3 =	sld [smem:$0x3F8E]  }
0x31: {  	[smem:$0x3F97] =	sst s10  }
0x32: {  	s10 =	sld [smem:$0x3F95];
	_ =	sdelay $0x3  }
0x33: {  	p0 =	seq.s32 s10, $0x1;
	s10 =	sld [smem:$0x3F97];
	_ =	sdelay $0x3  }
0x34: {  	[smem:$0x3F97] =	sst s10  }
0x35: {  	s10 =	sld [smem:$0x3F96];
	_ =	sdelay $0x3  }
0x36: {  	p1 =	seq.s32 s10, $0x1;
	s10 =	sld [smem:$0x3F97];
	_ =	sdelay $0x3  }
0x37: {  	[smem:$0x3F97] =	sst s10  }
0x38: {  	s10 =	sld [smem:$0x3F98]  }
0x39: {  	_ = 	snop;
	(pc) =	sbr.ind lr, $3  }
0x3a: {  	_ = 	snop  }
0x3b: {  	_ = 	snop  }
0x3c: {  	p2 =	seq.s32 s10, $0x1;
	s10 =	sld [smem:$0x3F97]  }
0x3d: {  	_ =	shalt  }
0x3e: {  	_ =	shalt  }
0x3f: {  	_ =	shalt  }
0x40: {  	_ =	shalt  }
0x41: {  	_ =	shalt  }
0x42: {  	_ =	shalt  }
0x43: {  	_ =	shalt  }
0x44: {  	_ =	shalt  }
0x45: {  	_ =	shalt  }
0x46: {  	_ =	shalt  }
0x47: {  	_ =	shalt  }
0x48: {  	_ =	shalt  }
0x49: {  	_ =	shalt  }
0x4a: {  	_ =	shalt  }
0x4b: {  	_ =	shalt  }
0x4c: {  	_ =	shalt  }
0x4d: {  	_ =	shalt  }
0x4e: {  	_ =	shalt  }
0x4f: {  	_ =	shalt  }
0x50: {  	_ =	shalt  }
0x51: {  	_ =	shalt  }
0x52: {  	_ =	shalt  }
0x53: {  	_ =	shalt  }
0x54: {  	_ =	shalt  }
0x55: {  	_ =	shalt  }
0x56: {  	_ =	shalt  }
0x57: {  	_ =	shalt  }
0x58: {  	_ =	shalt  }
0x59: {  	_ =	shalt  }
0x5a: {  	_ =	shalt  }
0x5b: {  	_ =	shalt  }
0x5c: {  	_ =	shalt  }
0x5d: {  	_ =	shalt  }
0x5e: {  	_ =	shalt  }
0x5f: {  	_ =	shalt  }
0x60: {  	_ =	shalt  }
0x61: {  	_ =	shalt  }
0x62: {  	_ =	shalt  }
0x63: {  	_ =	shalt  }
0x64: {  	_ =	shalt  }
0x65: {  	_ =	shalt  }
0x66: {  	_ =	shalt  }
0x67: {  	_ =	shalt  }
0x68: {  	_ =	shalt  }
0x69: {  	_ =	shalt  }
0x6a: {  	_ =	shalt  }
0x6b: {  	_ =	shalt  }
0x6c: {  	_ =	shalt  }
0x6d: {  	_ =	shalt  }
0x6e: {  	_ =	shalt  }
0x6f: {  	_ =	shalt  }
0x70: {  	_ =	shalt  }
0x71: {  	_ =	shalt  }
0x72: {  	_ =	shalt  }
0x73: {  	_ =	shalt  }
0x74: {  	_ =	shalt  }
0x75: {  	_ =	shalt  }
0x76: {  	_ =	shalt  }
0x77: {  	_ =	shalt  }
0x78: {  	_ =	shalt  }
0x79: {  	_ =	shalt  }
0x7a: {  	_ =	shalt  }
0x7b: {  	_ =	shalt  }
0x7c: {  	_ =	shalt  }
0x7d: {  	_ =	shalt  }
0x7e: {  	_ =	shalt  }
0x7f: {  	_ =	shalt  }
0x80: {  	_ =	shalt  }
0x81: {  	_ =	shalt  }
0x82: {  	_ =	shalt  }
0x83: {  	_ =	shalt  }
0x84: {  	_ =	shalt  }
0x85: {  	_ =	shalt  }
0x86: {  	_ =	shalt  }
0x87: {  	_ =	shalt  }
.Lfunc_end0:
.L_simem_size_0:
called_computation_lowered:
.L_overlay_start_0:
0x88: {  	s2 =	sld [smem:$0x3FD9]  }
0x89: {  	s3 =	sld [smem:$0x3FFE];
	_ =	sdelay $0x1  }
0x8a: {  	s1 =	srdreg.scid  }
0x8b: {  	s0 =	sand.u32 $0x1, s1  }
0x8c: {  	s17 =	sshll.u32 s0, $0xA;
	s2 =	sadd.s32 s3, s2  }
0x8d: {  	s2 =	sadd.s32 s2, s17  }
0x8e: {  	[smem:$0x3FA3] =	sst s2  }
0x8f: {  	_ = 	snop  }
0x90: {  	(tm) =	ssettm $0x1  }
0x91: {  	s18 =	sld [smem:$0x3FFB];
	_ =	sdelay $0x3  }
0x92: {  	_ =	strace s18  }
0x93: {  	s2 =	sld [smem:$0x3FFC];
	_ =	sdelay $0x3  }
0x94: {  	_ =	strace s2  }
0x95: {  	s2 =	sld [smem:$0x3FFD];
	_ =	sdelay $0x3  }
0x96: {  	_ =	strace s2  }
0x97: {  	_ =	strace $0x8FFFFFFF  }
0x98: {  	s19 =	sld [smem:$0x3FDB];
	_ =	sdelay $0x1  }
0x99: {  	s20 =	simm.s32 $_scs_section_size  }
0x9a: {  	s4 =	simm.s32 $_size__tile_overlayer_lowered;
	s5 =	simm.s32 $_tile_overlayer_lowered  }
0x9b: {  	s6 =	simm.s32 $0x1BFF;
	s21 =	sshll.u32 s5, $0x1;
	s3 =	sadd.s32 s20, s19  }
0x9c: {  	s22 =	simm.s32 $0x0;
	s4 =	sshll.u32 s4, $0x1;
	s5 =	sadd.s32 s21, s3  }
0x9d: {  	[timem:s22], [sflag:s6] =	dma.local [hbm:s5], s4  }
0x9e: {  	_ =	swait.ge [sflag:s6], s4  }
0x9f: {  	s4 =	ssub.s32 $0x0, s4;
	[sflag:s6] =	ssyncset.done $0x0  }
0xa0: {  	[sflag:s6] =	ssyncadd.s32 s4;
	_ =	sdelay $0x1  }
0xa1: {  	s23 =	simm.s32 $0x1B8B  }
0xa2: {  	_ =	swait.ge [sflag:s23], $0x1  }
0xa3: {  	[sflag:s23] =	ssyncset.done $0x0  }
0xa4: {  	[sflag:s23] =	ssyncadd.s32 $0xFFFFFFFF  }
0xa5: {  	s4 =	sld [smem:$0x0]  }
0xa6: {  	s5 =	sand.u32 $0xFFFFFFFE, s1  }
0xa7: {  	p0 =	sne.s32 s1, s5  }
0xa8: {  	s5 =	sshll.u32 @p0 s5, $0xE  }
0xa9: {  	s5 =	sadd.s32 @p0 $0x11B8D, s5;
	s6 =	sshll.u32 @p0 s4, $0x11  }
0xaa: {  	s5 =	sor.u32 @p0 s6, s5  }
0xab: {  	[sflag:s5] =	ssyncadd.remote.s32 @p0 $0x1;
	_ =	sdelay $0x1  }
0xac: {  	s5 =	simm.s32 @p0 $0x1B8D  }
0xad: {  	_ =	swait.eq @p0 [sflag:s5], $0x1  }
0xae: {  	[sflag:s5] =	ssyncadd.s32 @p0 $0xFFFFFFFF  }
0xaf: {  	s6 =	sshll.u32 @!p0 s1, $0xE  }
0xb0: {  	s6 =	sor.u32 @!p0 $0x4000, s6;
	s5 =	simm.s32 @!p0 $0x1B8D  }
0xb1: {  	s4 =	sshll.u32 @!p0 s4, $0x11;
	s6 =	sadd.s32 @!p0 $0x11B8D, s6;
	_ =	swait.eq @!p0 [sflag:s5], $0x1  }
0xb2: {  	s4 =	sor.u32 @!p0 s4, s6;
	[sflag:s5] =	ssyncadd.s32 @!p0 $0xFFFFFFFF  }
0xb3: {  	s25 =	simm.s32 $0x1B8E;
	s24 =	sld [smem:$0x3FFE];
	[sflag:s4] =	ssyncadd.remote.s32 @!p0 $0x1  }
0xb4: {  	s26 =	simm.s32 $execute0_lowered;
	[smem:$0x3FD2] =	sst s25  }
0xb5: {  	s5 =	sshll.u32 s26, $0x1;
	_ =	strace $0x80000049;
	[dreg:$0x1] =	wrdreg $0xFFFFFFFF  }
0xb6: {  	s28 =	simm.s32 $_size_execute0_lowered;
	s3 =	sadd.s32 s3, s5;
	[dreg:$0x0] =	wrdreg $0x0  }
0xb7: {  	s5 =	sshll.u32 s28, $0x1;
	[dreg:$0x2] =	wrdreg s3  }
0xb8: {  	[dreg:$0x3] =	wrdreg s5  }
0xb9: {  	[dreg:$0x4] =	wrdreg $0xC0  }
0xba: {  	_ =	task [dreg:s22], $0x5FFFF  }
0xbb: {  	[dreg:$0x1] =	wrdreg $0xFFFFFFFF  }
0xbc: {  	[dreg:$0x0] =	wrdreg $0x60  }
0xbd: {  	[dreg:$0x2] =	wrdreg s24  }
0xbe: {  	[dreg:$0x3] =	wrdreg $0x40800  }
0xbf: {  	[dreg:$0x4] =	wrdreg $0x9  }
0xc0: {  	_ =	task.clear_ibuf [dreg:s22], $0x5FFFF;
	_ =	strace $0x90000049  }
0xc1: {  	s29 =	simm.s32 $0x9;
	_ =	strace $0x8000004B  }
0xc2: {  	_ =	swait.ge [sflag:s29], $0x1  }
0xc3: {  	[sflag:s29] =	ssyncadd.s32 $0xFFFFFFFF  }
0xc4: {  	_ =	strace $0x9000004B  }
0xc5: {  	_ =	sfence  }
0xc6: {  	s30 =	sld [smem:$0x0];
	_ =	sdelay $0x2  }
0xc7: {  	s31 =	sshll.u32 s1, $0xD;
	s1 =	sshrl.u32 s1, $0x2  }
0xc8: {  	s4 =	sand.u32 $0x4000, s31;
	s1 =	sadd.s32 s1, s30  }
0xc9: {  	s0 =	sor.u32 s4, s0;
	s1 =	sshll.u32 s1, $0x11  }
0xca: {  	s0 =	sor.u32 s1, s0  }
0xcb: {  	s0 =	sadd.s32 $0x8F2B, s0  }
0xcc: {  	[sflag:s0] =	ssyncadd.remote.s32 $0x1  }
0xcd: {  	_ =	sfence.sel $0xFFFF  }
0xce: {  	[dreg:$0x0] =	wrdreg $0xFFFFFFFF;
	(pc) =	sbr.abs _section_cstart, $3  }
0xcf: {  	[dreg:$0x1] =	wrdreg $0xFFFFFFFF  }
0xd0: {  	_ =	task.clear_ibuf [dreg:s22], $0x2FFFF;
	_ =	strace $0x9FFFFFFF  }
0xd1: {  	(tm) =	ssettm $0x7FFFFFFF  }
tec
execute0_lowered:
.L_overlay_start_1:
0x0: {  	(tag) =	ssettag $0x1  }
0x1: {  	s5 =	rddreg [dreg:$0x0]  }
0x2: {  	s2 =	rddreg [dreg:$0x1];
	s3 =	simm.s32 $0x0;
	s1 =	stileid.u32  }
0x3: {  	s6 =	srdreg.scid;
	[smem:$0x7FF] =	sst s3  }
0x4: {  	s4 =	sshll.u32 s1, $0x5;
	s19 =	sand.u32 $0x1, s6;
	s16 =	smul.u32 $0x280, s1  }
0x5: {  	s13 =	sadd.s32 $0xA70000, s5;
	s7 =	smul.u32 $0x50000, s1;
	s21 =	sadd.s32 $0xA98800, s5  }
0x6: {  	s8 =	smul.u32 $0x2800, s1;
	_ =	strace $0x8000004A;
	s20 =	sadd.s32 s4, s5  }
0x7: {  	s4 =	sadd.s32 $0xA98000, s5;
	s6 =	ssub.s32 $0x2, s19;
	s5 =	sshll.u32 s1, $0x1  }
0x8: {  	s25 =	smul.u32 $0x2800, s19;
	s29 =	sshll.u32 s19, $0x4;
	s26 =	sshrl.u32 s6, $0x1  }
0x9: {  	s7 =	sshrl.u32 s7, $0x2;
	s17 =	sadd.s32 $0x80, s16;
	s18 =	sadd.s32 $0x100, s16  }
0xa: {  	s23 =	sadd.s32 $0x180, s16;
	s24 =	sadd.s32 $0x200, s16;
	s31 =	sadd.s32 s29, s20  }
0xb: {  	s22 =	ssub.s32 s6, s26;
	s6 =	sadd.s32 s13, s8;
	s7 =	sadd.s32 s7, s2  }
0xc: {  	s28 =	sshll.u32 s17, $0x4;
	s9 =	sshll.u32 s17, $0x7;
	s10 =	sshll.u32 s18, $0x4  }
0xd: {  	s11 =	sshll.u32 s18, $0x7;
	s12 =	sshll.u32 s23, $0x4;
	s14 =	sshll.u32 s24, $0x4  }
0xe: {  	s15 =	sshll.u32 s23, $0x7;
	s26 =	sshll.u32 s24, $0x7;
	s16 =	sadd.s32 s16, s25  }
0xf: {  	s17 =	sadd.s32 s25, s17;
	s18 =	sadd.s32 s25, s18;
	s23 =	sadd.s32 s25, s23  }
0x10: {  	s24 =	sadd.s32 s25, s24;
	s25 =	simm.s32 $0x0;
	s8 =	sadd.s32 s13, s28  }
0x11: {  	s9 =	sadd.s32 s9, s2;
	s10 =	sadd.s32 s13, s10;
	s11 =	sadd.s32 s11, s2  }
0x12: {  	s12 =	sadd.s32 s13, s12;
	s13 =	sadd.s32 s13, s14;
	s14 =	sadd.s32 s15, s2  }
0x13: {  	s15 =	sadd.s32 s26, s2;
	s16 =	sshll.u32 s16, $0x4;
	s17 =	sshll.u32 s17, $0x4  }
0x14: {  	s18 =	sshll.u32 s18, $0x4;
	s23 =	sshll.u32 s23, $0x4;
	s30 =	sshll.u32 s24, $0x4  }
0x15: {  	s24 =	simm.s32 $0x1;
	s16 =	sadd.s32 s21, s16;
	s17 =	sadd.s32 s21, s17  }
0x16: {  	s18 =	sadd.s32 s21, s18;
	s19 =	sadd.s32 s21, s23;
	s20 =	sadd.s32 s21, s30  }
0x17: {  	s21 =	smax.u32 s22, $0x1;
	s22 =	sadd.s32 $0xAC00, s31;
	s23 =	simm.s32 $0x80  }
.LBB2_1:
0x18: {  	[tilespmem:s23], [sflag:$0x1] =	stream.linear.gather [hbm4b:s6+s3], $0x4000, $0x38;
	[tilespmem:$0x18080] =	vst v63  }
0x19: {  	_ =	swait.ge [sflag:s24], $0x4000  }
0x1a: {  	[sflag:s24] =	ssyncset.done $0x0  }
0x1b: {  	[sflag:s24] =	ssyncadd.s32 $0xFFFFC000  }
0x1c: {  	[spmem:s7] =	stream.linear.scatter [tilespmem:s23], [sflag:$0x1], $0x4000, $0x38;
	[tilespmem:$0x18080] =	vst v63  }
0x1d: {  	_ =	swait.ge [sflag:s24], $0x4000  }
0x1e: {  	[sflag:s24] =	ssyncset.done $0x0  }
0x1f: {  	[sflag:s24] =	ssyncadd.s32 $0xFFFFC000  }
0x20: {  	[tilespmem:s23], [sflag:$0x1] =	stream.linear.gather [hbm4b:s8+s3], $0x4000, $0x38;
	[tilespmem:$0x18080] =	vst v63  }
0x21: {  	_ =	swait.ge [sflag:s24], $0x4000  }
0x22: {  	[sflag:s24] =	ssyncset.done $0x0  }
0x23: {  	[sflag:s24] =	ssyncadd.s32 $0xFFFFC000  }
0x24: {  	[spmem:s9] =	stream.linear.scatter [tilespmem:s23], [sflag:$0x1], $0x4000, $0x38;
	[tilespmem:$0x18080] =	vst v63  }
0x25: {  	_ =	swait.ge [sflag:s24], $0x4000  }
0x26: {  	[sflag:s24] =	ssyncset.done $0x0  }
0x27: {  	[sflag:s24] =	ssyncadd.s32 $0xFFFFC000  }
0x28: {  	[tilespmem:s23], [sflag:$0x1] =	stream.linear.gather [hbm4b:s10+s3], $0x4000, $0x38;
	[tilespmem:$0x18080] =	vst v63  }
0x29: {  	_ =	swait.ge [sflag:s24], $0x4000  }
0x2a: {  	[sflag:s24] =	ssyncset.done $0x0  }
0x2b: {  	[sflag:s24] =	ssyncadd.s32 $0xFFFFC000  }
0x2c: {  	[spmem:s11] =	stream.linear.scatter [tilespmem:s23], [sflag:$0x1], $0x4000, $0x38;
	[tilespmem:$0x18080] =	vst v63  }
0x2d: {  	_ =	swait.ge [sflag:s24], $0x4000  }
0x2e: {  	[sflag:s24] =	ssyncset.done $0x0  }
0x2f: {  	[sflag:s24] =	ssyncadd.s32 $0xFFFFC000  }
0x30: {  	[tilespmem:s23], [sflag:$0x1] =	stream.linear.gather [hbm4b:s12+s3], $0x4000, $0x38;
	[tilespmem:$0x18080] =	vst v63  }
0x31: {  	_ =	swait.ge [sflag:s24], $0x4000  }
0x32: {  	[sflag:s24] =	ssyncset.done $0x0  }
0x33: {  	[sflag:s24] =	ssyncadd.s32 $0xFFFFC000  }
0x34: {  	[spmem:s14] =	stream.linear.scatter [tilespmem:s23], [sflag:$0x1], $0x4000, $0x38;
	[tilespmem:$0x18080] =	vst v63  }
0x35: {  	_ =	swait.ge [sflag:s24], $0x4000  }
0x36: {  	[sflag:s24] =	ssyncset.done $0x0  }
0x37: {  	[sflag:s24] =	ssyncadd.s32 $0xFFFFC000  }
0x38: {  	[tilespmem:s23], [sflag:$0x1] =	stream.linear.gather [hbm4b:s13+s3], $0x4000, $0x38;
	[tilespmem:$0x18080] =	vst v63  }
0x39: {  	_ =	swait.ge [sflag:s24], $0x4000  }
0x3a: {  	[sflag:s24] =	ssyncset.done $0x0  }
0x3b: {  	[sflag:s24] =	ssyncadd.s32 $0xFFFFC000  }
0x3c: {  	[spmem:s15] =	stream.linear.scatter [tilespmem:s23], [sflag:$0x1], $0x4000, $0x38;
	[tilespmem:$0x18080] =	vst v63  }
0x3d: {  	_ =	swait.ge [sflag:s24], $0x4000  }
0x3e: {  	[sflag:s24] =	ssyncset.done $0x0  }
0x3f: {  	[sflag:s24] =	ssyncadd.s32 $0xFFFFC000  }
0x40: {  	[tilespmem:s23], [sflag:$0x1] =	stream.linear.gather [hbm4b:s4+s3], $0x4000, $0x38;
	[tilespmem:$0x18080] =	vst v63  }
0x41: {  	_ =	swait.ge [sflag:s24], $0x4000  }
0x42: {  	s26 =	sadd.s32 $0x0, s5;
	[sflag:s24] =	ssyncset.done $0x0  }
0x43: {  	p0 =	sgt.u32 s26, $0x9C3;
	[sflag:s24] =	ssyncadd.s32 $0xFFFFC000  }
0x44: {  	s28 =	simm.s32 @!p0 $0x0;
	s29 =	simm.s32 @!p0 $0x2;
	[bflag:$0x0] =	sbarrier.arrive $0xFFFF  }
0x45: {  	[tilespmem:s28], [sflag:$0x2] =	stream.linear.gather @!p0 [hbm4b:s22+s28], $0x80, $0x38;
	[tilespmem:$0x18080] =	vst v63  }
0x46: {  	_ =	swait.ge @!p0 [sflag:s29], $0x80  }
0x47: {  	s26 =	simm.s32 $0x40;
	[sflag:s29] =	ssyncset.done @!p0 $0x0  }
0x48: {  	s30 =	simm.s32 @!p0 $0x80;
	[sflag:s29] =	ssyncadd.s32 @!p0 $0xFFFFFF80;
	s29 =	simm.s32 @!p0 $0x1  }
0x49: {  	[spmem:s2] =	stream.indirect.scatter.add.f32 @!p0 [tilespmem:s30], [sflag:$0x1], $0x80, s28, s30, $0xb8;
	[tilespmem:$0x18080] =	vst v63  }
0x4a: {  	p1 =	por p0, p0;
	s28 =	sadd.s32 $0x20, s5;
	_ =	swait.ge @!p0 [sflag:s29], $0x4000  }
0x4b: {  	p0 =	sgt.u32 s28, $0x9C3;
	s28 =	sadd.s32 $0x200, s22;
	[sflag:s29] =	ssyncset.done @!p1 $0x0  }
.LBB2_2:
0x4c: {  	s30 =	simm.s32 @!p0 $0x0;
	s31 =	simm.s32 @!p0 $0x2  }
0x4d: {  	[sflag:s29] =	ssyncadd.s32 @!p1 $0xFFFFC000;
	s0 =	smov.u32 s26;
	s26 =	sadd.s32 $0x20, s26  }
0x4e: {  	[tilespmem:s30], [sflag:$0x2] =	stream.linear.gather @!p0 [hbm4b:s28+s30], $0x80, $0x38;
	[tilespmem:$0x18080] =	vst v63  }
0x4f: {  	p2 =	sne.s32 s26, $0x9E0;
	_ =	swait.ge @!p0 [sflag:s31], $0x80  }
.Ltmp0:
0x50: {  	[sflag:s31] =	ssyncset.done @!p0 $0x0;
	(pc) =	sbr.rel @p2 .LBB2_2-.Ltmp0, $4  }
0x51: {  	s29 =	simm.s32 @!p0 $0x1;
	[sflag:s31] =	ssyncadd.s32 @!p0 $0xFFFFFF80;
	s31 =	simm.s32 @!p0 $0x80  }
0x52: {  	[spmem:s2] =	stream.indirect.scatter.add.f32 @!p0 [tilespmem:s31], [sflag:$0x1], $0x80, s30, s31, $0xb8;
	[tilespmem:$0x18080] =	vst v63  }
0x53: {  	p1 =	por p0, p0;
	s0 =	sadd.s32 s0, s5;
	_ =	swait.ge @!p0 [sflag:s29], $0x4000  }
0x54: {  	s28 =	sadd.s32 $0x200, s28;
	p0 =	sgt.u32 s0, $0x9C3;
	[sflag:s29] =	ssyncset.done @!p1 $0x0  }
0x55: {  	s0 =	simm.s32 @!p0 $0x0;
	s26 =	simm.s32 @!p0 $0x2;
	[sflag:s29] =	ssyncadd.s32 @!p1 $0xFFFFC000  }
0x56: {  	[tilespmem:s0], [sflag:$0x2] =	stream.linear.gather @!p0 [hbm4b:s28+s0], $0x80, $0x38;
	[tilespmem:$0x18080] =	vst v63  }
0x57: {  	_ =	swait.ge @!p0 [sflag:s26], $0x80  }
0x58: {  	[sflag:s26] =	ssyncset.done @!p0 $0x0  }
0x59: {  	s28 =	simm.s32 @!p0 $0x1;
	[sflag:s26] =	ssyncadd.s32 @!p0 $0xFFFFFF80;
	s26 =	simm.s32 @!p0 $0x80  }
0x5a: {  	[spmem:s2] =	stream.indirect.scatter.add.f32 @!p0 [tilespmem:s26], [sflag:$0x1], $0x80, s0, s26, $0xb8;
	[tilespmem:$0x18080] =	vst v63  }
0x5b: {  	_ =	swait.ge @!p0 [sflag:s28], $0x4000;
	p0 =	por p0, p0  }
0x5c: {  	[sflag:s28] =	ssyncset.done @!p0 $0x0  }
0x5d: {  	[sflag:s28] =	ssyncadd.s32 @!p0 $0xFFFFC000  }
0x5e: {  	[bflag:$0x0] =	sbarrier.arrive $0xFFFF  }
0x5f: {  	[tilespmem:s23], [sflag:$0x1] =	stream.linear.gather [spmem:s7], $0x4000, $0x38;
	[tilespmem:$0x18080] =	vst v63  }
0x60: {  	_ =	swait.ge [sflag:s24], $0x4000  }
0x61: {  	[sflag:s24] =	ssyncset.done $0x0  }
0x62: {  	[sflag:s24] =	ssyncadd.s32 $0xFFFFC000  }
0x63: {  	[hbm4b:s16+s3] =	stream.linear.scatter [tilespmem:s23], [sflag:$0x1], $0x4000, $0x38;
	[tilespmem:$0x18080] =	vst v63  }
0x64: {  	_ =	swait.ge [sflag:s24], $0x4000  }
0x65: {  	[sflag:s24] =	ssyncset.done $0x0  }
0x66: {  	[sflag:s24] =	ssyncadd.s32 $0xFFFFC000  }
0x67: {  	[tilespmem:s23], [sflag:$0x1] =	stream.linear.gather [spmem:s9], $0x4000, $0x38;
	[tilespmem:$0x18080] =	vst v63  }
0x68: {  	_ =	swait.ge [sflag:s24], $0x4000  }
0x69: {  	[sflag:s24] =	ssyncset.done $0x0  }
0x6a: {  	[sflag:s24] =	ssyncadd.s32 $0xFFFFC000  }
0x6b: {  	[hbm4b:s17+s3] =	stream.linear.scatter [tilespmem:s23], [sflag:$0x1], $0x4000, $0x38;
	[tilespmem:$0x18080] =	vst v63  }
0x6c: {  	_ =	swait.ge [sflag:s24], $0x4000  }
0x6d: {  	[sflag:s24] =	ssyncset.done $0x0  }
0x6e: {  	[sflag:s24] =	ssyncadd.s32 $0xFFFFC000  }
0x6f: {  	[tilespmem:s23], [sflag:$0x1] =	stream.linear.gather [spmem:s11], $0x4000, $0x38;
	[tilespmem:$0x18080] =	vst v63  }
0x70: {  	_ =	swait.ge [sflag:s24], $0x4000  }
0x71: {  	[sflag:s24] =	ssyncset.done $0x0  }
0x72: {  	[sflag:s24] =	ssyncadd.s32 $0xFFFFC000  }
0x73: {  	[hbm4b:s18+s3] =	stream.linear.scatter [tilespmem:s23], [sflag:$0x1], $0x4000, $0x38;
	[tilespmem:$0x18080] =	vst v63  }
0x74: {  	_ =	swait.ge [sflag:s24], $0x4000  }
0x75: {  	[sflag:s24] =	ssyncset.done $0x0  }
0x76: {  	[sflag:s24] =	ssyncadd.s32 $0xFFFFC000  }
0x77: {  	[tilespmem:s23], [sflag:$0x1] =	stream.linear.gather [spmem:s14], $0x4000, $0x38;
	[tilespmem:$0x18080] =	vst v63  }
0x78: {  	_ =	swait.ge [sflag:s24], $0x4000  }
0x79: {  	[sflag:s24] =	ssyncset.done $0x0  }
0x7a: {  	[sflag:s24] =	ssyncadd.s32 $0xFFFFC000  }
0x7b: {  	[hbm4b:s19+s3] =	stream.linear.scatter [tilespmem:s23], [sflag:$0x1], $0x4000, $0x38;
	[tilespmem:$0x18080] =	vst v63  }
0x7c: {  	_ =	swait.ge [sflag:s24], $0x4000  }
0x7d: {  	[sflag:s24] =	ssyncset.done $0x0  }
0x7e: {  	[sflag:s24] =	ssyncadd.s32 $0xFFFFC000  }
0x7f: {  	[tilespmem:s23], [sflag:$0x1] =	stream.linear.gather [spmem:s15], $0x4000, $0x38;
	[tilespmem:$0x18080] =	vst v63  }
0x80: {  	s25 =	sadd.s32 $0x1, s25;
	_ =	swait.ge [sflag:s24], $0x4000  }
0x81: {  	p0 =	sne.s32 s25, s21;
	[sflag:s24] =	ssyncset.done $0x0  }
.Ltmp1:
0x82: {  	[sflag:s24] =	ssyncadd.s32 $0xFFFFC000;
	(pc) =	sbr.rel @p0 .LBB2_1-.Ltmp1, $4  }
0x83: {  	[hbm4b:s20+s3] =	stream.linear.scatter [tilespmem:s23], [sflag:$0x1], $0x4000, $0x38;
	[tilespmem:$0x18080] =	vst v63  }
0x84: {  	_ =	swait.ge [sflag:s24], $0x4000  }
0x85: {  	[sflag:s24] =	ssyncset.done $0x0  }
0x86: {  	[sflag:s24] =	ssyncadd.s32 $0xFFFFC000  }
0x87: {  	_ =	sfence.sel $0x180000  }
0x88: {  	[bflag:$0x0] =	sbarrier.arrive $0xFFFF  }
0x89: {  	_ =	strace $0x9000004A  }
0x8a: {  	[bflag:$0x2] =	sbarrier.arrive $0xFFFF  }
0x8b: {  	p0 =	sne.s32 s1, $0x0;
	s0 =	rddreg [dreg:$0x2]  }
0x8c: {  	s0 =	sadd.s32 @!p0 $0x100000, s0  }
0x8d: {  	[sflag:s0] =	ssyncadd.tile.s32 @!p0 $0x1;
	_ =	shalt  }
.Lfunc_end2:
_tile_overlayer_lowered:
.L_overlay_start_2:
0x8e: {  	(tag) =	ssettag $0x2  }
0x8f: {  	s0 =	rddreg [dreg:$0x0];
	s2 =	stileid.u32  }
0x90: {  	s1 =	rddreg [dreg:$0x1];
	p0 =	sne.s32 s2, $0x0  }
0x91: {  	s3 =	rddreg [dreg:$0x2];
	[bflag:$0x3] =	sbarrier.arrive $0xFFFF;
	s2 =	simm.s32 @!p0 $0x1C01  }
0x92: {  	[timem:s3], [sflag:s2] =	dma.local @!p0 [hbm:s0], s1  }
0x93: {  	s0 =	simm.s32 @!p0 $0x1  }
0x94: {  	_ =	swait.ge @!p0 [sflag:s0], s1  }
0x95: {  	s1 =	ssub.s32 @!p0 $0x0, s1;
	[sflag:s0] =	ssyncset.done @!p0 $0x0  }
0x96: {  	[sflag:s0] =	ssyncadd.s32 @!p0 s1  }
0x97: {  	[bflag:$0x3] =	sbarrier.arrive $0xFFFF  }
0x98: {  	_ =	shalt  }

// kernel: kernel.17.cloned.1.call-start
scs
__scs_entry_jumppad:
0x0: {  	(pc) =	sbr.rel $0x88, $3  }
0x1: {  	(tag) =	ssettag $0x0;
	lr =	simm.s32 $0x1  }
0x2: {  	[smem:$0x3F7C] =	sst lr;
	_ =	strace $0xD0000000  }
0x3: {  	_ = 	snop  }
0x4: {  	_ = 	snop  }
0x5: {  	_ = 	snop  }
0x6: {  	_ = 	snop  }
0x7: {  	_ = 	snop  }
__scs_overlays_trampoline_lowered:
0x8: {  	[smem:$0x3F8B] =	sst s0  }
0x9: {  	[smem:$0x3F8C] =	sst s1  }
0xa: {  	[smem:$0x3F8D] =	sst s2  }
0xb: {  	[smem:$0x3F8E] =	sst s3  }
0xc: {  	[smem:$0x3F8F] =	sst s4  }
0xd: {  	[smem:$0x3F90] =	sst s5  }
0xe: {  	[smem:$0x3F91] =	sst s6  }
0xf: {  	[smem:$0x3F92] =	sst s7  }
0x10: {  	[smem:$0x3F93] =	sst s8  }
0x11: {  	[smem:$0x3F94] =	sst s9;
	s0 =	simm.s32 @!p0 $0x0  }
0x12: {  	s1 =	sld [smem:$0x3F7A];
	s0 =	simm.s32 @p0 $0x1  }
0x13: {  	[smem:$0x3F95] =	sst s0;
	s0 =	simm.s32 @!p1 $0x0  }
0x14: {  	s2 =	sld [smem:$0x3F79];
	s0 =	simm.s32 @p1 $0x1  }
0x15: {  	[smem:$0x3F96] =	sst s0;
	s0 =	simm.s32 @!p2 $0x0  }
0x16: {  	s3 =	sld [smem:$0x3FDB];
	s0 =	simm.s32 @p2 $0x1  }
0x17: {  	s4 =	simm.s32 $0x1BF5;
	[smem:$0x3F98] =	sst s0  }
0x18: {  	s0 =	sld [smem:$0x3F7B];
	_ =	swait.ge [sflag:s4], $0x0  }
0x19: {  	s7 =	sld [smem:$0x3F7C]  }
0x1a: {  	s8 =	sadd.s32 $0xFFFFE003, lr  }
0x1b: {  	s9 =	sadd.s32 $0xFFFFFEF7, lr;
	s5 =	simm.s32 $0xFFFFFFFF;
	p2 =	slt.u32 s8, $0xFFFFF086  }
0x1c: {  	p1 =	slt.u32 s9, $0xF7A;
	s5 =	simm.s32 @!p2 $0x0  }
0x1d: {  	s5 =	simm.s32 @p1 $0x1;
	p0 =	seq.s32 s7, s2  }
0x1e: {  	s7 =	smul.u32 @!p0 $0xF7A, s2;
	p2 =	seq.s32 @!p0 s5, $0x0  }
0x1f: {  	s9 =	smul.u32 $0xF7A, s1;
	s8 =	simm.s32 @!p0 $0x1BF5;
	p2 =	por !p2, p0  }
0x20: {  	[sflag:s8] =	ssyncset.s32 @!p0 $0xFFFFF086;
	s6 =	sadd.s32 @!p0 s3, s7;
	s7 =	simm.s32 @!p0 $0x108  }
0x21: {  	s3 =	sadd.s32 s3, s9;
	s6 =	sadd.s32 @!p0 $0x88, s6;
	s7 =	simm.s32 @p2 $0x1082  }
0x22: {  	[simem:s7], [sflag:s8] =	dma.local @!p0 [hbm:s6], $0xF7A  }
0x23: {  	s9 =	sor.u32 $0xD0000000, s2;
	s6 =	simm.s32 $0x108;
	_ =	swait.ge @!p0 [sflag:s8], $0x0  }
0x24: {  	s3 =	sadd.s32 $0x88, s3;
	s6 =	simm.s32 @!p1 $0x1082;
	[sflag:s4] =	ssyncset.s32 $0xFFFFF086  }
0x25: {  	[simem:s6], [sflag:s4] =	dma.local [hbm:s3], $0xF7A  }
0x26: {  	[smem:$0x3F7C] =	sst s1;
	(tag) =	ssettag s2;
	_ =	strace s9  }
0x27: {  	s1 =	sld [smem:$0x3F8C]  }
0x28: {  	s2 =	sld [smem:$0x3F8D]  }
0x29: {  	s4 =	sld [smem:$0x3F8F]  }
0x2a: {  	p0 =	seq.s32 s5, $0x0;
	s5 =	sld [smem:$0x3F90]  }
0x2b: {  	s6 =	sld [smem:$0x3F91]  }
0x2c: {  	s7 =	sld [smem:$0x3F92]  }
0x2d: {  	s3 =	simm.s32 $0x108;
	s8 =	sld [smem:$0x3F93]  }
0x2e: {  	s3 =	simm.s32 @!p0 $0x1082;
	s9 =	sld [smem:$0x3F94]  }
0x2f: {  	lr =	sadd.s32 s0, s3;
	s0 =	sld [smem:$0x3F8B]  }
0x30: {  	s3 =	sld [smem:$0x3F8E]  }
0x31: {  	[smem:$0x3F97] =	sst s10  }
0x32: {  	s10 =	sld [smem:$0x3F95];
	_ =	sdelay $0x3  }
0x33: {  	p0 =	seq.s32 s10, $0x1;
	s10 =	sld [smem:$0x3F97];
	_ =	sdelay $0x3  }
0x34: {  	[smem:$0x3F97] =	sst s10  }
0x35: {  	s10 =	sld [smem:$0x3F96];
	_ =	sdelay $0x3  }
0x36: {  	p1 =	seq.s32 s10, $0x1;
	s10 =	sld [smem:$0x3F97];
	_ =	sdelay $0x3  }
0x37: {  	[smem:$0x3F97] =	sst s10  }
0x38: {  	s10 =	sld [smem:$0x3F98]  }
0x39: {  	_ = 	snop;
	(pc) =	sbr.ind lr, $3  }
0x3a: {  	_ = 	snop  }
0x3b: {  	_ = 	snop  }
0x3c: {  	p2 =	seq.s32 s10, $0x1;
	s10 =	sld [smem:$0x3F97]  }
0x3d: {  	_ =	shalt  }
0x3e: {  	_ =	shalt  }
0x3f: {  	_ =	shalt  }
0x40: {  	_ =	shalt  }
0x41: {  	_ =	shalt  }
0x42: {  	_ =	shalt  }
0x43: {  	_ =	shalt  }
0x44: {  	_ =	shalt  }
0x45: {  	_ =	shalt  }
0x46: {  	_ =	shalt  }
0x47: {  	_ =	shalt  }
0x48: {  	_ =	shalt  }
0x49: {  	_ =	shalt  }
0x4a: {  	_ =	shalt  }
0x4b: {  	_ =	shalt  }
0x4c: {  	_ =	shalt  }
0x4d: {  	_ =	shalt  }
0x4e: {  	_ =	shalt  }
0x4f: {  	_ =	shalt  }
0x50: {  	_ =	shalt  }
0x51: {  	_ =	shalt  }
0x52: {  	_ =	shalt  }
0x53: {  	_ =	shalt  }
0x54: {  	_ =	shalt  }
0x55: {  	_ =	shalt  }
0x56: {  	_ =	shalt  }
0x57: {  	_ =	shalt  }
0x58: {  	_ =	shalt  }
0x59: {  	_ =	shalt  }
0x5a: {  	_ =	shalt  }
0x5b: {  	_ =	shalt  }
0x5c: {  	_ =	shalt  }
0x5d: {  	_ =	shalt  }
0x5e: {  	_ =	shalt  }
0x5f: {  	_ =	shalt  }
0x60: {  	_ =	shalt  }
0x61: {  	_ =	shalt  }
0x62: {  	_ =	shalt  }
0x63: {  	_ =	shalt  }
0x64: {  	_ =	shalt  }
0x65: {  	_ =	shalt  }
0x66: {  	_ =	shalt  }
0x67: {  	_ =	shalt  }
0x68: {  	_ =	shalt  }
0x69: {  	_ =	shalt  }
0x6a: {  	_ =	shalt  }
0x6b: {  	_ =	shalt  }
0x6c: {  	_ =	shalt  }
0x6d: {  	_ =	shalt  }
0x6e: {  	_ =	shalt  }
0x6f: {  	_ =	shalt  }
0x70: {  	_ =	shalt  }
0x71: {  	_ =	shalt  }
0x72: {  	_ =	shalt  }
0x73: {  	_ =	shalt  }
0x74: {  	_ =	shalt  }
0x75: {  	_ =	shalt  }
0x76: {  	_ =	shalt  }
0x77: {  	_ =	shalt  }
0x78: {  	_ =	shalt  }
0x79: {  	_ =	shalt  }
0x7a: {  	_ =	shalt  }
0x7b: {  	_ =	shalt  }
0x7c: {  	_ =	shalt  }
0x7d: {  	_ =	shalt  }
0x7e: {  	_ =	shalt  }
0x7f: {  	_ =	shalt  }
0x80: {  	_ =	shalt  }
0x81: {  	_ =	shalt  }
0x82: {  	_ =	shalt  }
0x83: {  	_ =	shalt  }
0x84: {  	_ =	shalt  }
0x85: {  	_ =	shalt  }
0x86: {  	_ =	shalt  }
0x87: {  	_ =	shalt  }
.Lfunc_end0:
.L_simem_size_0:
called_computation.1_lowered:
.L_overlay_start_0:
0x88: {  	s2 =	sld [smem:$0x3FD9]  }
0x89: {  	s3 =	sld [smem:$0x3FFE];
	_ =	sdelay $0x1  }
0x8a: {  	s1 =	srdreg.scid  }
0x8b: {  	s0 =	sand.u32 $0x1, s1  }
0x8c: {  	s16 =	sshll.u32 s0, $0xA;
	s2 =	sadd.s32 s3, s2  }
0x8d: {  	s2 =	sadd.s32 s2, s16  }
0x8e: {  	[smem:$0x3FA3] =	sst s2  }
0x8f: {  	_ = 	snop  }
0x90: {  	(tm) =	ssettm $0x1  }
0x91: {  	s17 =	sld [smem:$0x3FFB];
	_ =	sdelay $0x3  }
0x92: {  	_ =	strace s17  }
0x93: {  	s2 =	sld [smem:$0x3FFC];
	_ =	sdelay $0x3  }
0x94: {  	_ =	strace s2  }
0x95: {  	s2 =	sld [smem:$0x3FFD];
	_ =	sdelay $0x3  }
0x96: {  	_ =	strace s2  }
0x97: {  	_ =	strace $0x8FFFFFFF  }
0x98: {  	s18 =	sld [smem:$0x3FDB];
	_ =	sdelay $0x1  }
0x99: {  	s19 =	simm.s32 $_scs_section_size  }
0x9a: {  	s4 =	simm.s32 $_size__tile_overlayer_lowered;
	s5 =	simm.s32 $_tile_overlayer_lowered  }
0x9b: {  	s22 =	simm.s32 $0x1BFF;
	s21 =	sshll.u32 s5, $0x1;
	s2 =	sadd.s32 s19, s18  }
0x9c: {  	s6 =	simm.s32 $0x0;
	s20 =	sshll.u32 s4, $0x1;
	s4 =	sadd.s32 s21, s2  }
0x9d: {  	[timem:s6], [sflag:s22] =	dma.local [hbm:s4], s20  }
0x9e: {  	_ =	swait.ge [sflag:s22], s20  }
0x9f: {  	s3 =	ssub.s32 $0x0, s20;
	[sflag:s22] =	ssyncset.done $0x0  }
0xa0: {  	[sflag:s22] =	ssyncadd.s32 s3;
	_ =	sdelay $0x1  }
0xa1: {  	s23 =	simm.s32 $0x1B8B  }
0xa2: {  	_ =	swait.ge [sflag:s23], $0x1  }
0xa3: {  	[sflag:s23] =	ssyncset.done $0x0  }
0xa4: {  	s25 =	simm.s32 $0x1B8E;
	s24 =	sld [smem:$0x3FFE];
	[sflag:s23] =	ssyncadd.s32 $0xFFFFFFFF  }
0xa5: {  	s26 =	simm.s32 $execute0_lowered;
	[smem:$0x3FD2] =	sst s25  }
0xa6: {  	s4 =	sshll.u32 s26, $0x1;
	_ =	strace $0x80000046;
	[dreg:$0x1] =	wrdreg $0xFFFFFFFF  }
0xa7: {  	s28 =	simm.s32 $_size_execute0_lowered;
	s2 =	sadd.s32 s2, s4;
	[dreg:$0x0] =	wrdreg $0x0  }
0xa8: {  	s4 =	sshll.u32 s28, $0x1;
	[dreg:$0x2] =	wrdreg s2  }
0xa9: {  	[dreg:$0x3] =	wrdreg s4  }
0xaa: {  	[dreg:$0x4] =	wrdreg $0xC0  }
0xab: {  	_ =	task [dreg:s6], $0x5FFFF  }
0xac: {  	[dreg:$0x1] =	wrdreg $0xFFFFFFFF  }
0xad: {  	[dreg:$0x0] =	wrdreg $0x60  }
0xae: {  	[dreg:$0x2] =	wrdreg s24  }
0xaf: {  	[dreg:$0x3] =	wrdreg $0xA  }
0xb0: {  	_ =	task.clear_ibuf [dreg:s6], $0x4FFFF;
	_ =	strace $0x90000046  }
0xb1: {  	s29 =	simm.s32 $0xA;
	_ =	strace $0x80000048  }
0xb2: {  	_ =	swait.ge [sflag:s29], $0x1  }
0xb3: {  	[sflag:s29] =	ssyncadd.s32 $0xFFFFFFFF  }
0xb4: {  	_ =	strace $0x90000048  }
0xb5: {  	_ =	sfence  }
0xb6: {  	s30 =	sld [smem:$0x0];
	_ =	sdelay $0x2  }
0xb7: {  	s31 =	sshll.u32 s1, $0xD;
	s1 =	sshrl.u32 s1, $0x2  }
0xb8: {  	s3 =	sand.u32 $0x4000, s31;
	s1 =	sadd.s32 s1, s30  }
0xb9: {  	s0 =	sor.u32 s3, s0;
	s1 =	sshll.u32 s1, $0x11  }
0xba: {  	s0 =	sor.u32 s1, s0  }
0xbb: {  	s0 =	sadd.s32 $0x8F2B, s0  }
0xbc: {  	[sflag:s0] =	ssyncadd.remote.s32 $0x1  }
0xbd: {  	_ =	sfence.sel $0xFFFF  }
0xbe: {  	[dreg:$0x0] =	wrdreg $0xFFFFFFFF;
	(pc) =	sbr.abs _section_cstart, $3  }
0xbf: {  	[dreg:$0x1] =	wrdreg $0xFFFFFFFF  }
0xc0: {  	_ =	task.clear_ibuf [dreg:s6], $0x2FFFF;
	_ =	strace $0x9FFFFFFF  }
0xc1: {  	(tm) =	ssettm $0x7FFFFFFF  }
tec
execute0_lowered:
.L_overlay_start_1:
0x0: {  	(tag) =	ssettag $0x1  }
0x1: {  	s5 =	rddreg [dreg:$0x0]  }
0x2: {  	s0 =	rddreg [dreg:$0x1];
	s1 =	simm.s32 $0x0;
	s4 =	srdreg.scid  }
0x3: {  	s2 =	stileid.u32;
	[smem:$0x7FF] =	sst s1  }
0x4: {  	s3 =	sadd.s32 $0x36A00, s5;
	s6 =	sand.u32 $0x1, s4;
	s4 =	sadd.s32 $0x5DC00, s5  }
0x5: {  	s7 =	sshll.u32 s2, $0x5;
	s9 =	sshll.u32 s2, $0xC;
	_ =	strace $0x80000047  }
0x6: {  	s8 =	ssub.s32 $0x2, s6;
	s7 =	sadd.s32 s7, s5;
	s9 =	sadd.s32 s9, s5  }
0x7: {  	s31 =	sshll.u32 s6, $0x4;
	s11 =	sshll.u32 s6, $0xB;
	s10 =	sshrl.u32 s8, $0x1  }
0x8: {  	s5 =	sshll.u32 s2, $0x1;
	s11 =	sadd.s32 s11, s9;
	s8 =	ssub.s32 s8, s10  }
0x9: {  	s10 =	sadd.s32 s31, s7;
	s9 =	sadd.s32 $0x58E000, s11;
	s6 =	smax.u32 s8, $0x1  }
0xa: {  	s7 =	sadd.s32 $0x2C600, s10;
	s8 =	sadd.s32 $0x14A00, s10;
	s10 =	sadd.s32 $0xAC000, s11  }
.LBB2_1:
0xb: {  	p0 =	sgt.u32 s5, $0x9C3  }
0xc: {  	s11 =	sadd.s32 @!p0 $0x0, s8;
	s12 =	simm.s32 @!p0 $0x0;
	s15 =	simm.s32 @!p0 $0x4  }
0xd: {  	[tilespmem:s12], [sflag:$0x4] =	stream.linear.gather @!p0 [hbm4b:s11+s12], $0x80, $0x38;
	[tilespmem:$0x8100] =	vst v63  }
0xe: {  	_ =	swait.ge @!p0 [sflag:s15], $0x80;
	p0 =	por p0, p0  }
0xf: {  	[sflag:s15] =	ssyncset.done @!p0 $0x0  }
0x10: {  	s11 =	sadd.s32 @!p0 $0x0, s7;
	s13 =	simm.s32 @!p0 $0x80;
	[sflag:s15] =	ssyncadd.s32 @!p0 $0xFFFFFF80  }
0x11: {  	[tilespmem:s13], [sflag:$0x4] =	stream.linear.gather @!p0 [hbm4b:s11+s12], $0x80, $0x38;
	[tilespmem:$0x8100] =	vst v63  }
0x12: {  	_ =	swait.ge @!p0 [sflag:s15], $0x80  }
0x13: {  	[sflag:s15] =	ssyncset.done @!p0 $0x0  }
0x14: {  	s11 =	simm.s32 @!p0 $0x100;
	[sflag:s15] =	ssyncadd.s32 @!p0 $0xFFFFFF80  }
0x15: {  	[tilespmem:s11], [sflag:$0x1] =	stream.indirect.gather @!p0 [hbm4b:s3+s13], $0x80, s12, s13, $0xb8;
	[tilespmem:$0x8100] =	vst v63  }
0x16: {  	s16 =	simm.s32 @!p0 $0x4100;
	s14 =	simm.s32 @!p0 $0x1  }
0x17: {  	[tilespmem:s16], [sflag:$0x2] =	stream.indirect.gather @!p0 [hbm4b:s4+s13], $0x80, s13, s13, $0xb8;
	[tilespmem:$0x8100] =	vst v63  }
0x18: {  	_ =	swait.ge @!p0 [sflag:s14], $0x4000  }
0x19: {  	[sflag:s14] =	ssyncset.done @!p0 $0x0  }
0x1a: {  	s13 =	simm.s32 @!p0 $0x2;
	[sflag:s14] =	ssyncadd.s32 @!p0 $0xFFFFC000  }
0x1b: {  	_ =	swait.ge @!p0 [sflag:s13], $0x4000  }
0x1c: {  	[sflag:s13] =	ssyncset.done @!p0 $0x0  }
0x1d: {  	[sflag:s13] =	ssyncadd.s32 @!p0 $0xFFFFC000  }
0x1e: {  	[hbm4b:s10+s12] =	stream.linear.scatter @!p0 [tilespmem:s11], [sflag:$0x4], $0x4000, $0x38;
	[tilespmem:$0x8100] =	vst v63  }
0x1f: {  	_ =	swait.ge @!p0 [sflag:s15], $0x4000  }
0x20: {  	[sflag:s15] =	ssyncset.done @!p0 $0x0  }
0x21: {  	s14 =	simm.s32 $0x400;
	s13 =	simm.s32 $0x200;
	[sflag:s15] =	ssyncadd.s32 @!p0 $0xFFFFC000  }
0x22: {  	[hbm4b:s9+s12] =	stream.linear.scatter @!p0 [tilespmem:s16], [sflag:$0x3], $0x4000, $0x38;
	[tilespmem:$0x8100] =	vst v63  }
0x23: {  	s11 =	sadd.s32 $0x10000, s10;
	s15 =	sadd.s32 $0x20, s5;
	s16 =	simm.s32 @!p0 $0x3  }
0x24: {  	p2 =	sgt.u32 s15, $0x9C3;
	s12 =	sadd.s32 $0x10000, s9;
	_ =	swait.ge @!p0 [sflag:s16], $0x4000  }
.LBB2_2:
0x25: {  	s17 =	sadd.s32 @!p2 s13, s8  }
0x26: {  	s18 =	simm.s32 @!p2 $0x0;
	[sflag:s16] =	ssyncset.done @!p0 $0x0;
	s19 =	smov.u32 s14  }
0x27: {  	s14 =	sadd.s32 $0x200, s14;
	s20 =	simm.s32 @!p2 $0x4;
	[sflag:s16] =	ssyncadd.s32 @!p0 $0xFFFFC000  }
0x28: {  	[tilespmem:s18], [sflag:$0x4] =	stream.linear.gather @!p2 [hbm4b:s17+s18], $0x80, $0x38;
	[tilespmem:$0x8100] =	vst v63  }
0x29: {  	p1 =	sne.s32 s14, $0x9E00;
	p0 =	por p2, p2;
	_ =	swait.ge @!p2 [sflag:s20], $0x80  }
0x2a: {  	[sflag:s20] =	ssyncset.done @!p0 $0x0  }
0x2b: {  	s13 =	sadd.s32 @!p0 s13, s7;
	s16 =	simm.s32 @!p0 $0x80;
	[sflag:s20] =	ssyncadd.s32 @!p0 $0xFFFFFF80  }
0x2c: {  	[tilespmem:s16], [sflag:$0x4] =	stream.linear.gather @!p0 [hbm4b:s13+s18], $0x80, $0x38;
	[tilespmem:$0x8100] =	vst v63  }
0x2d: {  	s13 =	smov.u32 s19;
	_ =	swait.ge @!p0 [sflag:s20], $0x80  }
0x2e: {  	[sflag:s20] =	ssyncset.done @!p0 $0x0  }
0x2f: {  	s17 =	simm.s32 @!p0 $0x100;
	[sflag:s20] =	ssyncadd.s32 @!p0 $0xFFFFFF80  }
0x30: {  	[tilespmem:s17], [sflag:$0x1] =	stream.indirect.gather @!p0 [hbm4b:s3+s16], $0x80, s18, s16, $0xb8;
	[tilespmem:$0x8100] =	vst v63  }
0x31: {  	s21 =	simm.s32 @!p0 $0x1;
	s19 =	simm.s32 @!p0 $0x4100  }
0x32: {  	[tilespmem:s19], [sflag:$0x2] =	stream.indirect.gather @!p0 [hbm4b:s4+s16], $0x80, s16, s16, $0xb8;
	[tilespmem:$0x8100] =	vst v63  }
0x33: {  	_ =	swait.ge @!p0 [sflag:s21], $0x4000  }
0x34: {  	[sflag:s21] =	ssyncset.done @!p0 $0x0  }
0x35: {  	s16 =	simm.s32 @!p0 $0x2;
	[sflag:s21] =	ssyncadd.s32 @!p0 $0xFFFFC000  }
0x36: {  	_ =	swait.ge @!p0 [sflag:s16], $0x4000  }
0x37: {  	[sflag:s16] =	ssyncset.done @!p0 $0x0  }
0x38: {  	[sflag:s16] =	ssyncadd.s32 @!p0 $0xFFFFC000  }
0x39: {  	[hbm4b:s11+s18] =	stream.linear.scatter @!p0 [tilespmem:s17], [sflag:$0x4], $0x4000, $0x38;
	[tilespmem:$0x8100] =	vst v63  }
.Ltmp0:
0x3a: {  	_ =	swait.ge @!p0 [sflag:s20], $0x4000;
	(pc) =	sbr.rel @p1 .LBB2_2-.Ltmp0, $4  }
0x3b: {  	s11 =	sadd.s32 $0x10000, s11;
	[sflag:s20] =	ssyncset.done @!p0 $0x0  }
0x3c: {  	s15 =	sadd.s32 $0x20, s15;
	s16 =	simm.s32 @!p0 $0x3;
	[sflag:s20] =	ssyncadd.s32 @!p0 $0xFFFFC000  }
0x3d: {  	[hbm4b:s12+s18] =	stream.linear.scatter @!p0 [tilespmem:s19], [sflag:$0x3], $0x4000, $0x38;
	[tilespmem:$0x8100] =	vst v63  }
0x3e: {  	p2 =	sgt.u32 s15, $0x9C3;
	s12 =	sadd.s32 $0x10000, s12;
	_ =	swait.ge @!p0 [sflag:s16], $0x4000  }
0x3f: {  	s14 =	sadd.s32 @!p2 s13, s8;
	[sflag:s16] =	ssyncset.done @!p0 $0x0  }
0x40: {  	s15 =	simm.s32 @!p2 $0x0;
	s17 =	simm.s32 @!p2 $0x4;
	[sflag:s16] =	ssyncadd.s32 @!p0 $0xFFFFC000  }
0x41: {  	[tilespmem:s15], [sflag:$0x4] =	stream.linear.gather @!p2 [hbm4b:s14+s15], $0x80, $0x38;
	[tilespmem:$0x8100] =	vst v63  }
0x42: {  	p0 =	por p2, p2;
	_ =	swait.ge @!p2 [sflag:s17], $0x80  }
0x43: {  	[sflag:s17] =	ssyncset.done @!p0 $0x0  }
0x44: {  	s13 =	sadd.s32 @!p0 s13, s7;
	s14 =	simm.s32 @!p0 $0x80;
	[sflag:s17] =	ssyncadd.s32 @!p0 $0xFFFFFF80  }
0x45: {  	[tilespmem:s14], [sflag:$0x4] =	stream.linear.gather @!p0 [hbm4b:s13+s15], $0x80, $0x38;
	[tilespmem:$0x8100] =	vst v63  }
0x46: {  	_ =	swait.ge @!p0 [sflag:s17], $0x80  }
0x47: {  	[sflag:s17] =	ssyncset.done @!p0 $0x0  }
0x48: {  	s13 =	simm.s32 @!p0 $0x100;
	[sflag:s17] =	ssyncadd.s32 @!p0 $0xFFFFFF80  }
0x49: {  	[tilespmem:s13], [sflag:$0x1] =	stream.indirect.gather @!p0 [hbm4b:s3+s14], $0x80, s15, s14, $0xb8;
	[tilespmem:$0x8100] =	vst v63  }
0x4a: {  	s16 =	simm.s32 @!p0 $0x4100;
	s18 =	simm.s32 @!p0 $0x1  }
0x4b: {  	[tilespmem:s16], [sflag:$0x2] =	stream.indirect.gather @!p0 [hbm4b:s4+s14], $0x80, s14, s14, $0xb8;
	[tilespmem:$0x8100] =	vst v63  }
0x4c: {  	_ =	swait.ge @!p0 [sflag:s18], $0x4000  }
0x4d: {  	[sflag:s18] =	ssyncset.done @!p0 $0x0  }
0x4e: {  	s14 =	simm.s32 @!p0 $0x2;
	[sflag:s18] =	ssyncadd.s32 @!p0 $0xFFFFC000  }
0x4f: {  	_ =	swait.ge @!p0 [sflag:s14], $0x4000  }
0x50: {  	[sflag:s14] =	ssyncset.done @!p0 $0x0  }
0x51: {  	[sflag:s14] =	ssyncadd.s32 @!p0 $0xFFFFC000  }
0x52: {  	[hbm4b:s11+s15] =	stream.linear.scatter @!p0 [tilespmem:s13], [sflag:$0x4], $0x4000, $0x38;
	[tilespmem:$0x8100] =	vst v63  }
0x53: {  	s1 =	sadd.s32 $0x1, s1;
	_ =	swait.ge @!p0 [sflag:s17], $0x4000  }
0x54: {  	p1 =	sne.s32 s1, s6;
	[sflag:s17] =	ssyncset.done @!p0 $0x0  }
.Ltmp1:
0x55: {  	s11 =	simm.s32 @!p0 $0x3;
	[sflag:s17] =	ssyncadd.s32 @!p0 $0xFFFFC000;
	(pc) =	sbr.rel @p1 .LBB2_1-.Ltmp1, $4  }
0x56: {  	[hbm4b:s12+s15] =	stream.linear.scatter @!p0 [tilespmem:s16], [sflag:$0x3], $0x4000, $0x38;
	[tilespmem:$0x8100] =	vst v63  }
0x57: {  	_ =	swait.ge @!p0 [sflag:s11], $0x4000  }
0x58: {  	[sflag:s11] =	ssyncset.done @!p0 $0x0  }
0x59: {  	[sflag:s11] =	ssyncadd.s32 @!p0 $0xFFFFC000  }
0x5a: {  	_ =	sfence.sel $0x180000  }
0x5b: {  	[bflag:$0x0] =	sbarrier.arrive $0xFFFF  }
0x5c: {  	p0 =	sne.s32 s2, $0x0;
	_ =	strace $0x90000047  }
0x5d: {  	s0 =	sadd.s32 @!p0 $0x100000, s0;
	[bflag:$0x2] =	sbarrier.arrive $0xFFFF  }
0x5e: {  	[sflag:s0] =	ssyncadd.tile.s32 @!p0 $0x1;
	_ =	shalt  }
.Lfunc_end2:
_tile_overlayer_lowered:
.L_overlay_start_2:
0x5f: {  	(tag) =	ssettag $0x2  }
0x60: {  	s0 =	rddreg [dreg:$0x0];
	s2 =	stileid.u32  }
0x61: {  	s1 =	rddreg [dreg:$0x1];
	p0 =	sne.s32 s2, $0x0  }
0x62: {  	s3 =	rddreg [dreg:$0x2];
	[bflag:$0x3] =	sbarrier.arrive $0xFFFF;
	s2 =	simm.s32 @!p0 $0x1C03  }
0x63: {  	[timem:s3], [sflag:s2] =	dma.local @!p0 [hbm:s0], s1  }
0x64: {  	s0 =	simm.s32 @!p0 $0x3  }
0x65: {  	_ =	swait.ge @!p0 [sflag:s0], s1  }
0x66: {  	s1 =	ssub.s32 @!p0 $0x0, s1;
	[sflag:s0] =	ssyncset.done @!p0 $0x0  }
0x67: {  	[sflag:s0] =	ssyncadd.s32 @!p0 s1  }
0x68: {  	[bflag:$0x3] =	sbarrier.arrive $0xFFFF  }
0x69: {  	_ =	shalt  }

// kernel: kernel.20.cloned.1.call-start
scs
__scs_entry_jumppad:
0x0: {  	(pc) =	sbr.rel $0x88, $3  }
0x1: {  	(tag) =	ssettag $0x0;
	lr =	simm.s32 $0x1  }
0x2: {  	[smem:$0x3F7C] =	sst lr;
	_ =	strace $0xD0000000  }
0x3: {  	_ = 	snop  }
0x4: {  	_ = 	snop  }
0x5: {  	_ = 	snop  }
0x6: {  	_ = 	snop  }
0x7: {  	_ = 	snop  }
__scs_overlays_trampoline_lowered:
0x8: {  	[smem:$0x3F8B] =	sst s0  }
0x9: {  	[smem:$0x3F8C] =	sst s1  }
0xa: {  	[smem:$0x3F8D] =	sst s2  }
0xb: {  	[smem:$0x3F8E] =	sst s3  }
0xc: {  	[smem:$0x3F8F] =	sst s4  }
0xd: {  	[smem:$0x3F90] =	sst s5  }
0xe: {  	[smem:$0x3F91] =	sst s6  }
0xf: {  	[smem:$0x3F92] =	sst s7  }
0x10: {  	[smem:$0x3F93] =	sst s8  }
0x11: {  	[smem:$0x3F94] =	sst s9;
	s0 =	simm.s32 @!p0 $0x0  }
0x12: {  	s1 =	sld [smem:$0x3F7A];
	s0 =	simm.s32 @p0 $0x1  }
0x13: {  	[smem:$0x3F95] =	sst s0;
	s0 =	simm.s32 @!p1 $0x0  }
0x14: {  	s2 =	sld [smem:$0x3F79];
	s0 =	simm.s32 @p1 $0x1  }
0x15: {  	[smem:$0x3F96] =	sst s0;
	s0 =	simm.s32 @!p2 $0x0  }
0x16: {  	s3 =	sld [smem:$0x3FDB];
	s0 =	simm.s32 @p2 $0x1  }
0x17: {  	s4 =	simm.s32 $0x1BF5;
	[smem:$0x3F98] =	sst s0  }
0x18: {  	s0 =	sld [smem:$0x3F7B];
	_ =	swait.ge [sflag:s4], $0x0  }
0x19: {  	s7 =	sld [smem:$0x3F7C]  }
0x1a: {  	s8 =	sadd.s32 $0xFFFFE003, lr  }
0x1b: {  	s9 =	sadd.s32 $0xFFFFFEF7, lr;
	s5 =	simm.s32 $0xFFFFFFFF;
	p2 =	slt.u32 s8, $0xFFFFF086  }
0x1c: {  	p1 =	slt.u32 s9, $0xF7A;
	s5 =	simm.s32 @!p2 $0x0  }
0x1d: {  	s5 =	simm.s32 @p1 $0x1;
	p0 =	seq.s32 s7, s2  }
0x1e: {  	s7 =	smul.u32 @!p0 $0xF7A, s2;
	p2 =	seq.s32 @!p0 s5, $0x0  }
0x1f: {  	s9 =	smul.u32 $0xF7A, s1;
	s8 =	simm.s32 @!p0 $0x1BF5;
	p2 =	por !p2, p0  }
0x20: {  	[sflag:s8] =	ssyncset.s32 @!p0 $0xFFFFF086;
	s6 =	sadd.s32 @!p0 s3, s7;
	s7 =	simm.s32 @!p0 $0x108  }
0x21: {  	s3 =	sadd.s32 s3, s9;
	s6 =	sadd.s32 @!p0 $0x88, s6;
	s7 =	simm.s32 @p2 $0x1082  }
0x22: {  	[simem:s7], [sflag:s8] =	dma.local @!p0 [hbm:s6], $0xF7A  }
0x23: {  	s9 =	sor.u32 $0xD0000000, s2;
	s6 =	simm.s32 $0x108;
	_ =	swait.ge @!p0 [sflag:s8], $0x0  }
0x24: {  	s3 =	sadd.s32 $0x88, s3;
	s6 =	simm.s32 @!p1 $0x1082;
	[sflag:s4] =	ssyncset.s32 $0xFFFFF086  }
0x25: {  	[simem:s6], [sflag:s4] =	dma.local [hbm:s3], $0xF7A  }
0x26: {  	[smem:$0x3F7C] =	sst s1;
	(tag) =	ssettag s2;
	_ =	strace s9  }
0x27: {  	s1 =	sld [smem:$0x3F8C]  }
0x28: {  	s2 =	sld [smem:$0x3F8D]  }
0x29: {  	s4 =	sld [smem:$0x3F8F]  }
0x2a: {  	p0 =	seq.s32 s5, $0x0;
	s5 =	sld [smem:$0x3F90]  }
0x2b: {  	s6 =	sld [smem:$0x3F91]  }
0x2c: {  	s7 =	sld [smem:$0x3F92]  }
0x2d: {  	s3 =	simm.s32 $0x108;
	s8 =	sld [smem:$0x3F93]  }
0x2e: {  	s3 =	simm.s32 @!p0 $0x1082;
	s9 =	sld [smem:$0x3F94]  }
0x2f: {  	lr =	sadd.s32 s0, s3;
	s0 =	sld [smem:$0x3F8B]  }
0x30: {  	s3 =	sld [smem:$0x3F8E]  }
0x31: {  	[smem:$0x3F97] =	sst s10  }
0x32: {  	s10 =	sld [smem:$0x3F95];
	_ =	sdelay $0x3  }
0x33: {  	p0 =	seq.s32 s10, $0x1;
	s10 =	sld [smem:$0x3F97];
	_ =	sdelay $0x3  }
0x34: {  	[smem:$0x3F97] =	sst s10  }
0x35: {  	s10 =	sld [smem:$0x3F96];
	_ =	sdelay $0x3  }
0x36: {  	p1 =	seq.s32 s10, $0x1;
	s10 =	sld [smem:$0x3F97];
	_ =	sdelay $0x3  }
0x37: {  	[smem:$0x3F97] =	sst s10  }
0x38: {  	s10 =	sld [smem:$0x3F98]  }
0x39: {  	_ = 	snop;
	(pc) =	sbr.ind lr, $3  }
0x3a: {  	_ = 	snop  }
0x3b: {  	_ = 	snop  }
0x3c: {  	p2 =	seq.s32 s10, $0x1;
	s10 =	sld [smem:$0x3F97]  }
0x3d: {  	_ =	shalt  }
0x3e: {  	_ =	shalt  }
0x3f: {  	_ =	shalt  }
0x40: {  	_ =	shalt  }
0x41: {  	_ =	shalt  }
0x42: {  	_ =	shalt  }
0x43: {  	_ =	shalt  }
0x44: {  	_ =	shalt  }
0x45: {  	_ =	shalt  }
0x46: {  	_ =	shalt  }
0x47: {  	_ =	shalt  }
0x48: {  	_ =	shalt  }
0x49: {  	_ =	shalt  }
0x4a: {  	_ =	shalt  }
0x4b: {  	_ =	shalt  }
0x4c: {  	_ =	shalt  }
0x4d: {  	_ =	shalt  }
0x4e: {  	_ =	shalt  }
0x4f: {  	_ =	shalt  }
0x50: {  	_ =	shalt  }
0x51: {  	_ =	shalt  }
0x52: {  	_ =	shalt  }
0x53: {  	_ =	shalt  }
0x54: {  	_ =	shalt  }
0x55: {  	_ =	shalt  }
0x56: {  	_ =	shalt  }
0x57: {  	_ =	shalt  }
0x58: {  	_ =	shalt  }
0x59: {  	_ =	shalt  }
0x5a: {  	_ =	shalt  }
0x5b: {  	_ =	shalt  }
0x5c: {  	_ =	shalt  }
0x5d: {  	_ =	shalt  }
0x5e: {  	_ =	shalt  }
0x5f: {  	_ =	shalt  }
0x60: {  	_ =	shalt  }
0x61: {  	_ =	shalt  }
0x62: {  	_ =	shalt  }
0x63: {  	_ =	shalt  }
0x64: {  	_ =	shalt  }
0x65: {  	_ =	shalt  }
0x66: {  	_ =	shalt  }
0x67: {  	_ =	shalt  }
0x68: {  	_ =	shalt  }
0x69: {  	_ =	shalt  }
0x6a: {  	_ =	shalt  }
0x6b: {  	_ =	shalt  }
0x6c: {  	_ =	shalt  }
0x6d: {  	_ =	shalt  }
0x6e: {  	_ =	shalt  }
0x6f: {  	_ =	shalt  }
0x70: {  	_ =	shalt  }
0x71: {  	_ =	shalt  }
0x72: {  	_ =	shalt  }
0x73: {  	_ =	shalt  }
0x74: {  	_ =	shalt  }
0x75: {  	_ =	shalt  }
0x76: {  	_ =	shalt  }
0x77: {  	_ =	shalt  }
0x78: {  	_ =	shalt  }
0x79: {  	_ =	shalt  }
0x7a: {  	_ =	shalt  }
0x7b: {  	_ =	shalt  }
0x7c: {  	_ =	shalt  }
0x7d: {  	_ =	shalt  }
0x7e: {  	_ =	shalt  }
0x7f: {  	_ =	shalt  }
0x80: {  	_ =	shalt  }
0x81: {  	_ =	shalt  }
0x82: {  	_ =	shalt  }
0x83: {  	_ =	shalt  }
0x84: {  	_ =	shalt  }
0x85: {  	_ =	shalt  }
0x86: {  	_ =	shalt  }
0x87: {  	_ =	shalt  }
.Lfunc_end0:
.L_simem_size_0:
called_computation.2_lowered:
.L_overlay_start_0:
0x88: {  	s2 =	sld [smem:$0x3FD9]  }
0x89: {  	s3 =	sld [smem:$0x3FFE];
	_ =	sdelay $0x1  }
0x8a: {  	s1 =	srdreg.scid  }
0x8b: {  	s0 =	sand.u32 $0x1, s1  }
0x8c: {  	s17 =	sshll.u32 s0, $0xA;
	s2 =	sadd.s32 s3, s2  }
0x8d: {  	s2 =	sadd.s32 s2, s17  }
0x8e: {  	[smem:$0x3FA3] =	sst s2  }
0x8f: {  	_ = 	snop  }
0x90: {  	(tm) =	ssettm $0x1  }
0x91: {  	s18 =	sld [smem:$0x3FFB];
	_ =	sdelay $0x3  }
0x92: {  	_ =	strace s18  }
0x93: {  	s2 =	sld [smem:$0x3FFC];
	_ =	sdelay $0x3  }
0x94: {  	_ =	strace s2  }
0x95: {  	s2 =	sld [smem:$0x3FFD];
	_ =	sdelay $0x3  }
0x96: {  	_ =	strace s2  }
0x97: {  	_ =	strace $0x8FFFFFFF  }
0x98: {  	s19 =	sld [smem:$0x3FDB];
	_ =	sdelay $0x1  }
0x99: {  	s20 =	simm.s32 $_scs_section_size  }
0x9a: {  	s4 =	simm.s32 $_size__tile_overlayer_lowered;
	s5 =	simm.s32 $_tile_overlayer_lowered  }
0x9b: {  	s6 =	simm.s32 $0x1BFF;
	s21 =	sshll.u32 s5, $0x1;
	s3 =	sadd.s32 s20, s19  }
0x9c: {  	s22 =	simm.s32 $0x0;
	s4 =	sshll.u32 s4, $0x1;
	s5 =	sadd.s32 s21, s3  }
0x9d: {  	[timem:s22], [sflag:s6] =	dma.local [hbm:s5], s4  }
0x9e: {  	_ =	swait.ge [sflag:s6], s4  }
0x9f: {  	s4 =	ssub.s32 $0x0, s4;
	[sflag:s6] =	ssyncset.done $0x0  }
0xa0: {  	[sflag:s6] =	ssyncadd.s32 s4;
	_ =	sdelay $0x1  }
0xa1: {  	s23 =	simm.s32 $0x1B8B  }
0xa2: {  	_ =	swait.ge [sflag:s23], $0x1  }
0xa3: {  	[sflag:s23] =	ssyncset.done $0x0  }
0xa4: {  	[sflag:s23] =	ssyncadd.s32 $0xFFFFFFFF  }
0xa5: {  	s4 =	sld [smem:$0x0]  }
0xa6: {  	s5 =	sand.u32 $0xFFFFFFFE, s1  }
0xa7: {  	p0 =	sne.s32 s1, s5  }
0xa8: {  	s5 =	sshll.u32 @p0 s5, $0xE  }
0xa9: {  	s5 =	sadd.s32 @p0 $0x11B8D, s5;
	s6 =	sshll.u32 @p0 s4, $0x11  }
0xaa: {  	s5 =	sor.u32 @p0 s6, s5  }
0xab: {  	[sflag:s5] =	ssyncadd.remote.s32 @p0 $0x1;
	_ =	sdelay $0x1  }
0xac: {  	s5 =	simm.s32 @p0 $0x1B8D  }
0xad: {  	_ =	swait.eq @p0 [sflag:s5], $0x1  }
0xae: {  	[sflag:s5] =	ssyncadd.s32 @p0 $0xFFFFFFFF  }
0xaf: {  	s6 =	sshll.u32 @!p0 s1, $0xE  }
0xb0: {  	s6 =	sor.u32 @!p0 $0x4000, s6;
	s5 =	simm.s32 @!p0 $0x1B8D  }
0xb1: {  	s4 =	sshll.u32 @!p0 s4, $0x11;
	s6 =	sadd.s32 @!p0 $0x11B8D, s6;
	_ =	swait.eq @!p0 [sflag:s5], $0x1  }
0xb2: {  	s4 =	sor.u32 @!p0 s4, s6;
	[sflag:s5] =	ssyncadd.s32 @!p0 $0xFFFFFFFF  }
0xb3: {  	s25 =	simm.s32 $0x1B8E;
	s24 =	sld [smem:$0x3FFE];
	[sflag:s4] =	ssyncadd.remote.s32 @!p0 $0x1  }
0xb4: {  	s26 =	simm.s32 $execute0_lowered;
	[smem:$0x3FD2] =	sst s25  }
0xb5: {  	s5 =	sshll.u32 s26, $0x1;
	_ =	strace $0x8000004C;
	[dreg:$0x1] =	wrdreg $0xFFFFFFFF  }
0xb6: {  	s28 =	simm.s32 $_size_execute0_lowered;
	s3 =	sadd.s32 s3, s5;
	[dreg:$0x0] =	wrdreg $0x0  }
0xb7: {  	s5 =	sshll.u32 s28, $0x1;
	[dreg:$0x2] =	wrdreg s3  }
0xb8: {  	[dreg:$0x3] =	wrdreg s5  }
0xb9: {  	[dreg:$0x4] =	wrdreg $0xC0  }
0xba: {  	_ =	task [dreg:s22], $0x5FFFF  }
0xbb: {  	[dreg:$0x1] =	wrdreg $0xFFFFFFFF  }
0xbc: {  	[dreg:$0x0] =	wrdreg $0x60  }
0xbd: {  	[dreg:$0x2] =	wrdreg s24  }
0xbe: {  	[dreg:$0x3] =	wrdreg $0x81000  }
0xbf: {  	[dreg:$0x4] =	wrdreg $0xA  }
0xc0: {  	_ =	task.clear_ibuf [dreg:s22], $0x5FFFF;
	_ =	strace $0x9000004C  }
0xc1: {  	s29 =	simm.s32 $0xA;
	_ =	strace $0x8000004E  }
0xc2: {  	_ =	swait.ge [sflag:s29], $0x1  }
0xc3: {  	[sflag:s29] =	ssyncadd.s32 $0xFFFFFFFF  }
0xc4: {  	_ =	strace $0x9000004E  }
0xc5: {  	_ =	sfence  }
0xc6: {  	s30 =	sld [smem:$0x0];
	_ =	sdelay $0x2  }
0xc7: {  	s31 =	sshll.u32 s1, $0xD;
	s1 =	sshrl.u32 s1, $0x2  }
0xc8: {  	s4 =	sand.u32 $0x4000, s31;
	s1 =	sadd.s32 s1, s30  }
0xc9: {  	s0 =	sor.u32 s4, s0;
	s1 =	sshll.u32 s1, $0x11  }
0xca: {  	s0 =	sor.u32 s1, s0  }
0xcb: {  	s0 =	sadd.s32 $0x8F2B, s0  }
0xcc: {  	[sflag:s0] =	ssyncadd.remote.s32 $0x1  }
0xcd: {  	_ =	sfence.sel $0xFFFF  }
0xce: {  	[dreg:$0x0] =	wrdreg $0xFFFFFFFF;
	(pc) =	sbr.abs _section_cstart, $3  }
0xcf: {  	[dreg:$0x1] =	wrdreg $0xFFFFFFFF  }
0xd0: {  	_ =	task.clear_ibuf [dreg:s22], $0x2FFFF;
	_ =	strace $0x9FFFFFFF  }
0xd1: {  	(tm) =	ssettm $0x7FFFFFFF  }
tec
execute0_lowered:
.L_overlay_start_1:
0x0: {  	(tag) =	ssettag $0x1  }
0x1: {  	s0 =	rddreg [dreg:$0x0]  }
0x2: {  	s1 =	rddreg [dreg:$0x1]  }
0x3: {  	s2 =	simm.s32 $0x0;
	s3 =	srdreg.scid;
	s20 =	stileid.u32  }
0x4: {  	[smem:$0x7FF] =	sst s2;
	s4 =	sadd.s32 $0xAE8800, s0;
	s5 =	sadd.s32 $0x1E800, s0  }
0x5: {  	s3 =	sand.u32 $0x1, s3;
	s7 =	sadd.s32 $0xA70000, s0;
	s9 =	smul.u32 $0x280, s20  }
0x6: {  	s0 =	sadd.s32 $0xAC000, s0;
	s10 =	smul.u32 $0x50000, s20;
	s21 =	sshll.u32 s20, $0x1  }
0x7: {  	s22 =	smul.u32 $0x2800, s20;
	_ =	strace $0x8000004D;
	s6 =	ssub.s32 $0x2, s3  }
0x8: {  	s18 =	smul.u32 $0x2800, s3;
	s8 =	sshrl.u32 s6, $0x1;
	s10 =	sshrl.u32 s10, $0x2  }
0x9: {  	s13 =	sadd.s32 $0x80, s9;
	s15 =	sadd.s32 $0x100, s9;
	s16 =	sadd.s32 $0x180, s9  }
0xa: {  	s17 =	sadd.s32 $0x200, s9;
	s11 =	ssub.s32 s6, s8;
	s6 =	sor.u32 s3, s21  }
0xb: {  	s8 =	sadd.s32 s7, s22;
	s23 =	sshll.u32 s13, $0x4;
	s24 =	sshll.u32 s13, $0x7  }
0xc: {  	s12 =	sshll.u32 s15, $0x4;
	s14 =	sshll.u32 s15, $0x7;
	s25 =	sshll.u32 s16, $0x4  }
0xd: {  	s26 =	sshll.u32 s16, $0x7;
	s19 =	sshll.u32 s17, $0x4;
	s31 =	sadd.s32 s9, s18  }
0xe: {  	s9 =	sshll.u32 s17, $0x7;
	s13 =	sadd.s32 s18, s13;
	s21 =	sadd.s32 s18, s15  }
0xf: {  	s15 =	sshll.u32 s3, $0x4;
	s3 =	sshll.u32 s3, $0xB;
	[dreg:$0x3] =	wrdreg s8  }
0x10: {  	s8 =	sadd.s32 s10, s1;
	s10 =	sadd.s32 s7, s23;
	s12 =	sadd.s32 s7, s12  }
0x11: {  	s22 =	sshll.u32 s21, $0x4;
	s23 =	sadd.s32 s18, s16;
	s16 =	sshll.u32 s20, $0xC  }
0x12: {  	s21 =	sadd.s32 s9, s1;
	s9 =	simm.s32 $0x2;
	[dreg:$0x4] =	wrdreg s10  }
0x13: {  	s10 =	sadd.s32 s24, s1;
	[dreg:$0x5] =	wrdreg s12;
	s12 =	sadd.s32 s14, s1  }
0x14: {  	s14 =	sadd.s32 s7, s25;
	s7 =	sadd.s32 s7, s19;
	s19 =	sshll.u32 s13, $0x4  }
0x15: {  	s24 =	sshll.u32 s23, $0x4;
	s25 =	sadd.s32 s18, s17;
	s17 =	sshll.u32 s6, $0x4  }
0x16: {  	s18 =	sshll.u32 s6, $0xB;
	[dreg:$0x6] =	wrdreg s14;
	s14 =	sadd.s32 s26, s1  }
0x17: {  	[dreg:$0x7] =	wrdreg s7;
	s7 =	sshll.u32 s31, $0x4;
	s26 =	sshll.u32 s25, $0x4  }
0x18: {  	s31 =	sshll.u32 s20, $0x5;
	s20 =	sor.u32 s3, s16;
	s3 =	sadd.s32 s5, s17  }
0x19: {  	s25 =	sor.u32 $0x40, s6;
	s16 =	simm.s32 $0x4;
	s17 =	simm.s32 $0x0  }
0x1a: {  	s7 =	sadd.s32 s0, s7;
	s13 =	sadd.s32 s31, s5;
	[dreg:$0xd] =	wrdreg s3  }
0x1b: {  	s3 =	sadd.s32 s4, s18;
	s31 =	sshll.u32 s25, $0x4;
	[dreg:$0x8] =	wrdreg s7  }
0x1c: {  	s7 =	sadd.s32 s0, s19;
	s19 =	sor.u32 $0x20, s6;
	[dreg:$0xe] =	wrdreg s3  }
0x1d: {  	s29 =	sadd.s32 s5, s31;
	[dreg:$0x9] =	wrdreg s7;
	s7 =	sadd.s32 s0, s22  }
0x1e: {  	s3 =	simm.s32 $0x5;
	s22 =	smax.u32 s11, $0x1;
	[dreg:$0xa] =	wrdreg s7  }
0x1f: {  	s23 =	sshll.u32 s19, $0x4;
	s7 =	sadd.s32 s0, s24;
	[dreg:$0xf] =	wrdreg s22  }
0x20: {  	s11 =	simm.s32 $0x80;
	s0 =	sadd.s32 s0, s26;
	[dreg:$0xb] =	wrdreg s7  }
0x21: {  	s26 =	sadd.s32 s5, s23;
	s24 =	sshll.u32 s19, $0xB;
	[dreg:$0xc] =	wrdreg s0  }
0x22: {  	s0 =	sadd.s32 s15, s13;
	s28 =	sadd.s32 s4, s24;
	s7 =	sshll.u32 s25, $0xB  }
0x23: {  	s13 =	simm.s32 $0x4100;
	s15 =	simm.s32 $0x3;
	s30 =	sadd.s32 s4, s7  }
0x24: {  	s19 =	sadd.s32 $0x600, s0;
	s0 =	simm.s32 $0x100;
	s7 =	simm.s32 $0x1  }
.LBB2_1:
0x25: {  	s18 =	rddreg [dreg:$0x3]  }
0x26: {  	[tilespmem:s0], [sflag:$0x5] =	stream.linear.gather [hbm4b:s18+s2], $0x4000, $0x38;
	[tilespmem:$0x1C100] =	vst v63  }
0x27: {  	_ =	swait.ge [sflag:s3], $0x4000  }
0x28: {  	[sflag:s3] =	ssyncset.done $0x0  }
0x29: {  	[sflag:s3] =	ssyncadd.s32 $0xFFFFC000  }
0x2a: {  	[spmem:s8] =	stream.linear.scatter [tilespmem:s0], [sflag:$0x5], $0x4000, $0x38;
	[tilespmem:$0x1C100] =	vst v63  }
0x2b: {  	_ =	swait.ge [sflag:s3], $0x4000  }
0x2c: {  	[sflag:s3] =	ssyncset.done $0x0  }
0x2d: {  	s22 =	rddreg [dreg:$0x4];
	[sflag:s3] =	ssyncadd.s32 $0xFFFFC000  }
0x2e: {  	[tilespmem:s0], [sflag:$0x5] =	stream.linear.gather [hbm4b:s22+s2], $0x4000, $0x38;
	[tilespmem:$0x1C100] =	vst v63  }
0x2f: {  	_ =	swait.ge [sflag:s3], $0x4000  }
0x30: {  	[sflag:s3] =	ssyncset.done $0x0  }
0x31: {  	[sflag:s3] =	ssyncadd.s32 $0xFFFFC000  }
0x32: {  	[spmem:s10] =	stream.linear.scatter [tilespmem:s0], [sflag:$0x5], $0x4000, $0x38;
	[tilespmem:$0x1C100] =	vst v63  }
0x33: {  	_ =	swait.ge [sflag:s3], $0x4000  }
0x34: {  	[sflag:s3] =	ssyncset.done $0x0  }
0x35: {  	s23 =	rddreg [dreg:$0x5];
	[sflag:s3] =	ssyncadd.s32 $0xFFFFC000  }
0x36: {  	[tilespmem:s0], [sflag:$0x5] =	stream.linear.gather [hbm4b:s23+s2], $0x4000, $0x38;
	[tilespmem:$0x1C100] =	vst v63  }
0x37: {  	_ =	swait.ge [sflag:s3], $0x4000  }
0x38: {  	[sflag:s3] =	ssyncset.done $0x0  }
0x39: {  	[sflag:s3] =	ssyncadd.s32 $0xFFFFC000  }
0x3a: {  	[spmem:s12] =	stream.linear.scatter [tilespmem:s0], [sflag:$0x5], $0x4000, $0x38;
	[tilespmem:$0x1C100] =	vst v63  }
0x3b: {  	_ =	swait.ge [sflag:s3], $0x4000  }
0x3c: {  	[sflag:s3] =	ssyncset.done $0x0  }
0x3d: {  	s24 =	rddreg [dreg:$0x6];
	[sflag:s3] =	ssyncadd.s32 $0xFFFFC000  }
0x3e: {  	[tilespmem:s0], [sflag:$0x5] =	stream.linear.gather [hbm4b:s24+s2], $0x4000, $0x38;
	[tilespmem:$0x1C100] =	vst v63  }
0x3f: {  	_ =	swait.ge [sflag:s3], $0x4000  }
0x40: {  	[sflag:s3] =	ssyncset.done $0x0  }
0x41: {  	[sflag:s3] =	ssyncadd.s32 $0xFFFFC000  }
0x42: {  	[spmem:s14] =	stream.linear.scatter [tilespmem:s0], [sflag:$0x5], $0x4000, $0x38;
	[tilespmem:$0x1C100] =	vst v63  }
0x43: {  	_ =	swait.ge [sflag:s3], $0x4000  }
0x44: {  	[sflag:s3] =	ssyncset.done $0x0  }
0x45: {  	s25 =	rddreg [dreg:$0x7];
	[sflag:s3] =	ssyncadd.s32 $0xFFFFC000  }
0x46: {  	[tilespmem:s0], [sflag:$0x5] =	stream.linear.gather [hbm4b:s25+s2], $0x4000, $0x38;
	[tilespmem:$0x1C100] =	vst v63  }
0x47: {  	_ =	swait.ge [sflag:s3], $0x4000  }
0x48: {  	[sflag:s3] =	ssyncset.done $0x0  }
0x49: {  	[sflag:s3] =	ssyncadd.s32 $0xFFFFC000  }
0x4a: {  	[spmem:s21] =	stream.linear.scatter [tilespmem:s0], [sflag:$0x5], $0x4000, $0x38;
	[tilespmem:$0x1C100] =	vst v63  }
0x4b: {  	_ =	swait.ge [sflag:s3], $0x4000  }
0x4c: {  	[sflag:s3] =	ssyncset.done $0x0  }
0x4d: {  	[sflag:s3] =	ssyncadd.s32 $0xFFFFC000  }
0x4e: {  	[bflag:$0x0] =	sbarrier.arrive $0xFFFF  }
0x4f: {  	s22 =	rddreg [dreg:$0xd]  }
0x50: {  	[tilespmem:s2], [sflag:$0x1] =	stream.linear.gather [hbm4b:s22+s2], $0x80, $0x38;
	[tilespmem:$0x1C100] =	vst v63  }
0x51: {  	s23 =	rddreg [dreg:$0xe]  }
0x52: {  	[tilespmem:s0], [sflag:$0x2] =	stream.linear.gather [hbm4b:s23+s2], $0x4000, $0x38;
	[tilespmem:$0x1C100] =	vst v63  }
0x53: {  	_ =	swait.ge [sflag:s7], $0x80  }
0x54: {  	[sflag:s7] =	ssyncset.done $0x0  }
0x55: {  	[sflag:s7] =	ssyncadd.s32 $0xFFFFFF80  }
0x56: {  	_ =	swait.ge [sflag:s9], $0x4000  }
0x57: {  	[sflag:s9] =	ssyncset.done $0x0  }
0x58: {  	[sflag:s9] =	ssyncadd.s32 $0xFFFFC000  }
0x59: {  	[tilespmem:s11], [sflag:$0x1] =	stream.linear.gather [hbm4b:s26+s2], $0x80, $0x38;
	[tilespmem:$0x1C100] =	vst v63  }
0x5a: {  	_ = 	snop  }
0x5b: {  	[tilespmem:s13], [sflag:$0x2] =	stream.linear.gather [hbm4b:s28+s2], $0x4000, $0x38;
	[tilespmem:$0x1C100] =	vst v63  }
0x5c: {  	_ = 	snop  }
0x5d: {  	[spmem:s1] =	stream.indirect.scatter.add.f32 [tilespmem:s0], [sflag:$0x3], $0x80, s2, s11, $0xb8;
	[tilespmem:$0x1C100] =	vst v63  }
0x5e: {  	_ =	swait.ge [sflag:s7], $0x80  }
0x5f: {  	[sflag:s7] =	ssyncset.done $0x0  }
0x60: {  	[sflag:s7] =	ssyncadd.s32 $0xFFFFFF80  }
0x61: {  	_ =	swait.ge [sflag:s9], $0x4000  }
0x62: {  	[sflag:s9] =	ssyncset.done $0x0  }
0x63: {  	[sflag:s9] =	ssyncadd.s32 $0xFFFFC000  }
0x64: {  	_ =	swait.ge [sflag:s15], $0x4000  }
0x65: {  	[sflag:s15] =	ssyncset.done $0x0  }
0x66: {  	[sflag:s15] =	ssyncadd.s32 $0xFFFFC000  }
0x67: {  	[tilespmem:s2], [sflag:$0x1] =	stream.linear.gather [hbm4b:s29+s2], $0x80, $0x38;
	[tilespmem:$0x1C100] =	vst v63  }
0x68: {  	_ = 	snop  }
0x69: {  	[tilespmem:s0], [sflag:$0x2] =	stream.linear.gather [hbm4b:s30+s2], $0x4000, $0x38;
	[tilespmem:$0x1C100] =	vst v63  }
0x6a: {  	_ = 	snop  }
0x6b: {  	[spmem:s1] =	stream.indirect.scatter.add.f32 [tilespmem:s13], [sflag:$0x4], $0x80, s11, s11, $0xb8;
	[tilespmem:$0x1C100] =	vst v63  }
0x6c: {  	_ =	swait.ge [sflag:s7], $0x80  }
0x6d: {  	[sflag:s7] =	ssyncset.done $0x0  }
0x6e: {  	[sflag:s7] =	ssyncadd.s32 $0xFFFFFF80  }
0x6f: {  	_ =	swait.ge [sflag:s9], $0x4000  }
0x70: {  	[sflag:s9] =	ssyncset.done $0x0  }
0x71: {  	s24 =	sadd.s32 $0x0, s6;
	[sflag:s9] =	ssyncadd.s32 $0xFFFFC000  }
0x72: {  	s22 =	sadd.s32 $0x60, s24;
	_ =	swait.ge [sflag:s16], $0x4000  }
0x73: {  	p0 =	slt.u32 s22, $0x9C4;
	s22 =	sadd.s32 $0x30000, s20;
	[sflag:s16] =	ssyncset.done $0x0  }
0x74: {  	s22 =	simm.s32 @!p0 $0x0;
	[sflag:s16] =	ssyncadd.s32 $0xFFFFC000  }
0x75: {  	[tilespmem:s11], [sflag:$0x1] =	stream.linear.gather [hbm4b:s19+s2], $0x80, $0x38;
	[tilespmem:$0x1C100] =	vst v63  }
0x76: {  	s22 =	sadd.s32 s4, s22  }
0x77: {  	[tilespmem:s13], [sflag:$0x2] =	stream.linear.gather [hbm4b:s22+s2], $0x4000, $0x38;
	[tilespmem:$0x1C100] =	vst v63  }
0x78: {  	_ = 	snop  }
0x79: {  	[spmem:s1] =	stream.indirect.scatter.add.f32 [tilespmem:s0], [sflag:$0x3], $0x80, s2, s11, $0xb8;
	[tilespmem:$0x1C100] =	vst v63  }
0x7a: {  	_ =	swait.ge [sflag:s7], $0x80  }
0x7b: {  	[sflag:s7] =	ssyncset.done $0x0  }
0x7c: {  	[sflag:s7] =	ssyncadd.s32 $0xFFFFFF80  }
0x7d: {  	_ =	swait.ge [sflag:s9], $0x4000  }
0x7e: {  	s18 =	sadd.s32 $0x80, s24;
	[sflag:s9] =	ssyncset.done $0x0  }
0x7f: {  	s31 =	smov.u32 s19;
	p0 =	slt.s32 s18, $0x9C4;
	[sflag:s9] =	ssyncadd.s32 $0xFFFFC000  }
0x80: {  	p1 =	slt.u32 s18, $0x9C4;
	s18 =	simm.s32 @!p0 $0x9C4;
	_ =	swait.ge [sflag:s15], $0x4000  }
0x81: {  	s18 =	sshll.u32 s18, $0x4;
	s22 =	sadd.s32 $0x40000, s20;
	[sflag:s15] =	ssyncset.done $0x0  }
0x82: {  	s18 =	sadd.s32 s5, s18;
	s22 =	simm.s32 @!p1 $0x0;
	[sflag:s15] =	ssyncadd.s32 $0xFFFFC000  }
0x83: {  	[tilespmem:s2], [sflag:$0x1] =	stream.linear.gather [hbm4b:s18+s2], $0x80, $0x38;
	[tilespmem:$0x1C100] =	vst v63  }
0x84: {  	s25 =	sadd.s32 s4, s22;
	s22 =	smov.u32 s20;
	s18 =	simm.s32 $0x40  }
0x85: {  	[tilespmem:s0], [sflag:$0x2] =	stream.linear.gather [hbm4b:s25+s2], $0x4000, $0x38;
	[tilespmem:$0x1C100] =	vst v63  }
.LBB2_2:
0x86: {  	p0 =	sne.s32 s18, $0x940;
	s31 =	sadd.s32 $0x400, s31;
	s22 =	sadd.s32 $0x20000, s22  }
0x87: {  	[spmem:s1] =	stream.indirect.scatter.add.f32 [tilespmem:s13], [sflag:$0x4], $0x80, s11, s11, $0xb8;
	[tilespmem:$0x1C100] =	vst v63  }
0x88: {  	s23 =	smov.u32 s18;
	s18 =	sadd.s32 $0x40, s18;
	_ =	swait.ge [sflag:s7], $0x80  }
0x89: {  	[sflag:s7] =	ssyncset.done $0x0  }
0x8a: {  	[sflag:s7] =	ssyncadd.s32 $0xFFFFFF80  }
0x8b: {  	_ =	swait.ge [sflag:s9], $0x4000  }
0x8c: {  	[sflag:s9] =	ssyncset.done $0x0  }
0x8d: {  	s23 =	sadd.s32 s23, s6;
	s24 =	sadd.s32 $0x40000, s22;
	[sflag:s9] =	ssyncadd.s32 $0xFFFFC000  }
0x8e: {  	s25 =	sadd.s32 $0x60, s23;
	s23 =	sadd.s32 $0x80, s23;
	_ =	swait.ge [sflag:s16], $0x4000  }
0x8f: {  	p1 =	slt.u32 s25, $0x9C4;
	s25 =	sadd.s32 $0x30000, s22;
	[sflag:s16] =	ssyncset.done $0x0  }
0x90: {  	s25 =	simm.s32 @!p1 $0x0;
	p1 =	slt.s32 s23, $0x9C4;
	[sflag:s16] =	ssyncadd.s32 $0xFFFFC000  }
0x91: {  	[tilespmem:s11], [sflag:$0x1] =	stream.linear.gather [hbm4b:s31+s2], $0x80, $0x38;
	[tilespmem:$0x1C100] =	vst v63  }
0x92: {  	p2 =	slt.u32 s23, $0x9C4;
	s25 =	sadd.s32 s4, s25;
	s23 =	simm.s32 @!p1 $0x9C4  }
0x93: {  	[tilespmem:s13], [sflag:$0x2] =	stream.linear.gather [hbm4b:s25+s2], $0x4000, $0x38;
	[tilespmem:$0x1C100] =	vst v63  }
0x94: {  	s24 =	simm.s32 @!p2 $0x0;
	s23 =	sshll.u32 s23, $0x4  }
0x95: {  	[spmem:s1] =	stream.indirect.scatter.add.f32 [tilespmem:s0], [sflag:$0x3], $0x80, s2, s11, $0xb8;
	[tilespmem:$0x1C100] =	vst v63  }
0x96: {  	_ =	swait.ge [sflag:s7], $0x80  }
0x97: {  	[sflag:s7] =	ssyncset.done $0x0  }
0x98: {  	[sflag:s7] =	ssyncadd.s32 $0xFFFFFF80  }
0x99: {  	_ =	swait.ge [sflag:s9], $0x4000  }
0x9a: {  	[sflag:s9] =	ssyncset.done $0x0  }
0x9b: {  	[sflag:s9] =	ssyncadd.s32 $0xFFFFC000  }
0x9c: {  	_ =	swait.ge [sflag:s15], $0x4000  }
.Ltmp0:
0x9d: {  	s23 =	sadd.s32 s5, s23;
	[sflag:s15] =	ssyncset.done $0x0;
	(pc) =	sbr.rel @p0 .LBB2_2-.Ltmp0, $4  }
0x9e: {  	s24 =	sadd.s32 s4, s24;
	[sflag:s15] =	ssyncadd.s32 $0xFFFFC000  }
0x9f: {  	[tilespmem:s2], [sflag:$0x1] =	stream.linear.gather [hbm4b:s23+s2], $0x80, $0x38;
	[tilespmem:$0x1C100] =	vst v63  }
0xa0: {  	_ = 	snop  }
0xa1: {  	[tilespmem:s0], [sflag:$0x2] =	stream.linear.gather [hbm4b:s24+s2], $0x4000, $0x38;
	[tilespmem:$0x1C100] =	vst v63  }
0xa2: {  	[spmem:s1] =	stream.indirect.scatter.add.f32 [tilespmem:s13], [sflag:$0x4], $0x80, s11, s11, $0xb8;
	[tilespmem:$0x1C100] =	vst v63  }
0xa3: {  	_ =	swait.ge [sflag:s7], $0x80  }
0xa4: {  	[sflag:s7] =	ssyncset.done $0x0  }
0xa5: {  	[sflag:s7] =	ssyncadd.s32 $0xFFFFFF80  }
0xa6: {  	_ =	swait.ge [sflag:s9], $0x4000  }
0xa7: {  	[sflag:s9] =	ssyncset.done $0x0  }
0xa8: {  	[sflag:s9] =	ssyncadd.s32 $0xFFFFC000  }
0xa9: {  	_ =	swait.ge [sflag:s16], $0x4000  }
0xaa: {  	[sflag:s16] =	ssyncset.done $0x0  }
0xab: {  	[sflag:s16] =	ssyncadd.s32 $0xFFFFC000  }
0xac: {  	[spmem:s1] =	stream.indirect.scatter.add.f32 [tilespmem:s0], [sflag:$0x3], $0x80, s2, s11, $0xb8;
	[tilespmem:$0x1C100] =	vst v63  }
0xad: {  	_ =	swait.ge [sflag:s15], $0x4000  }
0xae: {  	[sflag:s15] =	ssyncset.done $0x0  }
0xaf: {  	[sflag:s15] =	ssyncadd.s32 $0xFFFFC000  }
0xb0: {  	[bflag:$0x0] =	sbarrier.arrive $0xFFFF  }
0xb1: {  	[tilespmem:s0], [sflag:$0x5] =	stream.linear.gather [spmem:s8], $0x4000, $0x38;
	[tilespmem:$0x1C100] =	vst v63  }
0xb2: {  	_ =	swait.ge [sflag:s3], $0x4000  }
0xb3: {  	[sflag:s3] =	ssyncset.done $0x0  }
0xb4: {  	s18 =	rddreg [dreg:$0x8];
	[sflag:s3] =	ssyncadd.s32 $0xFFFFC000  }
0xb5: {  	[hbm4b:s18+s2] =	stream.linear.scatter [tilespmem:s0], [sflag:$0x5], $0x4000, $0x38;
	[tilespmem:$0x1C100] =	vst v63  }
0xb6: {  	_ =	swait.ge [sflag:s3], $0x4000  }
0xb7: {  	[sflag:s3] =	ssyncset.done $0x0  }
0xb8: {  	[sflag:s3] =	ssyncadd.s32 $0xFFFFC000  }
0xb9: {  	[tilespmem:s0], [sflag:$0x5] =	stream.linear.gather [spmem:s10], $0x4000, $0x38;
	[tilespmem:$0x1C100] =	vst v63  }
0xba: {  	_ =	swait.ge [sflag:s3], $0x4000  }
0xbb: {  	[sflag:s3] =	ssyncset.done $0x0  }
0xbc: {  	s22 =	rddreg [dreg:$0x9];
	[sflag:s3] =	ssyncadd.s32 $0xFFFFC000  }
0xbd: {  	[hbm4b:s22+s2] =	stream.linear.scatter [tilespmem:s0], [sflag:$0x5], $0x4000, $0x38;
	[tilespmem:$0x1C100] =	vst v63  }
0xbe: {  	_ =	swait.ge [sflag:s3], $0x4000  }
0xbf: {  	[sflag:s3] =	ssyncset.done $0x0  }
0xc0: {  	[sflag:s3] =	ssyncadd.s32 $0xFFFFC000  }
0xc1: {  	[tilespmem:s0], [sflag:$0x5] =	stream.linear.gather [spmem:s12], $0x4000, $0x38;
	[tilespmem:$0x1C100] =	vst v63  }
0xc2: {  	_ =	swait.ge [sflag:s3], $0x4000  }
0xc3: {  	[sflag:s3] =	ssyncset.done $0x0  }
0xc4: {  	s23 =	rddreg [dreg:$0xa];
	[sflag:s3] =	ssyncadd.s32 $0xFFFFC000  }
0xc5: {  	[hbm4b:s23+s2] =	stream.linear.scatter [tilespmem:s0], [sflag:$0x5], $0x4000, $0x38;
	[tilespmem:$0x1C100] =	vst v63  }
0xc6: {  	_ =	swait.ge [sflag:s3], $0x4000  }
0xc7: {  	[sflag:s3] =	ssyncset.done $0x0  }
0xc8: {  	[sflag:s3] =	ssyncadd.s32 $0xFFFFC000  }
0xc9: {  	[tilespmem:s0], [sflag:$0x5] =	stream.linear.gather [spmem:s14], $0x4000, $0x38;
	[tilespmem:$0x1C100] =	vst v63  }
0xca: {  	_ =	swait.ge [sflag:s3], $0x4000  }
0xcb: {  	[sflag:s3] =	ssyncset.done $0x0  }
0xcc: {  	s24 =	rddreg [dreg:$0xb];
	[sflag:s3] =	ssyncadd.s32 $0xFFFFC000  }
0xcd: {  	[hbm4b:s24+s2] =	stream.linear.scatter [tilespmem:s0], [sflag:$0x5], $0x4000, $0x38;
	[tilespmem:$0x1C100] =	vst v63  }
0xce: {  	_ =	swait.ge [sflag:s3], $0x4000  }
0xcf: {  	[sflag:s3] =	ssyncset.done $0x0  }
0xd0: {  	[sflag:s3] =	ssyncadd.s32 $0xFFFFC000  }
0xd1: {  	[tilespmem:s0], [sflag:$0x5] =	stream.linear.gather [spmem:s21], $0x4000, $0x38;
	[tilespmem:$0x1C100] =	vst v63  }
0xd2: {  	_ =	swait.ge [sflag:s3], $0x4000  }
0xd3: {  	[sflag:s3] =	ssyncset.done $0x0  }
0xd4: {  	s25 =	rddreg [dreg:$0xc];
	[sflag:s3] =	ssyncadd.s32 $0xFFFFC000  }
0xd5: {  	[hbm4b:s25+s2] =	stream.linear.scatter [tilespmem:s0], [sflag:$0x5], $0x4000, $0x38;
	[tilespmem:$0x1C100] =	vst v63  }
0xd6: {  	_ =	swait.ge [sflag:s3], $0x4000  }
0xd7: {  	s17 =	sadd.s32 $0x1, s17;
	s31 =	rddreg [dreg:$0xf]  }
0xd8: {  	p0 =	sne.s32 s17, s31  }
.Ltmp1:
0xd9: {  	_ = 	snop;
	(pc) =	sbr.rel @p0 .LBB2_1-.Ltmp1, $3  }
0xda: {  	_ =	sdelay $0x1  }
0xdb: {  	[sflag:s3] =	ssyncset.done $0x0  }
0xdc: {  	[sflag:s3] =	ssyncadd.s32 $0xFFFFC000  }
0xdd: {  	_ =	sfence.sel $0x180000  }
0xde: {  	[bflag:$0x0] =	sbarrier.arrive $0xFFFF  }
0xdf: {  	_ =	strace $0x9000004D  }
0xe0: {  	s0 =	stileid.u32;
	[bflag:$0x2] =	sbarrier.arrive $0xFFFF  }
0xe1: {  	p0 =	sne.s32 s0, $0x0;
	s0 =	rddreg [dreg:$0x2]  }
0xe2: {  	s0 =	sadd.s32 @!p0 $0x100000, s0  }
0xe3: {  	[sflag:s0] =	ssyncadd.tile.s32 @!p0 $0x1;
	_ =	shalt  }
.Lfunc_end2:
_tile_overlayer_lowered:
.L_overlay_start_2:
0xe4: {  	(tag) =	ssettag $0x2  }
0xe5: {  	s0 =	rddreg [dreg:$0x0];
	s2 =	stileid.u32  }
0xe6: {  	s1 =	rddreg [dreg:$0x1];
	p0 =	sne.s32 s2, $0x0  }
0xe7: {  	s3 =	rddreg [dreg:$0x2];
	[bflag:$0x3] =	sbarrier.arrive $0xFFFF;
	s2 =	simm.s32 @!p0 $0x1C05  }
0xe8: {  	[timem:s3], [sflag:s2] =	dma.local @!p0 [hbm:s0], s1  }
0xe9: {  	s0 =	simm.s32 @!p0 $0x5  }
0xea: {  	_ =	swait.ge @!p0 [sflag:s0], s1  }
0xeb: {  	s1 =	ssub.s32 @!p0 $0x0, s1;
	[sflag:s0] =	ssyncset.done @!p0 $0x0  }
0xec: {  	[sflag:s0] =	ssyncadd.s32 @!p0 s1  }
0xed: {  	[bflag:$0x3] =	sbarrier.arrive $0xFFFF  }
0xee: {  	_ =	shalt  }

// kernel: kernel.23.cloned.1.call-start
scs
__scs_entry_jumppad:
0x0: {  	(pc) =	sbr.rel $0x88, $3  }
0x1: {  	(tag) =	ssettag $0x0;
	lr =	simm.s32 $0x1  }
0x2: {  	[smem:$0x3F7C] =	sst lr;
	_ =	strace $0xD0000000  }
0x3: {  	_ = 	snop  }
0x4: {  	_ = 	snop  }
0x5: {  	_ = 	snop  }
0x6: {  	_ = 	snop  }
0x7: {  	_ = 	snop  }
__scs_overlays_trampoline_lowered:
0x8: {  	[smem:$0x3F8B] =	sst s0  }
0x9: {  	[smem:$0x3F8C] =	sst s1  }
0xa: {  	[smem:$0x3F8D] =	sst s2  }
0xb: {  	[smem:$0x3F8E] =	sst s3  }
0xc: {  	[smem:$0x3F8F] =	sst s4  }
0xd: {  	[smem:$0x3F90] =	sst s5  }
0xe: {  	[smem:$0x3F91] =	sst s6  }
0xf: {  	[smem:$0x3F92] =	sst s7  }
0x10: {  	[smem:$0x3F93] =	sst s8  }
0x11: {  	[smem:$0x3F94] =	sst s9;
	s0 =	simm.s32 @!p0 $0x0  }
0x12: {  	s1 =	sld [smem:$0x3F7A];
	s0 =	simm.s32 @p0 $0x1  }
0x13: {  	[smem:$0x3F95] =	sst s0;
	s0 =	simm.s32 @!p1 $0x0  }
0x14: {  	s2 =	sld [smem:$0x3F79];
	s0 =	simm.s32 @p1 $0x1  }
0x15: {  	[smem:$0x3F96] =	sst s0;
	s0 =	simm.s32 @!p2 $0x0  }
0x16: {  	s3 =	sld [smem:$0x3FDB];
	s0 =	simm.s32 @p2 $0x1  }
0x17: {  	s4 =	simm.s32 $0x1BF5;
	[smem:$0x3F98] =	sst s0  }
0x18: {  	s0 =	sld [smem:$0x3F7B];
	_ =	swait.ge [sflag:s4], $0x0  }
0x19: {  	s7 =	sld [smem:$0x3F7C]  }
0x1a: {  	s8 =	sadd.s32 $0xFFFFE003, lr  }
0x1b: {  	s9 =	sadd.s32 $0xFFFFFEF7, lr;
	s5 =	simm.s32 $0xFFFFFFFF;
	p2 =	slt.u32 s8, $0xFFFFF086  }
0x1c: {  	p1 =	slt.u32 s9, $0xF7A;
	s5 =	simm.s32 @!p2 $0x0  }
0x1d: {  	s5 =	simm.s32 @p1 $0x1;
	p0 =	seq.s32 s7, s2  }
0x1e: {  	s7 =	smul.u32 @!p0 $0xF7A, s2;
	p2 =	seq.s32 @!p0 s5, $0x0  }
0x1f: {  	s9 =	smul.u32 $0xF7A, s1;
	s8 =	simm.s32 @!p0 $0x1BF5;
	p2 =	por !p2, p0  }
0x20: {  	[sflag:s8] =	ssyncset.s32 @!p0 $0xFFFFF086;
	s6 =	sadd.s32 @!p0 s3, s7;
	s7 =	simm.s32 @!p0 $0x108  }
0x21: {  	s3 =	sadd.s32 s3, s9;
	s6 =	sadd.s32 @!p0 $0x88, s6;
	s7 =	simm.s32 @p2 $0x1082  }
0x22: {  	[simem:s7], [sflag:s8] =	dma.local @!p0 [hbm:s6], $0xF7A  }
0x23: {  	s9 =	sor.u32 $0xD0000000, s2;
	s6 =	simm.s32 $0x108;
	_ =	swait.ge @!p0 [sflag:s8], $0x0  }
0x24: {  	s3 =	sadd.s32 $0x88, s3;
	s6 =	simm.s32 @!p1 $0x1082;
	[sflag:s4] =	ssyncset.s32 $0xFFFFF086  }
0x25: {  	[simem:s6], [sflag:s4] =	dma.local [hbm:s3], $0xF7A  }
0x26: {  	[smem:$0x3F7C] =	sst s1;
	(tag) =	ssettag s2;
	_ =	strace s9  }
0x27: {  	s1 =	sld [smem:$0x3F8C]  }
0x28: {  	s2 =	sld [smem:$0x3F8D]  }
0x29: {  	s4 =	sld [smem:$0x3F8F]  }
0x2a: {  	p0 =	seq.s32 s5, $0x0;
	s5 =	sld [smem:$0x3F90]  }
0x2b: {  	s6 =	sld [smem:$0x3F91]  }
0x2c: {  	s7 =	sld [smem:$0x3F92]  }
0x2d: {  	s3 =	simm.s32 $0x108;
	s8 =	sld [smem:$0x3F93]  }
0x2e: {  	s3 =	simm.s32 @!p0 $0x1082;
	s9 =	sld [smem:$0x3F94]  }
0x2f: {  	lr =	sadd.s32 s0, s3;
	s0 =	sld [smem:$0x3F8B]  }
0x30: {  	s3 =	sld [smem:$0x3F8E]  }
0x31: {  	[smem:$0x3F97] =	sst s10  }
0x32: {  	s10 =	sld [smem:$0x3F95];
	_ =	sdelay $0x3  }
0x33: {  	p0 =	seq.s32 s10, $0x1;
	s10 =	sld [smem:$0x3F97];
	_ =	sdelay $0x3  }
0x34: {  	[smem:$0x3F97] =	sst s10  }
0x35: {  	s10 =	sld [smem:$0x3F96];
	_ =	sdelay $0x3  }
0x36: {  	p1 =	seq.s32 s10, $0x1;
	s10 =	sld [smem:$0x3F97];
	_ =	sdelay $0x3  }
0x37: {  	[smem:$0x3F97] =	sst s10  }
0x38: {  	s10 =	sld [smem:$0x3F98]  }
0x39: {  	_ = 	snop;
	(pc) =	sbr.ind lr, $3  }
0x3a: {  	_ = 	snop  }
0x3b: {  	_ = 	snop  }
0x3c: {  	p2 =	seq.s32 s10, $0x1;
	s10 =	sld [smem:$0x3F97]  }
0x3d: {  	_ =	shalt  }
0x3e: {  	_ =	shalt  }
0x3f: {  	_ =	shalt  }
0x40: {  	_ =	shalt  }
0x41: {  	_ =	shalt  }
0x42: {  	_ =	shalt  }
0x43: {  	_ =	shalt  }
0x44: {  	_ =	shalt  }
0x45: {  	_ =	shalt  }
0x46: {  	_ =	shalt  }
0x47: {  	_ =	shalt  }
0x48: {  	_ =	shalt  }
0x49: {  	_ =	shalt  }
0x4a: {  	_ =	shalt  }
0x4b: {  	_ =	shalt  }
0x4c: {  	_ =	shalt  }
0x4d: {  	_ =	shalt  }
0x4e: {  	_ =	shalt  }
0x4f: {  	_ =	shalt  }
0x50: {  	_ =	shalt  }
0x51: {  	_ =	shalt  }
0x52: {  	_ =	shalt  }
0x53: {  	_ =	shalt  }
0x54: {  	_ =	shalt  }
0x55: {  	_ =	shalt  }
0x56: {  	_ =	shalt  }
0x57: {  	_ =	shalt  }
0x58: {  	_ =	shalt  }
0x59: {  	_ =	shalt  }
0x5a: {  	_ =	shalt  }
0x5b: {  	_ =	shalt  }
0x5c: {  	_ =	shalt  }
0x5d: {  	_ =	shalt  }
0x5e: {  	_ =	shalt  }
0x5f: {  	_ =	shalt  }
0x60: {  	_ =	shalt  }
0x61: {  	_ =	shalt  }
0x62: {  	_ =	shalt  }
0x63: {  	_ =	shalt  }
0x64: {  	_ =	shalt  }
0x65: {  	_ =	shalt  }
0x66: {  	_ =	shalt  }
0x67: {  	_ =	shalt  }
0x68: {  	_ =	shalt  }
0x69: {  	_ =	shalt  }
0x6a: {  	_ =	shalt  }
0x6b: {  	_ =	shalt  }
0x6c: {  	_ =	shalt  }
0x6d: {  	_ =	shalt  }
0x6e: {  	_ =	shalt  }
0x6f: {  	_ =	shalt  }
0x70: {  	_ =	shalt  }
0x71: {  	_ =	shalt  }
0x72: {  	_ =	shalt  }
0x73: {  	_ =	shalt  }
0x74: {  	_ =	shalt  }
0x75: {  	_ =	shalt  }
0x76: {  	_ =	shalt  }
0x77: {  	_ =	shalt  }
0x78: {  	_ =	shalt  }
0x79: {  	_ =	shalt  }
0x7a: {  	_ =	shalt  }
0x7b: {  	_ =	shalt  }
0x7c: {  	_ =	shalt  }
0x7d: {  	_ =	shalt  }
0x7e: {  	_ =	shalt  }
0x7f: {  	_ =	shalt  }
0x80: {  	_ =	shalt  }
0x81: {  	_ =	shalt  }
0x82: {  	_ =	shalt  }
0x83: {  	_ =	shalt  }
0x84: {  	_ =	shalt  }
0x85: {  	_ =	shalt  }
0x86: {  	_ =	shalt  }
0x87: {  	_ =	shalt  }
.Lfunc_end0:
.L_simem_size_0:
called_computation.3_lowered:
.L_overlay_start_0:
0x88: {  	s2 =	sld [smem:$0x3FD9]  }
0x89: {  	s3 =	sld [smem:$0x3FFE];
	_ =	sdelay $0x1  }
0x8a: {  	s1 =	srdreg.scid  }
0x8b: {  	s0 =	sand.u32 $0x1, s1  }
0x8c: {  	s16 =	sshll.u32 s0, $0xA;
	s2 =	sadd.s32 s3, s2  }
0x8d: {  	s2 =	sadd.s32 s2, s16  }
0x8e: {  	[smem:$0x3FA3] =	sst s2  }
0x8f: {  	_ = 	snop  }
0x90: {  	(tm) =	ssettm $0x1  }
0x91: {  	s17 =	sld [smem:$0x3FFB];
	_ =	sdelay $0x3  }
0x92: {  	_ =	strace s17  }
0x93: {  	s2 =	sld [smem:$0x3FFC];
	_ =	sdelay $0x3  }
0x94: {  	_ =	strace s2  }
0x95: {  	s2 =	sld [smem:$0x3FFD];
	_ =	sdelay $0x3  }
0x96: {  	_ =	strace s2  }
0x97: {  	_ =	strace $0x8FFFFFFF  }
0x98: {  	s18 =	sld [smem:$0x3FDB];
	_ =	sdelay $0x1  }
0x99: {  	s19 =	simm.s32 $_scs_section_size  }
0x9a: {  	s4 =	simm.s32 $_size__tile_overlayer_lowered;
	s5 =	simm.s32 $_tile_overlayer_lowered  }
0x9b: {  	s22 =	simm.s32 $0x1BFF;
	s21 =	sshll.u32 s5, $0x1;
	s2 =	sadd.s32 s19, s18  }
0x9c: {  	s6 =	simm.s32 $0x0;
	s20 =	sshll.u32 s4, $0x1;
	s4 =	sadd.s32 s21, s2  }
0x9d: {  	[timem:s6], [sflag:s22] =	dma.local [hbm:s4], s20  }
0x9e: {  	_ =	swait.ge [sflag:s22], s20  }
0x9f: {  	s3 =	ssub.s32 $0x0, s20;
	[sflag:s22] =	ssyncset.done $0x0  }
0xa0: {  	[sflag:s22] =	ssyncadd.s32 s3;
	_ =	sdelay $0x1  }
0xa1: {  	s23 =	simm.s32 $0x1B8B  }
0xa2: {  	_ =	swait.ge [sflag:s23], $0x1  }
0xa3: {  	[sflag:s23] =	ssyncset.done $0x0  }
0xa4: {  	s25 =	simm.s32 $0x1B8E;
	s24 =	sld [smem:$0x3FFE];
	[sflag:s23] =	ssyncadd.s32 $0xFFFFFFFF  }
0xa5: {  	s26 =	simm.s32 $execute0_lowered;
	[smem:$0x3FD2] =	sst s25  }
0xa6: {  	s4 =	sshll.u32 s26, $0x1;
	_ =	strace $0x8000004F;
	[dreg:$0x1] =	wrdreg $0xFFFFFFFF  }
0xa7: {  	s28 =	simm.s32 $_size_execute0_lowered;
	s2 =	sadd.s32 s2, s4;
	[dreg:$0x0] =	wrdreg $0x0  }
0xa8: {  	s4 =	sshll.u32 s28, $0x1;
	[dreg:$0x2] =	wrdreg s2  }
0xa9: {  	[dreg:$0x3] =	wrdreg s4  }
0xaa: {  	[dreg:$0x4] =	wrdreg $0xC0  }
0xab: {  	_ =	task [dreg:s6], $0x5FFFF  }
0xac: {  	[dreg:$0x1] =	wrdreg $0xFFFFFFFF  }
0xad: {  	[dreg:$0x0] =	wrdreg $0x60  }
0xae: {  	[dreg:$0x2] =	wrdreg s24  }
0xaf: {  	[dreg:$0x3] =	wrdreg $0x9  }
0xb0: {  	_ =	task.clear_ibuf [dreg:s6], $0x4FFFF;
	_ =	strace $0x9000004F  }
0xb1: {  	s29 =	simm.s32 $0x9;
	_ =	strace $0x80000051  }
0xb2: {  	_ =	swait.ge [sflag:s29], $0x1  }
0xb3: {  	[sflag:s29] =	ssyncadd.s32 $0xFFFFFFFF  }
0xb4: {  	_ =	strace $0x90000051  }
0xb5: {  	_ =	sfence  }
0xb6: {  	s30 =	sld [smem:$0x0];
	_ =	sdelay $0x2  }
0xb7: {  	s31 =	sshll.u32 s1, $0xD;
	s1 =	sshrl.u32 s1, $0x2  }
0xb8: {  	s3 =	sand.u32 $0x4000, s31;
	s1 =	sadd.s32 s1, s30  }
0xb9: {  	s0 =	sor.u32 s3, s0;
	s1 =	sshll.u32 s1, $0x11  }
0xba: {  	s0 =	sor.u32 s1, s0  }
0xbb: {  	s0 =	sadd.s32 $0x8F2B, s0  }
0xbc: {  	[sflag:s0] =	ssyncadd.remote.s32 $0x1  }
0xbd: {  	_ =	sfence.sel $0xFFFF  }
0xbe: {  	[dreg:$0x0] =	wrdreg $0xFFFFFFFF;
	(pc) =	sbr.abs _section_cstart, $3  }
0xbf: {  	[dreg:$0x1] =	wrdreg $0xFFFFFFFF  }
0xc0: {  	_ =	task.clear_ibuf [dreg:s6], $0x2FFFF;
	_ =	strace $0x9FFFFFFF  }
0xc1: {  	(tm) =	ssettm $0x7FFFFFFF  }
tec
execute0_lowered:
.L_overlay_start_1:
0x0: {  	(tag) =	ssettag $0x1  }
0x1: {  	s5 =	rddreg [dreg:$0x0]  }
0x2: {  	s0 =	rddreg [dreg:$0x1];
	s1 =	simm.s32 $0x0;
	s4 =	srdreg.scid  }
0x3: {  	s2 =	stileid.u32;
	[smem:$0x7FF] =	sst s1  }
0x4: {  	s3 =	sadd.s32 $0x36800, s5;
	s6 =	sand.u32 $0x1, s4;
	s4 =	sadd.s32 $0x5DA00, s5  }
0x5: {  	s7 =	sshll.u32 s2, $0x5;
	s9 =	sshll.u32 s2, $0xC;
	_ =	strace $0x80000050  }
0x6: {  	s8 =	ssub.s32 $0x2, s6;
	s7 =	sadd.s32 s7, s5;
	s9 =	sadd.s32 s9, s5  }
0x7: {  	s31 =	sshll.u32 s6, $0x4;
	s11 =	sshll.u32 s6, $0xB;
	s10 =	sshrl.u32 s8, $0x1  }
0x8: {  	s5 =	sshll.u32 s2, $0x1;
	s11 =	sadd.s32 s11, s9;
	s8 =	ssub.s32 s8, s10  }
0x9: {  	s10 =	sadd.s32 s31, s7;
	s9 =	sadd.s32 $0x58E000, s11;
	s6 =	smax.u32 s8, $0x1  }
0xa: {  	s7 =	sadd.s32 $0x2C600, s10;
	s8 =	sadd.s32 $0x14A00, s10;
	s10 =	sadd.s32 $0xAC000, s11  }
.LBB2_1:
0xb: {  	p0 =	sgt.u32 s5, $0x9C3  }
0xc: {  	s11 =	sadd.s32 @!p0 $0x0, s8;
	s12 =	simm.s32 @!p0 $0x0;
	s15 =	simm.s32 @!p0 $0x4  }
0xd: {  	[tilespmem:s12], [sflag:$0x4] =	stream.linear.gather @!p0 [hbm4b:s11+s12], $0x80, $0x38;
	[tilespmem:$0x8100] =	vst v63  }
0xe: {  	_ =	swait.ge @!p0 [sflag:s15], $0x80;
	p0 =	por p0, p0  }
0xf: {  	[sflag:s15] =	ssyncset.done @!p0 $0x0  }
0x10: {  	s11 =	sadd.s32 @!p0 $0x0, s7;
	s13 =	simm.s32 @!p0 $0x80;
	[sflag:s15] =	ssyncadd.s32 @!p0 $0xFFFFFF80  }
0x11: {  	[tilespmem:s13], [sflag:$0x4] =	stream.linear.gather @!p0 [hbm4b:s11+s12], $0x80, $0x38;
	[tilespmem:$0x8100] =	vst v63  }
0x12: {  	_ =	swait.ge @!p0 [sflag:s15], $0x80  }
0x13: {  	[sflag:s15] =	ssyncset.done @!p0 $0x0  }
0x14: {  	s11 =	simm.s32 @!p0 $0x100;
	[sflag:s15] =	ssyncadd.s32 @!p0 $0xFFFFFF80  }
0x15: {  	[tilespmem:s11], [sflag:$0x1] =	stream.indirect.gather @!p0 [hbm4b:s3+s13], $0x80, s12, s13, $0xb8;
	[tilespmem:$0x8100] =	vst v63  }
0x16: {  	s16 =	simm.s32 @!p0 $0x4100;
	s14 =	simm.s32 @!p0 $0x1  }
0x17: {  	[tilespmem:s16], [sflag:$0x2] =	stream.indirect.gather @!p0 [hbm4b:s4+s13], $0x80, s13, s13, $0xb8;
	[tilespmem:$0x8100] =	vst v63  }
0x18: {  	_ =	swait.ge @!p0 [sflag:s14], $0x4000  }
0x19: {  	[sflag:s14] =	ssyncset.done @!p0 $0x0  }
0x1a: {  	s13 =	simm.s32 @!p0 $0x2;
	[sflag:s14] =	ssyncadd.s32 @!p0 $0xFFFFC000  }
0x1b: {  	_ =	swait.ge @!p0 [sflag:s13], $0x4000  }
0x1c: {  	[sflag:s13] =	ssyncset.done @!p0 $0x0  }
0x1d: {  	[sflag:s13] =	ssyncadd.s32 @!p0 $0xFFFFC000  }
0x1e: {  	[hbm4b:s10+s12] =	stream.linear.scatter @!p0 [tilespmem:s11], [sflag:$0x4], $0x4000, $0x38;
	[tilespmem:$0x8100] =	vst v63  }
0x1f: {  	_ =	swait.ge @!p0 [sflag:s15], $0x4000  }
0x20: {  	[sflag:s15] =	ssyncset.done @!p0 $0x0  }
0x21: {  	s14 =	simm.s32 $0x400;
	s13 =	simm.s32 $0x200;
	[sflag:s15] =	ssyncadd.s32 @!p0 $0xFFFFC000  }
0x22: {  	[hbm4b:s9+s12] =	stream.linear.scatter @!p0 [tilespmem:s16], [sflag:$0x3], $0x4000, $0x38;
	[tilespmem:$0x8100] =	vst v63  }
0x23: {  	s11 =	sadd.s32 $0x10000, s10;
	s15 =	sadd.s32 $0x20, s5;
	s16 =	simm.s32 @!p0 $0x3  }
0x24: {  	p2 =	sgt.u32 s15, $0x9C3;
	s12 =	sadd.s32 $0x10000, s9;
	_ =	swait.ge @!p0 [sflag:s16], $0x4000  }
.LBB2_2:
0x25: {  	s17 =	sadd.s32 @!p2 s13, s8  }
0x26: {  	s18 =	simm.s32 @!p2 $0x0;
	[sflag:s16] =	ssyncset.done @!p0 $0x0;
	s19 =	smov.u32 s14  }
0x27: {  	s14 =	sadd.s32 $0x200, s14;
	s20 =	simm.s32 @!p2 $0x4;
	[sflag:s16] =	ssyncadd.s32 @!p0 $0xFFFFC000  }
0x28: {  	[tilespmem:s18], [sflag:$0x4] =	stream.linear.gather @!p2 [hbm4b:s17+s18], $0x80, $0x38;
	[tilespmem:$0x8100] =	vst v63  }
0x29: {  	p1 =	sne.s32 s14, $0x9E00;
	p0 =	por p2, p2;
	_ =	swait.ge @!p2 [sflag:s20], $0x80  }
0x2a: {  	[sflag:s20] =	ssyncset.done @!p0 $0x0  }
0x2b: {  	s13 =	sadd.s32 @!p0 s13, s7;
	s16 =	simm.s32 @!p0 $0x80;
	[sflag:s20] =	ssyncadd.s32 @!p0 $0xFFFFFF80  }
0x2c: {  	[tilespmem:s16], [sflag:$0x4] =	stream.linear.gather @!p0 [hbm4b:s13+s18], $0x80, $0x38;
	[tilespmem:$0x8100] =	vst v63  }
0x2d: {  	s13 =	smov.u32 s19;
	_ =	swait.ge @!p0 [sflag:s20], $0x80  }
0x2e: {  	[sflag:s20] =	ssyncset.done @!p0 $0x0  }
0x2f: {  	s17 =	simm.s32 @!p0 $0x100;
	[sflag:s20] =	ssyncadd.s32 @!p0 $0xFFFFFF80  }
0x30: {  	[tilespmem:s17], [sflag:$0x1] =	stream.indirect.gather @!p0 [hbm4b:s3+s16], $0x80, s18, s16, $0xb8;
	[tilespmem:$0x8100] =	vst v63  }
0x31: {  	s21 =	simm.s32 @!p0 $0x1;
	s19 =	simm.s32 @!p0 $0x4100  }
0x32: {  	[tilespmem:s19], [sflag:$0x2] =	stream.indirect.gather @!p0 [hbm4b:s4+s16], $0x80, s16, s16, $0xb8;
	[tilespmem:$0x8100] =	vst v63  }
0x33: {  	_ =	swait.ge @!p0 [sflag:s21], $0x4000  }
0x34: {  	[sflag:s21] =	ssyncset.done @!p0 $0x0  }
0x35: {  	s16 =	simm.s32 @!p0 $0x2;
	[sflag:s21] =	ssyncadd.s32 @!p0 $0xFFFFC000  }
0x36: {  	_ =	swait.ge @!p0 [sflag:s16], $0x4000  }
0x37: {  	[sflag:s16] =	ssyncset.done @!p0 $0x0  }
0x38: {  	[sflag:s16] =	ssyncadd.s32 @!p0 $0xFFFFC000  }
0x39: {  	[hbm4b:s11+s18] =	stream.linear.scatter @!p0 [tilespmem:s17], [sflag:$0x4], $0x4000, $0x38;
	[tilespmem:$0x8100] =	vst v63  }
.Ltmp0:
0x3a: {  	_ =	swait.ge @!p0 [sflag:s20], $0x4000;
	(pc) =	sbr.rel @p1 .LBB2_2-.Ltmp0, $4  }
0x3b: {  	s11 =	sadd.s32 $0x10000, s11;
	[sflag:s20] =	ssyncset.done @!p0 $0x0  }
0x3c: {  	s15 =	sadd.s32 $0x20, s15;
	s16 =	simm.s32 @!p0 $0x3;
	[sflag:s20] =	ssyncadd.s32 @!p0 $0xFFFFC000  }
0x3d: {  	[hbm4b:s12+s18] =	stream.linear.scatter @!p0 [tilespmem:s19], [sflag:$0x3], $0x4000, $0x38;
	[tilespmem:$0x8100] =	vst v63  }
0x3e: {  	p2 =	sgt.u32 s15, $0x9C3;
	s12 =	sadd.s32 $0x10000, s12;
	_ =	swait.ge @!p0 [sflag:s16], $0x4000  }
0x3f: {  	s14 =	sadd.s32 @!p2 s13, s8;
	[sflag:s16] =	ssyncset.done @!p0 $0x0  }
0x40: {  	s15 =	simm.s32 @!p2 $0x0;
	s17 =	simm.s32 @!p2 $0x4;
	[sflag:s16] =	ssyncadd.s32 @!p0 $0xFFFFC000  }
0x41: {  	[tilespmem:s15], [sflag:$0x4] =	stream.linear.gather @!p2 [hbm4b:s14+s15], $0x80, $0x38;
	[tilespmem:$0x8100] =	vst v63  }
0x42: {  	p0 =	por p2, p2;
	_ =	swait.ge @!p2 [sflag:s17], $0x80  }
0x43: {  	[sflag:s17] =	ssyncset.done @!p0 $0x0  }
0x44: {  	s13 =	sadd.s32 @!p0 s13, s7;
	s14 =	simm.s32 @!p0 $0x80;
	[sflag:s17] =	ssyncadd.s32 @!p0 $0xFFFFFF80  }
0x45: {  	[tilespmem:s14], [sflag:$0x4] =	stream.linear.gather @!p0 [hbm4b:s13+s15], $0x80, $0x38;
	[tilespmem:$0x8100] =	vst v63  }
0x46: {  	_ =	swait.ge @!p0 [sflag:s17], $0x80  }
0x47: {  	[sflag:s17] =	ssyncset.done @!p0 $0x0  }
0x48: {  	s13 =	simm.s32 @!p0 $0x100;
	[sflag:s17] =	ssyncadd.s32 @!p0 $0xFFFFFF80  }
0x49: {  	[tilespmem:s13], [sflag:$0x1] =	stream.indirect.gather @!p0 [hbm4b:s3+s14], $0x80, s15, s14, $0xb8;
	[tilespmem:$0x8100] =	vst v63  }
0x4a: {  	s16 =	simm.s32 @!p0 $0x4100;
	s18 =	simm.s32 @!p0 $0x1  }
0x4b: {  	[tilespmem:s16], [sflag:$0x2] =	stream.indirect.gather @!p0 [hbm4b:s4+s14], $0x80, s14, s14, $0xb8;
	[tilespmem:$0x8100] =	vst v63  }
0x4c: {  	_ =	swait.ge @!p0 [sflag:s18], $0x4000  }
0x4d: {  	[sflag:s18] =	ssyncset.done @!p0 $0x0  }
0x4e: {  	s14 =	simm.s32 @!p0 $0x2;
	[sflag:s18] =	ssyncadd.s32 @!p0 $0xFFFFC000  }
0x4f: {  	_ =	swait.ge @!p0 [sflag:s14], $0x4000  }
0x50: {  	[sflag:s14] =	ssyncset.done @!p0 $0x0  }
0x51: {  	[sflag:s14] =	ssyncadd.s32 @!p0 $0xFFFFC000  }
0x52: {  	[hbm4b:s11+s15] =	stream.linear.scatter @!p0 [tilespmem:s13], [sflag:$0x4], $0x4000, $0x38;
	[tilespmem:$0x8100] =	vst v63  }
0x53: {  	s1 =	sadd.s32 $0x1, s1;
	_ =	swait.ge @!p0 [sflag:s17], $0x4000  }
0x54: {  	p1 =	sne.s32 s1, s6;
	[sflag:s17] =	ssyncset.done @!p0 $0x0  }
.Ltmp1:
0x55: {  	s11 =	simm.s32 @!p0 $0x3;
	[sflag:s17] =	ssyncadd.s32 @!p0 $0xFFFFC000;
	(pc) =	sbr.rel @p1 .LBB2_1-.Ltmp1, $4  }
0x56: {  	[hbm4b:s12+s15] =	stream.linear.scatter @!p0 [tilespmem:s16], [sflag:$0x3], $0x4000, $0x38;
	[tilespmem:$0x8100] =	vst v63  }
0x57: {  	_ =	swait.ge @!p0 [sflag:s11], $0x4000  }
0x58: {  	[sflag:s11] =	ssyncset.done @!p0 $0x0  }
0x59: {  	[sflag:s11] =	ssyncadd.s32 @!p0 $0xFFFFC000  }
0x5a: {  	_ =	sfence.sel $0x180000  }
0x5b: {  	[bflag:$0x0] =	sbarrier.arrive $0xFFFF  }
0x5c: {  	p0 =	sne.s32 s2, $0x0;
	_ =	strace $0x90000050  }
0x5d: {  	s0 =	sadd.s32 @!p0 $0x100000, s0;
	[bflag:$0x2] =	sbarrier.arrive $0xFFFF  }
0x5e: {  	[sflag:s0] =	ssyncadd.tile.s32 @!p0 $0x1;
	_ =	shalt  }
.Lfunc_end2:
_tile_overlayer_lowered:
.L_overlay_start_2:
0x5f: {  	(tag) =	ssettag $0x2  }
0x60: {  	s0 =	rddreg [dreg:$0x0];
	s2 =	stileid.u32  }
0x61: {  	s1 =	rddreg [dreg:$0x1];
	p0 =	sne.s32 s2, $0x0  }
0x62: {  	s3 =	rddreg [dreg:$0x2];
	[bflag:$0x3] =	sbarrier.arrive $0xFFFF;
	s2 =	simm.s32 @!p0 $0x1C03  }
0x63: {  	[timem:s3], [sflag:s2] =	dma.local @!p0 [hbm:s0], s1  }
0x64: {  	s0 =	simm.s32 @!p0 $0x3  }
0x65: {  	_ =	swait.ge @!p0 [sflag:s0], s1  }
0x66: {  	s1 =	ssub.s32 @!p0 $0x0, s1;
	[sflag:s0] =	ssyncset.done @!p0 $0x0  }
0x67: {  	[sflag:s0] =	ssyncadd.s32 @!p0 s1  }
0x68: {  	[bflag:$0x3] =	sbarrier.arrive $0xFFFF  }
0x69: {  	_ =	shalt  }

// kernel: kernel.26.cloned.1.call-start
scs
__scs_entry_jumppad:
0x0: {  	(pc) =	sbr.rel $0x88, $3  }
0x1: {  	(tag) =	ssettag $0x0;
	lr =	simm.s32 $0x1  }
0x2: {  	[smem:$0x3F7C] =	sst lr;
	_ =	strace $0xD0000000  }
0x3: {  	_ = 	snop  }
0x4: {  	_ = 	snop  }
0x5: {  	_ = 	snop  }
0x6: {  	_ = 	snop  }
0x7: {  	_ = 	snop  }
__scs_overlays_trampoline_lowered:
0x8: {  	[smem:$0x3F8B] =	sst s0  }
0x9: {  	[smem:$0x3F8C] =	sst s1  }
0xa: {  	[smem:$0x3F8D] =	sst s2  }
0xb: {  	[smem:$0x3F8E] =	sst s3  }
0xc: {  	[smem:$0x3F8F] =	sst s4  }
0xd: {  	[smem:$0x3F90] =	sst s5  }
0xe: {  	[smem:$0x3F91] =	sst s6  }
0xf: {  	[smem:$0x3F92] =	sst s7  }
0x10: {  	[smem:$0x3F93] =	sst s8  }
0x11: {  	[smem:$0x3F94] =	sst s9;
	s0 =	simm.s32 @!p0 $0x0  }
0x12: {  	s1 =	sld [smem:$0x3F7A];
	s0 =	simm.s32 @p0 $0x1  }
0x13: {  	[smem:$0x3F95] =	sst s0;
	s0 =	simm.s32 @!p1 $0x0  }
0x14: {  	s2 =	sld [smem:$0x3F79];
	s0 =	simm.s32 @p1 $0x1  }
0x15: {  	[smem:$0x3F96] =	sst s0;
	s0 =	simm.s32 @!p2 $0x0  }
0x16: {  	s3 =	sld [smem:$0x3FDB];
	s0 =	simm.s32 @p2 $0x1  }
0x17: {  	s4 =	simm.s32 $0x1BF5;
	[smem:$0x3F98] =	sst s0  }
0x18: {  	s0 =	sld [smem:$0x3F7B];
	_ =	swait.ge [sflag:s4], $0x0  }
0x19: {  	s7 =	sld [smem:$0x3F7C]  }
0x1a: {  	s8 =	sadd.s32 $0xFFFFE003, lr  }
0x1b: {  	s9 =	sadd.s32 $0xFFFFFEF7, lr;
	s5 =	simm.s32 $0xFFFFFFFF;
	p2 =	slt.u32 s8, $0xFFFFF086  }
0x1c: {  	p1 =	slt.u32 s9, $0xF7A;
	s5 =	simm.s32 @!p2 $0x0  }
0x1d: {  	s5 =	simm.s32 @p1 $0x1;
	p0 =	seq.s32 s7, s2  }
0x1e: {  	s7 =	smul.u32 @!p0 $0xF7A, s2;
	p2 =	seq.s32 @!p0 s5, $0x0  }
0x1f: {  	s9 =	smul.u32 $0xF7A, s1;
	s8 =	simm.s32 @!p0 $0x1BF5;
	p2 =	por !p2, p0  }
0x20: {  	[sflag:s8] =	ssyncset.s32 @!p0 $0xFFFFF086;
	s6 =	sadd.s32 @!p0 s3, s7;
	s7 =	simm.s32 @!p0 $0x108  }
0x21: {  	s3 =	sadd.s32 s3, s9;
	s6 =	sadd.s32 @!p0 $0x88, s6;
	s7 =	simm.s32 @p2 $0x1082  }
0x22: {  	[simem:s7], [sflag:s8] =	dma.local @!p0 [hbm:s6], $0xF7A  }
0x23: {  	s9 =	sor.u32 $0xD0000000, s2;
	s6 =	simm.s32 $0x108;
	_ =	swait.ge @!p0 [sflag:s8], $0x0  }
0x24: {  	s3 =	sadd.s32 $0x88, s3;
	s6 =	simm.s32 @!p1 $0x1082;
	[sflag:s4] =	ssyncset.s32 $0xFFFFF086  }
0x25: {  	[simem:s6], [sflag:s4] =	dma.local [hbm:s3], $0xF7A  }
0x26: {  	[smem:$0x3F7C] =	sst s1;
	(tag) =	ssettag s2;
	_ =	strace s9  }
0x27: {  	s1 =	sld [smem:$0x3F8C]  }
0x28: {  	s2 =	sld [smem:$0x3F8D]  }
0x29: {  	s4 =	sld [smem:$0x3F8F]  }
0x2a: {  	p0 =	seq.s32 s5, $0x0;
	s5 =	sld [smem:$0x3F90]  }
0x2b: {  	s6 =	sld [smem:$0x3F91]  }
0x2c: {  	s7 =	sld [smem:$0x3F92]  }
0x2d: {  	s3 =	simm.s32 $0x108;
	s8 =	sld [smem:$0x3F93]  }
0x2e: {  	s3 =	simm.s32 @!p0 $0x1082;
	s9 =	sld [smem:$0x3F94]  }
0x2f: {  	lr =	sadd.s32 s0, s3;
	s0 =	sld [smem:$0x3F8B]  }
0x30: {  	s3 =	sld [smem:$0x3F8E]  }
0x31: {  	[smem:$0x3F97] =	sst s10  }
0x32: {  	s10 =	sld [smem:$0x3F95];
	_ =	sdelay $0x3  }
0x33: {  	p0 =	seq.s32 s10, $0x1;
	s10 =	sld [smem:$0x3F97];
	_ =	sdelay $0x3  }
0x34: {  	[smem:$0x3F97] =	sst s10  }
0x35: {  	s10 =	sld [smem:$0x3F96];
	_ =	sdelay $0x3  }
0x36: {  	p1 =	seq.s32 s10, $0x1;
	s10 =	sld [smem:$0x3F97];
	_ =	sdelay $0x3  }
0x37: {  	[smem:$0x3F97] =	sst s10  }
0x38: {  	s10 =	sld [smem:$0x3F98]  }
0x39: {  	_ = 	snop;
	(pc) =	sbr.ind lr, $3  }
0x3a: {  	_ = 	snop  }
0x3b: {  	_ = 	snop  }
0x3c: {  	p2 =	seq.s32 s10, $0x1;
	s10 =	sld [smem:$0x3F97]  }
0x3d: {  	_ =	shalt  }
0x3e: {  	_ =	shalt  }
0x3f: {  	_ =	shalt  }
0x40: {  	_ =	shalt  }
0x41: {  	_ =	shalt  }
0x42: {  	_ =	shalt  }
0x43: {  	_ =	shalt  }
0x44: {  	_ =	shalt  }
0x45: {  	_ =	shalt  }
0x46: {  	_ =	shalt  }
0x47: {  	_ =	shalt  }
0x48: {  	_ =	shalt  }
0x49: {  	_ =	shalt  }
0x4a: {  	_ =	shalt  }
0x4b: {  	_ =	shalt  }
0x4c: {  	_ =	shalt  }
0x4d: {  	_ =	shalt  }
0x4e: {  	_ =	shalt  }
0x4f: {  	_ =	shalt  }
0x50: {  	_ =	shalt  }
0x51: {  	_ =	shalt  }
0x52: {  	_ =	shalt  }
0x53: {  	_ =	shalt  }
0x54: {  	_ =	shalt  }
0x55: {  	_ =	shalt  }
0x56: {  	_ =	shalt  }
0x57: {  	_ =	shalt  }
0x58: {  	_ =	shalt  }
0x59: {  	_ =	shalt  }
0x5a: {  	_ =	shalt  }
0x5b: {  	_ =	shalt  }
0x5c: {  	_ =	shalt  }
0x5d: {  	_ =	shalt  }
0x5e: {  	_ =	shalt  }
0x5f: {  	_ =	shalt  }
0x60: {  	_ =	shalt  }
0x61: {  	_ =	shalt  }
0x62: {  	_ =	shalt  }
0x63: {  	_ =	shalt  }
0x64: {  	_ =	shalt  }
0x65: {  	_ =	shalt  }
0x66: {  	_ =	shalt  }
0x67: {  	_ =	shalt  }
0x68: {  	_ =	shalt  }
0x69: {  	_ =	shalt  }
0x6a: {  	_ =	shalt  }
0x6b: {  	_ =	shalt  }
0x6c: {  	_ =	shalt  }
0x6d: {  	_ =	shalt  }
0x6e: {  	_ =	shalt  }
0x6f: {  	_ =	shalt  }
0x70: {  	_ =	shalt  }
0x71: {  	_ =	shalt  }
0x72: {  	_ =	shalt  }
0x73: {  	_ =	shalt  }
0x74: {  	_ =	shalt  }
0x75: {  	_ =	shalt  }
0x76: {  	_ =	shalt  }
0x77: {  	_ =	shalt  }
0x78: {  	_ =	shalt  }
0x79: {  	_ =	shalt  }
0x7a: {  	_ =	shalt  }
0x7b: {  	_ =	shalt  }
0x7c: {  	_ =	shalt  }
0x7d: {  	_ =	shalt  }
0x7e: {  	_ =	shalt  }
0x7f: {  	_ =	shalt  }
0x80: {  	_ =	shalt  }
0x81: {  	_ =	shalt  }
0x82: {  	_ =	shalt  }
0x83: {  	_ =	shalt  }
0x84: {  	_ =	shalt  }
0x85: {  	_ =	shalt  }
0x86: {  	_ =	shalt  }
0x87: {  	_ =	shalt  }
.Lfunc_end0:
.L_simem_size_0:
called_computation.4_lowered:
.L_overlay_start_0:
0x88: {  	s2 =	sld [smem:$0x3FD9]  }
0x89: {  	s3 =	sld [smem:$0x3FFE];
	_ =	sdelay $0x1  }
0x8a: {  	s1 =	srdreg.scid  }
0x8b: {  	s0 =	sand.u32 $0x1, s1  }
0x8c: {  	s16 =	sshll.u32 s0, $0xA;
	s2 =	sadd.s32 s3, s2  }
0x8d: {  	s2 =	sadd.s32 s2, s16  }
0x8e: {  	[smem:$0x3FA3] =	sst s2  }
0x8f: {  	_ = 	snop  }
0x90: {  	(tm) =	ssettm $0x1  }
0x91: {  	s17 =	sld [smem:$0x3FFB];
	_ =	sdelay $0x3  }
0x92: {  	_ =	strace s17  }
0x93: {  	s2 =	sld [smem:$0x3FFC];
	_ =	sdelay $0x3  }
0x94: {  	_ =	strace s2  }
0x95: {  	s2 =	sld [smem:$0x3FFD];
	_ =	sdelay $0x3  }
0x96: {  	_ =	strace s2  }
0x97: {  	_ =	strace $0x8FFFFFFF  }
0x98: {  	s18 =	sld [smem:$0x3FDB];
	_ =	sdelay $0x1  }
0x99: {  	s19 =	simm.s32 $_scs_section_size  }
0x9a: {  	s4 =	simm.s32 $_size__tile_overlayer_lowered;
	s5 =	simm.s32 $_tile_overlayer_lowered  }
0x9b: {  	s22 =	simm.s32 $0x1BFF;
	s21 =	sshll.u32 s5, $0x1;
	s2 =	sadd.s32 s19, s18  }
0x9c: {  	s6 =	simm.s32 $0x0;
	s20 =	sshll.u32 s4, $0x1;
	s4 =	sadd.s32 s21, s2  }
0x9d: {  	[timem:s6], [sflag:s22] =	dma.local [hbm:s4], s20  }
0x9e: {  	_ =	swait.ge [sflag:s22], s20  }
0x9f: {  	s3 =	ssub.s32 $0x0, s20;
	[sflag:s22] =	ssyncset.done $0x0  }
0xa0: {  	[sflag:s22] =	ssyncadd.s32 s3;
	_ =	sdelay $0x1  }
0xa1: {  	s23 =	simm.s32 $0x1B8B  }
0xa2: {  	_ =	swait.ge [sflag:s23], $0x1  }
0xa3: {  	[sflag:s23] =	ssyncset.done $0x0  }
0xa4: {  	s25 =	simm.s32 $0x1B8E;
	s24 =	sld [smem:$0x3FFE];
	[sflag:s23] =	ssyncadd.s32 $0xFFFFFFFF  }
0xa5: {  	s26 =	simm.s32 $execute0_lowered;
	[smem:$0x3FD2] =	sst s25  }
0xa6: {  	s4 =	sshll.u32 s26, $0x1;
	_ =	strace $0x80000052;
	[dreg:$0x1] =	wrdreg $0xFFFFFFFF  }
0xa7: {  	s28 =	simm.s32 $_size_execute0_lowered;
	s2 =	sadd.s32 s2, s4;
	[dreg:$0x0] =	wrdreg $0x0  }
0xa8: {  	s4 =	sshll.u32 s28, $0x1;
	[dreg:$0x2] =	wrdreg s2  }
0xa9: {  	[dreg:$0x3] =	wrdreg s4  }
0xaa: {  	[dreg:$0x4] =	wrdreg $0xC0  }
0xab: {  	_ =	task [dreg:s6], $0x5FFFF  }
0xac: {  	[dreg:$0x1] =	wrdreg $0xFFFFFFFF  }
0xad: {  	[dreg:$0x0] =	wrdreg $0x60  }
0xae: {  	[dreg:$0x2] =	wrdreg s24  }
0xaf: {  	[dreg:$0x3] =	wrdreg $0x81000  }
0xb0: {  	[dreg:$0x4] =	wrdreg $0x9  }
0xb1: {  	_ =	task.clear_ibuf [dreg:s6], $0x5FFFF;
	_ =	strace $0x90000052  }
0xb2: {  	s29 =	simm.s32 $0x9;
	_ =	strace $0x80000054  }
0xb3: {  	_ =	swait.ge [sflag:s29], $0x1  }
0xb4: {  	[sflag:s29] =	ssyncadd.s32 $0xFFFFFFFF  }
0xb5: {  	_ =	strace $0x90000054  }
0xb6: {  	_ =	sfence  }
0xb7: {  	s30 =	sld [smem:$0x0];
	_ =	sdelay $0x2  }
0xb8: {  	s31 =	sshll.u32 s1, $0xD;
	s1 =	sshrl.u32 s1, $0x2  }
0xb9: {  	s3 =	sand.u32 $0x4000, s31;
	s1 =	sadd.s32 s1, s30  }
0xba: {  	s0 =	sor.u32 s3, s0;
	s1 =	sshll.u32 s1, $0x11  }
0xbb: {  	s0 =	sor.u32 s1, s0  }
0xbc: {  	s0 =	sadd.s32 $0x8F2B, s0  }
0xbd: {  	[sflag:s0] =	ssyncadd.remote.s32 $0x1  }
0xbe: {  	_ =	sfence.sel $0xFFFF  }
0xbf: {  	[dreg:$0x0] =	wrdreg $0xFFFFFFFF;
	(pc) =	sbr.abs _section_cstart, $3  }
0xc0: {  	[dreg:$0x1] =	wrdreg $0xFFFFFFFF  }
0xc1: {  	_ =	task.clear_ibuf [dreg:s6], $0x2FFFF;
	_ =	strace $0x9FFFFFFF  }
0xc2: {  	(tm) =	ssettm $0x7FFFFFFF  }
0xc3: {  	_ =	shalt  }
tec
execute0_lowered:
.L_overlay_start_1:
0x0: {  	(tag) =	ssettag $0x1  }
0x1: {  	s0 =	rddreg [dreg:$0x0]  }
0x2: {  	s1 =	rddreg [dreg:$0x1]  }
0x3: {  	s2 =	simm.s32 $0x0;
	s3 =	srdreg.scid;
	s20 =	stileid.u32  }
0x4: {  	[smem:$0x7FF] =	sst s2;
	s4 =	sadd.s32 $0xFCA800, s0;
	s5 =	sadd.s32 $0x1E800, s0  }
0x5: {  	s3 =	sand.u32 $0x1, s3;
	s7 =	sadd.s32 $0xA70000, s0;
	s9 =	smul.u32 $0x280, s20  }
0x6: {  	s0 =	sadd.s32 $0xAE8800, s0;
	s10 =	smul.u32 $0x50000, s20;
	s21 =	sshll.u32 s20, $0x1  }
0x7: {  	s22 =	smul.u32 $0x2800, s20;
	_ =	strace $0x80000053;
	s6 =	ssub.s32 $0x2, s3  }
0x8: {  	s18 =	smul.u32 $0x2800, s3;
	s8 =	sshrl.u32 s6, $0x1;
	s10 =	sshrl.u32 s10, $0x2  }
0x9: {  	s13 =	sadd.s32 $0x80, s9;
	s15 =	sadd.s32 $0x100, s9;
	s16 =	sadd.s32 $0x180, s9  }
0xa: {  	s17 =	sadd.s32 $0x200, s9;
	s11 =	ssub.s32 s6, s8;
	s6 =	sor.u32 s3, s21  }
0xb: {  	s8 =	sadd.s32 s7, s22;
	s23 =	sshll.u32 s13, $0x4;
	s24 =	sshll.u32 s13, $0x7  }
0xc: {  	s12 =	sshll.u32 s15, $0x4;
	s14 =	sshll.u32 s15, $0x7;
	s25 =	sshll.u32 s16, $0x4  }
0xd: {  	s26 =	sshll.u32 s16, $0x7;
	s19 =	sshll.u32 s17, $0x4;
	s31 =	sadd.s32 s9, s18  }
0xe: {  	s9 =	sshll.u32 s17, $0x7;
	s13 =	sadd.s32 s18, s13;
	s21 =	sadd.s32 s18, s15  }
0xf: {  	s15 =	sshll.u32 s3, $0x4;
	s3 =	sshll.u32 s3, $0xB;
	[dreg:$0x3] =	wrdreg s8  }
0x10: {  	s8 =	sadd.s32 s10, s1;
	s10 =	sadd.s32 s7, s23;
	s12 =	sadd.s32 s7, s12  }
0x11: {  	s22 =	sshll.u32 s21, $0x4;
	s23 =	sadd.s32 s18, s16;
	s16 =	sshll.u32 s20, $0xC  }
0x12: {  	s21 =	sadd.s32 s9, s1;
	s9 =	simm.s32 $0x2;
	[dreg:$0x4] =	wrdreg s10  }
0x13: {  	s10 =	sadd.s32 s24, s1;
	[dreg:$0x5] =	wrdreg s12;
	s12 =	sadd.s32 s14, s1  }
0x14: {  	s14 =	sadd.s32 s7, s25;
	s7 =	sadd.s32 s7, s19;
	s19 =	sshll.u32 s13, $0x4  }
0x15: {  	s24 =	sshll.u32 s23, $0x4;
	s25 =	sadd.s32 s18, s17;
	s17 =	sshll.u32 s6, $0x4  }
0x16: {  	s18 =	sshll.u32 s6, $0xB;
	[dreg:$0x6] =	wrdreg s14;
	s14 =	sadd.s32 s26, s1  }
0x17: {  	[dreg:$0x7] =	wrdreg s7;
	s7 =	sshll.u32 s31, $0x4;
	s26 =	sshll.u32 s25, $0x4  }
0x18: {  	s31 =	sshll.u32 s20, $0x5;
	s20 =	sor.u32 s3, s16;
	s3 =	sadd.s32 s5, s17  }
0x19: {  	s25 =	sor.u32 $0x40, s6;
	s16 =	simm.s32 $0x4;
	s17 =	simm.s32 $0x0  }
0x1a: {  	s7 =	sadd.s32 s0, s7;
	s13 =	sadd.s32 s31, s5;
	[dreg:$0xd] =	wrdreg s3  }
0x1b: {  	s3 =	sadd.s32 s4, s18;
	s31 =	sshll.u32 s25, $0x4;
	[dreg:$0x8] =	wrdreg s7  }
0x1c: {  	s7 =	sadd.s32 s0, s19;
	s19 =	sor.u32 $0x20, s6;
	[dreg:$0xe] =	wrdreg s3  }
0x1d: {  	s29 =	sadd.s32 s5, s31;
	[dreg:$0x9] =	wrdreg s7;
	s7 =	sadd.s32 s0, s22  }
0x1e: {  	s3 =	simm.s32 $0x5;
	s22 =	smax.u32 s11, $0x1;
	[dreg:$0xa] =	wrdreg s7  }
0x1f: {  	s23 =	sshll.u32 s19, $0x4;
	s7 =	sadd.s32 s0, s24;
	[dreg:$0xf] =	wrdreg s22  }
0x20: {  	s11 =	simm.s32 $0x80;
	s0 =	sadd.s32 s0, s26;
	[dreg:$0xb] =	wrdreg s7  }
0x21: {  	s26 =	sadd.s32 s5, s23;
	s24 =	sshll.u32 s19, $0xB;
	[dreg:$0xc] =	wrdreg s0  }
0x22: {  	s0 =	sadd.s32 s15, s13;
	s28 =	sadd.s32 s4, s24;
	s7 =	sshll.u32 s25, $0xB  }
0x23: {  	s13 =	simm.s32 $0x4100;
	s15 =	simm.s32 $0x3;
	s30 =	sadd.s32 s4, s7  }
0x24: {  	s19 =	sadd.s32 $0x600, s0;
	s0 =	simm.s32 $0x100;
	s7 =	simm.s32 $0x1  }
.LBB2_1:
0x25: {  	s18 =	rddreg [dreg:$0x3]  }
0x26: {  	[tilespmem:s0], [sflag:$0x5] =	stream.linear.gather [hbm4b:s18+s2], $0x4000, $0x38;
	[tilespmem:$0x1C100] =	vst v63  }
0x27: {  	_ =	swait.ge [sflag:s3], $0x4000  }
0x28: {  	[sflag:s3] =	ssyncset.done $0x0  }
0x29: {  	[sflag:s3] =	ssyncadd.s32 $0xFFFFC000  }
0x2a: {  	[spmem:s8] =	stream.linear.scatter [tilespmem:s0], [sflag:$0x5], $0x4000, $0x38;
	[tilespmem:$0x1C100] =	vst v63  }
0x2b: {  	_ =	swait.ge [sflag:s3], $0x4000  }
0x2c: {  	[sflag:s3] =	ssyncset.done $0x0  }
0x2d: {  	s22 =	rddreg [dreg:$0x4];
	[sflag:s3] =	ssyncadd.s32 $0xFFFFC000  }
0x2e: {  	[tilespmem:s0], [sflag:$0x5] =	stream.linear.gather [hbm4b:s22+s2], $0x4000, $0x38;
	[tilespmem:$0x1C100] =	vst v63  }
0x2f: {  	_ =	swait.ge [sflag:s3], $0x4000  }
0x30: {  	[sflag:s3] =	ssyncset.done $0x0  }
0x31: {  	[sflag:s3] =	ssyncadd.s32 $0xFFFFC000  }
0x32: {  	[spmem:s10] =	stream.linear.scatter [tilespmem:s0], [sflag:$0x5], $0x4000, $0x38;
	[tilespmem:$0x1C100] =	vst v63  }
0x33: {  	_ =	swait.ge [sflag:s3], $0x4000  }
0x34: {  	[sflag:s3] =	ssyncset.done $0x0  }
0x35: {  	s23 =	rddreg [dreg:$0x5];
	[sflag:s3] =	ssyncadd.s32 $0xFFFFC000  }
0x36: {  	[tilespmem:s0], [sflag:$0x5] =	stream.linear.gather [hbm4b:s23+s2], $0x4000, $0x38;
	[tilespmem:$0x1C100] =	vst v63  }
0x37: {  	_ =	swait.ge [sflag:s3], $0x4000  }
0x38: {  	[sflag:s3] =	ssyncset.done $0x0  }
0x39: {  	[sflag:s3] =	ssyncadd.s32 $0xFFFFC000  }
0x3a: {  	[spmem:s12] =	stream.linear.scatter [tilespmem:s0], [sflag:$0x5], $0x4000, $0x38;
	[tilespmem:$0x1C100] =	vst v63  }
0x3b: {  	_ =	swait.ge [sflag:s3], $0x4000  }
0x3c: {  	[sflag:s3] =	ssyncset.done $0x0  }
0x3d: {  	s24 =	rddreg [dreg:$0x6];
	[sflag:s3] =	ssyncadd.s32 $0xFFFFC000  }
0x3e: {  	[tilespmem:s0], [sflag:$0x5] =	stream.linear.gather [hbm4b:s24+s2], $0x4000, $0x38;
	[tilespmem:$0x1C100] =	vst v63  }
0x3f: {  	_ =	swait.ge [sflag:s3], $0x4000  }
0x40: {  	[sflag:s3] =	ssyncset.done $0x0  }
0x41: {  	[sflag:s3] =	ssyncadd.s32 $0xFFFFC000  }
0x42: {  	[spmem:s14] =	stream.linear.scatter [tilespmem:s0], [sflag:$0x5], $0x4000, $0x38;
	[tilespmem:$0x1C100] =	vst v63  }
0x43: {  	_ =	swait.ge [sflag:s3], $0x4000  }
0x44: {  	[sflag:s3] =	ssyncset.done $0x0  }
0x45: {  	s25 =	rddreg [dreg:$0x7];
	[sflag:s3] =	ssyncadd.s32 $0xFFFFC000  }
0x46: {  	[tilespmem:s0], [sflag:$0x5] =	stream.linear.gather [hbm4b:s25+s2], $0x4000, $0x38;
	[tilespmem:$0x1C100] =	vst v63  }
0x47: {  	_ =	swait.ge [sflag:s3], $0x4000  }
0x48: {  	[sflag:s3] =	ssyncset.done $0x0  }
0x49: {  	[sflag:s3] =	ssyncadd.s32 $0xFFFFC000  }
0x4a: {  	[spmem:s21] =	stream.linear.scatter [tilespmem:s0], [sflag:$0x5], $0x4000, $0x38;
	[tilespmem:$0x1C100] =	vst v63  }
0x4b: {  	_ =	swait.ge [sflag:s3], $0x4000  }
0x4c: {  	[sflag:s3] =	ssyncset.done $0x0  }
0x4d: {  	[sflag:s3] =	ssyncadd.s32 $0xFFFFC000  }
0x4e: {  	[bflag:$0x0] =	sbarrier.arrive $0xFFFF  }
0x4f: {  	s22 =	rddreg [dreg:$0xd]  }
0x50: {  	[tilespmem:s2], [sflag:$0x1] =	stream.linear.gather [hbm4b:s22+s2], $0x80, $0x38;
	[tilespmem:$0x1C100] =	vst v63  }
0x51: {  	s23 =	rddreg [dreg:$0xe]  }
0x52: {  	[tilespmem:s0], [sflag:$0x2] =	stream.linear.gather [hbm4b:s23+s2], $0x4000, $0x38;
	[tilespmem:$0x1C100] =	vst v63  }
0x53: {  	_ =	swait.ge [sflag:s7], $0x80  }
0x54: {  	[sflag:s7] =	ssyncset.done $0x0  }
0x55: {  	[sflag:s7] =	ssyncadd.s32 $0xFFFFFF80  }
0x56: {  	_ =	swait.ge [sflag:s9], $0x4000  }
0x57: {  	[sflag:s9] =	ssyncset.done $0x0  }
0x58: {  	[sflag:s9] =	ssyncadd.s32 $0xFFFFC000  }
0x59: {  	[tilespmem:s11], [sflag:$0x1] =	stream.linear.gather [hbm4b:s26+s2], $0x80, $0x38;
	[tilespmem:$0x1C100] =	vst v63  }
0x5a: {  	_ = 	snop  }
0x5b: {  	[tilespmem:s13], [sflag:$0x2] =	stream.linear.gather [hbm4b:s28+s2], $0x4000, $0x38;
	[tilespmem:$0x1C100] =	vst v63  }
0x5c: {  	_ = 	snop  }
0x5d: {  	[spmem:s1] =	stream.indirect.scatter.add.f32 [tilespmem:s0], [sflag:$0x3], $0x80, s2, s11, $0xb8;
	[tilespmem:$0x1C100] =	vst v63  }
0x5e: {  	_ =	swait.ge [sflag:s7], $0x80  }
0x5f: {  	[sflag:s7] =	ssyncset.done $0x0  }
0x60: {  	[sflag:s7] =	ssyncadd.s32 $0xFFFFFF80  }
0x61: {  	_ =	swait.ge [sflag:s9], $0x4000  }
0x62: {  	[sflag:s9] =	ssyncset.done $0x0  }
0x63: {  	[sflag:s9] =	ssyncadd.s32 $0xFFFFC000  }
0x64: {  	_ =	swait.ge [sflag:s15], $0x4000  }
0x65: {  	[sflag:s15] =	ssyncset.done $0x0  }
0x66: {  	[sflag:s15] =	ssyncadd.s32 $0xFFFFC000  }
0x67: {  	[tilespmem:s2], [sflag:$0x1] =	stream.linear.gather [hbm4b:s29+s2], $0x80, $0x38;
	[tilespmem:$0x1C100] =	vst v63  }
0x68: {  	_ = 	snop  }
0x69: {  	[tilespmem:s0], [sflag:$0x2] =	stream.linear.gather [hbm4b:s30+s2], $0x4000, $0x38;
	[tilespmem:$0x1C100] =	vst v63  }
0x6a: {  	_ = 	snop  }
0x6b: {  	[spmem:s1] =	stream.indirect.scatter.add.f32 [tilespmem:s13], [sflag:$0x4], $0x80, s11, s11, $0xb8;
	[tilespmem:$0x1C100] =	vst v63  }
0x6c: {  	_ =	swait.ge [sflag:s7], $0x80  }
0x6d: {  	[sflag:s7] =	ssyncset.done $0x0  }
0x6e: {  	[sflag:s7] =	ssyncadd.s32 $0xFFFFFF80  }
0x6f: {  	_ =	swait.ge [sflag:s9], $0x4000  }
0x70: {  	[sflag:s9] =	ssyncset.done $0x0  }
0x71: {  	s24 =	sadd.s32 $0x0, s6;
	[sflag:s9] =	ssyncadd.s32 $0xFFFFC000  }
0x72: {  	s22 =	sadd.s32 $0x60, s24;
	_ =	swait.ge [sflag:s16], $0x4000  }
0x73: {  	p0 =	slt.u32 s22, $0x9C4;
	s22 =	sadd.s32 $0x30000, s20;
	[sflag:s16] =	ssyncset.done $0x0  }
0x74: {  	s22 =	simm.s32 @!p0 $0x0;
	[sflag:s16] =	ssyncadd.s32 $0xFFFFC000  }
0x75: {  	[tilespmem:s11], [sflag:$0x1] =	stream.linear.gather [hbm4b:s19+s2], $0x80, $0x38;
	[tilespmem:$0x1C100] =	vst v63  }
0x76: {  	s22 =	sadd.s32 s4, s22  }
0x77: {  	[tilespmem:s13], [sflag:$0x2] =	stream.linear.gather [hbm4b:s22+s2], $0x4000, $0x38;
	[tilespmem:$0x1C100] =	vst v63  }
0x78: {  	_ = 	snop  }
0x79: {  	[spmem:s1] =	stream.indirect.scatter.add.f32 [tilespmem:s0], [sflag:$0x3], $0x80, s2, s11, $0xb8;
	[tilespmem:$0x1C100] =	vst v63  }
0x7a: {  	_ =	swait.ge [sflag:s7], $0x80  }
0x7b: {  	[sflag:s7] =	ssyncset.done $0x0  }
0x7c: {  	[sflag:s7] =	ssyncadd.s32 $0xFFFFFF80  }
0x7d: {  	_ =	swait.ge [sflag:s9], $0x4000  }
0x7e: {  	s18 =	sadd.s32 $0x80, s24;
	[sflag:s9] =	ssyncset.done $0x0  }
0x7f: {  	s31 =	smov.u32 s19;
	p0 =	slt.s32 s18, $0x9C4;
	[sflag:s9] =	ssyncadd.s32 $0xFFFFC000  }
0x80: {  	p1 =	slt.u32 s18, $0x9C4;
	s18 =	simm.s32 @!p0 $0x9C4;
	_ =	swait.ge [sflag:s15], $0x4000  }
0x81: {  	s18 =	sshll.u32 s18, $0x4;
	s22 =	sadd.s32 $0x40000, s20;
	[sflag:s15] =	ssyncset.done $0x0  }
0x82: {  	s18 =	sadd.s32 s5, s18;
	s22 =	simm.s32 @!p1 $0x0;
	[sflag:s15] =	ssyncadd.s32 $0xFFFFC000  }
0x83: {  	[tilespmem:s2], [sflag:$0x1] =	stream.linear.gather [hbm4b:s18+s2], $0x80, $0x38;
	[tilespmem:$0x1C100] =	vst v63  }
0x84: {  	s25 =	sadd.s32 s4, s22;
	s22 =	smov.u32 s20;
	s18 =	simm.s32 $0x40  }
0x85: {  	[tilespmem:s0], [sflag:$0x2] =	stream.linear.gather [hbm4b:s25+s2], $0x4000, $0x38;
	[tilespmem:$0x1C100] =	vst v63  }
.LBB2_2:
0x86: {  	p0 =	sne.s32 s18, $0x940;
	s31 =	sadd.s32 $0x400, s31;
	s22 =	sadd.s32 $0x20000, s22  }
0x87: {  	[spmem:s1] =	stream.indirect.scatter.add.f32 [tilespmem:s13], [sflag:$0x4], $0x80, s11, s11, $0xb8;
	[tilespmem:$0x1C100] =	vst v63  }
0x88: {  	s23 =	smov.u32 s18;
	s18 =	sadd.s32 $0x40, s18;
	_ =	swait.ge [sflag:s7], $0x80  }
0x89: {  	[sflag:s7] =	ssyncset.done $0x0  }
0x8a: {  	[sflag:s7] =	ssyncadd.s32 $0xFFFFFF80  }
0x8b: {  	_ =	swait.ge [sflag:s9], $0x4000  }
0x8c: {  	[sflag:s9] =	ssyncset.done $0x0  }
0x8d: {  	s23 =	sadd.s32 s23, s6;
	s24 =	sadd.s32 $0x40000, s22;
	[sflag:s9] =	ssyncadd.s32 $0xFFFFC000  }
0x8e: {  	s25 =	sadd.s32 $0x60, s23;
	s23 =	sadd.s32 $0x80, s23;
	_ =	swait.ge [sflag:s16], $0x4000  }
0x8f: {  	p1 =	slt.u32 s25, $0x9C4;
	s25 =	sadd.s32 $0x30000, s22;
	[sflag:s16] =	ssyncset.done $0x0  }
0x90: {  	s25 =	simm.s32 @!p1 $0x0;
	p1 =	slt.s32 s23, $0x9C4;
	[sflag:s16] =	ssyncadd.s32 $0xFFFFC000  }
0x91: {  	[tilespmem:s11], [sflag:$0x1] =	stream.linear.gather [hbm4b:s31+s2], $0x80, $0x38;
	[tilespmem:$0x1C100] =	vst v63  }
0x92: {  	p2 =	slt.u32 s23, $0x9C4;
	s25 =	sadd.s32 s4, s25;
	s23 =	simm.s32 @!p1 $0x9C4  }
0x93: {  	[tilespmem:s13], [sflag:$0x2] =	stream.linear.gather [hbm4b:s25+s2], $0x4000, $0x38;
	[tilespmem:$0x1C100] =	vst v63  }
0x94: {  	s24 =	simm.s32 @!p2 $0x0;
	s23 =	sshll.u32 s23, $0x4  }
0x95: {  	[spmem:s1] =	stream.indirect.scatter.add.f32 [tilespmem:s0], [sflag:$0x3], $0x80, s2, s11, $0xb8;
	[tilespmem:$0x1C100] =	vst v63  }
0x96: {  	_ =	swait.ge [sflag:s7], $0x80  }
0x97: {  	[sflag:s7] =	ssyncset.done $0x0  }
0x98: {  	[sflag:s7] =	ssyncadd.s32 $0xFFFFFF80  }
0x99: {  	_ =	swait.ge [sflag:s9], $0x4000  }
0x9a: {  	[sflag:s9] =	ssyncset.done $0x0  }
0x9b: {  	[sflag:s9] =	ssyncadd.s32 $0xFFFFC000  }
0x9c: {  	_ =	swait.ge [sflag:s15], $0x4000  }
.Ltmp0:
0x9d: {  	s23 =	sadd.s32 s5, s23;
	[sflag:s15] =	ssyncset.done $0x0;
	(pc) =	sbr.rel @p0 .LBB2_2-.Ltmp0, $4  }
0x9e: {  	s24 =	sadd.s32 s4, s24;
	[sflag:s15] =	ssyncadd.s32 $0xFFFFC000  }
0x9f: {  	[tilespmem:s2], [sflag:$0x1] =	stream.linear.gather [hbm4b:s23+s2], $0x80, $0x38;
	[tilespmem:$0x1C100] =	vst v63  }
0xa0: {  	_ = 	snop  }
0xa1: {  	[tilespmem:s0], [sflag:$0x2] =	stream.linear.gather [hbm4b:s24+s2], $0x4000, $0x38;
	[tilespmem:$0x1C100] =	vst v63  }
0xa2: {  	[spmem:s1] =	stream.indirect.scatter.add.f32 [tilespmem:s13], [sflag:$0x4], $0x80, s11, s11, $0xb8;
	[tilespmem:$0x1C100] =	vst v63  }
0xa3: {  	_ =	swait.ge [sflag:s7], $0x80  }
0xa4: {  	[sflag:s7] =	ssyncset.done $0x0  }
0xa5: {  	[sflag:s7] =	ssyncadd.s32 $0xFFFFFF80  }
0xa6: {  	_ =	swait.ge [sflag:s9], $0x4000  }
0xa7: {  	[sflag:s9] =	ssyncset.done $0x0  }
0xa8: {  	[sflag:s9] =	ssyncadd.s32 $0xFFFFC000  }
0xa9: {  	_ =	swait.ge [sflag:s16], $0x4000  }
0xaa: {  	[sflag:s16] =	ssyncset.done $0x0  }
0xab: {  	[sflag:s16] =	ssyncadd.s32 $0xFFFFC000  }
0xac: {  	[spmem:s1] =	stream.indirect.scatter.add.f32 [tilespmem:s0], [sflag:$0x3], $0x80, s2, s11, $0xb8;
	[tilespmem:$0x1C100] =	vst v63  }
0xad: {  	_ =	swait.ge [sflag:s15], $0x4000  }
0xae: {  	[sflag:s15] =	ssyncset.done $0x0  }
0xaf: {  	[sflag:s15] =	ssyncadd.s32 $0xFFFFC000  }
0xb0: {  	[bflag:$0x0] =	sbarrier.arrive $0xFFFF  }
0xb1: {  	[tilespmem:s0], [sflag:$0x5] =	stream.linear.gather [spmem:s8], $0x4000, $0x38;
	[tilespmem:$0x1C100] =	vst v63  }
0xb2: {  	_ =	swait.ge [sflag:s3], $0x4000  }
0xb3: {  	[sflag:s3] =	ssyncset.done $0x0  }
0xb4: {  	s18 =	rddreg [dreg:$0x8];
	[sflag:s3] =	ssyncadd.s32 $0xFFFFC000  }
0xb5: {  	[hbm4b:s18+s2] =	stream.linear.scatter [tilespmem:s0], [sflag:$0x5], $0x4000, $0x38;
	[tilespmem:$0x1C100] =	vst v63  }
0xb6: {  	_ =	swait.ge [sflag:s3], $0x4000  }
0xb7: {  	[sflag:s3] =	ssyncset.done $0x0  }
0xb8: {  	[sflag:s3] =	ssyncadd.s32 $0xFFFFC000  }
0xb9: {  	[tilespmem:s0], [sflag:$0x5] =	stream.linear.gather [spmem:s10], $0x4000, $0x38;
	[tilespmem:$0x1C100] =	vst v63  }
0xba: {  	_ =	swait.ge [sflag:s3], $0x4000  }
0xbb: {  	[sflag:s3] =	ssyncset.done $0x0  }
0xbc: {  	s22 =	rddreg [dreg:$0x9];
	[sflag:s3] =	ssyncadd.s32 $0xFFFFC000  }
0xbd: {  	[hbm4b:s22+s2] =	stream.linear.scatter [tilespmem:s0], [sflag:$0x5], $0x4000, $0x38;
	[tilespmem:$0x1C100] =	vst v63  }
0xbe: {  	_ =	swait.ge [sflag:s3], $0x4000  }
0xbf: {  	[sflag:s3] =	ssyncset.done $0x0  }
0xc0: {  	[sflag:s3] =	ssyncadd.s32 $0xFFFFC000  }
0xc1: {  	[tilespmem:s0], [sflag:$0x5] =	stream.linear.gather [spmem:s12], $0x4000, $0x38;
	[tilespmem:$0x1C100] =	vst v63  }
0xc2: {  	_ =	swait.ge [sflag:s3], $0x4000  }
0xc3: {  	[sflag:s3] =	ssyncset.done $0x0  }
0xc4: {  	s23 =	rddreg [dreg:$0xa];
	[sflag:s3] =	ssyncadd.s32 $0xFFFFC000  }
0xc5: {  	[hbm4b:s23+s2] =	stream.linear.scatter [tilespmem:s0], [sflag:$0x5], $0x4000, $0x38;
	[tilespmem:$0x1C100] =	vst v63  }
0xc6: {  	_ =	swait.ge [sflag:s3], $0x4000  }
0xc7: {  	[sflag:s3] =	ssyncset.done $0x0  }
0xc8: {  	[sflag:s3] =	ssyncadd.s32 $0xFFFFC000  }
0xc9: {  	[tilespmem:s0], [sflag:$0x5] =	stream.linear.gather [spmem:s14], $0x4000, $0x38;
	[tilespmem:$0x1C100] =	vst v63  }
0xca: {  	_ =	swait.ge [sflag:s3], $0x4000  }
0xcb: {  	[sflag:s3] =	ssyncset.done $0x0  }
0xcc: {  	s24 =	rddreg [dreg:$0xb];
	[sflag:s3] =	ssyncadd.s32 $0xFFFFC000  }
0xcd: {  	[hbm4b:s24+s2] =	stream.linear.scatter [tilespmem:s0], [sflag:$0x5], $0x4000, $0x38;
	[tilespmem:$0x1C100] =	vst v63  }
0xce: {  	_ =	swait.ge [sflag:s3], $0x4000  }
0xcf: {  	[sflag:s3] =	ssyncset.done $0x0  }
0xd0: {  	[sflag:s3] =	ssyncadd.s32 $0xFFFFC000  }
0xd1: {  	[tilespmem:s0], [sflag:$0x5] =	stream.linear.gather [spmem:s21], $0x4000, $0x38;
	[tilespmem:$0x1C100] =	vst v63  }
0xd2: {  	_ =	swait.ge [sflag:s3], $0x4000  }
0xd3: {  	[sflag:s3] =	ssyncset.done $0x0  }
0xd4: {  	s25 =	rddreg [dreg:$0xc];
	[sflag:s3] =	ssyncadd.s32 $0xFFFFC000  }
0xd5: {  	[hbm4b:s25+s2] =	stream.linear.scatter [tilespmem:s0], [sflag:$0x5], $0x4000, $0x38;
	[tilespmem:$0x1C100] =	vst v63  }
0xd6: {  	_ =	swait.ge [sflag:s3], $0x4000  }
0xd7: {  	s17 =	sadd.s32 $0x1, s17;
	s31 =	rddreg [dreg:$0xf]  }
0xd8: {  	p0 =	sne.s32 s17, s31  }
.Ltmp1:
0xd9: {  	_ = 	snop;
	(pc) =	sbr.rel @p0 .LBB2_1-.Ltmp1, $3  }
0xda: {  	_ =	sdelay $0x1  }
0xdb: {  	[sflag:s3] =	ssyncset.done $0x0  }
0xdc: {  	[sflag:s3] =	ssyncadd.s32 $0xFFFFC000  }
0xdd: {  	_ =	sfence.sel $0x180000  }
0xde: {  	[bflag:$0x0] =	sbarrier.arrive $0xFFFF  }
0xdf: {  	_ =	strace $0x90000053  }
0xe0: {  	s0 =	stileid.u32;
	[bflag:$0x2] =	sbarrier.arrive $0xFFFF  }
0xe1: {  	p0 =	sne.s32 s0, $0x0;
	s0 =	rddreg [dreg:$0x2]  }
0xe2: {  	s0 =	sadd.s32 @!p0 $0x100000, s0  }
0xe3: {  	[sflag:s0] =	ssyncadd.tile.s32 @!p0 $0x1;
	_ =	shalt  }
.Lfunc_end2:
_tile_overlayer_lowered:
.L_overlay_start_2:
0xe4: {  	(tag) =	ssettag $0x2  }
0xe5: {  	s0 =	rddreg [dreg:$0x0];
	s2 =	stileid.u32  }
0xe6: {  	s1 =	rddreg [dreg:$0x1];
	p0 =	sne.s32 s2, $0x0  }
0xe7: {  	s3 =	rddreg [dreg:$0x2];
	[bflag:$0x3] =	sbarrier.arrive $0xFFFF;
	s2 =	simm.s32 @!p0 $0x1C05  }
0xe8: {  	[timem:s3], [sflag:s2] =	dma.local @!p0 [hbm:s0], s1  }
0xe9: {  	s0 =	simm.s32 @!p0 $0x5  }
0xea: {  	_ =	swait.ge @!p0 [sflag:s0], s1  }
0xeb: {  	s1 =	ssub.s32 @!p0 $0x0, s1;
	[sflag:s0] =	ssyncset.done @!p0 $0x0  }
0xec: {  	[sflag:s0] =	ssyncadd.s32 @!p0 s1  }
0xed: {  	[bflag:$0x3] =	sbarrier.arrive $0xFFFF  }
0xee: {  	_ =	shalt  }

</sc_bundles>
